<compile_context>
chip_gen: v7x
topology: tpu7x:2x2x1
jax: 0.10.2.dev20260603
libtpu: 0.0.44.dev20260713+nightly
codegen_flags: <defaults>
</compile_context>

<pallas_src>
import functools

import jax
import jax.numpy as jnp
from jax import lax
from jax.experimental import pallas as pl
from jax.experimental.pallas import tpu as pltpu
from jax.experimental.pallas import tpu_sc as plsc

N = 16384
V = 100000
LATENT = 16
NUM_METABOLITES = 128

NUM_CORES = 2
NUM_SUBCORES = 16
NW = NUM_CORES * NUM_SUBCORES
BPW = N // NW
NCH = BPW // 128

_SC_MESH = plsc.VectorSubcoreMesh(
    core_axis_name="c", subcore_axis_name="s",
    num_cores=NUM_CORES, num_subcores=NUM_SUBCORES,
)


def _build_offsets(idx_v, idxs_v):
    def off_body(r):
        j = r // LATENT
        k = r - j * LATENT
        for c in range(8):
            sl = pl.ds(c * 16, 16)
            idxs_v[r, sl] = idx_v[j, sl] + k * V
    plsc.parallel_loop(0, LATENT * NCH, 1, unroll=4)(off_body)


def _sc_gather_mu(x_hbm, tmu_hbm, mu_out, idx_v, idxs_v, mu_v, sem):
    wid = lax.axis_index("s") * NUM_CORES + lax.axis_index("c")
    pltpu.sync_copy(x_hbm.at[pl.ds(wid * NCH, NCH)], idx_v)
    _build_offsets(idx_v, idxs_v)

    def fire(r, carry):
        pltpu.async_copy(tmu_hbm.at[idxs_v.at[r]], mu_v.at[r], sem)
        return carry
    lax.fori_loop(0, LATENT * NCH, fire, 0, unroll=8)
    pltpu.make_async_copy(mu_out.at[wid], mu_v, sem).wait()
    pltpu.sync_copy(mu_v, mu_out.at[wid])


def _sc_gather_lv(x_hbm, tlv_hbm, bias_mu_hbm, bias_lv_hbm,
                  lv_out, bmu_out, blv_out,
                  idx_v, idxs_v, lv_v, bmu_v, blv_v, sem):
    wid = lax.axis_index("s") * NUM_CORES + lax.axis_index("c")
    pltpu.sync_copy(x_hbm.at[pl.ds(wid * NCH, NCH)], idx_v)
    _build_offsets(idx_v, idxs_v)

    def fire(r, carry):
        pltpu.async_copy(tlv_hbm.at[idxs_v.at[r]], lv_v.at[r], sem)
        return carry
    lax.fori_loop(0, LATENT * NCH, fire, 0, unroll=8)
    for j in range(NCH):
        pltpu.async_copy(bias_mu_hbm.at[idx_v.at[j]], bmu_v.at[j], sem)
        pltpu.async_copy(bias_lv_hbm.at[idx_v.at[j]], blv_v.at[j], sem)
    pltpu.make_async_copy(lv_out.at[wid], lv_v, sem).wait()
    pltpu.make_async_copy(bmu_out.at[wid], bmu_v, sem).wait()
    pltpu.make_async_copy(blv_out.at[wid], blv_v, sem).wait()
    pltpu.sync_copy(lv_v, lv_out.at[wid])
    pltpu.sync_copy(bmu_v, bmu_out.at[wid])
    pltpu.sync_copy(blv_v, blv_out.at[wid])


_SC_PARAMS = pltpu.CompilerParams(
    needs_layout_passes=False, use_tc_tiling_on_sc=False)

_sc_gather_mu_call = functools.partial(
    pl.kernel,
    out_type=jax.ShapeDtypeStruct((NW, NCH * LATENT, 128), jnp.float32),
    mesh=_SC_MESH,
    scratch_types=[
        pltpu.VMEM((NCH, 128), jnp.int32),
        pltpu.VMEM((LATENT * NCH, 128), jnp.int32),
        pltpu.VMEM((NCH * LATENT, 128), jnp.float32),
        pltpu.SemaphoreType.DMA,
    ],
    compiler_params=_SC_PARAMS,
)(_sc_gather_mu)

_sc_gather_lv_call = functools.partial(
    pl.kernel,
    out_type=(
        jax.ShapeDtypeStruct((NW, NCH * LATENT, 128), jnp.float32),
        jax.ShapeDtypeStruct((NW, NCH, 128), jnp.float32),
        jax.ShapeDtypeStruct((NW, NCH, 128), jnp.float32),
    ),
    mesh=_SC_MESH,
    scratch_types=[
        pltpu.VMEM((NCH, 128), jnp.int32),
        pltpu.VMEM((LATENT * NCH, 128), jnp.int32),
        pltpu.VMEM((NCH * LATENT, 128), jnp.float32),
        pltpu.VMEM((NCH, 128), jnp.float32),
        pltpu.VMEM((NCH, 128), jnp.float32),
        pltpu.SemaphoreType.DMA,
    ],
    compiler_params=_SC_PARAMS,
)(_sc_gather_lv)

_BLK = 8192
_WBLK = _BLK // BPW
_SUB = _BLK // 128


def _tc_decode_body(mu_ref, lv_ref, bmu_ref, blv_ref, eps_emb_ref,
                    eps_bias_ref, eps_dec_ref, wmu_ref, wlv_ref,
                    cbmu_ref, cblv_ref, out_ref):
    wmu = wmu_ref[...]
    wlv = wlv_ref[...]
    cbmu = cbmu_ref[...]
    cblv = cblv_ref[...]
    dnums = (((0,), (0,)), ((), ()))
    for s in range(_SUB):
        w, j = s // NCH, s % NCH
        cols = pl.ds(s * 128, 128)
        rows = pl.ds(s * 128, 128)
        bias = (bmu_ref[w, pl.ds(j, 1), :]
                + jnp.exp(0.5 * blv_ref[w, pl.ds(j, 1), :])
                * eps_bias_ref[:, cols])
        krows = pl.ds(j * LATENT, LATENT)
        code = (mu_ref[w, krows, :]
                + jnp.exp(0.5 * lv_ref[w, krows, :]) * eps_emb_ref[:, cols]
                + bias)
        mean = lax.dot_general(code, wmu, dnums,
                               preferred_element_type=jnp.float32)
        logvar = lax.dot_general(code, wlv, dnums,
                                 preferred_element_type=jnp.float32)
        out_ref[rows, :] = (mean + cbmu
                            + jnp.exp(0.5 * (logvar + cblv))
                            * eps_dec_ref[rows, :])


def _tc_decode(mu_t, lv_t, bmu_t, blv_t, eps_emb_t, eps_bias_t, eps_dec,
               W_mu, W_lv, b_mu, b_lv):
    grid = (N // _BLK,)
    t4_blk = pl.BlockSpec((_WBLK, NCH * LATENT, 128), lambda i: (i, 0, 0))
    g3_blk = pl.BlockSpec((_WBLK, NCH, 128), lambda i: (i, 0, 0))
    t_blk = pl.BlockSpec((LATENT, _BLK), lambda i: (0, i))
    r_blk = pl.BlockSpec((1, _BLK), lambda i: (0, i))
    w_blk = pl.BlockSpec((LATENT, NUM_METABOLITES), lambda i: (0, 0))
    b_blk = pl.BlockSpec((1, NUM_METABOLITES), lambda i: (0, 0))
    wide = pl.BlockSpec((_BLK, NUM_METABOLITES), lambda i: (i, 0))
    return pl.pallas_call(
        _tc_decode_body,
        grid=grid,
        in_specs=[t4_blk, t4_blk, g3_blk, g3_blk, t_blk, r_blk, wide,
                  w_blk, w_blk, b_blk, b_blk],
        out_specs=wide,
        out_shape=jax.ShapeDtypeStruct((N, NUM_METABOLITES), jnp.float32),
        compiler_params=pltpu.CompilerParams(
            dimension_semantics=("parallel",),
            fuse_transposed_lhs_in_matmul=True,
        ),
    )(mu_t, lv_t, bmu_t, blv_t, eps_emb_t, eps_bias_t, eps_dec,
      W_mu, W_lv, b_mu, b_lv)


def kernel(x, emb_mu, emb_lv, bias_mu, bias_lv, W_mu, b_mu, W_lv, b_lv,
           eps_emb, eps_bias, eps_dec):
    x2 = x.reshape(-1, 128)
    mu_t = _sc_gather_mu_call(x2, emb_mu.T.reshape(-1))
    lv_t, bmu_g, blv_g = _sc_gather_lv_call(
        x2, emb_lv.T.reshape(-1),
        bias_mu.T.reshape(-1), bias_lv.T.reshape(-1),
    )
    return _tc_decode(
        mu_t, lv_t, bmu_g, blv_g,
        eps_emb.T, eps_bias.reshape(1, N), eps_dec,
        W_mu, W_lv, b_mu.reshape(1, -1), b_lv.reshape(1, -1))

# --- scband reference (transcript-rebuilt; emitter-appended) ---
"""Pipeline reference for scband-mmvec-38534446580430 (READ-ONLY COPY).

The authoritative reference and input builder live on the scoring server;
editing this copy changes nothing except your own understanding.
"""

import jax, jax.numpy as jnp
import numpy as np

NUM_MICROBES = 100000
NUM_METABOLITES = 128
LATENT = 16
N = 16384


def setup_inputs(seed: int = 0) -> dict:
    key = jax.random.key(seed)
    ks = jax.random.split(key, 12)
    x = jax.random.randint(ks[0], (N,), 0, NUM_MICROBES, dtype=jnp.int32)
    # Variational embedding parameters (GaussianEmbedding): mean + log-variance
    emb_mu = jax.random.normal(ks[1], (NUM_MICROBES, LATENT), dtype=jnp.float32) * 0.1
    emb_lv = jax.random.normal(ks[2], (NUM_MICROBES, LATENT), dtype=jnp.float32) * 0.1 - 3.0
    bias_mu = jax.random.normal(ks[3], (NUM_MICROBES, 1), dtype=jnp.float32) * 0.1
    bias_lv = jax.random.normal(ks[4], (NUM_MICROBES, 1), dtype=jnp.float32) * 0.1 - 3.0
    # Variational decoder parameters (GaussianDecoder): mean Linear + log-variance Linear
    W_mu = jax.random.normal(ks[5], (LATENT, NUM_METABOLITES), dtype=jnp.float32) * (1.0 / np.sqrt(LATENT))
    b_mu = jnp.zeros((NUM_METABOLITES,), dtype=jnp.float32)
    W_lv = jax.random.normal(ks[6], (LATENT, NUM_METABOLITES), dtype=jnp.float32) * (1.0 / np.sqrt(LATENT)) - 0.5
    b_lv = jnp.zeros((NUM_METABOLITES,), dtype=jnp.float32) - 3.0
    # Reparameterization noise, materialized for determinism
    eps_emb = jax.random.normal(ks[7], (N, LATENT), dtype=jnp.float32)
    eps_bias = jax.random.normal(ks[8], (N, 1), dtype=jnp.float32)
    eps_dec = jax.random.normal(ks[9], (N, NUM_METABOLITES), dtype=jnp.float32)
    return {
        'x': x,
        'emb_mu': emb_mu, 'emb_lv': emb_lv,
        'bias_mu': bias_mu, 'bias_lv': bias_lv,
        'W_mu': W_mu, 'b_mu': b_mu, 'W_lv': W_lv, 'b_lv': b_lv,
        'eps_emb': eps_emb, 'eps_bias': eps_bias, 'eps_dec': eps_dec,
    }


def _reparam(mu, logvar, eps):
    return mu + eps * jnp.exp(0.5 * logvar)


def reference(x, emb_mu, emb_lv, bias_mu, bias_lv, W_mu, b_mu, W_lv, b_lv, eps_emb, eps_bias, eps_dec):
    # GaussianEmbedding.forward: gather mean/logvar embeddings, reparameterize, add bias embedding
    embeds = _reparam(jnp.take(emb_mu, x, axis=0), jnp.take(emb_lv, x, axis=0), eps_emb)
    biases = _reparam(jnp.take(bias_mu, x, axis=0), jnp.take(bias_lv, x, axis=0), eps_bias)
    code = embeds + biases  # [N, latent]
    # GaussianDecoder.forward: mean/logvar linear heads, reparameterize -> logits
    mean = code @ W_mu + b_mu
    logvar = code @ W_lv + b_lv
    log_probs = _reparam(mean, logvar, eps_dec)  # [N, num_metabolites]
    return log_probs


if False:  # reference __main__ guard neutralized (emitter)
    out = reference(**setup_inputs())
    print(out.shape, out.dtype)

if __name__ == "__main__":
    import jax
    _d = setup_inputs()
    print(jax.jit(kernel)(*tuple(_d.values())))

</pallas_src>

<mosaic_0001>
#map = affine_map<(d0, d1) -> (0, 0)>
#map1 = affine_map<(d0, d1) -> (0)>
#map2 = affine_map<(d0, d1) -> (0, 0, 0)>
module attributes {stable_mosaic.version = 14 : i64} {
  func.func @_sc_gather_lv(%arg0: i32, %arg1: i32, %arg2: memref<128x128xi32, #tpu.memory_space<hbm>>, %arg3: memref<1600000xf32, #tpu.memory_space<hbm>>, %arg4: memref<100000xf32, #tpu.memory_space<hbm>>, %arg5: memref<100000xf32, #tpu.memory_space<hbm>>, %arg6: memref<32x64x128xf32, #tpu.memory_space<hbm>>, %arg7: memref<32x4x128xf32, #tpu.memory_space<hbm>>, %arg8: memref<32x4x128xf32, #tpu.memory_space<hbm>>, %arg9: memref<4x128xi32, #tpu.memory_space<vmem>>, %arg10: memref<64x128xi32, #tpu.memory_space<vmem>>, %arg11: memref<64x128xf32, #tpu.memory_space<vmem>>, %arg12: memref<4x128xf32, #tpu.memory_space<vmem>>, %arg13: memref<4x128xf32, #tpu.memory_space<vmem>>, %arg14: memref<!tpu.dma_semaphore, #tpu.memory_space<semaphore_mem>>) attributes {dimension_semantics = [#tpu.dimension_semantics<core_parallel>, #tpu.dimension_semantics<subcore_parallel>], iteration_bounds = array<i64: 2, 16>, scalar_prefetch = 0 : i64, scratch_operands = 6 : i64, tpu.core_type = #tpu.core_type<sc_vector_subcore>, window_params = [{transform_indices = #map}, {transform_indices = #map1}, {transform_indices = #map1}, {transform_indices = #map1}, {transform_indices = #map2}, {transform_indices = #map2}, {transform_indices = #map2}]} {
    %mul3A = arith.constant 2 : i32
    %mul3A_0 = arith.muli %arg1, %mul3A : i32
    %add3A = arith.addi %mul3A_0, %arg0 : i32
    %mul3A_1 = arith.constant 4 : i32
    %mul3A_2 = arith.muli %add3A, %mul3A_1 : i32
    "tpu.region"() ({
      %run_scoped3A = tpu.sem_alloc : memref<!tpu.dma_semaphore, #tpu.memory_space<semaphore_mem>>
      %dma_start3A_112 = arith.constant 0 : i32
      %dma_start3A_113 = tpu.memref_slice %arg2[%mul3A_2, %dma_start3A_112] : memref<128x128xi32, #tpu.memory_space<hbm>> -> memref<4x128xi32, #tpu.memory_space<hbm>>
      %dma_start3A_114 = arith.constant 0 : i32
      %dma_start3A_115 = tpu.memref_slice %arg2[%mul3A_2, %dma_start3A_114] : memref<128x128xi32, #tpu.memory_space<hbm>> -> memref<4x128xi32, #tpu.memory_space<hbm>>
      tpu.enqueue_dma source(%dma_start3A_115 : memref<4x128xi32, #tpu.memory_space<hbm>>) target(%arg9 : memref<4x128xi32, #tpu.memory_space<vmem>>) target_semaphore(%run_scoped3A : memref<!tpu.dma_semaphore, #tpu.memory_space<semaphore_mem>>)
      %dma_wait3A_116 = arith.constant 0 : i32
      %dma_wait3A_117 = tpu.memref_slice %arg2[%mul3A_2, %dma_wait3A_116] : memref<128x128xi32, #tpu.memory_space<hbm>> -> memref<4x128xi32, #tpu.memory_space<hbm>>
      %dma_wait3A_118 = arith.constant 0 : i32
      %dma_wait3A_119 = tpu.memref_slice %arg2[%mul3A_2, %dma_wait3A_118] : memref<128x128xi32, #tpu.memory_space<hbm>> -> memref<4x128xi32, #tpu.memory_space<hbm>>
      tpu.wait_dma2 semaphore(%run_scoped3A : memref<!tpu.dma_semaphore, #tpu.memory_space<semaphore_mem>>) src(%dma_wait3A_119 : memref<4x128xi32, #tpu.memory_space<hbm>>) dst(%arg9 : memref<4x128xi32, #tpu.memory_space<vmem>>)
      tpu.yield
    }) : () -> ()
    %parallel_loop3A = arith.constant 0 : i32
    %parallel_loop3A_3 = arith.constant 64 : i32
    %parallel_loop3A_4 = arith.constant 1 : i32
    scf.for %parallel_loop3A_112 = %parallel_loop3A to %parallel_loop3A_3 step %parallel_loop3A_4  : i32 {
      %parallel_loop3A_113 = arith.constant 16 : i32
      %parallel_loop3A_114 = arith.divsi %parallel_loop3A_112, %parallel_loop3A_113 : i32
      %parallel_loop3A_115 = arith.constant 0 : i32
      %parallel_loop3A_116 = arith.cmpi sgt, %parallel_loop3A_112, %parallel_loop3A_115 : i32
      %parallel_loop3A_117 = arith.extui %parallel_loop3A_116 : i1 to i32
      %parallel_loop3A_118 = arith.constant 0 : i32
      %parallel_loop3A_119 = arith.cmpi slt, %parallel_loop3A_112, %parallel_loop3A_118 : i32
      %parallel_loop3A_120 = arith.extui %parallel_loop3A_119 : i1 to i32
      %parallel_loop3A_121 = arith.subi %parallel_loop3A_117, %parallel_loop3A_120 : i32
      %parallel_loop3A_122 = arith.constant 0 : i32
      %parallel_loop3A_123 = arith.cmpi sgt, %parallel_loop3A_113, %parallel_loop3A_122 : i32
      %parallel_loop3A_124 = arith.extui %parallel_loop3A_123 : i1 to i32
      %parallel_loop3A_125 = arith.constant 0 : i32
      %parallel_loop3A_126 = arith.cmpi slt, %parallel_loop3A_113, %parallel_loop3A_125 : i32
      %parallel_loop3A_127 = arith.extui %parallel_loop3A_126 : i1 to i32
      %parallel_loop3A_128 = arith.subi %parallel_loop3A_124, %parallel_loop3A_127 : i32
      %parallel_loop3A_129 = arith.cmpi ne, %parallel_loop3A_121, %parallel_loop3A_128 : i32
      %parallel_loop3A_130 = arith.remsi %parallel_loop3A_112, %parallel_loop3A_113 : i32
      %parallel_loop3A_131 = arith.constant 0 : i32
      %parallel_loop3A_132 = arith.cmpi ne, %parallel_loop3A_130, %parallel_loop3A_131 : i32
      %parallel_loop3A_133 = arith.andi %parallel_loop3A_129, %parallel_loop3A_132 : i1
      %parallel_loop3A_134 = arith.constant 1 : i32
      %parallel_loop3A_135 = arith.subi %parallel_loop3A_114, %parallel_loop3A_134 : i32
      %parallel_loop3A_136 = arith.select %parallel_loop3A_133, %parallel_loop3A_135, %parallel_loop3A_114 : i32
      %parallel_loop3A_137 = arith.constant 16 : i32
      %parallel_loop3A_138 = arith.muli %parallel_loop3A_136, %parallel_loop3A_137 : i32
      %parallel_loop3A_139 = arith.subi %parallel_loop3A_112, %parallel_loop3A_138 : i32
      %parallel_loop3A_140 = arith.index_cast %parallel_loop3A_136 : i32 to index
      %parallel_loop3A_141 = arith.constant 0 : index
      %parallel_loop3A_142 = tpu.vector_load %arg9[%parallel_loop3A_140, %parallel_loop3A_141] {strides = array<i32>} : memref<4x128xi32, #tpu.memory_space<vmem>>, vector<16xi32>,
      %parallel_loop3A_143 = arith.constant 100000 : i32
      %parallel_loop3A_144 = arith.muli %parallel_loop3A_139, %parallel_loop3A_143 : i32
      %parallel_loop3A_145 = vector.broadcast %parallel_loop3A_144 : i32 to vector<16xi32>
      %parallel_loop3A_146 = arith.addi %parallel_loop3A_142, %parallel_loop3A_145 : vector<16xi32>
      %parallel_loop3A_147 = arith.index_cast %parallel_loop3A_112 : i32 to index
      %parallel_loop3A_148 = arith.constant 0 : index
      %parallel_loop3A_149 = tpu.vector_load %arg10[%parallel_loop3A_147, %parallel_loop3A_148] {strides = array<i32>} : memref<64x128xi32, #tpu.memory_space<vmem>>, vector<16xi32>,
      tpu.vector_store %arg10[%parallel_loop3A_147, %parallel_loop3A_148], %parallel_loop3A_146 {strides = array<i32>} : memref<64x128xi32, #tpu.memory_space<vmem>>, vector<16xi32>,
      %parallel_loop3A_150 = arith.index_cast %parallel_loop3A_136 : i32 to index
      %parallel_loop3A_151 = arith.constant 16 : index
      %parallel_loop3A_152 = tpu.vector_load %arg9[%parallel_loop3A_150, %parallel_loop3A_151] {strides = array<i32>} : memref<4x128xi32, #tpu.memory_space<vmem>>, vector<16xi32>,
      %parallel_loop3A_153 = arith.constant 100000 : i32
      %parallel_loop3A_154 = arith.muli %parallel_loop3A_139, %parallel_loop3A_153 : i32
      %parallel_loop3A_155 = vector.broadcast %parallel_loop3A_154 : i32 to vector<16xi32>
      %parallel_loop3A_156 = arith.addi %parallel_loop3A_152, %parallel_loop3A_155 : vector<16xi32>
      %parallel_loop3A_157 = arith.index_cast %parallel_loop3A_112 : i32 to index
      %parallel_loop3A_158 = arith.constant 16 : index
      %parallel_loop3A_159 = tpu.vector_load %arg10[%parallel_loop3A_157, %parallel_loop3A_158] {strides = array<i32>} : memref<64x128xi32, #tpu.memory_space<vmem>>, vector<16xi32>,
      tpu.vector_store %arg10[%parallel_loop3A_157, %parallel_loop3A_158], %parallel_loop3A_156 {strides = array<i32>} : memref<64x128xi32, #tpu.memory_space<vmem>>, vector<16xi32>,
      %parallel_loop3A_160 = arith.index_cast %parallel_loop3A_136 : i32 to index
      %parallel_loop3A_161 = arith.constant 32 : index
      %parallel_loop3A_162 = tpu.vector_load %arg9[%parallel_loop3A_160, %parallel_loop3A_161] {strides = array<i32>} : memref<4x128xi32, #tpu.memory_space<vmem>>, vector<16xi32>,
      %parallel_loop3A_163 = arith.constant 100000 : i32
      %parallel_loop3A_164 = arith.muli %parallel_loop3A_139, %parallel_loop3A_163 : i32
      %parallel_loop3A_165 = vector.broadcast %parallel_loop3A_164 : i32 to vector<16xi32>
      %parallel_loop3A_166 = arith.addi %parallel_loop3A_162, %parallel_loop3A_165 : vector<16xi32>
      %parallel_loop3A_167 = arith.index_cast %parallel_loop3A_112 : i32 to index
      %parallel_loop3A_168 = arith.constant 32 : index
      %parallel_loop3A_169 = tpu.vector_load %arg10[%parallel_loop3A_167, %parallel_loop3A_168] {strides = array<i32>} : memref<64x128xi32, #tpu.memory_space<vmem>>, vector<16xi32>,
      tpu.vector_store %arg10[%parallel_loop3A_167, %parallel_loop3A_168], %parallel_loop3A_166 {strides = array<i32>} : memref<64x128xi32, #tpu.memory_space<vmem>>, vector<16xi32>,
      %parallel_loop3A_170 = arith.index_cast %parallel_loop3A_136 : i32 to index
      %parallel_loop3A_171 = arith.constant 48 : index
      %parallel_loop3A_172 = tpu.vector_load %arg9[%parallel_loop3A_170, %parallel_loop3A_171] {strides = array<i32>} : memref<4x128xi32, #tpu.memory_space<vmem>>, vector<16xi32>,
      %parallel_loop3A_173 = arith.constant 100000 : i32
      %parallel_loop3A_174 = arith.muli %parallel_loop3A_139, %parallel_loop3A_173 : i32
      %parallel_loop3A_175 = vector.broadcast %parallel_loop3A_174 : i32 to vector<16xi32>
      %parallel_loop3A_176 = arith.addi %parallel_loop3A_172, %parallel_loop3A_175 : vector<16xi32>
      %parallel_loop3A_177 = arith.index_cast %parallel_loop3A_112 : i32 to index
      %parallel_loop3A_178 = arith.constant 48 : index
      %parallel_loop3A_179 = tpu.vector_load %arg10[%parallel_loop3A_177, %parallel_loop3A_178] {strides = array<i32>} : memref<64x128xi32, #tpu.memory_space<vmem>>, vector<16xi32>,
      tpu.vector_store %arg10[%parallel_loop3A_177, %parallel_loop3A_178], %parallel_loop3A_176 {strides = array<i32>} : memref<64x128xi32, #tpu.memory_space<vmem>>, vector<16xi32>,
      %parallel_loop3A_180 = arith.index_cast %parallel_loop3A_136 : i32 to index
      %parallel_loop3A_181 = arith.constant 64 : index
      %parallel_loop3A_182 = tpu.vector_load %arg9[%parallel_loop3A_180, %parallel_loop3A_181] {strides = array<i32>} : memref<4x128xi32, #tpu.memory_space<vmem>>, vector<16xi32>,
      %parallel_loop3A_183 = arith.constant 100000 : i32
      %parallel_loop3A_184 = arith.muli %parallel_loop3A_139, %parallel_loop3A_183 : i32
      %parallel_loop3A_185 = vector.broadcast %parallel_loop3A_184 : i32 to vector<16xi32>
      %parallel_loop3A_186 = arith.addi %parallel_loop3A_182, %parallel_loop3A_185 : vector<16xi32>
      %parallel_loop3A_187 = arith.index_cast %parallel_loop3A_112 : i32 to index
      %parallel_loop3A_188 = arith.constant 64 : index
      %parallel_loop3A_189 = tpu.vector_load %arg10[%parallel_loop3A_187, %parallel_loop3A_188] {strides = array<i32>} : memref<64x128xi32, #tpu.memory_space<vmem>>, vector<16xi32>,
      tpu.vector_store %arg10[%parallel_loop3A_187, %parallel_loop3A_188], %parallel_loop3A_186 {strides = array<i32>} : memref<64x128xi32, #tpu.memory_space<vmem>>, vector<16xi32>,
      %parallel_loop3A_190 = arith.index_cast %parallel_loop3A_136 : i32 to index
      %parallel_loop3A_191 = arith.constant 80 : index
      %parallel_loop3A_192 = tpu.vector_load %arg9[%parallel_loop3A_190, %parallel_loop3A_191] {strides = array<i32>} : memref<4x128xi32, #tpu.memory_space<vmem>>, vector<16xi32>,
      %parallel_loop3A_193 = arith.constant 100000 : i32
      %parallel_loop3A_194 = arith.muli %parallel_loop3A_139, %parallel_loop3A_193 : i32
      %parallel_loop3A_195 = vector.broadcast %parallel_loop3A_194 : i32 to vector<16xi32>
      %parallel_loop3A_196 = arith.addi %parallel_loop3A_192, %parallel_loop3A_195 : vector<16xi32>
      %parallel_loop3A_197 = arith.index_cast %parallel_loop3A_112 : i32 to index
      %parallel_loop3A_198 = arith.constant 80 : index
      %parallel_loop3A_199 = tpu.vector_load %arg10[%parallel_loop3A_197, %parallel_loop3A_198] {strides = array<i32>} : memref<64x128xi32, #tpu.memory_space<vmem>>, vector<16xi32>,
      tpu.vector_store %arg10[%parallel_loop3A_197, %parallel_loop3A_198], %parallel_loop3A_196 {strides = array<i32>} : memref<64x128xi32, #tpu.memory_space<vmem>>, vector<16xi32>,
      %parallel_loop3A_200 = arith.index_cast %parallel_loop3A_136 : i32 to index
      %parallel_loop3A_201 = arith.constant 96 : index
      %parallel_loop3A_202 = tpu.vector_load %arg9[%parallel_loop3A_200, %parallel_loop3A_201] {strides = array<i32>} : memref<4x128xi32, #tpu.memory_space<vmem>>, vector<16xi32>,
      %parallel_loop3A_203 = arith.constant 100000 : i32
      %parallel_loop3A_204 = arith.muli %parallel_loop3A_139, %parallel_loop3A_203 : i32
      %parallel_loop3A_205 = vector.broadcast %parallel_loop3A_204 : i32 to vector<16xi32>
      %parallel_loop3A_206 = arith.addi %parallel_loop3A_202, %parallel_loop3A_205 : vector<16xi32>
      %parallel_loop3A_207 = arith.index_cast %parallel_loop3A_112 : i32 to index
      %parallel_loop3A_208 = arith.constant 96 : index
      %parallel_loop3A_209 = tpu.vector_load %arg10[%parallel_loop3A_207, %parallel_loop3A_208] {strides = array<i32>} : memref<64x128xi32, #tpu.memory_space<vmem>>, vector<16xi32>,
      tpu.vector_store %arg10[%parallel_loop3A_207, %parallel_loop3A_208], %parallel_loop3A_206 {strides = array<i32>} : memref<64x128xi32, #tpu.memory_space<vmem>>, vector<16xi32>,
      %parallel_loop3A_210 = arith.index_cast %parallel_loop3A_136 : i32 to index
      %parallel_loop3A_211 = arith.constant 112 : index
      %parallel_loop3A_212 = tpu.vector_load %arg9[%parallel_loop3A_210, %parallel_loop3A_211] {strides = array<i32>} : memref<4x128xi32, #tpu.memory_space<vmem>>, vector<16xi32>,
      %parallel_loop3A_213 = arith.constant 100000 : i32
      %parallel_loop3A_214 = arith.muli %parallel_loop3A_139, %parallel_loop3A_213 : i32
      %parallel_loop3A_215 = vector.broadcast %parallel_loop3A_214 : i32 to vector<16xi32>
      %parallel_loop3A_216 = arith.addi %parallel_loop3A_212, %parallel_loop3A_215 : vector<16xi32>
      %parallel_loop3A_217 = arith.index_cast %parallel_loop3A_112 : i32 to index
      %parallel_loop3A_218 = arith.constant 112 : index
      %parallel_loop3A_219 = tpu.vector_load %arg10[%parallel_loop3A_217, %parallel_loop3A_218] {strides = array<i32>} : memref<64x128xi32, #tpu.memory_space<vmem>>, vector<16xi32>,
      tpu.vector_store %arg10[%parallel_loop3A_217, %parallel_loop3A_218], %parallel_loop3A_216 {strides = array<i32>} : memref<64x128xi32, #tpu.memory_space<vmem>>, vector<16xi32>,
    } {sc.loop_unroll_factor = 4 : i64, sc.parallel_access}
    %scan3A = arith.constant 0 : i32
    %scan3A_5 = arith.constant 0 : i32
    %scan3A_6 = arith.constant 64 : i32
    %scan3A_7 = arith.addi %scan3A_5, %scan3A_6 : i32
    %scan3A_8 = arith.constant 8 : i32
    scf.for %scan3A_112 = %scan3A_5 to %scan3A_7 step %scan3A_8  : i32 {
      %dma_start3A_113 = arith.constant 0 : i32
      %dma_start3A_114 = tpu.memref_slice %arg11[%scan3A_112, %dma_start3A_113] : memref<64x128xf32, #tpu.memory_space<vmem>> -> memref<1x128xf32, #tpu.memory_space<vmem>>
      %dma_start3A_115 = tpu.memref_squeeze %dma_start3A_114 : memref<1x128xf32, #tpu.memory_space<vmem>> -> memref<128xf32, #tpu.memory_space<vmem>>
      %dma_start3A_116 = arith.constant 0 : i32
      %dma_start3A_117 = tpu.memref_slice %arg10[%scan3A_112, %dma_start3A_116] : memref<64x128xi32, #tpu.memory_space<vmem>> -> memref<1x128xi32, #tpu.memory_space<vmem>>
      %dma_start3A_118 = tpu.memref_squeeze %dma_start3A_117 : memref<1x128xi32, #tpu.memory_space<vmem>> -> memref<128xi32, #tpu.memory_space<vmem>>
      %dma_start3A_119 = arith.constant 0 : i32
      %dma_start3A_120 = tpu.memref_slice %arg3[%dma_start3A_119] : memref<1600000xf32, #tpu.memory_space<hbm>> -> memref<1600000xf32, #tpu.memory_space<hbm>>
      tpu.enqueue_indirect_dma source(%dma_start3A_120 : memref<1600000xf32, #tpu.memory_space<hbm>>) target(%dma_start3A_115 : memref<128xf32, #tpu.memory_space<vmem>>) offsets(%dma_start3A_118 : memref<128xi32, #tpu.memory_space<vmem>>) semaphore(%arg14 : memref<!tpu.dma_semaphore, #tpu.memory_space<semaphore_mem>>)
      %scan3A_121 = arith.constant 1 : i32
      %scan3A_122 = arith.addi %scan3A_112, %scan3A_121 : i32
      %dma_start3A_123 = arith.constant 0 : i32
      %dma_start3A_124 = tpu.memref_slice %arg11[%scan3A_122, %dma_start3A_123] : memref<64x128xf32, #tpu.memory_space<vmem>> -> memref<1x128xf32, #tpu.memory_space<vmem>>
      %dma_start3A_125 = tpu.memref_squeeze %dma_start3A_124 : memref<1x128xf32, #tpu.memory_space<vmem>> -> memref<128xf32, #tpu.memory_space<vmem>>
      %dma_start3A_126 = arith.constant 0 : i32
      %dma_start3A_127 = tpu.memref_slice %arg10[%scan3A_122, %dma_start3A_126] : memref<64x128xi32, #tpu.memory_space<vmem>> -> memref<1x128xi32, #tpu.memory_space<vmem>>
      %dma_start3A_128 = tpu.memref_squeeze %dma_start3A_127 : memref<1x128xi32, #tpu.memory_space<vmem>> -> memref<128xi32, #tpu.memory_space<vmem>>
      %dma_start3A_129 = arith.constant 0 : i32
      %dma_start3A_130 = tpu.memref_slice %arg3[%dma_start3A_129] : memref<1600000xf32, #tpu.memory_space<hbm>> -> memref<1600000xf32, #tpu.memory_space<hbm>>
      tpu.enqueue_indirect_dma source(%dma_start3A_130 : memref<1600000xf32, #tpu.memory_space<hbm>>) target(%dma_start3A_125 : memref<128xf32, #tpu.memory_space<vmem>>) offsets(%dma_start3A_128 : memref<128xi32, #tpu.memory_space<vmem>>) semaphore(%arg14 : memref<!tpu.dma_semaphore, #tpu.memory_space<semaphore_mem>>)
      %scan3A_131 = arith.constant 2 : i32
      %scan3A_132 = arith.addi %scan3A_112, %scan3A_131 : i32
      %dma_start3A_133 = arith.constant 0 : i32
      %dma_start3A_134 = tpu.memref_slice %arg11[%scan3A_132, %dma_start3A_133] : memref<64x128xf32, #tpu.memory_space<vmem>> -> memref<1x128xf32, #tpu.memory_space<vmem>>
      %dma_start3A_135 = tpu.memref_squeeze %dma_start3A_134 : memref<1x128xf32, #tpu.memory_space<vmem>> -> memref<128xf32, #tpu.memory_space<vmem>>
      %dma_start3A_136 = arith.constant 0 : i32
      %dma_start3A_137 = tpu.memref_slice %arg10[%scan3A_132, %dma_start3A_136] : memref<64x128xi32, #tpu.memory_space<vmem>> -> memref<1x128xi32, #tpu.memory_space<vmem>>
      %dma_start3A_138 = tpu.memref_squeeze %dma_start3A_137 : memref<1x128xi32, #tpu.memory_space<vmem>> -> memref<128xi32, #tpu.memory_space<vmem>>
      %dma_start3A_139 = arith.constant 0 : i32
      %dma_start3A_140 = tpu.memref_slice %arg3[%dma_start3A_139] : memref<1600000xf32, #tpu.memory_space<hbm>> -> memref<1600000xf32, #tpu.memory_space<hbm>>
      tpu.enqueue_indirect_dma source(%dma_start3A_140 : memref<1600000xf32, #tpu.memory_space<hbm>>) target(%dma_start3A_135 : memref<128xf32, #tpu.memory_space<vmem>>) offsets(%dma_start3A_138 : memref<128xi32, #tpu.memory_space<vmem>>) semaphore(%arg14 : memref<!tpu.dma_semaphore, #tpu.memory_space<semaphore_mem>>)
      %scan3A_141 = arith.constant 3 : i32
      %scan3A_142 = arith.addi %scan3A_112, %scan3A_141 : i32
      %dma_start3A_143 = arith.constant 0 : i32
      %dma_start3A_144 = tpu.memref_slice %arg11[%scan3A_142, %dma_start3A_143] : memref<64x128xf32, #tpu.memory_space<vmem>> -> memref<1x128xf32, #tpu.memory_space<vmem>>
      %dma_start3A_145 = tpu.memref_squeeze %dma_start3A_144 : memref<1x128xf32, #tpu.memory_space<vmem>> -> memref<128xf32, #tpu.memory_space<vmem>>
      %dma_start3A_146 = arith.constant 0 : i32
      %dma_start3A_147 = tpu.memref_slice %arg10[%scan3A_142, %dma_start3A_146] : memref<64x128xi32, #tpu.memory_space<vmem>> -> memref<1x128xi32, #tpu.memory_space<vmem>>
      %dma_start3A_148 = tpu.memref_squeeze %dma_start3A_147 : memref<1x128xi32, #tpu.memory_space<vmem>> -> memref<128xi32, #tpu.memory_space<vmem>>
      %dma_start3A_149 = arith.constant 0 : i32
      %dma_start3A_150 = tpu.memref_slice %arg3[%dma_start3A_149] : memref<1600000xf32, #tpu.memory_space<hbm>> -> memref<1600000xf32, #tpu.memory_space<hbm>>
      tpu.enqueue_indirect_dma source(%dma_start3A_150 : memref<1600000xf32, #tpu.memory_space<hbm>>) target(%dma_start3A_145 : memref<128xf32, #tpu.memory_space<vmem>>) offsets(%dma_start3A_148 : memref<128xi32, #tpu.memory_space<vmem>>) semaphore(%arg14 : memref<!tpu.dma_semaphore, #tpu.memory_space<semaphore_mem>>)
      %scan3A_151 = arith.constant 4 : i32
      %scan3A_152 = arith.addi %scan3A_112, %scan3A_151 : i32
      %dma_start3A_153 = arith.constant 0 : i32
      %dma_start3A_154 = tpu.memref_slice %arg11[%scan3A_152, %dma_start3A_153] : memref<64x128xf32, #tpu.memory_space<vmem>> -> memref<1x128xf32, #tpu.memory_space<vmem>>
      %dma_start3A_155 = tpu.memref_squeeze %dma_start3A_154 : memref<1x128xf32, #tpu.memory_space<vmem>> -> memref<128xf32, #tpu.memory_space<vmem>>
      %dma_start3A_156 = arith.constant 0 : i32
      %dma_start3A_157 = tpu.memref_slice %arg10[%scan3A_152, %dma_start3A_156] : memref<64x128xi32, #tpu.memory_space<vmem>> -> memref<1x128xi32, #tpu.memory_space<vmem>>
      %dma_start3A_158 = tpu.memref_squeeze %dma_start3A_157 : memref<1x128xi32, #tpu.memory_space<vmem>> -> memref<128xi32, #tpu.memory_space<vmem>>
      %dma_start3A_159 = arith.constant 0 : i32
      %dma_start3A_160 = tpu.memref_slice %arg3[%dma_start3A_159] : memref<1600000xf32, #tpu.memory_space<hbm>> -> memref<1600000xf32, #tpu.memory_space<hbm>>
      tpu.enqueue_indirect_dma source(%dma_start3A_160 : memref<1600000xf32, #tpu.memory_space<hbm>>) target(%dma_start3A_155 : memref<128xf32, #tpu.memory_space<vmem>>) offsets(%dma_start3A_158 : memref<128xi32, #tpu.memory_space<vmem>>) semaphore(%arg14 : memref<!tpu.dma_semaphore, #tpu.memory_space<semaphore_mem>>)
      %scan3A_161 = arith.constant 5 : i32
      %scan3A_162 = arith.addi %scan3A_112, %scan3A_161 : i32
      %dma_start3A_163 = arith.constant 0 : i32
      %dma_start3A_164 = tpu.memref_slice %arg11[%scan3A_162, %dma_start3A_163] : memref<64x128xf32, #tpu.memory_space<vmem>> -> memref<1x128xf32, #tpu.memory_space<vmem>>
      %dma_start3A_165 = tpu.memref_squeeze %dma_start3A_164 : memref<1x128xf32, #tpu.memory_space<vmem>> -> memref<128xf32, #tpu.memory_space<vmem>>
      %dma_start3A_166 = arith.constant 0 : i32
      %dma_start3A_167 = tpu.memref_slice %arg10[%scan3A_162, %dma_start3A_166] : memref<64x128xi32, #tpu.memory_space<vmem>> -> memref<1x128xi32, #tpu.memory_space<vmem>>
      %dma_start3A_168 = tpu.memref_squeeze %dma_start3A_167 : memref<1x128xi32, #tpu.memory_space<vmem>> -> memref<128xi32, #tpu.memory_space<vmem>>
      %dma_start3A_169 = arith.constant 0 : i32
      %dma_start3A_170 = tpu.memref_slice %arg3[%dma_start3A_169] : memref<1600000xf32, #tpu.memory_space<hbm>> -> memref<1600000xf32, #tpu.memory_space<hbm>>
      tpu.enqueue_indirect_dma source(%dma_start3A_170 : memref<1600000xf32, #tpu.memory_space<hbm>>) target(%dma_start3A_165 : memref<128xf32, #tpu.memory_space<vmem>>) offsets(%dma_start3A_168 : memref<128xi32, #tpu.memory_space<vmem>>) semaphore(%arg14 : memref<!tpu.dma_semaphore, #tpu.memory_space<semaphore_mem>>)
      %scan3A_171 = arith.constant 6 : i32
      %scan3A_172 = arith.addi %scan3A_112, %scan3A_171 : i32
      %dma_start3A_173 = arith.constant 0 : i32
      %dma_start3A_174 = tpu.memref_slice %arg11[%scan3A_172, %dma_start3A_173] : memref<64x128xf32, #tpu.memory_space<vmem>> -> memref<1x128xf32, #tpu.memory_space<vmem>>
      %dma_start3A_175 = tpu.memref_squeeze %dma_start3A_174 : memref<1x128xf32, #tpu.memory_space<vmem>> -> memref<128xf32, #tpu.memory_space<vmem>>
      %dma_start3A_176 = arith.constant 0 : i32
      %dma_start3A_177 = tpu.memref_slice %arg10[%scan3A_172, %dma_start3A_176] : memref<64x128xi32, #tpu.memory_space<vmem>> -> memref<1x128xi32, #tpu.memory_space<vmem>>
      %dma_start3A_178 = tpu.memref_squeeze %dma_start3A_177 : memref<1x128xi32, #tpu.memory_space<vmem>> -> memref<128xi32, #tpu.memory_space<vmem>>
      %dma_start3A_179 = arith.constant 0 : i32
      %dma_start3A_180 = tpu.memref_slice %arg3[%dma_start3A_179] : memref<1600000xf32, #tpu.memory_space<hbm>> -> memref<1600000xf32, #tpu.memory_space<hbm>>
      tpu.enqueue_indirect_dma source(%dma_start3A_180 : memref<1600000xf32, #tpu.memory_space<hbm>>) target(%dma_start3A_175 : memref<128xf32, #tpu.memory_space<vmem>>) offsets(%dma_start3A_178 : memref<128xi32, #tpu.memory_space<vmem>>) semaphore(%arg14 : memref<!tpu.dma_semaphore, #tpu.memory_space<semaphore_mem>>)
      %scan3A_181 = arith.constant 7 : i32
      %scan3A_182 = arith.addi %scan3A_112, %scan3A_181 : i32
      %dma_start3A_183 = arith.constant 0 : i32
      %dma_start3A_184 = tpu.memref_slice %arg11[%scan3A_182, %dma_start3A_183] : memref<64x128xf32, #tpu.memory_space<vmem>> -> memref<1x128xf32, #tpu.memory_space<vmem>>
      %dma_start3A_185 = tpu.memref_squeeze %dma_start3A_184 : memref<1x128xf32, #tpu.memory_space<vmem>> -> memref<128xf32, #tpu.memory_space<vmem>>
      %dma_start3A_186 = arith.constant 0 : i32
      %dma_start3A_187 = tpu.memref_slice %arg10[%scan3A_182, %dma_start3A_186] : memref<64x128xi32, #tpu.memory_space<vmem>> -> memref<1x128xi32, #tpu.memory_space<vmem>>
      %dma_start3A_188 = tpu.memref_squeeze %dma_start3A_187 : memref<1x128xi32, #tpu.memory_space<vmem>> -> memref<128xi32, #tpu.memory_space<vmem>>
      %dma_start3A_189 = arith.constant 0 : i32
      %dma_start3A_190 = tpu.memref_slice %arg3[%dma_start3A_189] : memref<1600000xf32, #tpu.memory_space<hbm>> -> memref<1600000xf32, #tpu.memory_space<hbm>>
      tpu.enqueue_indirect_dma source(%dma_start3A_190 : memref<1600000xf32, #tpu.memory_space<hbm>>) target(%dma_start3A_185 : memref<128xf32, #tpu.memory_space<vmem>>) offsets(%dma_start3A_188 : memref<128xi32, #tpu.memory_space<vmem>>) semaphore(%arg14 : memref<!tpu.dma_semaphore, #tpu.memory_space<semaphore_mem>>)
    }
    %scan3A_9 = arith.constant 64 : i32
    %dma_start3A = arith.constant 0 : i32
    %dma_start3A_10 = arith.constant 0 : i32
    %dma_start3A_11 = arith.constant 0 : i32
    %dma_start3A_12 = tpu.memref_slice %arg12[%dma_start3A_10, %dma_start3A_11] : memref<4x128xf32, #tpu.memory_space<vmem>> -> memref<1x128xf32, #tpu.memory_space<vmem>>
    %dma_start3A_13 = tpu.memref_squeeze %dma_start3A_12 : memref<1x128xf32, #tpu.memory_space<vmem>> -> memref<128xf32, #tpu.memory_space<vmem>>
    %dma_start3A_14 = arith.constant 0 : i32
    %dma_start3A_15 = tpu.memref_slice %arg9[%dma_start3A, %dma_start3A_14] : memref<4x128xi32, #tpu.memory_space<vmem>> -> memref<1x128xi32, #tpu.memory_space<vmem>>
    %dma_start3A_16 = tpu.memref_squeeze %dma_start3A_15 : memref<1x128xi32, #tpu.memory_space<vmem>> -> memref<128xi32, #tpu.memory_space<vmem>>
    %dma_start3A_17 = arith.constant 0 : i32
    %dma_start3A_18 = tpu.memref_slice %arg4[%dma_start3A_17] : memref<100000xf32, #tpu.memory_space<hbm>> -> memref<100000xf32, #tpu.memory_space<hbm>>
    tpu.enqueue_indirect_dma source(%dma_start3A_18 : memref<100000xf32, #tpu.memory_space<hbm>>) target(%dma_start3A_13 : memref<128xf32, #tpu.memory_space<vmem>>) offsets(%dma_start3A_16 : memref<128xi32, #tpu.memory_space<vmem>>) semaphore(%arg14 : memref<!tpu.dma_semaphore, #tpu.memory_space<semaphore_mem>>)
    %dma_start3A_19 = arith.constant 0 : i32
    %dma_start3A_20 = arith.constant 0 : i32
    %dma_start3A_21 = arith.constant 0 : i32
    %dma_start3A_22 = tpu.memref_slice %arg13[%dma_start3A_20, %dma_start3A_21] : memref<4x128xf32, #tpu.memory_space<vmem>> -> memref<1x128xf32, #tpu.memory_space<vmem>>
    %dma_start3A_23 = tpu.memref_squeeze %dma_start3A_22 : memref<1x128xf32, #tpu.memory_space<vmem>> -> memref<128xf32, #tpu.memory_space<vmem>>
    %dma_start3A_24 = arith.constant 0 : i32
    %dma_start3A_25 = tpu.memref_slice %arg9[%dma_start3A_19, %dma_start3A_24] : memref<4x128xi32, #tpu.memory_space<vmem>> -> memref<1x128xi32, #tpu.memory_space<vmem>>
    %dma_start3A_26 = tpu.memref_squeeze %dma_start3A_25 : memref<1x128xi32, #tpu.memory_space<vmem>> -> memref<128xi32, #tpu.memory_space<vmem>>
    %dma_start3A_27 = arith.constant 0 : i32
    %dma_start3A_28 = tpu.memref_slice %arg5[%dma_start3A_27] : memref<100000xf32, #tpu.memory_space<hbm>> -> memref<100000xf32, #tpu.memory_space<hbm>>
    tpu.enqueue_indirect_dma source(%dma_start3A_28 : memref<100000xf32, #tpu.memory_space<hbm>>) target(%dma_start3A_23 : memref<128xf32, #tpu.memory_space<vmem>>) offsets(%dma_start3A_26 : memref<128xi32, #tpu.memory_space<vmem>>) semaphore(%arg14 : memref<!tpu.dma_semaphore, #tpu.memory_space<semaphore_mem>>)
    %dma_start3A_29 = arith.constant 1 : i32
    %dma_start3A_30 = arith.constant 1 : i32
    %dma_start3A_31 = arith.constant 0 : i32
    %dma_start3A_32 = tpu.memref_slice %arg12[%dma_start3A_30, %dma_start3A_31] : memref<4x128xf32, #tpu.memory_space<vmem>> -> memref<1x128xf32, #tpu.memory_space<vmem>>
    %dma_start3A_33 = tpu.memref_squeeze %dma_start3A_32 : memref<1x128xf32, #tpu.memory_space<vmem>> -> memref<128xf32, #tpu.memory_space<vmem>>
    %dma_start3A_34 = arith.constant 0 : i32
    %dma_start3A_35 = tpu.memref_slice %arg9[%dma_start3A_29, %dma_start3A_34] : memref<4x128xi32, #tpu.memory_space<vmem>> -> memref<1x128xi32, #tpu.memory_space<vmem>>
    %dma_start3A_36 = tpu.memref_squeeze %dma_start3A_35 : memref<1x128xi32, #tpu.memory_space<vmem>> -> memref<128xi32, #tpu.memory_space<vmem>>
    %dma_start3A_37 = arith.constant 0 : i32
    %dma_start3A_38 = tpu.memref_slice %arg4[%dma_start3A_37] : memref<100000xf32, #tpu.memory_space<hbm>> -> memref<100000xf32, #tpu.memory_space<hbm>>
    tpu.enqueue_indirect_dma source(%dma_start3A_38 : memref<100000xf32, #tpu.memory_space<hbm>>) target(%dma_start3A_33 : memref<128xf32, #tpu.memory_space<vmem>>) offsets(%dma_start3A_36 : memref<128xi32, #tpu.memory_space<vmem>>) semaphore(%arg14 : memref<!tpu.dma_semaphore, #tpu.memory_space<semaphore_mem>>)
    %dma_start3A_39 = arith.constant 1 : i32
    %dma_start3A_40 = arith.constant 1 : i32
    %dma_start3A_41 = arith.constant 0 : i32
    %dma_start3A_42 = tpu.memref_slice %arg13[%dma_start3A_40, %dma_start3A_41] : memref<4x128xf32, #tpu.memory_space<vmem>> -> memref<1x128xf32, #tpu.memory_space<vmem>>
    %dma_start3A_43 = tpu.memref_squeeze %dma_start3A_42 : memref<1x128xf32, #tpu.memory_space<vmem>> -> memref<128xf32, #tpu.memory_space<vmem>>
    %dma_start3A_44 = arith.constant 0 : i32
    %dma_start3A_45 = tpu.memref_slice %arg9[%dma_start3A_39, %dma_start3A_44] : memref<4x128xi32, #tpu.memory_space<vmem>> -> memref<1x128xi32, #tpu.memory_space<vmem>>
    %dma_start3A_46 = tpu.memref_squeeze %dma_start3A_45 : memref<1x128xi32, #tpu.memory_space<vmem>> -> memref<128xi32, #tpu.memory_space<vmem>>
    %dma_start3A_47 = arith.constant 0 : i32
    %dma_start3A_48 = tpu.memref_slice %arg5[%dma_start3A_47] : memref<100000xf32, #tpu.memory_space<hbm>> -> memref<100000xf32, #tpu.memory_space<hbm>>
    tpu.enqueue_indirect_dma source(%dma_start3A_48 : memref<100000xf32, #tpu.memory_space<hbm>>) target(%dma_start3A_43 : memref<128xf32, #tpu.memory_space<vmem>>) offsets(%dma_start3A_46 : memref<128xi32, #tpu.memory_space<vmem>>) semaphore(%arg14 : memref<!tpu.dma_semaphore, #tpu.memory_space<semaphore_mem>>)
    %dma_start3A_49 = arith.constant 2 : i32
    %dma_start3A_50 = arith.constant 2 : i32
    %dma_start3A_51 = arith.constant 0 : i32
    %dma_start3A_52 = tpu.memref_slice %arg12[%dma_start3A_50, %dma_start3A_51] : memref<4x128xf32, #tpu.memory_space<vmem>> -> memref<1x128xf32, #tpu.memory_space<vmem>>
    %dma_start3A_53 = tpu.memref_squeeze %dma_start3A_52 : memref<1x128xf32, #tpu.memory_space<vmem>> -> memref<128xf32, #tpu.memory_space<vmem>>
    %dma_start3A_54 = arith.constant 0 : i32
    %dma_start3A_55 = tpu.memref_slice %arg9[%dma_start3A_49, %dma_start3A_54] : memref<4x128xi32, #tpu.memory_space<vmem>> -> memref<1x128xi32, #tpu.memory_space<vmem>>
    %dma_start3A_56 = tpu.memref_squeeze %dma_start3A_55 : memref<1x128xi32, #tpu.memory_space<vmem>> -> memref<128xi32, #tpu.memory_space<vmem>>
    %dma_start3A_57 = arith.constant 0 : i32
    %dma_start3A_58 = tpu.memref_slice %arg4[%dma_start3A_57] : memref<100000xf32, #tpu.memory_space<hbm>> -> memref<100000xf32, #tpu.memory_space<hbm>>
    tpu.enqueue_indirect_dma source(%dma_start3A_58 : memref<100000xf32, #tpu.memory_space<hbm>>) target(%dma_start3A_53 : memref<128xf32, #tpu.memory_space<vmem>>) offsets(%dma_start3A_56 : memref<128xi32, #tpu.memory_space<vmem>>) semaphore(%arg14 : memref<!tpu.dma_semaphore, #tpu.memory_space<semaphore_mem>>)
    %dma_start3A_59 = arith.constant 2 : i32
    %dma_start3A_60 = arith.constant 2 : i32
    %dma_start3A_61 = arith.constant 0 : i32
    %dma_start3A_62 = tpu.memref_slice %arg13[%dma_start3A_60, %dma_start3A_61] : memref<4x128xf32, #tpu.memory_space<vmem>> -> memref<1x128xf32, #tpu.memory_space<vmem>>
    %dma_start3A_63 = tpu.memref_squeeze %dma_start3A_62 : memref<1x128xf32, #tpu.memory_space<vmem>> -> memref<128xf32, #tpu.memory_space<vmem>>
    %dma_start3A_64 = arith.constant 0 : i32
    %dma_start3A_65 = tpu.memref_slice %arg9[%dma_start3A_59, %dma_start3A_64] : memref<4x128xi32, #tpu.memory_space<vmem>> -> memref<1x128xi32, #tpu.memory_space<vmem>>
    %dma_start3A_66 = tpu.memref_squeeze %dma_start3A_65 : memref<1x128xi32, #tpu.memory_space<vmem>> -> memref<128xi32, #tpu.memory_space<vmem>>
    %dma_start3A_67 = arith.constant 0 : i32
    %dma_start3A_68 = tpu.memref_slice %arg5[%dma_start3A_67] : memref<100000xf32, #tpu.memory_space<hbm>> -> memref<100000xf32, #tpu.memory_space<hbm>>
    tpu.enqueue_indirect_dma source(%dma_start3A_68 : memref<100000xf32, #tpu.memory_space<hbm>>) target(%dma_start3A_63 : memref<128xf32, #tpu.memory_space<vmem>>) offsets(%dma_start3A_66 : memref<128xi32, #tpu.memory_space<vmem>>) semaphore(%arg14 : memref<!tpu.dma_semaphore, #tpu.memory_space<semaphore_mem>>)
    %dma_start3A_69 = arith.constant 3 : i32
    %dma_start3A_70 = arith.constant 3 : i32
    %dma_start3A_71 = arith.constant 0 : i32
    %dma_start3A_72 = tpu.memref_slice %arg12[%dma_start3A_70, %dma_start3A_71] : memref<4x128xf32, #tpu.memory_space<vmem>> -> memref<1x128xf32, #tpu.memory_space<vmem>>
    %dma_start3A_73 = tpu.memref_squeeze %dma_start3A_72 : memref<1x128xf32, #tpu.memory_space<vmem>> -> memref<128xf32, #tpu.memory_space<vmem>>
    %dma_start3A_74 = arith.constant 0 : i32
    %dma_start3A_75 = tpu.memref_slice %arg9[%dma_start3A_69, %dma_start3A_74] : memref<4x128xi32, #tpu.memory_space<vmem>> -> memref<1x128xi32, #tpu.memory_space<vmem>>
    %dma_start3A_76 = tpu.memref_squeeze %dma_start3A_75 : memref<1x128xi32, #tpu.memory_space<vmem>> -> memref<128xi32, #tpu.memory_space<vmem>>
    %dma_start3A_77 = arith.constant 0 : i32
    %dma_start3A_78 = tpu.memref_slice %arg4[%dma_start3A_77] : memref<100000xf32, #tpu.memory_space<hbm>> -> memref<100000xf32, #tpu.memory_space<hbm>>
    tpu.enqueue_indirect_dma source(%dma_start3A_78 : memref<100000xf32, #tpu.memory_space<hbm>>) target(%dma_start3A_73 : memref<128xf32, #tpu.memory_space<vmem>>) offsets(%dma_start3A_76 : memref<128xi32, #tpu.memory_space<vmem>>) semaphore(%arg14 : memref<!tpu.dma_semaphore, #tpu.memory_space<semaphore_mem>>)
    %dma_start3A_79 = arith.constant 3 : i32
    %dma_start3A_80 = arith.constant 3 : i32
    %dma_start3A_81 = arith.constant 0 : i32
    %dma_start3A_82 = tpu.memref_slice %arg13[%dma_start3A_80, %dma_start3A_81] : memref<4x128xf32, #tpu.memory_space<vmem>> -> memref<1x128xf32, #tpu.memory_space<vmem>>
    %dma_start3A_83 = tpu.memref_squeeze %dma_start3A_82 : memref<1x128xf32, #tpu.memory_space<vmem>> -> memref<128xf32, #tpu.memory_space<vmem>>
    %dma_start3A_84 = arith.constant 0 : i32
    %dma_start3A_85 = tpu.memref_slice %arg9[%dma_start3A_79, %dma_start3A_84] : memref<4x128xi32, #tpu.memory_space<vmem>> -> memref<1x128xi32, #tpu.memory_space<vmem>>
    %dma_start3A_86 = tpu.memref_squeeze %dma_start3A_85 : memref<1x128xi32, #tpu.memory_space<vmem>> -> memref<128xi32, #tpu.memory_space<vmem>>
    %dma_start3A_87 = arith.constant 0 : i32
    %dma_start3A_88 = tpu.memref_slice %arg5[%dma_start3A_87] : memref<100000xf32, #tpu.memory_space<hbm>> -> memref<100000xf32, #tpu.memory_space<hbm>>
    tpu.enqueue_indirect_dma source(%dma_start3A_88 : memref<100000xf32, #tpu.memory_space<hbm>>) target(%dma_start3A_83 : memref<128xf32, #tpu.memory_space<vmem>>) offsets(%dma_start3A_86 : memref<128xi32, #tpu.memory_space<vmem>>) semaphore(%arg14 : memref<!tpu.dma_semaphore, #tpu.memory_space<semaphore_mem>>)
    %dma_wait3A = arith.constant 0 : i32
    %dma_wait3A_89 = arith.constant 0 : i32
    %dma_wait3A_90 = tpu.memref_slice %arg6[%add3A, %dma_wait3A, %dma_wait3A_89] : memref<32x64x128xf32, #tpu.memory_space<hbm>> -> memref<1x64x128xf32, #tpu.memory_space<hbm>>
    %dma_wait3A_91 = tpu.memref_squeeze %dma_wait3A_90 : memref<1x64x128xf32, #tpu.memory_space<hbm>> -> memref<64x128xf32, #tpu.memory_space<hbm>>
    %dma_wait3A_92 = arith.constant 0 : i32
    %dma_wait3A_93 = arith.constant 0 : i32
    %dma_wait3A_94 = tpu.memref_slice %arg6[%add3A, %dma_wait3A_92, %dma_wait3A_93] : memref<32x64x128xf32, #tpu.memory_space<hbm>> -> memref<1x64x128xf32, #tpu.memory_space<hbm>>
    %dma_wait3A_95 = tpu.memref_squeeze %dma_wait3A_94 : memref<1x64x128xf32, #tpu.memory_space<hbm>> -> memref<64x128xf32, #tpu.memory_space<hbm>>
    tpu.wait_dma2 semaphore(%arg14 : memref<!tpu.dma_semaphore, #tpu.memory_space<semaphore_mem>>) src(%dma_wait3A_95 : memref<64x128xf32, #tpu.memory_space<hbm>>) dst(%arg11 : memref<64x128xf32, #tpu.memory_space<vmem>>)
    %dma_wait3A_96 = arith.constant 0 : i32
    %dma_wait3A_97 = arith.constant 0 : i32
    %dma_wait3A_98 = tpu.memref_slice %arg7[%add3A, %dma_wait3A_96, %dma_wait3A_97] : memref<32x4x128xf32, #tpu.memory_space<hbm>> -> memref<1x4x128xf32, #tpu.memory_space<hbm>>
    %dma_wait3A_99 = tpu.memref_squeeze %dma_wait3A_98 : memref<1x4x128xf32, #tpu.memory_space<hbm>> -> memref<4x128xf32, #tpu.memory_space<hbm>>
    %dma_wait3A_100 = arith.constant 0 : i32
    %dma_wait3A_101 = arith.constant 0 : i32
    %dma_wait3A_102 = tpu.memref_slice %arg7[%add3A, %dma_wait3A_100, %dma_wait3A_101] : memref<32x4x128xf32, #tpu.memory_space<hbm>> -> memref<1x4x128xf32, #tpu.memory_space<hbm>>
    %dma_wait3A_103 = tpu.memref_squeeze %dma_wait3A_102 : memref<1x4x128xf32, #tpu.memory_space<hbm>> -> memref<4x128xf32, #tpu.memory_space<hbm>>
    tpu.wait_dma2 semaphore(%arg14 : memref<!tpu.dma_semaphore, #tpu.memory_space<semaphore_mem>>) src(%dma_wait3A_103 : memref<4x128xf32, #tpu.memory_space<hbm>>) dst(%arg12 : memref<4x128xf32, #tpu.memory_space<vmem>>)
    %dma_wait3A_104 = arith.constant 0 : i32
    %dma_wait3A_105 = arith.constant 0 : i32
    %dma_wait3A_106 = tpu.memref_slice %arg8[%add3A, %dma_wait3A_104, %dma_wait3A_105] : memref<32x4x128xf32, #tpu.memory_space<hbm>> -> memref<1x4x128xf32, #tpu.memory_space<hbm>>
    %dma_wait3A_107 = tpu.memref_squeeze %dma_wait3A_106 : memref<1x4x128xf32, #tpu.memory_space<hbm>> -> memref<4x128xf32, #tpu.memory_space<hbm>>
    %dma_wait3A_108 = arith.constant 0 : i32
    %dma_wait3A_109 = arith.constant 0 : i32
    %dma_wait3A_110 = tpu.memref_slice %arg8[%add3A, %dma_wait3A_108, %dma_wait3A_109] : memref<32x4x128xf32, #tpu.memory_space<hbm>> -> memref<1x4x128xf32, #tpu.memory_space<hbm>>
    %dma_wait3A_111 = tpu.memref_squeeze %dma_wait3A_110 : memref<1x4x128xf32, #tpu.memory_space<hbm>> -> memref<4x128xf32, #tpu.memory_space<hbm>>
    tpu.wait_dma2 semaphore(%arg14 : memref<!tpu.dma_semaphore, #tpu.memory_space<semaphore_mem>>) src(%dma_wait3A_111 : memref<4x128xf32, #tpu.memory_space<hbm>>) dst(%arg13 : memref<4x128xf32, #tpu.memory_space<vmem>>)
    "tpu.region"() ({
      %run_scoped3A = tpu.sem_alloc : memref<!tpu.dma_semaphore, #tpu.memory_space<semaphore_mem>>
      %dma_start3A_112 = arith.constant 0 : i32
      %dma_start3A_113 = arith.constant 0 : i32
      %dma_start3A_114 = tpu.memref_slice %arg6[%add3A, %dma_start3A_112, %dma_start3A_113] : memref<32x64x128xf32, #tpu.memory_space<hbm>> -> memref<1x64x128xf32, #tpu.memory_space<hbm>>
      %dma_start3A_115 = tpu.memref_squeeze %dma_start3A_114 : memref<1x64x128xf32, #tpu.memory_space<hbm>> -> memref<64x128xf32, #tpu.memory_space<hbm>>
      %dma_start3A_116 = arith.constant 0 : i32
      %dma_start3A_117 = arith.constant 0 : i32
      %dma_start3A_118 = tpu.memref_slice %arg6[%add3A, %dma_start3A_116, %dma_start3A_117] : memref<32x64x128xf32, #tpu.memory_space<hbm>> -> memref<1x64x128xf32, #tpu.memory_space<hbm>>
      %dma_start3A_119 = tpu.memref_squeeze %dma_start3A_118 : memref<1x64x128xf32, #tpu.memory_space<hbm>> -> memref<64x128xf32, #tpu.memory_space<hbm>>
      tpu.enqueue_dma source(%arg11 : memref<64x128xf32, #tpu.memory_space<vmem>>) target(%dma_start3A_119 : memref<64x128xf32, #tpu.memory_space<hbm>>) target_semaphore(%run_scoped3A : memref<!tpu.dma_semaphore, #tpu.memory_space<semaphore_mem>>)
      %dma_wait3A_120 = arith.constant 0 : i32
      %dma_wait3A_121 = arith.constant 0 : i32
      %dma_wait3A_122 = tpu.memref_slice %arg6[%add3A, %dma_wait3A_120, %dma_wait3A_121] : memref<32x64x128xf32, #tpu.memory_space<hbm>> -> memref<1x64x128xf32, #tpu.memory_space<hbm>>
      %dma_wait3A_123 = tpu.memref_squeeze %dma_wait3A_122 : memref<1x64x128xf32, #tpu.memory_space<hbm>> -> memref<64x128xf32, #tpu.memory_space<hbm>>
      %dma_wait3A_124 = arith.constant 0 : i32
      %dma_wait3A_125 = arith.constant 0 : i32
      %dma_wait3A_126 = tpu.memref_slice %arg6[%add3A, %dma_wait3A_124, %dma_wait3A_125] : memref<32x64x128xf32, #tpu.memory_space<hbm>> -> memref<1x64x128xf32, #tpu.memory_space<hbm>>
      %dma_wait3A_127 = tpu.memref_squeeze %dma_wait3A_126 : memref<1x64x128xf32, #tpu.memory_space<hbm>> -> memref<64x128xf32, #tpu.memory_space<hbm>>
      tpu.wait_dma2 semaphore(%run_scoped3A : memref<!tpu.dma_semaphore, #tpu.memory_space<semaphore_mem>>) src(%arg11 : memref<64x128xf32, #tpu.memory_space<vmem>>) dst(%dma_wait3A_127 : memref<64x128xf32, #tpu.memory_space<hbm>>)
      tpu.yield
    }) : () -> ()
    "tpu.region"() ({
      %run_scoped3A = tpu.sem_alloc : memref<!tpu.dma_semaphore, #tpu.memory_space<semaphore_mem>>
      %dma_start3A_112 = arith.constant 0 : i32
      %dma_start3A_113 = arith.constant 0 : i32
      %dma_start3A_114 = tpu.memref_slice %arg7[%add3A, %dma_start3A_112, %dma_start3A_113] : memref<32x4x128xf32, #tpu.memory_space<hbm>> -> memref<1x4x128xf32, #tpu.memory_space<hbm>>
      %dma_start3A_115 = tpu.memref_squeeze %dma_start3A_114 : memref<1x4x128xf32, #tpu.memory_space<hbm>> -> memref<4x128xf32, #tpu.memory_space<hbm>>
      %dma_start3A_116 = arith.constant 0 : i32
      %dma_start3A_117 = arith.constant 0 : i32
      %dma_start3A_118 = tpu.memref_slice %arg7[%add3A, %dma_start3A_116, %dma_start3A_117] : memref<32x4x128xf32, #tpu.memory_space<hbm>> -> memref<1x4x128xf32, #tpu.memory_space<hbm>>
      %dma_start3A_119 = tpu.memref_squeeze %dma_start3A_118 : memref<1x4x128xf32, #tpu.memory_space<hbm>> -> memref<4x128xf32, #tpu.memory_space<hbm>>
      tpu.enqueue_dma source(%arg12 : memref<4x128xf32, #tpu.memory_space<vmem>>) target(%dma_start3A_119 : memref<4x128xf32, #tpu.memory_space<hbm>>) target_semaphore(%run_scoped3A : memref<!tpu.dma_semaphore, #tpu.memory_space<semaphore_mem>>)
      %dma_wait3A_120 = arith.constant 0 : i32
      %dma_wait3A_121 = arith.constant 0 : i32
      %dma_wait3A_122 = tpu.memref_slice %arg7[%add3A, %dma_wait3A_120, %dma_wait3A_121] : memref<32x4x128xf32, #tpu.memory_space<hbm>> -> memref<1x4x128xf32, #tpu.memory_space<hbm>>
      %dma_wait3A_123 = tpu.memref_squeeze %dma_wait3A_122 : memref<1x4x128xf32, #tpu.memory_space<hbm>> -> memref<4x128xf32, #tpu.memory_space<hbm>>
      %dma_wait3A_124 = arith.constant 0 : i32
      %dma_wait3A_125 = arith.constant 0 : i32
      %dma_wait3A_126 = tpu.memref_slice %arg7[%add3A, %dma_wait3A_124, %dma_wait3A_125] : memref<32x4x128xf32, #tpu.memory_space<hbm>> -> memref<1x4x128xf32, #tpu.memory_space<hbm>>
      %dma_wait3A_127 = tpu.memref_squeeze %dma_wait3A_126 : memref<1x4x128xf32, #tpu.memory_space<hbm>> -> memref<4x128xf32, #tpu.memory_space<hbm>>
      tpu.wait_dma2 semaphore(%run_scoped3A : memref<!tpu.dma_semaphore, #tpu.memory_space<semaphore_mem>>) src(%arg12 : memref<4x128xf32, #tpu.memory_space<vmem>>) dst(%dma_wait3A_127 : memref<4x128xf32, #tpu.memory_space<hbm>>)
      tpu.yield
    }) : () -> ()
    "tpu.region"() ({
      %run_scoped3A = tpu.sem_alloc : memref<!tpu.dma_semaphore, #tpu.memory_space<semaphore_mem>>
      %dma_start3A_112 = arith.constant 0 : i32
      %dma_start3A_113 = arith.constant 0 : i32
      %dma_start3A_114 = tpu.memref_slice %arg8[%add3A, %dma_start3A_112, %dma_start3A_113] : memref<32x4x128xf32, #tpu.memory_space<hbm>> -> memref<1x4x128xf32, #tpu.memory_space<hbm>>
      %dma_start3A_115 = tpu.memref_squeeze %dma_start3A_114 : memref<1x4x128xf32, #tpu.memory_space<hbm>> -> memref<4x128xf32, #tpu.memory_space<hbm>>
      %dma_start3A_116 = arith.constant 0 : i32
      %dma_start3A_117 = arith.constant 0 : i32
      %dma_start3A_118 = tpu.memref_slice %arg8[%add3A, %dma_start3A_116, %dma_start3A_117] : memref<32x4x128xf32, #tpu.memory_space<hbm>> -> memref<1x4x128xf32, #tpu.memory_space<hbm>>
      %dma_start3A_119 = tpu.memref_squeeze %dma_start3A_118 : memref<1x4x128xf32, #tpu.memory_space<hbm>> -> memref<4x128xf32, #tpu.memory_space<hbm>>
      tpu.enqueue_dma source(%arg13 : memref<4x128xf32, #tpu.memory_space<vmem>>) target(%dma_start3A_119 : memref<4x128xf32, #tpu.memory_space<hbm>>) target_semaphore(%run_scoped3A : memref<!tpu.dma_semaphore, #tpu.memory_space<semaphore_mem>>)
      %dma_wait3A_120 = arith.constant 0 : i32
      %dma_wait3A_121 = arith.constant 0 : i32
      %dma_wait3A_122 = tpu.memref_slice %arg8[%add3A, %dma_wait3A_120, %dma_wait3A_121] : memref<32x4x128xf32, #tpu.memory_space<hbm>> -> memref<1x4x128xf32, #tpu.memory_space<hbm>>
      %dma_wait3A_123 = tpu.memref_squeeze %dma_wait3A_122 : memref<1x4x128xf32, #tpu.memory_space<hbm>> -> memref<4x128xf32, #tpu.memory_space<hbm>>
      %dma_wait3A_124 = arith.constant 0 : i32
      %dma_wait3A_125 = arith.constant 0 : i32
      %dma_wait3A_126 = tpu.memref_slice %arg8[%add3A, %dma_wait3A_124, %dma_wait3A_125] : memref<32x4x128xf32, #tpu.memory_space<hbm>> -> memref<1x4x128xf32, #tpu.memory_space<hbm>>
      %dma_wait3A_127 = tpu.memref_squeeze %dma_wait3A_126 : memref<1x4x128xf32, #tpu.memory_space<hbm>> -> memref<4x128xf32, #tpu.memory_space<hbm>>
      tpu.wait_dma2 semaphore(%run_scoped3A : memref<!tpu.dma_semaphore, #tpu.memory_space<semaphore_mem>>) src(%arg13 : memref<4x128xf32, #tpu.memory_space<vmem>>) dst(%dma_wait3A_127 : memref<4x128xf32, #tpu.memory_space<hbm>>)
      tpu.yield
    }) : () -> ()
    return
  }
}

#map = affine_map<(d0, d1) -> (0, 0)>
#map1 = affine_map<(d0, d1) -> (0)>
#map2 = affine_map<(d0, d1) -> (0, 0, 0)>
module attributes {stable_mosaic.version = 14 : i64} {
  func.func @_sc_gather_mu(%arg0: i32, %arg1: i32, %arg2: memref<128x128xi32, #tpu.memory_space<hbm>>, %arg3: memref<1600000xf32, #tpu.memory_space<hbm>>, %arg4: memref<32x64x128xf32, #tpu.memory_space<hbm>>, %arg5: memref<4x128xi32, #tpu.memory_space<vmem>>, %arg6: memref<64x128xi32, #tpu.memory_space<vmem>>, %arg7: memref<64x128xf32, #tpu.memory_space<vmem>>, %arg8: memref<!tpu.dma_semaphore, #tpu.memory_space<semaphore_mem>>) attributes {dimension_semantics = [#tpu.dimension_semantics<core_parallel>, #tpu.dimension_semantics<subcore_parallel>], iteration_bounds = array<i64: 2, 16>, scalar_prefetch = 0 : i64, scratch_operands = 4 : i64, tpu.core_type = #tpu.core_type<sc_vector_subcore>, window_params = [{transform_indices = #map}, {transform_indices = #map1}, {transform_indices = #map2}]} {
    %mul3A = arith.constant 2 : i32
    %mul3A_0 = arith.muli %arg1, %mul3A : i32
    %add3A = arith.addi %mul3A_0, %arg0 : i32
    %mul3A_1 = arith.constant 4 : i32
    %mul3A_2 = arith.muli %add3A, %mul3A_1 : i32
    "tpu.region"() ({
      %run_scoped3A = tpu.sem_alloc : memref<!tpu.dma_semaphore, #tpu.memory_space<semaphore_mem>>
      %dma_start3A = arith.constant 0 : i32
      %dma_start3A_17 = tpu.memref_slice %arg2[%mul3A_2, %dma_start3A] : memref<128x128xi32, #tpu.memory_space<hbm>> -> memref<4x128xi32, #tpu.memory_space<hbm>>
      %dma_start3A_18 = arith.constant 0 : i32
      %dma_start3A_19 = tpu.memref_slice %arg2[%mul3A_2, %dma_start3A_18] : memref<128x128xi32, #tpu.memory_space<hbm>> -> memref<4x128xi32, #tpu.memory_space<hbm>>
      tpu.enqueue_dma source(%dma_start3A_19 : memref<4x128xi32, #tpu.memory_space<hbm>>) target(%arg5 : memref<4x128xi32, #tpu.memory_space<vmem>>) target_semaphore(%run_scoped3A : memref<!tpu.dma_semaphore, #tpu.memory_space<semaphore_mem>>)
      %dma_wait3A_20 = arith.constant 0 : i32
      %dma_wait3A_21 = tpu.memref_slice %arg2[%mul3A_2, %dma_wait3A_20] : memref<128x128xi32, #tpu.memory_space<hbm>> -> memref<4x128xi32, #tpu.memory_space<hbm>>
      %dma_wait3A_22 = arith.constant 0 : i32
      %dma_wait3A_23 = tpu.memref_slice %arg2[%mul3A_2, %dma_wait3A_22] : memref<128x128xi32, #tpu.memory_space<hbm>> -> memref<4x128xi32, #tpu.memory_space<hbm>>
      tpu.wait_dma2 semaphore(%run_scoped3A : memref<!tpu.dma_semaphore, #tpu.memory_space<semaphore_mem>>) src(%dma_wait3A_23 : memref<4x128xi32, #tpu.memory_space<hbm>>) dst(%arg5 : memref<4x128xi32, #tpu.memory_space<vmem>>)
      tpu.yield
    }) : () -> ()
    %parallel_loop3A = arith.constant 0 : i32
    %parallel_loop3A_3 = arith.constant 64 : i32
    %parallel_loop3A_4 = arith.constant 1 : i32
    scf.for %parallel_loop3A_17 = %parallel_loop3A to %parallel_loop3A_3 step %parallel_loop3A_4  : i32 {
      %parallel_loop3A_18 = arith.constant 16 : i32
      %parallel_loop3A_19 = arith.divsi %parallel_loop3A_17, %parallel_loop3A_18 : i32
      %parallel_loop3A_20 = arith.constant 0 : i32
      %parallel_loop3A_21 = arith.cmpi sgt, %parallel_loop3A_17, %parallel_loop3A_20 : i32
      %parallel_loop3A_22 = arith.extui %parallel_loop3A_21 : i1 to i32
      %parallel_loop3A_23 = arith.constant 0 : i32
      %parallel_loop3A_24 = arith.cmpi slt, %parallel_loop3A_17, %parallel_loop3A_23 : i32
      %parallel_loop3A_25 = arith.extui %parallel_loop3A_24 : i1 to i32
      %parallel_loop3A_26 = arith.subi %parallel_loop3A_22, %parallel_loop3A_25 : i32
      %parallel_loop3A_27 = arith.constant 0 : i32
      %parallel_loop3A_28 = arith.cmpi sgt, %parallel_loop3A_18, %parallel_loop3A_27 : i32
      %parallel_loop3A_29 = arith.extui %parallel_loop3A_28 : i1 to i32
      %parallel_loop3A_30 = arith.constant 0 : i32
      %parallel_loop3A_31 = arith.cmpi slt, %parallel_loop3A_18, %parallel_loop3A_30 : i32
      %parallel_loop3A_32 = arith.extui %parallel_loop3A_31 : i1 to i32
      %parallel_loop3A_33 = arith.subi %parallel_loop3A_29, %parallel_loop3A_32 : i32
      %parallel_loop3A_34 = arith.cmpi ne, %parallel_loop3A_26, %parallel_loop3A_33 : i32
      %parallel_loop3A_35 = arith.remsi %parallel_loop3A_17, %parallel_loop3A_18 : i32
      %parallel_loop3A_36 = arith.constant 0 : i32
      %parallel_loop3A_37 = arith.cmpi ne, %parallel_loop3A_35, %parallel_loop3A_36 : i32
      %parallel_loop3A_38 = arith.andi %parallel_loop3A_34, %parallel_loop3A_37 : i1
      %parallel_loop3A_39 = arith.constant 1 : i32
      %parallel_loop3A_40 = arith.subi %parallel_loop3A_19, %parallel_loop3A_39 : i32
      %parallel_loop3A_41 = arith.select %parallel_loop3A_38, %parallel_loop3A_40, %parallel_loop3A_19 : i32
      %parallel_loop3A_42 = arith.constant 16 : i32
      %parallel_loop3A_43 = arith.muli %parallel_loop3A_41, %parallel_loop3A_42 : i32
      %parallel_loop3A_44 = arith.subi %parallel_loop3A_17, %parallel_loop3A_43 : i32
      %parallel_loop3A_45 = arith.index_cast %parallel_loop3A_41 : i32 to index
      %parallel_loop3A_46 = arith.constant 0 : index
      %parallel_loop3A_47 = tpu.vector_load %arg5[%parallel_loop3A_45, %parallel_loop3A_46] {strides = array<i32>} : memref<4x128xi32, #tpu.memory_space<vmem>>, vector<16xi32>,
      %parallel_loop3A_48 = arith.constant 100000 : i32
      %parallel_loop3A_49 = arith.muli %parallel_loop3A_44, %parallel_loop3A_48 : i32
      %parallel_loop3A_50 = vector.broadcast %parallel_loop3A_49 : i32 to vector<16xi32>
      %parallel_loop3A_51 = arith.addi %parallel_loop3A_47, %parallel_loop3A_50 : vector<16xi32>
      %parallel_loop3A_52 = arith.index_cast %parallel_loop3A_17 : i32 to index
      %parallel_loop3A_53 = arith.constant 0 : index
      %parallel_loop3A_54 = tpu.vector_load %arg6[%parallel_loop3A_52, %parallel_loop3A_53] {strides = array<i32>} : memref<64x128xi32, #tpu.memory_space<vmem>>, vector<16xi32>,
      tpu.vector_store %arg6[%parallel_loop3A_52, %parallel_loop3A_53], %parallel_loop3A_51 {strides = array<i32>} : memref<64x128xi32, #tpu.memory_space<vmem>>, vector<16xi32>,
      %parallel_loop3A_55 = arith.index_cast %parallel_loop3A_41 : i32 to index
      %parallel_loop3A_56 = arith.constant 16 : index
      %parallel_loop3A_57 = tpu.vector_load %arg5[%parallel_loop3A_55, %parallel_loop3A_56] {strides = array<i32>} : memref<4x128xi32, #tpu.memory_space<vmem>>, vector<16xi32>,
      %parallel_loop3A_58 = arith.constant 100000 : i32
      %parallel_loop3A_59 = arith.muli %parallel_loop3A_44, %parallel_loop3A_58 : i32
      %parallel_loop3A_60 = vector.broadcast %parallel_loop3A_59 : i32 to vector<16xi32>
      %parallel_loop3A_61 = arith.addi %parallel_loop3A_57, %parallel_loop3A_60 : vector<16xi32>
      %parallel_loop3A_62 = arith.index_cast %parallel_loop3A_17 : i32 to index
      %parallel_loop3A_63 = arith.constant 16 : index
      %parallel_loop3A_64 = tpu.vector_load %arg6[%parallel_loop3A_62, %parallel_loop3A_63] {strides = array<i32>} : memref<64x128xi32, #tpu.memory_space<vmem>>, vector<16xi32>,
      tpu.vector_store %arg6[%parallel_loop3A_62, %parallel_loop3A_63], %parallel_loop3A_61 {strides = array<i32>} : memref<64x128xi32, #tpu.memory_space<vmem>>, vector<16xi32>,
      %parallel_loop3A_65 = arith.index_cast %parallel_loop3A_41 : i32 to index
      %parallel_loop3A_66 = arith.constant 32 : index
      %parallel_loop3A_67 = tpu.vector_load %arg5[%parallel_loop3A_65, %parallel_loop3A_66] {strides = array<i32>} : memref<4x128xi32, #tpu.memory_space<vmem>>, vector<16xi32>,
      %parallel_loop3A_68 = arith.constant 100000 : i32
      %parallel_loop3A_69 = arith.muli %parallel_loop3A_44, %parallel_loop3A_68 : i32
      %parallel_loop3A_70 = vector.broadcast %parallel_loop3A_69 : i32 to vector<16xi32>
      %parallel_loop3A_71 = arith.addi %parallel_loop3A_67, %parallel_loop3A_70 : vector<16xi32>
      %parallel_loop3A_72 = arith.index_cast %parallel_loop3A_17 : i32 to index
      %parallel_loop3A_73 = arith.constant 32 : index
      %parallel_loop3A_74 = tpu.vector_load %arg6[%parallel_loop3A_72, %parallel_loop3A_73] {strides = array<i32>} : memref<64x128xi32, #tpu.memory_space<vmem>>, vector<16xi32>,
      tpu.vector_store %arg6[%parallel_loop3A_72, %parallel_loop3A_73], %parallel_loop3A_71 {strides = array<i32>} : memref<64x128xi32, #tpu.memory_space<vmem>>, vector<16xi32>,
      %parallel_loop3A_75 = arith.index_cast %parallel_loop3A_41 : i32 to index
      %parallel_loop3A_76 = arith.constant 48 : index
      %parallel_loop3A_77 = tpu.vector_load %arg5[%parallel_loop3A_75, %parallel_loop3A_76] {strides = array<i32>} : memref<4x128xi32, #tpu.memory_space<vmem>>, vector<16xi32>,
      %parallel_loop3A_78 = arith.constant 100000 : i32
      %parallel_loop3A_79 = arith.muli %parallel_loop3A_44, %parallel_loop3A_78 : i32
      %parallel_loop3A_80 = vector.broadcast %parallel_loop3A_79 : i32 to vector<16xi32>
      %parallel_loop3A_81 = arith.addi %parallel_loop3A_77, %parallel_loop3A_80 : vector<16xi32>
      %parallel_loop3A_82 = arith.index_cast %parallel_loop3A_17 : i32 to index
      %parallel_loop3A_83 = arith.constant 48 : index
      %parallel_loop3A_84 = tpu.vector_load %arg6[%parallel_loop3A_82, %parallel_loop3A_83] {strides = array<i32>} : memref<64x128xi32, #tpu.memory_space<vmem>>, vector<16xi32>,
      tpu.vector_store %arg6[%parallel_loop3A_82, %parallel_loop3A_83], %parallel_loop3A_81 {strides = array<i32>} : memref<64x128xi32, #tpu.memory_space<vmem>>, vector<16xi32>,
      %parallel_loop3A_85 = arith.index_cast %parallel_loop3A_41 : i32 to index
      %parallel_loop3A_86 = arith.constant 64 : index
      %parallel_loop3A_87 = tpu.vector_load %arg5[%parallel_loop3A_85, %parallel_loop3A_86] {strides = array<i32>} : memref<4x128xi32, #tpu.memory_space<vmem>>, vector<16xi32>,
      %parallel_loop3A_88 = arith.constant 100000 : i32
      %parallel_loop3A_89 = arith.muli %parallel_loop3A_44, %parallel_loop3A_88 : i32
      %parallel_loop3A_90 = vector.broadcast %parallel_loop3A_89 : i32 to vector<16xi32>
      %parallel_loop3A_91 = arith.addi %parallel_loop3A_87, %parallel_loop3A_90 : vector<16xi32>
      %parallel_loop3A_92 = arith.index_cast %parallel_loop3A_17 : i32 to index
      %parallel_loop3A_93 = arith.constant 64 : index
      %parallel_loop3A_94 = tpu.vector_load %arg6[%parallel_loop3A_92, %parallel_loop3A_93] {strides = array<i32>} : memref<64x128xi32, #tpu.memory_space<vmem>>, vector<16xi32>,
      tpu.vector_store %arg6[%parallel_loop3A_92, %parallel_loop3A_93], %parallel_loop3A_91 {strides = array<i32>} : memref<64x128xi32, #tpu.memory_space<vmem>>, vector<16xi32>,
      %parallel_loop3A_95 = arith.index_cast %parallel_loop3A_41 : i32 to index
      %parallel_loop3A_96 = arith.constant 80 : index
      %parallel_loop3A_97 = tpu.vector_load %arg5[%parallel_loop3A_95, %parallel_loop3A_96] {strides = array<i32>} : memref<4x128xi32, #tpu.memory_space<vmem>>, vector<16xi32>,
      %parallel_loop3A_98 = arith.constant 100000 : i32
      %parallel_loop3A_99 = arith.muli %parallel_loop3A_44, %parallel_loop3A_98 : i32
      %parallel_loop3A_100 = vector.broadcast %parallel_loop3A_99 : i32 to vector<16xi32>
      %parallel_loop3A_101 = arith.addi %parallel_loop3A_97, %parallel_loop3A_100 : vector<16xi32>
      %parallel_loop3A_102 = arith.index_cast %parallel_loop3A_17 : i32 to index
      %parallel_loop3A_103 = arith.constant 80 : index
      %parallel_loop3A_104 = tpu.vector_load %arg6[%parallel_loop3A_102, %parallel_loop3A_103] {strides = array<i32>} : memref<64x128xi32, #tpu.memory_space<vmem>>, vector<16xi32>,
      tpu.vector_store %arg6[%parallel_loop3A_102, %parallel_loop3A_103], %parallel_loop3A_101 {strides = array<i32>} : memref<64x128xi32, #tpu.memory_space<vmem>>, vector<16xi32>,
      %parallel_loop3A_105 = arith.index_cast %parallel_loop3A_41 : i32 to index
      %parallel_loop3A_106 = arith.constant 96 : index
      %parallel_loop3A_107 = tpu.vector_load %arg5[%parallel_loop3A_105, %parallel_loop3A_106] {strides = array<i32>} : memref<4x128xi32, #tpu.memory_space<vmem>>, vector<16xi32>,
      %parallel_loop3A_108 = arith.constant 100000 : i32
      %parallel_loop3A_109 = arith.muli %parallel_loop3A_44, %parallel_loop3A_108 : i32
      %parallel_loop3A_110 = vector.broadcast %parallel_loop3A_109 : i32 to vector<16xi32>
      %parallel_loop3A_111 = arith.addi %parallel_loop3A_107, %parallel_loop3A_110 : vector<16xi32>
      %parallel_loop3A_112 = arith.index_cast %parallel_loop3A_17 : i32 to index
      %parallel_loop3A_113 = arith.constant 96 : index
      %parallel_loop3A_114 = tpu.vector_load %arg6[%parallel_loop3A_112, %parallel_loop3A_113] {strides = array<i32>} : memref<64x128xi32, #tpu.memory_space<vmem>>, vector<16xi32>,
      tpu.vector_store %arg6[%parallel_loop3A_112, %parallel_loop3A_113], %parallel_loop3A_111 {strides = array<i32>} : memref<64x128xi32, #tpu.memory_space<vmem>>, vector<16xi32>,
      %parallel_loop3A_115 = arith.index_cast %parallel_loop3A_41 : i32 to index
      %parallel_loop3A_116 = arith.constant 112 : index
      %parallel_loop3A_117 = tpu.vector_load %arg5[%parallel_loop3A_115, %parallel_loop3A_116] {strides = array<i32>} : memref<4x128xi32, #tpu.memory_space<vmem>>, vector<16xi32>,
      %parallel_loop3A_118 = arith.constant 100000 : i32
      %parallel_loop3A_119 = arith.muli %parallel_loop3A_44, %parallel_loop3A_118 : i32
      %parallel_loop3A_120 = vector.broadcast %parallel_loop3A_119 : i32 to vector<16xi32>
      %parallel_loop3A_121 = arith.addi %parallel_loop3A_117, %parallel_loop3A_120 : vector<16xi32>
      %parallel_loop3A_122 = arith.index_cast %parallel_loop3A_17 : i32 to index
      %parallel_loop3A_123 = arith.constant 112 : index
      %parallel_loop3A_124 = tpu.vector_load %arg6[%parallel_loop3A_122, %parallel_loop3A_123] {strides = array<i32>} : memref<64x128xi32, #tpu.memory_space<vmem>>, vector<16xi32>,
      tpu.vector_store %arg6[%parallel_loop3A_122, %parallel_loop3A_123], %parallel_loop3A_121 {strides = array<i32>} : memref<64x128xi32, #tpu.memory_space<vmem>>, vector<16xi32>,
    } {sc.loop_unroll_factor = 4 : i64, sc.parallel_access}
    %scan3A = arith.constant 0 : i32
    %scan3A_5 = arith.constant 0 : i32
    %scan3A_6 = arith.constant 64 : i32
    %scan3A_7 = arith.addi %scan3A_5, %scan3A_6 : i32
    %scan3A_8 = arith.constant 8 : i32
    scf.for %scan3A_17 = %scan3A_5 to %scan3A_7 step %scan3A_8  : i32 {
      %dma_start3A = arith.constant 0 : i32
      %dma_start3A_18 = tpu.memref_slice %arg7[%scan3A_17, %dma_start3A] : memref<64x128xf32, #tpu.memory_space<vmem>> -> memref<1x128xf32, #tpu.memory_space<vmem>>
      %dma_start3A_19 = tpu.memref_squeeze %dma_start3A_18 : memref<1x128xf32, #tpu.memory_space<vmem>> -> memref<128xf32, #tpu.memory_space<vmem>>
      %dma_start3A_20 = arith.constant 0 : i32
      %dma_start3A_21 = tpu.memref_slice %arg6[%scan3A_17, %dma_start3A_20] : memref<64x128xi32, #tpu.memory_space<vmem>> -> memref<1x128xi32, #tpu.memory_space<vmem>>
      %dma_start3A_22 = tpu.memref_squeeze %dma_start3A_21 : memref<1x128xi32, #tpu.memory_space<vmem>> -> memref<128xi32, #tpu.memory_space<vmem>>
      %dma_start3A_23 = arith.constant 0 : i32
      %dma_start3A_24 = tpu.memref_slice %arg3[%dma_start3A_23] : memref<1600000xf32, #tpu.memory_space<hbm>> -> memref<1600000xf32, #tpu.memory_space<hbm>>
      tpu.enqueue_indirect_dma source(%dma_start3A_24 : memref<1600000xf32, #tpu.memory_space<hbm>>) target(%dma_start3A_19 : memref<128xf32, #tpu.memory_space<vmem>>) offsets(%dma_start3A_22 : memref<128xi32, #tpu.memory_space<vmem>>) semaphore(%arg8 : memref<!tpu.dma_semaphore, #tpu.memory_space<semaphore_mem>>)
      %scan3A_25 = arith.constant 1 : i32
      %scan3A_26 = arith.addi %scan3A_17, %scan3A_25 : i32
      %dma_start3A_27 = arith.constant 0 : i32
      %dma_start3A_28 = tpu.memref_slice %arg7[%scan3A_26, %dma_start3A_27] : memref<64x128xf32, #tpu.memory_space<vmem>> -> memref<1x128xf32, #tpu.memory_space<vmem>>
      %dma_start3A_29 = tpu.memref_squeeze %dma_start3A_28 : memref<1x128xf32, #tpu.memory_space<vmem>> -> memref<128xf32, #tpu.memory_space<vmem>>
      %dma_start3A_30 = arith.constant 0 : i32
      %dma_start3A_31 = tpu.memref_slice %arg6[%scan3A_26, %dma_start3A_30] : memref<64x128xi32, #tpu.memory_space<vmem>> -> memref<1x128xi32, #tpu.memory_space<vmem>>
      %dma_start3A_32 = tpu.memref_squeeze %dma_start3A_31 : memref<1x128xi32, #tpu.memory_space<vmem>> -> memref<128xi32, #tpu.memory_space<vmem>>
      %dma_start3A_33 = arith.constant 0 : i32
      %dma_start3A_34 = tpu.memref_slice %arg3[%dma_start3A_33] : memref<1600000xf32, #tpu.memory_space<hbm>> -> memref<1600000xf32, #tpu.memory_space<hbm>>
      tpu.enqueue_indirect_dma source(%dma_start3A_34 : memref<1600000xf32, #tpu.memory_space<hbm>>) target(%dma_start3A_29 : memref<128xf32, #tpu.memory_space<vmem>>) offsets(%dma_start3A_32 : memref<128xi32, #tpu.memory_space<vmem>>) semaphore(%arg8 : memref<!tpu.dma_semaphore, #tpu.memory_space<semaphore_mem>>)
      %scan3A_35 = arith.constant 2 : i32
      %scan3A_36 = arith.addi %scan3A_17, %scan3A_35 : i32
      %dma_start3A_37 = arith.constant 0 : i32
      %dma_start3A_38 = tpu.memref_slice %arg7[%scan3A_36, %dma_start3A_37] : memref<64x128xf32, #tpu.memory_space<vmem>> -> memref<1x128xf32, #tpu.memory_space<vmem>>
      %dma_start3A_39 = tpu.memref_squeeze %dma_start3A_38 : memref<1x128xf32, #tpu.memory_space<vmem>> -> memref<128xf32, #tpu.memory_space<vmem>>
      %dma_start3A_40 = arith.constant 0 : i32
      %dma_start3A_41 = tpu.memref_slice %arg6[%scan3A_36, %dma_start3A_40] : memref<64x128xi32, #tpu.memory_space<vmem>> -> memref<1x128xi32, #tpu.memory_space<vmem>>
      %dma_start3A_42 = tpu.memref_squeeze %dma_start3A_41 : memref<1x128xi32, #tpu.memory_space<vmem>> -> memref<128xi32, #tpu.memory_space<vmem>>
      %dma_start3A_43 = arith.constant 0 : i32
      %dma_start3A_44 = tpu.memref_slice %arg3[%dma_start3A_43] : memref<1600000xf32, #tpu.memory_space<hbm>> -> memref<1600000xf32, #tpu.memory_space<hbm>>
      tpu.enqueue_indirect_dma source(%dma_start3A_44 : memref<1600000xf32, #tpu.memory_space<hbm>>) target(%dma_start3A_39 : memref<128xf32, #tpu.memory_space<vmem>>) offsets(%dma_start3A_42 : memref<128xi32, #tpu.memory_space<vmem>>) semaphore(%arg8 : memref<!tpu.dma_semaphore, #tpu.memory_space<semaphore_mem>>)
      %scan3A_45 = arith.constant 3 : i32
      %scan3A_46 = arith.addi %scan3A_17, %scan3A_45 : i32
      %dma_start3A_47 = arith.constant 0 : i32
      %dma_start3A_48 = tpu.memref_slice %arg7[%scan3A_46, %dma_start3A_47] : memref<64x128xf32, #tpu.memory_space<vmem>> -> memref<1x128xf32, #tpu.memory_space<vmem>>
      %dma_start3A_49 = tpu.memref_squeeze %dma_start3A_48 : memref<1x128xf32, #tpu.memory_space<vmem>> -> memref<128xf32, #tpu.memory_space<vmem>>
      %dma_start3A_50 = arith.constant 0 : i32
      %dma_start3A_51 = tpu.memref_slice %arg6[%scan3A_46, %dma_start3A_50] : memref<64x128xi32, #tpu.memory_space<vmem>> -> memref<1x128xi32, #tpu.memory_space<vmem>>
      %dma_start3A_52 = tpu.memref_squeeze %dma_start3A_51 : memref<1x128xi32, #tpu.memory_space<vmem>> -> memref<128xi32, #tpu.memory_space<vmem>>
      %dma_start3A_53 = arith.constant 0 : i32
      %dma_start3A_54 = tpu.memref_slice %arg3[%dma_start3A_53] : memref<1600000xf32, #tpu.memory_space<hbm>> -> memref<1600000xf32, #tpu.memory_space<hbm>>
      tpu.enqueue_indirect_dma source(%dma_start3A_54 : memref<1600000xf32, #tpu.memory_space<hbm>>) target(%dma_start3A_49 : memref<128xf32, #tpu.memory_space<vmem>>) offsets(%dma_start3A_52 : memref<128xi32, #tpu.memory_space<vmem>>) semaphore(%arg8 : memref<!tpu.dma_semaphore, #tpu.memory_space<semaphore_mem>>)
      %scan3A_55 = arith.constant 4 : i32
      %scan3A_56 = arith.addi %scan3A_17, %scan3A_55 : i32
      %dma_start3A_57 = arith.constant 0 : i32
      %dma_start3A_58 = tpu.memref_slice %arg7[%scan3A_56, %dma_start3A_57] : memref<64x128xf32, #tpu.memory_space<vmem>> -> memref<1x128xf32, #tpu.memory_space<vmem>>
      %dma_start3A_59 = tpu.memref_squeeze %dma_start3A_58 : memref<1x128xf32, #tpu.memory_space<vmem>> -> memref<128xf32, #tpu.memory_space<vmem>>
      %dma_start3A_60 = arith.constant 0 : i32
      %dma_start3A_61 = tpu.memref_slice %arg6[%scan3A_56, %dma_start3A_60] : memref<64x128xi32, #tpu.memory_space<vmem>> -> memref<1x128xi32, #tpu.memory_space<vmem>>
      %dma_start3A_62 = tpu.memref_squeeze %dma_start3A_61 : memref<1x128xi32, #tpu.memory_space<vmem>> -> memref<128xi32, #tpu.memory_space<vmem>>
      %dma_start3A_63 = arith.constant 0 : i32
      %dma_start3A_64 = tpu.memref_slice %arg3[%dma_start3A_63] : memref<1600000xf32, #tpu.memory_space<hbm>> -> memref<1600000xf32, #tpu.memory_space<hbm>>
      tpu.enqueue_indirect_dma source(%dma_start3A_64 : memref<1600000xf32, #tpu.memory_space<hbm>>) target(%dma_start3A_59 : memref<128xf32, #tpu.memory_space<vmem>>) offsets(%dma_start3A_62 : memref<128xi32, #tpu.memory_space<vmem>>) semaphore(%arg8 : memref<!tpu.dma_semaphore, #tpu.memory_space<semaphore_mem>>)
      %scan3A_65 = arith.constant 5 : i32
      %scan3A_66 = arith.addi %scan3A_17, %scan3A_65 : i32
      %dma_start3A_67 = arith.constant 0 : i32
      %dma_start3A_68 = tpu.memref_slice %arg7[%scan3A_66, %dma_start3A_67] : memref<64x128xf32, #tpu.memory_space<vmem>> -> memref<1x128xf32, #tpu.memory_space<vmem>>
      %dma_start3A_69 = tpu.memref_squeeze %dma_start3A_68 : memref<1x128xf32, #tpu.memory_space<vmem>> -> memref<128xf32, #tpu.memory_space<vmem>>
      %dma_start3A_70 = arith.constant 0 : i32
      %dma_start3A_71 = tpu.memref_slice %arg6[%scan3A_66, %dma_start3A_70] : memref<64x128xi32, #tpu.memory_space<vmem>> -> memref<1x128xi32, #tpu.memory_space<vmem>>
      %dma_start3A_72 = tpu.memref_squeeze %dma_start3A_71 : memref<1x128xi32, #tpu.memory_space<vmem>> -> memref<128xi32, #tpu.memory_space<vmem>>
      %dma_start3A_73 = arith.constant 0 : i32
      %dma_start3A_74 = tpu.memref_slice %arg3[%dma_start3A_73] : memref<1600000xf32, #tpu.memory_space<hbm>> -> memref<1600000xf32, #tpu.memory_space<hbm>>
      tpu.enqueue_indirect_dma source(%dma_start3A_74 : memref<1600000xf32, #tpu.memory_space<hbm>>) target(%dma_start3A_69 : memref<128xf32, #tpu.memory_space<vmem>>) offsets(%dma_start3A_72 : memref<128xi32, #tpu.memory_space<vmem>>) semaphore(%arg8 : memref<!tpu.dma_semaphore, #tpu.memory_space<semaphore_mem>>)
      %scan3A_75 = arith.constant 6 : i32
      %scan3A_76 = arith.addi %scan3A_17, %scan3A_75 : i32
      %dma_start3A_77 = arith.constant 0 : i32
      %dma_start3A_78 = tpu.memref_slice %arg7[%scan3A_76, %dma_start3A_77] : memref<64x128xf32, #tpu.memory_space<vmem>> -> memref<1x128xf32, #tpu.memory_space<vmem>>
      %dma_start3A_79 = tpu.memref_squeeze %dma_start3A_78 : memref<1x128xf32, #tpu.memory_space<vmem>> -> memref<128xf32, #tpu.memory_space<vmem>>
      %dma_start3A_80 = arith.constant 0 : i32
      %dma_start3A_81 = tpu.memref_slice %arg6[%scan3A_76, %dma_start3A_80] : memref<64x128xi32, #tpu.memory_space<vmem>> -> memref<1x128xi32, #tpu.memory_space<vmem>>
      %dma_start3A_82 = tpu.memref_squeeze %dma_start3A_81 : memref<1x128xi32, #tpu.memory_space<vmem>> -> memref<128xi32, #tpu.memory_space<vmem>>
      %dma_start3A_83 = arith.constant 0 : i32
      %dma_start3A_84 = tpu.memref_slice %arg3[%dma_start3A_83] : memref<1600000xf32, #tpu.memory_space<hbm>> -> memref<1600000xf32, #tpu.memory_space<hbm>>
      tpu.enqueue_indirect_dma source(%dma_start3A_84 : memref<1600000xf32, #tpu.memory_space<hbm>>) target(%dma_start3A_79 : memref<128xf32, #tpu.memory_space<vmem>>) offsets(%dma_start3A_82 : memref<128xi32, #tpu.memory_space<vmem>>) semaphore(%arg8 : memref<!tpu.dma_semaphore, #tpu.memory_space<semaphore_mem>>)
      %scan3A_85 = arith.constant 7 : i32
      %scan3A_86 = arith.addi %scan3A_17, %scan3A_85 : i32
      %dma_start3A_87 = arith.constant 0 : i32
      %dma_start3A_88 = tpu.memref_slice %arg7[%scan3A_86, %dma_start3A_87] : memref<64x128xf32, #tpu.memory_space<vmem>> -> memref<1x128xf32, #tpu.memory_space<vmem>>
      %dma_start3A_89 = tpu.memref_squeeze %dma_start3A_88 : memref<1x128xf32, #tpu.memory_space<vmem>> -> memref<128xf32, #tpu.memory_space<vmem>>
      %dma_start3A_90 = arith.constant 0 : i32
      %dma_start3A_91 = tpu.memref_slice %arg6[%scan3A_86, %dma_start3A_90] : memref<64x128xi32, #tpu.memory_space<vmem>> -> memref<1x128xi32, #tpu.memory_space<vmem>>
      %dma_start3A_92 = tpu.memref_squeeze %dma_start3A_91 : memref<1x128xi32, #tpu.memory_space<vmem>> -> memref<128xi32, #tpu.memory_space<vmem>>
      %dma_start3A_93 = arith.constant 0 : i32
      %dma_start3A_94 = tpu.memref_slice %arg3[%dma_start3A_93] : memref<1600000xf32, #tpu.memory_space<hbm>> -> memref<1600000xf32, #tpu.memory_space<hbm>>
      tpu.enqueue_indirect_dma source(%dma_start3A_94 : memref<1600000xf32, #tpu.memory_space<hbm>>) target(%dma_start3A_89 : memref<128xf32, #tpu.memory_space<vmem>>) offsets(%dma_start3A_92 : memref<128xi32, #tpu.memory_space<vmem>>) semaphore(%arg8 : memref<!tpu.dma_semaphore, #tpu.memory_space<semaphore_mem>>)
    }
    %scan3A_9 = arith.constant 64 : i32
    %dma_wait3A = arith.constant 0 : i32
    %dma_wait3A_10 = arith.constant 0 : i32
    %dma_wait3A_11 = tpu.memref_slice %arg4[%add3A, %dma_wait3A, %dma_wait3A_10] : memref<32x64x128xf32, #tpu.memory_space<hbm>> -> memref<1x64x128xf32, #tpu.memory_space<hbm>>
    %dma_wait3A_12 = tpu.memref_squeeze %dma_wait3A_11 : memref<1x64x128xf32, #tpu.memory_space<hbm>> -> memref<64x128xf32, #tpu.memory_space<hbm>>
    %dma_wait3A_13 = arith.constant 0 : i32
    %dma_wait3A_14 = arith.constant 0 : i32
    %dma_wait3A_15 = tpu.memref_slice %arg4[%add3A, %dma_wait3A_13, %dma_wait3A_14] : memref<32x64x128xf32, #tpu.memory_space<hbm>> -> memref<1x64x128xf32, #tpu.memory_space<hbm>>
    %dma_wait3A_16 = tpu.memref_squeeze %dma_wait3A_15 : memref<1x64x128xf32, #tpu.memory_space<hbm>> -> memref<64x128xf32, #tpu.memory_space<hbm>>
    tpu.wait_dma2 semaphore(%arg8 : memref<!tpu.dma_semaphore, #tpu.memory_space<semaphore_mem>>) src(%dma_wait3A_16 : memref<64x128xf32, #tpu.memory_space<hbm>>) dst(%arg7 : memref<64x128xf32, #tpu.memory_space<vmem>>)
    "tpu.region"() ({
      %run_scoped3A = tpu.sem_alloc : memref<!tpu.dma_semaphore, #tpu.memory_space<semaphore_mem>>
      %dma_start3A = arith.constant 0 : i32
      %dma_start3A_17 = arith.constant 0 : i32
      %dma_start3A_18 = tpu.memref_slice %arg4[%add3A, %dma_start3A, %dma_start3A_17] : memref<32x64x128xf32, #tpu.memory_space<hbm>> -> memref<1x64x128xf32, #tpu.memory_space<hbm>>
      %dma_start3A_19 = tpu.memref_squeeze %dma_start3A_18 : memref<1x64x128xf32, #tpu.memory_space<hbm>> -> memref<64x128xf32, #tpu.memory_space<hbm>>
      %dma_start3A_20 = arith.constant 0 : i32
      %dma_start3A_21 = arith.constant 0 : i32
      %dma_start3A_22 = tpu.memref_slice %arg4[%add3A, %dma_start3A_20, %dma_start3A_21] : memref<32x64x128xf32, #tpu.memory_space<hbm>> -> memref<1x64x128xf32, #tpu.memory_space<hbm>>
      %dma_start3A_23 = tpu.memref_squeeze %dma_start3A_22 : memref<1x64x128xf32, #tpu.memory_space<hbm>> -> memref<64x128xf32, #tpu.memory_space<hbm>>
      tpu.enqueue_dma source(%arg7 : memref<64x128xf32, #tpu.memory_space<vmem>>) target(%dma_start3A_23 : memref<64x128xf32, #tpu.memory_space<hbm>>) target_semaphore(%run_scoped3A : memref<!tpu.dma_semaphore, #tpu.memory_space<semaphore_mem>>)
      %dma_wait3A_24 = arith.constant 0 : i32
      %dma_wait3A_25 = arith.constant 0 : i32
      %dma_wait3A_26 = tpu.memref_slice %arg4[%add3A, %dma_wait3A_24, %dma_wait3A_25] : memref<32x64x128xf32, #tpu.memory_space<hbm>> -> memref<1x64x128xf32, #tpu.memory_space<hbm>>
      %dma_wait3A_27 = tpu.memref_squeeze %dma_wait3A_26 : memref<1x64x128xf32, #tpu.memory_space<hbm>> -> memref<64x128xf32, #tpu.memory_space<hbm>>
      %dma_wait3A_28 = arith.constant 0 : i32
      %dma_wait3A_29 = arith.constant 0 : i32
      %dma_wait3A_30 = tpu.memref_slice %arg4[%add3A, %dma_wait3A_28, %dma_wait3A_29] : memref<32x64x128xf32, #tpu.memory_space<hbm>> -> memref<1x64x128xf32, #tpu.memory_space<hbm>>
      %dma_wait3A_31 = tpu.memref_squeeze %dma_wait3A_30 : memref<1x64x128xf32, #tpu.memory_space<hbm>> -> memref<64x128xf32, #tpu.memory_space<hbm>>
      tpu.wait_dma2 semaphore(%run_scoped3A : memref<!tpu.dma_semaphore, #tpu.memory_space<semaphore_mem>>) src(%arg7 : memref<64x128xf32, #tpu.memory_space<vmem>>) dst(%dma_wait3A_31 : memref<64x128xf32, #tpu.memory_space<hbm>>)
      tpu.yield
    }) : () -> ()
    return
  }
}

module attributes {stable_mosaic.version = 14 : i64} {
  func.func @_tc_decode_body(%arg0: i32, %arg1: memref<16x64x128xf32, #tpu.memory_space<vmem>>, %arg2: memref<16x64x128xf32, #tpu.memory_space<vmem>>, %arg3: memref<16x4x128xf32, #tpu.memory_space<vmem>>, %arg4: memref<16x4x128xf32, #tpu.memory_space<vmem>>, %arg5: memref<16x8192xf32, #tpu.memory_space<vmem>>, %arg6: memref<1x8192xf32, #tpu.memory_space<vmem>>, %arg7: memref<8192x128xf32, #tpu.memory_space<vmem>>, %arg8: memref<16x128xf32, #tpu.memory_space<vmem>>, %arg9: memref<16x128xf32, #tpu.memory_space<vmem>>, %arg10: memref<1x128xf32, #tpu.memory_space<vmem>>, %arg11: memref<1x128xf32, #tpu.memory_space<vmem>>, %arg12: memref<8192x128xf32, #tpu.memory_space<vmem>>) attributes {dimension_semantics = [#tpu.dimension_semantics<parallel>], iteration_bounds = array<i64: 2>, scalar_prefetch = 0 : i64, scratch_operands = 0 : i64, tpu.core_type = #tpu.core_type<tc>, window_params = [{transform_indices = @transform_0, window_bounds = array<i64: 16, 64, 128>}, {transform_indices = @transform_1, window_bounds = array<i64: 16, 64, 128>}, {transform_indices = @transform_2, window_bounds = array<i64: 16, 4, 128>}, {transform_indices = @transform_3, window_bounds = array<i64: 16, 4, 128>}, {transform_indices = @transform_4, window_bounds = array<i64: 16, 8192>}, {transform_indices = @transform_5, window_bounds = array<i64: 1, 8192>}, {transform_indices = @transform_6, window_bounds = array<i64: 8192, 128>}, {pipeline_mode = #tpu.pipeline_mode<synchronous>, transform_indices = @transform_7, window_bounds = array<i64: 16, 128>}, {pipeline_mode = #tpu.pipeline_mode<synchronous>, transform_indices = @transform_8, window_bounds = array<i64: 16, 128>}, {pipeline_mode = #tpu.pipeline_mode<synchronous>, transform_indices = @transform_9, window_bounds = array<i64: 1, 128>}, {pipeline_mode = #tpu.pipeline_mode<synchronous>, transform_indices = @transform_10, window_bounds = array<i64: 1, 128>}, {transform_indices = @transform_11, window_bounds = array<i64: 8192, 128>}]} {
    %get3A = arith.constant 0 : index
    %get3A_0 = arith.constant 0 : index
    %get3A_1 = vector.load %arg8[%get3A, %get3A_0] : memref<16x128xf32, #tpu.memory_space<vmem>>, vector<16x128xf32>
    %get3A_2 = arith.constant 0 : index
    %get3A_3 = arith.constant 0 : index
    %get3A_4 = vector.load %arg9[%get3A_2, %get3A_3] : memref<16x128xf32, #tpu.memory_space<vmem>>, vector<16x128xf32>
    %get3A_5 = arith.constant 0 : index
    %get3A_6 = arith.constant 0 : index
    %get3A_7 = vector.load %arg10[%get3A_5, %get3A_6] : memref<1x128xf32, #tpu.memory_space<vmem>>, vector<1x128xf32>
    %get3A_8 = arith.constant 0 : index
    %get3A_9 = arith.constant 0 : index
    %get3A_10 = vector.load %arg11[%get3A_8, %get3A_9] : memref<1x128xf32, #tpu.memory_space<vmem>>, vector<1x128xf32>
    %get3A_11 = arith.constant 0 : index
    %get3A_12 = arith.constant 0 : index
    %get3A_13 = arith.constant 0 : index
    %get3A_14 = vector.load %arg3[%get3A_11, %get3A_12, %get3A_13] : memref<16x4x128xf32, #tpu.memory_space<vmem>>, vector<1x1x128xf32>
    %get3A_15 = vector.shape_cast %get3A_14 : vector<1x1x128xf32> to vector<1x128xf32>
    %get3A_16 = arith.constant 0 : index
    %get3A_17 = arith.constant 0 : index
    %get3A_18 = arith.constant 0 : index
    %get3A_19 = vector.load %arg4[%get3A_16, %get3A_17, %get3A_18] : memref<16x4x128xf32, #tpu.memory_space<vmem>>, vector<1x1x128xf32>
    %get3A_20 = vector.shape_cast %get3A_19 : vector<1x1x128xf32> to vector<1x128xf32>
    %mul3A = arith.constant 5.000000e-01 : f32
    %mul3A_21 = vector.broadcast %mul3A : f32 to vector<1x128xf32>
    %mul3A_22 = arith.mulf %mul3A_21, %get3A_20 : vector<1x128xf32>
    %exp3A = math.exp %mul3A_22 : vector<1x128xf32>
    %get3A_23 = arith.constant 0 : index
    %get3A_24 = arith.constant 0 : index
    %get3A_25 = vector.load %arg6[%get3A_23, %get3A_24] : memref<1x8192xf32, #tpu.memory_space<vmem>>, vector<1x128xf32>
    %mul3A_26 = arith.mulf %exp3A, %get3A_25 : vector<1x128xf32>
    %add3A = arith.addf %get3A_15, %mul3A_26 : vector<1x128xf32>
    %get3A_27 = arith.constant 0 : index
    %get3A_28 = arith.constant 0 : index
    %get3A_29 = arith.constant 0 : index
    %get3A_30 = vector.load %arg1[%get3A_27, %get3A_28, %get3A_29] : memref<16x64x128xf32, #tpu.memory_space<vmem>>, vector<1x16x128xf32>
    %get3A_31 = vector.shape_cast %get3A_30 : vector<1x16x128xf32> to vector<16x128xf32>
    %get3A_32 = arith.constant 0 : index
    %get3A_33 = arith.constant 0 : index
    %get3A_34 = arith.constant 0 : index
    %get3A_35 = vector.load %arg2[%get3A_32, %get3A_33, %get3A_34] : memref<16x64x128xf32, #tpu.memory_space<vmem>>, vector<1x16x128xf32>
    %get3A_36 = vector.shape_cast %get3A_35 : vector<1x16x128xf32> to vector<16x128xf32>
    %mul3A_37 = arith.constant 5.000000e-01 : f32
    %mul3A_38 = vector.broadcast %mul3A_37 : f32 to vector<16x128xf32>
    %mul3A_39 = arith.mulf %mul3A_38, %get3A_36 : vector<16x128xf32>
    %exp3A_40 = math.exp %mul3A_39 : vector<16x128xf32>
    %get3A_41 = arith.constant 0 : index
    %get3A_42 = arith.constant 0 : index
    %get3A_43 = vector.load %arg5[%get3A_41, %get3A_42] : memref<16x8192xf32, #tpu.memory_space<vmem>>, vector<16x128xf32>
    %mul3A_44 = arith.mulf %exp3A_40, %get3A_43 : vector<16x128xf32>
    %add3A_45 = arith.addf %get3A_31, %mul3A_44 : vector<16x128xf32>
    %add3A_46 = vector.broadcast %add3A : vector<1x128xf32> to vector<16x128xf32>
    %add3A_47 = arith.addf %add3A_45, %add3A_46 : vector<16x128xf32>
    %dot_general3A = arith.constant dense<0.000000e+00> : vector<128x128xf32>
    %dot_general3A_48 = tpu.matmul %add3A_47, %get3A_1, %dot_general3A {dimension_numbers = #tpu.dot_dimension_numbers<[0], [0], [1], [1], [0, 1, 1, 1], [], []>, transpose_lhs_hint = true} : vector<16x128xf32>, vector<16x128xf32>, vector<128x128xf32> -> vector<128x128xf32>
    %dot_general3A_49 = arith.constant dense<0.000000e+00> : vector<128x128xf32>
    %dot_general3A_50 = tpu.matmul %add3A_47, %get3A_4, %dot_general3A_49 {dimension_numbers = #tpu.dot_dimension_numbers<[0], [0], [1], [1], [0, 1, 1, 1], [], []>, transpose_lhs_hint = true} : vector<16x128xf32>, vector<16x128xf32>, vector<128x128xf32> -> vector<128x128xf32>
    %add3A_51 = vector.broadcast %get3A_7 : vector<1x128xf32> to vector<128x128xf32>
    %add3A_52 = arith.addf %dot_general3A_48, %add3A_51 : vector<128x128xf32>
    %add3A_53 = vector.broadcast %get3A_10 : vector<1x128xf32> to vector<128x128xf32>
    %add3A_54 = arith.addf %dot_general3A_50, %add3A_53 : vector<128x128xf32>
    %mul3A_55 = arith.constant 5.000000e-01 : f32
    %mul3A_56 = vector.broadcast %mul3A_55 : f32 to vector<128x128xf32>
    %mul3A_57 = arith.mulf %mul3A_56, %add3A_54 : vector<128x128xf32>
    %exp3A_58 = math.exp %mul3A_57 : vector<128x128xf32>
    %get3A_59 = arith.constant 0 : index
    %get3A_60 = arith.constant 0 : index
    %get3A_61 = vector.load %arg7[%get3A_59, %get3A_60] : memref<8192x128xf32, #tpu.memory_space<vmem>>, vector<128x128xf32>
    %mul3A_62 = arith.mulf %exp3A_58, %get3A_61 : vector<128x128xf32>
    %add3A_63 = arith.addf %add3A_52, %mul3A_62 : vector<128x128xf32>
    %swap3A = arith.constant 0 : index
    %swap3A_64 = arith.constant 0 : index
    %swap3A_65 = vector.load %arg12[%swap3A, %swap3A_64] : memref<8192x128xf32, #tpu.memory_space<vmem>>, vector<128x128xf32>
    tpu.vector_store %arg12[%swap3A, %swap3A_64], %add3A_63 {strides = array<i32>} : memref<8192x128xf32, #tpu.memory_space<vmem>>, vector<128x128xf32>,
    %get3A_66 = arith.constant 0 : index
    %get3A_67 = arith.constant 1 : index
    %get3A_68 = arith.constant 0 : index
    %get3A_69 = vector.load %arg3[%get3A_66, %get3A_67, %get3A_68] : memref<16x4x128xf32, #tpu.memory_space<vmem>>, vector<1x1x128xf32>
    %get3A_70 = vector.shape_cast %get3A_69 : vector<1x1x128xf32> to vector<1x128xf32>
    %get3A_71 = arith.constant 0 : index
    %get3A_72 = arith.constant 1 : index
    %get3A_73 = arith.constant 0 : index
    %get3A_74 = vector.load %arg4[%get3A_71, %get3A_72, %get3A_73] : memref<16x4x128xf32, #tpu.memory_space<vmem>>, vector<1x1x128xf32>
    %get3A_75 = vector.shape_cast %get3A_74 : vector<1x1x128xf32> to vector<1x128xf32>
    %mul3A_76 = arith.constant 5.000000e-01 : f32
    %mul3A_77 = vector.broadcast %mul3A_76 : f32 to vector<1x128xf32>
    %mul3A_78 = arith.mulf %mul3A_77, %get3A_75 : vector<1x128xf32>
    %exp3A_79 = math.exp %mul3A_78 : vector<1x128xf32>
    %get3A_80 = arith.constant 0 : index
    %get3A_81 = arith.constant 128 : index
    %get3A_82 = vector.load %arg6[%get3A_80, %get3A_81] : memref<1x8192xf32, #tpu.memory_space<vmem>>, vector<1x128xf32>
    %mul3A_83 = arith.mulf %exp3A_79, %get3A_82 : vector<1x128xf32>
    %add3A_84 = arith.addf %get3A_70, %mul3A_83 : vector<1x128xf32>
    %get3A_85 = arith.constant 0 : index
    %get3A_86 = arith.constant 16 : index
    %get3A_87 = arith.constant 0 : index
    %get3A_88 = vector.load %arg1[%get3A_85, %get3A_86, %get3A_87] : memref<16x64x128xf32, #tpu.memory_space<vmem>>, vector<1x16x128xf32>
    %get3A_89 = vector.shape_cast %get3A_88 : vector<1x16x128xf32> to vector<16x128xf32>
    %get3A_90 = arith.constant 0 : index
    %get3A_91 = arith.constant 16 : index
    %get3A_92 = arith.constant 0 : index
    %get3A_93 = vector.load %arg2[%get3A_90, %get3A_91, %get3A_92] : memref<16x64x128xf32, #tpu.memory_space<vmem>>, vector<1x16x128xf32>
    %get3A_94 = vector.shape_cast %get3A_93 : vector<1x16x128xf32> to vector<16x128xf32>
    %mul3A_95 = arith.constant 5.000000e-01 : f32
    %mul3A_96 = vector.broadcast %mul3A_95 : f32 to vector<16x128xf32>
    %mul3A_97 = arith.mulf %mul3A_96, %get3A_94 : vector<16x128xf32>
    %exp3A_98 = math.exp %mul3A_97 : vector<16x128xf32>
    %get3A_99 = arith.constant 0 : index
    %get3A_100 = arith.constant 128 : index
    %get3A_101 = vector.load %arg5[%get3A_99, %get3A_100] : memref<16x8192xf32, #tpu.memory_space<vmem>>, vector<16x128xf32>
    %mul3A_102 = arith.mulf %exp3A_98, %get3A_101 : vector<16x128xf32>
    %add3A_103 = arith.addf %get3A_89, %mul3A_102 : vector<16x128xf32>
    %add3A_104 = vector.broadcast %add3A_84 : vector<1x128xf32> to vector<16x128xf32>
    %add3A_105 = arith.addf %add3A_103, %add3A_104 : vector<16x128xf32>
    %dot_general3A_106 = arith.constant dense<0.000000e+00> : vector<128x128xf32>
    %dot_general3A_107 = tpu.matmul %add3A_105, %get3A_1, %dot_general3A_106 {dimension_numbers = #tpu.dot_dimension_numbers<[0], [0], [1], [1], [0, 1, 1, 1], [], []>, transpose_lhs_hint = true} : vector<16x128xf32>, vector<16x128xf32>, vector<128x128xf32> -> vector<128x128xf32>
    %dot_general3A_108 = arith.constant dense<0.000000e+00> : vector<128x128xf32>
    %dot_general3A_109 = tpu.matmul %add3A_105, %get3A_4, %dot_general3A_108 {dimension_numbers = #tpu.dot_dimension_numbers<[0], [0], [1], [1], [0, 1, 1, 1], [], []>, transpose_lhs_hint = true} : vector<16x128xf32>, vector<16x128xf32>, vector<128x128xf32> -> vector<128x128xf32>
    %add3A_110 = vector.broadcast %get3A_7 : vector<1x128xf32> to vector<128x128xf32>
    %add3A_111 = arith.addf %dot_general3A_107, %add3A_110 : vector<128x128xf32>
    %add3A_112 = vector.broadcast %get3A_10 : vector<1x128xf32> to vector<128x128xf32>
    %add3A_113 = arith.addf %dot_general3A_109, %add3A_112 : vector<128x128xf32>
    %mul3A_114 = arith.constant 5.000000e-01 : f32
    %mul3A_115 = vector.broadcast %mul3A_114 : f32 to vector<128x128xf32>
    %mul3A_116 = arith.mulf %mul3A_115, %add3A_113 : vector<128x128xf32>
    %exp3A_117 = math.exp %mul3A_116 : vector<128x128xf32>
    %get3A_118 = arith.constant 128 : index
    %get3A_119 = arith.constant 0 : index
    %get3A_120 = vector.load %arg7[%get3A_118, %get3A_119] : memref<8192x128xf32, #tpu.memory_space<vmem>>, vector<128x128xf32>
    %mul3A_121 = arith.mulf %exp3A_117, %get3A_120 : vector<128x128xf32>
    %add3A_122 = arith.addf %add3A_111, %mul3A_121 : vector<128x128xf32>
    %swap3A_123 = arith.constant 128 : index
    %swap3A_124 = arith.constant 0 : index
    %swap3A_125 = vector.load %arg12[%swap3A_123, %swap3A_124] : memref<8192x128xf32, #tpu.memory_space<vmem>>, vector<128x128xf32>
    tpu.vector_store %arg12[%swap3A_123, %swap3A_124], %add3A_122 {strides = array<i32>} : memref<8192x128xf32, #tpu.memory_space<vmem>>, vector<128x128xf32>,
    %get3A_126 = arith.constant 0 : index
    %get3A_127 = arith.constant 2 : index
    %get3A_128 = arith.constant 0 : index
    %get3A_129 = vector.load %arg3[%get3A_126, %get3A_127, %get3A_128] : memref<16x4x128xf32, #tpu.memory_space<vmem>>, vector<1x1x128xf32>
    %get3A_130 = vector.shape_cast %get3A_129 : vector<1x1x128xf32> to vector<1x128xf32>
    %get3A_131 = arith.constant 0 : index
    %get3A_132 = arith.constant 2 : index
    %get3A_133 = arith.constant 0 : index
    %get3A_134 = vector.load %arg4[%get3A_131, %get3A_132, %get3A_133] : memref<16x4x128xf32, #tpu.memory_space<vmem>>, vector<1x1x128xf32>
    %get3A_135 = vector.shape_cast %get3A_134 : vector<1x1x128xf32> to vector<1x128xf32>
    %mul3A_136 = arith.constant 5.000000e-01 : f32
    %mul3A_137 = vector.broadcast %mul3A_136 : f32 to vector<1x128xf32>
    %mul3A_138 = arith.mulf %mul3A_137, %get3A_135 : vector<1x128xf32>
    %exp3A_139 = math.exp %mul3A_138 : vector<1x128xf32>
    %get3A_140 = arith.constant 0 : index
    %get3A_141 = arith.constant 256 : index
    %get3A_142 = vector.load %arg6[%get3A_140, %get3A_141] : memref<1x8192xf32, #tpu.memory_space<vmem>>, vector<1x128xf32>
    %mul3A_143 = arith.mulf %exp3A_139, %get3A_142 : vector<1x128xf32>
    %add3A_144 = arith.addf %get3A_130, %mul3A_143 : vector<1x128xf32>
    %get3A_145 = arith.constant 0 : index
    %get3A_146 = arith.constant 32 : index
    %get3A_147 = arith.constant 0 : index
    %get3A_148 = vector.load %arg1[%get3A_145, %get3A_146, %get3A_147] : memref<16x64x128xf32, #tpu.memory_space<vmem>>, vector<1x16x128xf32>
    %get3A_149 = vector.shape_cast %get3A_148 : vector<1x16x128xf32> to vector<16x128xf32>
    %get3A_150 = arith.constant 0 : index
    %get3A_151 = arith.constant 32 : index
    %get3A_152 = arith.constant 0 : index
    %get3A_153 = vector.load %arg2[%get3A_150, %get3A_151, %get3A_152] : memref<16x64x128xf32, #tpu.memory_space<vmem>>, vector<1x16x128xf32>
    %get3A_154 = vector.shape_cast %get3A_153 : vector<1x16x128xf32> to vector<16x128xf32>
    %mul3A_155 = arith.constant 5.000000e-01 : f32
    %mul3A_156 = vector.broadcast %mul3A_155 : f32 to vector<16x128xf32>
    %mul3A_157 = arith.mulf %mul3A_156, %get3A_154 : vector<16x128xf32>
    %exp3A_158 = math.exp %mul3A_157 : vector<16x128xf32>
    %get3A_159 = arith.constant 0 : index
    %get3A_160 = arith.constant 256 : index
    %get3A_161 = vector.load %arg5[%get3A_159, %get3A_160] : memref<16x8192xf32, #tpu.memory_space<vmem>>, vector<16x128xf32>
    %mul3A_162 = arith.mulf %exp3A_158, %get3A_161 : vector<16x128xf32>
    %add3A_163 = arith.addf %get3A_149, %mul3A_162 : vector<16x128xf32>
    %add3A_164 = vector.broadcast %add3A_144 : vector<1x128xf32> to vector<16x128xf32>
    %add3A_165 = arith.addf %add3A_163, %add3A_164 : vector<16x128xf32>
    %dot_general3A_166 = arith.constant dense<0.000000e+00> : vector<128x128xf32>
    %dot_general3A_167 = tpu.matmul %add3A_165, %get3A_1, %dot_general3A_166 {dimension_numbers = #tpu.dot_dimension_numbers<[0], [0], [1], [1], [0, 1, 1, 1], [], []>, transpose_lhs_hint = true} : vector<16x128xf32>, vector<16x128xf32>, vector<128x128xf32> -> vector<128x128xf32>
    %dot_general3A_168 = arith.constant dense<0.000000e+00> : vector<128x128xf32>
    %dot_general3A_169 = tpu.matmul %add3A_165, %get3A_4, %dot_general3A_168 {dimension_numbers = #tpu.dot_dimension_numbers<[0], [0], [1], [1], [0, 1, 1, 1], [], []>, transpose_lhs_hint = true} : vector<16x128xf32>, vector<16x128xf32>, vector<128x128xf32> -> vector<128x128xf32>
    %add3A_170 = vector.broadcast %get3A_7 : vector<1x128xf32> to vector<128x128xf32>
    %add3A_171 = arith.addf %dot_general3A_167, %add3A_170 : vector<128x128xf32>
    %add3A_172 = vector.broadcast %get3A_10 : vector<1x128xf32> to vector<128x128xf32>
    %add3A_173 = arith.addf %dot_general3A_169, %add3A_172 : vector<128x128xf32>
    %mul3A_174 = arith.constant 5.000000e-01 : f32
    %mul3A_175 = vector.broadcast %mul3A_174 : f32 to vector<128x128xf32>
    %mul3A_176 = arith.mulf %mul3A_175, %add3A_173 : vector<128x128xf32>
    %exp3A_177 = math.exp %mul3A_176 : vector<128x128xf32>
    %get3A_178 = arith.constant 256 : index
    %get3A_179 = arith.constant 0 : index
    %get3A_180 = vector.load %arg7[%get3A_178, %get3A_179] : memref<8192x128xf32, #tpu.memory_space<vmem>>, vector<128x128xf32>
    %mul3A_181 = arith.mulf %exp3A_177, %get3A_180 : vector<128x128xf32>
    %add3A_182 = arith.addf %add3A_171, %mul3A_181 : vector<128x128xf32>
    %swap3A_183 = arith.constant 256 : index
    %swap3A_184 = arith.constant 0 : index
    %swap3A_185 = vector.load %arg12[%swap3A_183, %swap3A_184] : memref<8192x128xf32, #tpu.memory_space<vmem>>, vector<128x128xf32>
    tpu.vector_store %arg12[%swap3A_183, %swap3A_184], %add3A_182 {strides = array<i32>} : memref<8192x128xf32, #tpu.memory_space<vmem>>, vector<128x128xf32>,
    %get3A_186 = arith.constant 0 : index
    %get3A_187 = arith.constant 3 : index
    %get3A_188 = arith.constant 0 : index
    %get3A_189 = vector.load %arg3[%get3A_186, %get3A_187, %get3A_188] : memref<16x4x128xf32, #tpu.memory_space<vmem>>, vector<1x1x128xf32>
    %get3A_190 = vector.shape_cast %get3A_189 : vector<1x1x128xf32> to vector<1x128xf32>
    %get3A_191 = arith.constant 0 : index
    %get3A_192 = arith.constant 3 : index
    %get3A_193 = arith.constant 0 : index
    %get3A_194 = vector.load %arg4[%get3A_191, %get3A_192, %get3A_193] : memref<16x4x128xf32, #tpu.memory_space<vmem>>, vector<1x1x128xf32>
    %get3A_195 = vector.shape_cast %get3A_194 : vector<1x1x128xf32> to vector<1x128xf32>
    %mul3A_196 = arith.constant 5.000000e-01 : f32
    %mul3A_197 = vector.broadcast %mul3A_196 : f32 to vector<1x128xf32>
    %mul3A_198 = arith.mulf %mul3A_197, %get3A_195 : vector<1x128xf32>
    %exp3A_199 = math.exp %mul3A_198 : vector<1x128xf32>
    %get3A_200 = arith.constant 0 : index
    %get3A_201 = arith.constant 384 : index
    %get3A_202 = vector.load %arg6[%get3A_200, %get3A_201] : memref<1x8192xf32, #tpu.memory_space<vmem>>, vector<1x128xf32>
    %mul3A_203 = arith.mulf %exp3A_199, %get3A_202 : vector<1x128xf32>
    %add3A_204 = arith.addf %get3A_190, %mul3A_203 : vector<1x128xf32>
    %get3A_205 = arith.constant 0 : index
    %get3A_206 = arith.constant 48 : index
    %get3A_207 = arith.constant 0 : index
    %get3A_208 = vector.load %arg1[%get3A_205, %get3A_206, %get3A_207] : memref<16x64x128xf32, #tpu.memory_space<vmem>>, vector<1x16x128xf32>
    %get3A_209 = vector.shape_cast %get3A_208 : vector<1x16x128xf32> to vector<16x128xf32>
    %get3A_210 = arith.constant 0 : index
    %get3A_211 = arith.constant 48 : index
    %get3A_212 = arith.constant 0 : index
    %get3A_213 = vector.load %arg2[%get3A_210, %get3A_211, %get3A_212] : memref<16x64x128xf32, #tpu.memory_space<vmem>>, vector<1x16x128xf32>
    %get3A_214 = vector.shape_cast %get3A_213 : vector<1x16x128xf32> to vector<16x128xf32>
    %mul3A_215 = arith.constant 5.000000e-01 : f32
    %mul3A_216 = vector.broadcast %mul3A_215 : f32 to vector<16x128xf32>
    %mul3A_217 = arith.mulf %mul3A_216, %get3A_214 : vector<16x128xf32>
    %exp3A_218 = math.exp %mul3A_217 : vector<16x128xf32>
    %get3A_219 = arith.constant 0 : index
    %get3A_220 = arith.constant 384 : index
    %get3A_221 = vector.load %arg5[%get3A_219, %get3A_220] : memref<16x8192xf32, #tpu.memory_space<vmem>>, vector<16x128xf32>
    %mul3A_222 = arith.mulf %exp3A_218, %get3A_221 : vector<16x128xf32>
    %add3A_223 = arith.addf %get3A_209, %mul3A_222 : vector<16x128xf32>
    %add3A_224 = vector.broadcast %add3A_204 : vector<1x128xf32> to vector<16x128xf32>
    %add3A_225 = arith.addf %add3A_223, %add3A_224 : vector<16x128xf32>
    %dot_general3A_226 = arith.constant dense<0.000000e+00> : vector<128x128xf32>
    %dot_general3A_227 = tpu.matmul %add3A_225, %get3A_1, %dot_general3A_226 {dimension_numbers = #tpu.dot_dimension_numbers<[0], [0], [1], [1], [0, 1, 1, 1], [], []>, transpose_lhs_hint = true} : vector<16x128xf32>, vector<16x128xf32>, vector<128x128xf32> -> vector<128x128xf32>
    %dot_general3A_228 = arith.constant dense<0.000000e+00> : vector<128x128xf32>
    %dot_general3A_229 = tpu.matmul %add3A_225, %get3A_4, %dot_general3A_228 {dimension_numbers = #tpu.dot_dimension_numbers<[0], [0], [1], [1], [0, 1, 1, 1], [], []>, transpose_lhs_hint = true} : vector<16x128xf32>, vector<16x128xf32>, vector<128x128xf32> -> vector<128x128xf32>
    %add3A_230 = vector.broadcast %get3A_7 : vector<1x128xf32> to vector<128x128xf32>
    %add3A_231 = arith.addf %dot_general3A_227, %add3A_230 : vector<128x128xf32>
    %add3A_232 = vector.broadcast %get3A_10 : vector<1x128xf32> to vector<128x128xf32>
    %add3A_233 = arith.addf %dot_general3A_229, %add3A_232 : vector<128x128xf32>
    %mul3A_234 = arith.constant 5.000000e-01 : f32
    %mul3A_235 = vector.broadcast %mul3A_234 : f32 to vector<128x128xf32>
    %mul3A_236 = arith.mulf %mul3A_235, %add3A_233 : vector<128x128xf32>
    %exp3A_237 = math.exp %mul3A_236 : vector<128x128xf32>
    %get3A_238 = arith.constant 384 : index
    %get3A_239 = arith.constant 0 : index
    %get3A_240 = vector.load %arg7[%get3A_238, %get3A_239] : memref<8192x128xf32, #tpu.memory_space<vmem>>, vector<128x128xf32>
    %mul3A_241 = arith.mulf %exp3A_237, %get3A_240 : vector<128x128xf32>
    %add3A_242 = arith.addf %add3A_231, %mul3A_241 : vector<128x128xf32>
    %swap3A_243 = arith.constant 384 : index
    %swap3A_244 = arith.constant 0 : index
    %swap3A_245 = vector.load %arg12[%swap3A_243, %swap3A_244] : memref<8192x128xf32, #tpu.memory_space<vmem>>, vector<128x128xf32>
    tpu.vector_store %arg12[%swap3A_243, %swap3A_244], %add3A_242 {strides = array<i32>} : memref<8192x128xf32, #tpu.memory_space<vmem>>, vector<128x128xf32>,
    %get3A_246 = arith.constant 1 : index
    %get3A_247 = arith.constant 0 : index
    %get3A_248 = arith.constant 0 : index
    %get3A_249 = vector.load %arg3[%get3A_246, %get3A_247, %get3A_248] : memref<16x4x128xf32, #tpu.memory_space<vmem>>, vector<1x1x128xf32>
    %get3A_250 = vector.shape_cast %get3A_249 : vector<1x1x128xf32> to vector<1x128xf32>
    %get3A_251 = arith.constant 1 : index
    %get3A_252 = arith.constant 0 : index
    %get3A_253 = arith.constant 0 : index
    %get3A_254 = vector.load %arg4[%get3A_251, %get3A_252, %get3A_253] : memref<16x4x128xf32, #tpu.memory_space<vmem>>, vector<1x1x128xf32>
    %get3A_255 = vector.shape_cast %get3A_254 : vector<1x1x128xf32> to vector<1x128xf32>
    %mul3A_256 = arith.constant 5.000000e-01 : f32
    %mul3A_257 = vector.broadcast %mul3A_256 : f32 to vector<1x128xf32>
    %mul3A_258 = arith.mulf %mul3A_257, %get3A_255 : vector<1x128xf32>
    %exp3A_259 = math.exp %mul3A_258 : vector<1x128xf32>
    %get3A_260 = arith.constant 0 : index
    %get3A_261 = arith.constant 512 : index
    %get3A_262 = vector.load %arg6[%get3A_260, %get3A_261] : memref<1x8192xf32, #tpu.memory_space<vmem>>, vector<1x128xf32>
    %mul3A_263 = arith.mulf %exp3A_259, %get3A_262 : vector<1x128xf32>
    %add3A_264 = arith.addf %get3A_250, %mul3A_263 : vector<1x128xf32>
    %get3A_265 = arith.constant 1 : index
    %get3A_266 = arith.constant 0 : index
    %get3A_267 = arith.constant 0 : index
    %get3A_268 = vector.load %arg1[%get3A_265, %get3A_266, %get3A_267] : memref<16x64x128xf32, #tpu.memory_space<vmem>>, vector<1x16x128xf32>
    %get3A_269 = vector.shape_cast %get3A_268 : vector<1x16x128xf32> to vector<16x128xf32>
    %get3A_270 = arith.constant 1 : index
    %get3A_271 = arith.constant 0 : index
    %get3A_272 = arith.constant 0 : index
    %get3A_273 = vector.load %arg2[%get3A_270, %get3A_271, %get3A_272] : memref<16x64x128xf32, #tpu.memory_space<vmem>>, vector<1x16x128xf32>
    %get3A_274 = vector.shape_cast %get3A_273 : vector<1x16x128xf32> to vector<16x128xf32>
    %mul3A_275 = arith.constant 5.000000e-01 : f32
    %mul3A_276 = vector.broadcast %mul3A_275 : f32 to vector<16x128xf32>
    %mul3A_277 = arith.mulf %mul3A_276, %get3A_274 : vector<16x128xf32>
    %exp3A_278 = math.exp %mul3A_277 : vector<16x128xf32>
    %get3A_279 = arith.constant 0 : index
    %get3A_280 = arith.constant 512 : index
    %get3A_281 = vector.load %arg5[%get3A_279, %get3A_280] : memref<16x8192xf32, #tpu.memory_space<vmem>>, vector<16x128xf32>
    %mul3A_282 = arith.mulf %exp3A_278, %get3A_281 : vector<16x128xf32>
    %add3A_283 = arith.addf %get3A_269, %mul3A_282 : vector<16x128xf32>
    %add3A_284 = vector.broadcast %add3A_264 : vector<1x128xf32> to vector<16x128xf32>
    %add3A_285 = arith.addf %add3A_283, %add3A_284 : vector<16x128xf32>
    %dot_general3A_286 = arith.constant dense<0.000000e+00> : vector<128x128xf32>
    %dot_general3A_287 = tpu.matmul %add3A_285, %get3A_1, %dot_general3A_286 {dimension_numbers = #tpu.dot_dimension_numbers<[0], [0], [1], [1], [0, 1, 1, 1], [], []>, transpose_lhs_hint = true} : vector<16x128xf32>, vector<16x128xf32>, vector<128x128xf32> -> vector<128x128xf32>
    %dot_general3A_288 = arith.constant dense<0.000000e+00> : vector<128x128xf32>
    %dot_general3A_289 = tpu.matmul %add3A_285, %get3A_4, %dot_general3A_288 {dimension_numbers = #tpu.dot_dimension_numbers<[0], [0], [1], [1], [0, 1, 1, 1], [], []>, transpose_lhs_hint = true} : vector<16x128xf32>, vector<16x128xf32>, vector<128x128xf32> -> vector<128x128xf32>
    %add3A_290 = vector.broadcast %get3A_7 : vector<1x128xf32> to vector<128x128xf32>
    %add3A_291 = arith.addf %dot_general3A_287, %add3A_290 : vector<128x128xf32>
    %add3A_292 = vector.broadcast %get3A_10 : vector<1x128xf32> to vector<128x128xf32>
    %add3A_293 = arith.addf %dot_general3A_289, %add3A_292 : vector<128x128xf32>
    %mul3A_294 = arith.constant 5.000000e-01 : f32
    %mul3A_295 = vector.broadcast %mul3A_294 : f32 to vector<128x128xf32>
    %mul3A_296 = arith.mulf %mul3A_295, %add3A_293 : vector<128x128xf32>
    %exp3A_297 = math.exp %mul3A_296 : vector<128x128xf32>
    %get3A_298 = arith.constant 512 : index
    %get3A_299 = arith.constant 0 : index
    %get3A_300 = vector.load %arg7[%get3A_298, %get3A_299] : memref<8192x128xf32, #tpu.memory_space<vmem>>, vector<128x128xf32>
    %mul3A_301 = arith.mulf %exp3A_297, %get3A_300 : vector<128x128xf32>
    %add3A_302 = arith.addf %add3A_291, %mul3A_301 : vector<128x128xf32>
    %swap3A_303 = arith.constant 512 : index
    %swap3A_304 = arith.constant 0 : index
    %swap3A_305 = vector.load %arg12[%swap3A_303, %swap3A_304] : memref<8192x128xf32, #tpu.memory_space<vmem>>, vector<128x128xf32>
    tpu.vector_store %arg12[%swap3A_303, %swap3A_304], %add3A_302 {strides = array<i32>} : memref<8192x128xf32, #tpu.memory_space<vmem>>, vector<128x128xf32>,
    %get3A_306 = arith.constant 1 : index
    %get3A_307 = arith.constant 1 : index
    %get3A_308 = arith.constant 0 : index
    %get3A_309 = vector.load %arg3[%get3A_306, %get3A_307, %get3A_308] : memref<16x4x128xf32, #tpu.memory_space<vmem>>, vector<1x1x128xf32>
    %get3A_310 = vector.shape_cast %get3A_309 : vector<1x1x128xf32> to vector<1x128xf32>
    %get3A_311 = arith.constant 1 : index
    %get3A_312 = arith.constant 1 : index
    %get3A_313 = arith.constant 0 : index
    %get3A_314 = vector.load %arg4[%get3A_311, %get3A_312, %get3A_313] : memref<16x4x128xf32, #tpu.memory_space<vmem>>, vector<1x1x128xf32>
    %get3A_315 = vector.shape_cast %get3A_314 : vector<1x1x128xf32> to vector<1x128xf32>
    %mul3A_316 = arith.constant 5.000000e-01 : f32
    %mul3A_317 = vector.broadcast %mul3A_316 : f32 to vector<1x128xf32>
    %mul3A_318 = arith.mulf %mul3A_317, %get3A_315 : vector<1x128xf32>
    %exp3A_319 = math.exp %mul3A_318 : vector<1x128xf32>
    %get3A_320 = arith.constant 0 : index
    %get3A_321 = arith.constant 640 : index
    %get3A_322 = vector.load %arg6[%get3A_320, %get3A_321] : memref<1x8192xf32, #tpu.memory_space<vmem>>, vector<1x128xf32>
    %mul3A_323 = arith.mulf %exp3A_319, %get3A_322 : vector<1x128xf32>
    %add3A_324 = arith.addf %get3A_310, %mul3A_323 : vector<1x128xf32>
    %get3A_325 = arith.constant 1 : index
    %get3A_326 = arith.constant 16 : index
    %get3A_327 = arith.constant 0 : index
    %get3A_328 = vector.load %arg1[%get3A_325, %get3A_326, %get3A_327] : memref<16x64x128xf32, #tpu.memory_space<vmem>>, vector<1x16x128xf32>
    %get3A_329 = vector.shape_cast %get3A_328 : vector<1x16x128xf32> to vector<16x128xf32>
    %get3A_330 = arith.constant 1 : index
    %get3A_331 = arith.constant 16 : index
    %get3A_332 = arith.constant 0 : index
    %get3A_333 = vector.load %arg2[%get3A_330, %get3A_331, %get3A_332] : memref<16x64x128xf32, #tpu.memory_space<vmem>>, vector<1x16x128xf32>
    %get3A_334 = vector.shape_cast %get3A_333 : vector<1x16x128xf32> to vector<16x128xf32>
    %mul3A_335 = arith.constant 5.000000e-01 : f32
    %mul3A_336 = vector.broadcast %mul3A_335 : f32 to vector<16x128xf32>
    %mul3A_337 = arith.mulf %mul3A_336, %get3A_334 : vector<16x128xf32>
    %exp3A_338 = math.exp %mul3A_337 : vector<16x128xf32>
    %get3A_339 = arith.constant 0 : index
    %get3A_340 = arith.constant 640 : index
    %get3A_341 = vector.load %arg5[%get3A_339, %get3A_340] : memref<16x8192xf32, #tpu.memory_space<vmem>>, vector<16x128xf32>
    %mul3A_342 = arith.mulf %exp3A_338, %get3A_341 : vector<16x128xf32>
    %add3A_343 = arith.addf %get3A_329, %mul3A_342 : vector<16x128xf32>
    %add3A_344 = vector.broadcast %add3A_324 : vector<1x128xf32> to vector<16x128xf32>
    %add3A_345 = arith.addf %add3A_343, %add3A_344 : vector<16x128xf32>
    %dot_general3A_346 = arith.constant dense<0.000000e+00> : vector<128x128xf32>
    %dot_general3A_347 = tpu.matmul %add3A_345, %get3A_1, %dot_general3A_346 {dimension_numbers = #tpu.dot_dimension_numbers<[0], [0], [1], [1], [0, 1, 1, 1], [], []>, transpose_lhs_hint = true} : vector<16x128xf32>, vector<16x128xf32>, vector<128x128xf32> -> vector<128x128xf32>
    %dot_general3A_348 = arith.constant dense<0.000000e+00> : vector<128x128xf32>
    %dot_general3A_349 = tpu.matmul %add3A_345, %get3A_4, %dot_general3A_348 {dimension_numbers = #tpu.dot_dimension_numbers<[0], [0], [1], [1], [0, 1, 1, 1], [], []>, transpose_lhs_hint = true} : vector<16x128xf32>, vector<16x128xf32>, vector<128x128xf32> -> vector<128x128xf32>
    %add3A_350 = vector.broadcast %get3A_7 : vector<1x128xf32> to vector<128x128xf32>
    %add3A_351 = arith.addf %dot_general3A_347, %add3A_350 : vector<128x128xf32>
    %add3A_352 = vector.broadcast %get3A_10 : vector<1x128xf32> to vector<128x128xf32>
    %add3A_353 = arith.addf %dot_general3A_349, %add3A_352 : vector<128x128xf32>
    %mul3A_354 = arith.constant 5.000000e-01 : f32
    %mul3A_355 = vector.broadcast %mul3A_354 : f32 to vector<128x128xf32>
    %mul3A_356 = arith.mulf %mul3A_355, %add3A_353 : vector<128x128xf32>
    %exp3A_357 = math.exp %mul3A_356 : vector<128x128xf32>
    %get3A_358 = arith.constant 640 : index
    %get3A_359 = arith.constant 0 : index
    %get3A_360 = vector.load %arg7[%get3A_358, %get3A_359] : memref<8192x128xf32, #tpu.memory_space<vmem>>, vector<128x128xf32>
    %mul3A_361 = arith.mulf %exp3A_357, %get3A_360 : vector<128x128xf32>
    %add3A_362 = arith.addf %add3A_351, %mul3A_361 : vector<128x128xf32>
    %swap3A_363 = arith.constant 640 : index
    %swap3A_364 = arith.constant 0 : index
    %swap3A_365 = vector.load %arg12[%swap3A_363, %swap3A_364] : memref<8192x128xf32, #tpu.memory_space<vmem>>, vector<128x128xf32>
    tpu.vector_store %arg12[%swap3A_363, %swap3A_364], %add3A_362 {strides = array<i32>} : memref<8192x128xf32, #tpu.memory_space<vmem>>, vector<128x128xf32>,
    %get3A_366 = arith.constant 1 : index
    %get3A_367 = arith.constant 2 : index
    %get3A_368 = arith.constant 0 : index
    %get3A_369 = vector.load %arg3[%get3A_366, %get3A_367, %get3A_368] : memref<16x4x128xf32, #tpu.memory_space<vmem>>, vector<1x1x128xf32>
    %get3A_370 = vector.shape_cast %get3A_369 : vector<1x1x128xf32> to vector<1x128xf32>
    %get3A_371 = arith.constant 1 : index
    %get3A_372 = arith.constant 2 : index
    %get3A_373 = arith.constant 0 : index
    %get3A_374 = vector.load %arg4[%get3A_371, %get3A_372, %get3A_373] : memref<16x4x128xf32, #tpu.memory_space<vmem>>, vector<1x1x128xf32>
    %get3A_375 = vector.shape_cast %get3A_374 : vector<1x1x128xf32> to vector<1x128xf32>
    %mul3A_376 = arith.constant 5.000000e-01 : f32
    %mul3A_377 = vector.broadcast %mul3A_376 : f32 to vector<1x128xf32>
    %mul3A_378 = arith.mulf %mul3A_377, %get3A_375 : vector<1x128xf32>
    %exp3A_379 = math.exp %mul3A_378 : vector<1x128xf32>
    %get3A_380 = arith.constant 0 : index
    %get3A_381 = arith.constant 768 : index
    %get3A_382 = vector.load %arg6[%get3A_380, %get3A_381] : memref<1x8192xf32, #tpu.memory_space<vmem>>, vector<1x128xf32>
    %mul3A_383 = arith.mulf %exp3A_379, %get3A_382 : vector<1x128xf32>
    %add3A_384 = arith.addf %get3A_370, %mul3A_383 : vector<1x128xf32>
    %get3A_385 = arith.constant 1 : index
    %get3A_386 = arith.constant 32 : index
    %get3A_387 = arith.constant 0 : index
    %get3A_388 = vector.load %arg1[%get3A_385, %get3A_386, %get3A_387] : memref<16x64x128xf32, #tpu.memory_space<vmem>>, vector<1x16x128xf32>
    %get3A_389 = vector.shape_cast %get3A_388 : vector<1x16x128xf32> to vector<16x128xf32>
    %get3A_390 = arith.constant 1 : index
    %get3A_391 = arith.constant 32 : index
    %get3A_392 = arith.constant 0 : index
    %get3A_393 = vector.load %arg2[%get3A_390, %get3A_391, %get3A_392] : memref<16x64x128xf32, #tpu.memory_space<vmem>>, vector<1x16x128xf32>
    %get3A_394 = vector.shape_cast %get3A_393 : vector<1x16x128xf32> to vector<16x128xf32>
    %mul3A_395 = arith.constant 5.000000e-01 : f32
    %mul3A_396 = vector.broadcast %mul3A_395 : f32 to vector<16x128xf32>
    %mul3A_397 = arith.mulf %mul3A_396, %get3A_394 : vector<16x128xf32>
    %exp3A_398 = math.exp %mul3A_397 : vector<16x128xf32>
    %get3A_399 = arith.constant 0 : index
    %get3A_400 = arith.constant 768 : index
    %get3A_401 = vector.load %arg5[%get3A_399, %get3A_400] : memref<16x8192xf32, #tpu.memory_space<vmem>>, vector<16x128xf32>
    %mul3A_402 = arith.mulf %exp3A_398, %get3A_401 : vector<16x128xf32>
    %add3A_403 = arith.addf %get3A_389, %mul3A_402 : vector<16x128xf32>
    %add3A_404 = vector.broadcast %add3A_384 : vector<1x128xf32> to vector<16x128xf32>
    %add3A_405 = arith.addf %add3A_403, %add3A_404 : vector<16x128xf32>
    %dot_general3A_406 = arith.constant dense<0.000000e+00> : vector<128x128xf32>
    %dot_general3A_407 = tpu.matmul %add3A_405, %get3A_1, %dot_general3A_406 {dimension_numbers = #tpu.dot_dimension_numbers<[0], [0], [1], [1], [0, 1, 1, 1], [], []>, transpose_lhs_hint = true} : vector<16x128xf32>, vector<16x128xf32>, vector<128x128xf32> -> vector<128x128xf32>
    %dot_general3A_408 = arith.constant dense<0.000000e+00> : vector<128x128xf32>
    %dot_general3A_409 = tpu.matmul %add3A_405, %get3A_4, %dot_general3A_408 {dimension_numbers = #tpu.dot_dimension_numbers<[0], [0], [1], [1], [0, 1, 1, 1], [], []>, transpose_lhs_hint = true} : vector<16x128xf32>, vector<16x128xf32>, vector<128x128xf32> -> vector<128x128xf32>
    %add3A_410 = vector.broadcast %get3A_7 : vector<1x128xf32> to vector<128x128xf32>
    %add3A_411 = arith.addf %dot_general3A_407, %add3A_410 : vector<128x128xf32>
    %add3A_412 = vector.broadcast %get3A_10 : vector<1x128xf32> to vector<128x128xf32>
    %add3A_413 = arith.addf %dot_general3A_409, %add3A_412 : vector<128x128xf32>
    %mul3A_414 = arith.constant 5.000000e-01 : f32
    %mul3A_415 = vector.broadcast %mul3A_414 : f32 to vector<128x128xf32>
    %mul3A_416 = arith.mulf %mul3A_415, %add3A_413 : vector<128x128xf32>
    %exp3A_417 = math.exp %mul3A_416 : vector<128x128xf32>
    %get3A_418 = arith.constant 768 : index
    %get3A_419 = arith.constant 0 : index
    %get3A_420 = vector.load %arg7[%get3A_418, %get3A_419] : memref<8192x128xf32, #tpu.memory_space<vmem>>, vector<128x128xf32>
    %mul3A_421 = arith.mulf %exp3A_417, %get3A_420 : vector<128x128xf32>
    %add3A_422 = arith.addf %add3A_411, %mul3A_421 : vector<128x128xf32>
    %swap3A_423 = arith.constant 768 : index
    %swap3A_424 = arith.constant 0 : index
    %swap3A_425 = vector.load %arg12[%swap3A_423, %swap3A_424] : memref<8192x128xf32, #tpu.memory_space<vmem>>, vector<128x128xf32>
    tpu.vector_store %arg12[%swap3A_423, %swap3A_424], %add3A_422 {strides = array<i32>} : memref<8192x128xf32, #tpu.memory_space<vmem>>, vector<128x128xf32>,
    %get3A_426 = arith.constant 1 : index
    %get3A_427 = arith.constant 3 : index
    %get3A_428 = arith.constant 0 : index
    %get3A_429 = vector.load %arg3[%get3A_426, %get3A_427, %get3A_428] : memref<16x4x128xf32, #tpu.memory_space<vmem>>, vector<1x1x128xf32>
    %get3A_430 = vector.shape_cast %get3A_429 : vector<1x1x128xf32> to vector<1x128xf32>
    %get3A_431 = arith.constant 1 : index
    %get3A_432 = arith.constant 3 : index
    %get3A_433 = arith.constant 0 : index
    %get3A_434 = vector.load %arg4[%get3A_431, %get3A_432, %get3A_433] : memref<16x4x128xf32, #tpu.memory_space<vmem>>, vector<1x1x128xf32>
    %get3A_435 = vector.shape_cast %get3A_434 : vector<1x1x128xf32> to vector<1x128xf32>
    %mul3A_436 = arith.constant 5.000000e-01 : f32
    %mul3A_437 = vector.broadcast %mul3A_436 : f32 to vector<1x128xf32>
    %mul3A_438 = arith.mulf %mul3A_437, %get3A_435 : vector<1x128xf32>
    %exp3A_439 = math.exp %mul3A_438 : vector<1x128xf32>
    %get3A_440 = arith.constant 0 : index
    %get3A_441 = arith.constant 896 : index
    %get3A_442 = vector.load %arg6[%get3A_440, %get3A_441] : memref<1x8192xf32, #tpu.memory_space<vmem>>, vector<1x128xf32>
    %mul3A_443 = arith.mulf %exp3A_439, %get3A_442 : vector<1x128xf32>
    %add3A_444 = arith.addf %get3A_430, %mul3A_443 : vector<1x128xf32>
    %get3A_445 = arith.constant 1 : index
    %get3A_446 = arith.constant 48 : index
    %get3A_447 = arith.constant 0 : index
    %get3A_448 = vector.load %arg1[%get3A_445, %get3A_446, %get3A_447] : memref<16x64x128xf32, #tpu.memory_space<vmem>>, vector<1x16x128xf32>
    %get3A_449 = vector.shape_cast %get3A_448 : vector<1x16x128xf32> to vector<16x128xf32>
    %get3A_450 = arith.constant 1 : index
    %get3A_451 = arith.constant 48 : index
    %get3A_452 = arith.constant 0 : index
    %get3A_453 = vector.load %arg2[%get3A_450, %get3A_451, %get3A_452] : memref<16x64x128xf32, #tpu.memory_space<vmem>>, vector<1x16x128xf32>
    %get3A_454 = vector.shape_cast %get3A_453 : vector<1x16x128xf32> to vector<16x128xf32>
    %mul3A_455 = arith.constant 5.000000e-01 : f32
    %mul3A_456 = vector.broadcast %mul3A_455 : f32 to vector<16x128xf32>
    %mul3A_457 = arith.mulf %mul3A_456, %get3A_454 : vector<16x128xf32>
    %exp3A_458 = math.exp %mul3A_457 : vector<16x128xf32>
    %get3A_459 = arith.constant 0 : index
    %get3A_460 = arith.constant 896 : index
    %get3A_461 = vector.load %arg5[%get3A_459, %get3A_460] : memref<16x8192xf32, #tpu.memory_space<vmem>>, vector<16x128xf32>
    %mul3A_462 = arith.mulf %exp3A_458, %get3A_461 : vector<16x128xf32>
    %add3A_463 = arith.addf %get3A_449, %mul3A_462 : vector<16x128xf32>
    %add3A_464 = vector.broadcast %add3A_444 : vector<1x128xf32> to vector<16x128xf32>
    %add3A_465 = arith.addf %add3A_463, %add3A_464 : vector<16x128xf32>
    %dot_general3A_466 = arith.constant dense<0.000000e+00> : vector<128x128xf32>
    %dot_general3A_467 = tpu.matmul %add3A_465, %get3A_1, %dot_general3A_466 {dimension_numbers = #tpu.dot_dimension_numbers<[0], [0], [1], [1], [0, 1, 1, 1], [], []>, transpose_lhs_hint = true} : vector<16x128xf32>, vector<16x128xf32>, vector<128x128xf32> -> vector<128x128xf32>
    %dot_general3A_468 = arith.constant dense<0.000000e+00> : vector<128x128xf32>
    %dot_general3A_469 = tpu.matmul %add3A_465, %get3A_4, %dot_general3A_468 {dimension_numbers = #tpu.dot_dimension_numbers<[0], [0], [1], [1], [0, 1, 1, 1], [], []>, transpose_lhs_hint = true} : vector<16x128xf32>, vector<16x128xf32>, vector<128x128xf32> -> vector<128x128xf32>
    %add3A_470 = vector.broadcast %get3A_7 : vector<1x128xf32> to vector<128x128xf32>
    %add3A_471 = arith.addf %dot_general3A_467, %add3A_470 : vector<128x128xf32>
    %add3A_472 = vector.broadcast %get3A_10 : vector<1x128xf32> to vector<128x128xf32>
    %add3A_473 = arith.addf %dot_general3A_469, %add3A_472 : vector<128x128xf32>
    %mul3A_474 = arith.constant 5.000000e-01 : f32
    %mul3A_475 = vector.broadcast %mul3A_474 : f32 to vector<128x128xf32>
    %mul3A_476 = arith.mulf %mul3A_475, %add3A_473 : vector<128x128xf32>
    %exp3A_477 = math.exp %mul3A_476 : vector<128x128xf32>
    %get3A_478 = arith.constant 896 : index
    %get3A_479 = arith.constant 0 : index
    %get3A_480 = vector.load %arg7[%get3A_478, %get3A_479] : memref<8192x128xf32, #tpu.memory_space<vmem>>, vector<128x128xf32>
    %mul3A_481 = arith.mulf %exp3A_477, %get3A_480 : vector<128x128xf32>
    %add3A_482 = arith.addf %add3A_471, %mul3A_481 : vector<128x128xf32>
    %swap3A_483 = arith.constant 896 : index
    %swap3A_484 = arith.constant 0 : index
    %swap3A_485 = vector.load %arg12[%swap3A_483, %swap3A_484] : memref<8192x128xf32, #tpu.memory_space<vmem>>, vector<128x128xf32>
    tpu.vector_store %arg12[%swap3A_483, %swap3A_484], %add3A_482 {strides = array<i32>} : memref<8192x128xf32, #tpu.memory_space<vmem>>, vector<128x128xf32>,
    %get3A_486 = arith.constant 2 : index
    %get3A_487 = arith.constant 0 : index
    %get3A_488 = arith.constant 0 : index
    %get3A_489 = vector.load %arg3[%get3A_486, %get3A_487, %get3A_488] : memref<16x4x128xf32, #tpu.memory_space<vmem>>, vector<1x1x128xf32>
    %get3A_490 = vector.shape_cast %get3A_489 : vector<1x1x128xf32> to vector<1x128xf32>
    %get3A_491 = arith.constant 2 : index
    %get3A_492 = arith.constant 0 : index
    %get3A_493 = arith.constant 0 : index
    %get3A_494 = vector.load %arg4[%get3A_491, %get3A_492, %get3A_493] : memref<16x4x128xf32, #tpu.memory_space<vmem>>, vector<1x1x128xf32>
    %get3A_495 = vector.shape_cast %get3A_494 : vector<1x1x128xf32> to vector<1x128xf32>
    %mul3A_496 = arith.constant 5.000000e-01 : f32
    %mul3A_497 = vector.broadcast %mul3A_496 : f32 to vector<1x128xf32>
    %mul3A_498 = arith.mulf %mul3A_497, %get3A_495 : vector<1x128xf32>
    %exp3A_499 = math.exp %mul3A_498 : vector<1x128xf32>
    %get3A_500 = arith.constant 0 : index
    %get3A_501 = arith.constant 1024 : index
    %get3A_502 = vector.load %arg6[%get3A_500, %get3A_501] : memref<1x8192xf32, #tpu.memory_space<vmem>>, vector<1x128xf32>
    %mul3A_503 = arith.mulf %exp3A_499, %get3A_502 : vector<1x128xf32>
    %add3A_504 = arith.addf %get3A_490, %mul3A_503 : vector<1x128xf32>
    %get3A_505 = arith.constant 2 : index
    %get3A_506 = arith.constant 0 : index
    %get3A_507 = arith.constant 0 : index
    %get3A_508 = vector.load %arg1[%get3A_505, %get3A_506, %get3A_507] : memref<16x64x128xf32, #tpu.memory_space<vmem>>, vector<1x16x128xf32>
    %get3A_509 = vector.shape_cast %get3A_508 : vector<1x16x128xf32> to vector<16x128xf32>
    %get3A_510 = arith.constant 2 : index
    %get3A_511 = arith.constant 0 : index
    %get3A_512 = arith.constant 0 : index
    %get3A_513 = vector.load %arg2[%get3A_510, %get3A_511, %get3A_512] : memref<16x64x128xf32, #tpu.memory_space<vmem>>, vector<1x16x128xf32>
    %get3A_514 = vector.shape_cast %get3A_513 : vector<1x16x128xf32> to vector<16x128xf32>
    %mul3A_515 = arith.constant 5.000000e-01 : f32
    %mul3A_516 = vector.broadcast %mul3A_515 : f32 to vector<16x128xf32>
    %mul3A_517 = arith.mulf %mul3A_516, %get3A_514 : vector<16x128xf32>
    %exp3A_518 = math.exp %mul3A_517 : vector<16x128xf32>
    %get3A_519 = arith.constant 0 : index
    %get3A_520 = arith.constant 1024 : index
    %get3A_521 = vector.load %arg5[%get3A_519, %get3A_520] : memref<16x8192xf32, #tpu.memory_space<vmem>>, vector<16x128xf32>
    %mul3A_522 = arith.mulf %exp3A_518, %get3A_521 : vector<16x128xf32>
    %add3A_523 = arith.addf %get3A_509, %mul3A_522 : vector<16x128xf32>
    %add3A_524 = vector.broadcast %add3A_504 : vector<1x128xf32> to vector<16x128xf32>
    %add3A_525 = arith.addf %add3A_523, %add3A_524 : vector<16x128xf32>
    %dot_general3A_526 = arith.constant dense<0.000000e+00> : vector<128x128xf32>
    %dot_general3A_527 = tpu.matmul %add3A_525, %get3A_1, %dot_general3A_526 {dimension_numbers = #tpu.dot_dimension_numbers<[0], [0], [1], [1], [0, 1, 1, 1], [], []>, transpose_lhs_hint = true} : vector<16x128xf32>, vector<16x128xf32>, vector<128x128xf32> -> vector<128x128xf32>
    %dot_general3A_528 = arith.constant dense<0.000000e+00> : vector<128x128xf32>
    %dot_general3A_529 = tpu.matmul %add3A_525, %get3A_4, %dot_general3A_528 {dimension_numbers = #tpu.dot_dimension_numbers<[0], [0], [1], [1], [0, 1, 1, 1], [], []>, transpose_lhs_hint = true} : vector<16x128xf32>, vector<16x128xf32>, vector<128x128xf32> -> vector<128x128xf32>
    %add3A_530 = vector.broadcast %get3A_7 : vector<1x128xf32> to vector<128x128xf32>
    %add3A_531 = arith.addf %dot_general3A_527, %add3A_530 : vector<128x128xf32>
    %add3A_532 = vector.broadcast %get3A_10 : vector<1x128xf32> to vector<128x128xf32>
    %add3A_533 = arith.addf %dot_general3A_529, %add3A_532 : vector<128x128xf32>
    %mul3A_534 = arith.constant 5.000000e-01 : f32
    %mul3A_535 = vector.broadcast %mul3A_534 : f32 to vector<128x128xf32>
    %mul3A_536 = arith.mulf %mul3A_535, %add3A_533 : vector<128x128xf32>
    %exp3A_537 = math.exp %mul3A_536 : vector<128x128xf32>
    %get3A_538 = arith.constant 1024 : index
    %get3A_539 = arith.constant 0 : index
    %get3A_540 = vector.load %arg7[%get3A_538, %get3A_539] : memref<8192x128xf32, #tpu.memory_space<vmem>>, vector<128x128xf32>
    %mul3A_541 = arith.mulf %exp3A_537, %get3A_540 : vector<128x128xf32>
    %add3A_542 = arith.addf %add3A_531, %mul3A_541 : vector<128x128xf32>
    %swap3A_543 = arith.constant 1024 : index
    %swap3A_544 = arith.constant 0 : index
    %swap3A_545 = vector.load %arg12[%swap3A_543, %swap3A_544] : memref<8192x128xf32, #tpu.memory_space<vmem>>, vector<128x128xf32>
    tpu.vector_store %arg12[%swap3A_543, %swap3A_544], %add3A_542 {strides = array<i32>} : memref<8192x128xf32, #tpu.memory_space<vmem>>, vector<128x128xf32>,
    %get3A_546 = arith.constant 2 : index
    %get3A_547 = arith.constant 1 : index
    %get3A_548 = arith.constant 0 : index
    %get3A_549 = vector.load %arg3[%get3A_546, %get3A_547, %get3A_548] : memref<16x4x128xf32, #tpu.memory_space<vmem>>, vector<1x1x128xf32>
    %get3A_550 = vector.shape_cast %get3A_549 : vector<1x1x128xf32> to vector<1x128xf32>
    %get3A_551 = arith.constant 2 : index
    %get3A_552 = arith.constant 1 : index
    %get3A_553 = arith.constant 0 : index
    %get3A_554 = vector.load %arg4[%get3A_551, %get3A_552, %get3A_553] : memref<16x4x128xf32, #tpu.memory_space<vmem>>, vector<1x1x128xf32>
    %get3A_555 = vector.shape_cast %get3A_554 : vector<1x1x128xf32> to vector<1x128xf32>
    %mul3A_556 = arith.constant 5.000000e-01 : f32
    %mul3A_557 = vector.broadcast %mul3A_556 : f32 to vector<1x128xf32>
    %mul3A_558 = arith.mulf %mul3A_557, %get3A_555 : vector<1x128xf32>
    %exp3A_559 = math.exp %mul3A_558 : vector<1x128xf32>
    %get3A_560 = arith.constant 0 : index
    %get3A_561 = arith.constant 1152 : index
    %get3A_562 = vector.load %arg6[%get3A_560, %get3A_561] : memref<1x8192xf32, #tpu.memory_space<vmem>>, vector<1x128xf32>
    %mul3A_563 = arith.mulf %exp3A_559, %get3A_562 : vector<1x128xf32>
    %add3A_564 = arith.addf %get3A_550, %mul3A_563 : vector<1x128xf32>
    %get3A_565 = arith.constant 2 : index
    %get3A_566 = arith.constant 16 : index
    %get3A_567 = arith.constant 0 : index
    %get3A_568 = vector.load %arg1[%get3A_565, %get3A_566, %get3A_567] : memref<16x64x128xf32, #tpu.memory_space<vmem>>, vector<1x16x128xf32>
    %get3A_569 = vector.shape_cast %get3A_568 : vector<1x16x128xf32> to vector<16x128xf32>
    %get3A_570 = arith.constant 2 : index
    %get3A_571 = arith.constant 16 : index
    %get3A_572 = arith.constant 0 : index
    %get3A_573 = vector.load %arg2[%get3A_570, %get3A_571, %get3A_572] : memref<16x64x128xf32, #tpu.memory_space<vmem>>, vector<1x16x128xf32>
    %get3A_574 = vector.shape_cast %get3A_573 : vector<1x16x128xf32> to vector<16x128xf32>
    %mul3A_575 = arith.constant 5.000000e-01 : f32
    %mul3A_576 = vector.broadcast %mul3A_575 : f32 to vector<16x128xf32>
    %mul3A_577 = arith.mulf %mul3A_576, %get3A_574 : vector<16x128xf32>
    %exp3A_578 = math.exp %mul3A_577 : vector<16x128xf32>
    %get3A_579 = arith.constant 0 : index
    %get3A_580 = arith.constant 1152 : index
    %get3A_581 = vector.load %arg5[%get3A_579, %get3A_580] : memref<16x8192xf32, #tpu.memory_space<vmem>>, vector<16x128xf32>
    %mul3A_582 = arith.mulf %exp3A_578, %get3A_581 : vector<16x128xf32>
    %add3A_583 = arith.addf %get3A_569, %mul3A_582 : vector<16x128xf32>
    %add3A_584 = vector.broadcast %add3A_564 : vector<1x128xf32> to vector<16x128xf32>
    %add3A_585 = arith.addf %add3A_583, %add3A_584 : vector<16x128xf32>
    %dot_general3A_586 = arith.constant dense<0.000000e+00> : vector<128x128xf32>
    %dot_general3A_587 = tpu.matmul %add3A_585, %get3A_1, %dot_general3A_586 {dimension_numbers = #tpu.dot_dimension_numbers<[0], [0], [1], [1], [0, 1, 1, 1], [], []>, transpose_lhs_hint = true} : vector<16x128xf32>, vector<16x128xf32>, vector<128x128xf32> -> vector<128x128xf32>
    %dot_general3A_588 = arith.constant dense<0.000000e+00> : vector<128x128xf32>
    %dot_general3A_589 = tpu.matmul %add3A_585, %get3A_4, %dot_general3A_588 {dimension_numbers = #tpu.dot_dimension_numbers<[0], [0], [1], [1], [0, 1, 1, 1], [], []>, transpose_lhs_hint = true} : vector<16x128xf32>, vector<16x128xf32>, vector<128x128xf32> -> vector<128x128xf32>
    %add3A_590 = vector.broadcast %get3A_7 : vector<1x128xf32> to vector<128x128xf32>
    %add3A_591 = arith.addf %dot_general3A_587, %add3A_590 : vector<128x128xf32>
    %add3A_592 = vector.broadcast %get3A_10 : vector<1x128xf32> to vector<128x128xf32>
    %add3A_593 = arith.addf %dot_general3A_589, %add3A_592 : vector<128x128xf32>
    %mul3A_594 = arith.constant 5.000000e-01 : f32
    %mul3A_595 = vector.broadcast %mul3A_594 : f32 to vector<128x128xf32>
    %mul3A_596 = arith.mulf %mul3A_595, %add3A_593 : vector<128x128xf32>
    %exp3A_597 = math.exp %mul3A_596 : vector<128x128xf32>
    %get3A_598 = arith.constant 1152 : index
    %get3A_599 = arith.constant 0 : index
    %get3A_600 = vector.load %arg7[%get3A_598, %get3A_599] : memref<8192x128xf32, #tpu.memory_space<vmem>>, vector<128x128xf32>
    %mul3A_601 = arith.mulf %exp3A_597, %get3A_600 : vector<128x128xf32>
    %add3A_602 = arith.addf %add3A_591, %mul3A_601 : vector<128x128xf32>
    %swap3A_603 = arith.constant 1152 : index
    %swap3A_604 = arith.constant 0 : index
    %swap3A_605 = vector.load %arg12[%swap3A_603, %swap3A_604] : memref<8192x128xf32, #tpu.memory_space<vmem>>, vector<128x128xf32>
    tpu.vector_store %arg12[%swap3A_603, %swap3A_604], %add3A_602 {strides = array<i32>} : memref<8192x128xf32, #tpu.memory_space<vmem>>, vector<128x128xf32>,
    %get3A_606 = arith.constant 2 : index
    %get3A_607 = arith.constant 2 : index
    %get3A_608 = arith.constant 0 : index
    %get3A_609 = vector.load %arg3[%get3A_606, %get3A_607, %get3A_608] : memref<16x4x128xf32, #tpu.memory_space<vmem>>, vector<1x1x128xf32>
    %get3A_610 = vector.shape_cast %get3A_609 : vector<1x1x128xf32> to vector<1x128xf32>
    %get3A_611 = arith.constant 2 : index
    %get3A_612 = arith.constant 2 : index
    %get3A_613 = arith.constant 0 : index
    %get3A_614 = vector.load %arg4[%get3A_611, %get3A_612, %get3A_613] : memref<16x4x128xf32, #tpu.memory_space<vmem>>, vector<1x1x128xf32>
    %get3A_615 = vector.shape_cast %get3A_614 : vector<1x1x128xf32> to vector<1x128xf32>
    %mul3A_616 = arith.constant 5.000000e-01 : f32
    %mul3A_617 = vector.broadcast %mul3A_616 : f32 to vector<1x128xf32>
    %mul3A_618 = arith.mulf %mul3A_617, %get3A_615 : vector<1x128xf32>
    %exp3A_619 = math.exp %mul3A_618 : vector<1x128xf32>
    %get3A_620 = arith.constant 0 : index
    %get3A_621 = arith.constant 1280 : index
    %get3A_622 = vector.load %arg6[%get3A_620, %get3A_621] : memref<1x8192xf32, #tpu.memory_space<vmem>>, vector<1x128xf32>
    %mul3A_623 = arith.mulf %exp3A_619, %get3A_622 : vector<1x128xf32>
    %add3A_624 = arith.addf %get3A_610, %mul3A_623 : vector<1x128xf32>
    %get3A_625 = arith.constant 2 : index
    %get3A_626 = arith.constant 32 : index
    %get3A_627 = arith.constant 0 : index
    %get3A_628 = vector.load %arg1[%get3A_625, %get3A_626, %get3A_627] : memref<16x64x128xf32, #tpu.memory_space<vmem>>, vector<1x16x128xf32>
    %get3A_629 = vector.shape_cast %get3A_628 : vector<1x16x128xf32> to vector<16x128xf32>
    %get3A_630 = arith.constant 2 : index
    %get3A_631 = arith.constant 32 : index
    %get3A_632 = arith.constant 0 : index
    %get3A_633 = vector.load %arg2[%get3A_630, %get3A_631, %get3A_632] : memref<16x64x128xf32, #tpu.memory_space<vmem>>, vector<1x16x128xf32>
    %get3A_634 = vector.shape_cast %get3A_633 : vector<1x16x128xf32> to vector<16x128xf32>
    %mul3A_635 = arith.constant 5.000000e-01 : f32
    %mul3A_636 = vector.broadcast %mul3A_635 : f32 to vector<16x128xf32>
    %mul3A_637 = arith.mulf %mul3A_636, %get3A_634 : vector<16x128xf32>
    %exp3A_638 = math.exp %mul3A_637 : vector<16x128xf32>
    %get3A_639 = arith.constant 0 : index
    %get3A_640 = arith.constant 1280 : index
    %get3A_641 = vector.load %arg5[%get3A_639, %get3A_640] : memref<16x8192xf32, #tpu.memory_space<vmem>>, vector<16x128xf32>
    %mul3A_642 = arith.mulf %exp3A_638, %get3A_641 : vector<16x128xf32>
    %add3A_643 = arith.addf %get3A_629, %mul3A_642 : vector<16x128xf32>
    %add3A_644 = vector.broadcast %add3A_624 : vector<1x128xf32> to vector<16x128xf32>
    %add3A_645 = arith.addf %add3A_643, %add3A_644 : vector<16x128xf32>
    %dot_general3A_646 = arith.constant dense<0.000000e+00> : vector<128x128xf32>
    %dot_general3A_647 = tpu.matmul %add3A_645, %get3A_1, %dot_general3A_646 {dimension_numbers = #tpu.dot_dimension_numbers<[0], [0], [1], [1], [0, 1, 1, 1], [], []>, transpose_lhs_hint = true} : vector<16x128xf32>, vector<16x128xf32>, vector<128x128xf32> -> vector<128x128xf32>
    %dot_general3A_648 = arith.constant dense<0.000000e+00> : vector<128x128xf32>
    %dot_general3A_649 = tpu.matmul %add3A_645, %get3A_4, %dot_general3A_648 {dimension_numbers = #tpu.dot_dimension_numbers<[0], [0], [1], [1], [0, 1, 1, 1], [], []>, transpose_lhs_hint = true} : vector<16x128xf32>, vector<16x128xf32>, vector<128x128xf32> -> vector<128x128xf32>
    %add3A_650 = vector.broadcast %get3A_7 : vector<1x128xf32> to vector<128x128xf32>
    %add3A_651 = arith.addf %dot_general3A_647, %add3A_650 : vector<128x128xf32>
    %add3A_652 = vector.broadcast %get3A_10 : vector<1x128xf32> to vector<128x128xf32>
    %add3A_653 = arith.addf %dot_general3A_649, %add3A_652 : vector<128x128xf32>
    %mul3A_654 = arith.constant 5.000000e-01 : f32
    %mul3A_655 = vector.broadcast %mul3A_654 : f32 to vector<128x128xf32>
    %mul3A_656 = arith.mulf %mul3A_655, %add3A_653 : vector<128x128xf32>
    %exp3A_657 = math.exp %mul3A_656 : vector<128x128xf32>
    %get3A_658 = arith.constant 1280 : index
    %get3A_659 = arith.constant 0 : index
    %get3A_660 = vector.load %arg7[%get3A_658, %get3A_659] : memref<8192x128xf32, #tpu.memory_space<vmem>>, vector<128x128xf32>
    %mul3A_661 = arith.mulf %exp3A_657, %get3A_660 : vector<128x128xf32>
    %add3A_662 = arith.addf %add3A_651, %mul3A_661 : vector<128x128xf32>
    %swap3A_663 = arith.constant 1280 : index
    %swap3A_664 = arith.constant 0 : index
    %swap3A_665 = vector.load %arg12[%swap3A_663, %swap3A_664] : memref<8192x128xf32, #tpu.memory_space<vmem>>, vector<128x128xf32>
    tpu.vector_store %arg12[%swap3A_663, %swap3A_664], %add3A_662 {strides = array<i32>} : memref<8192x128xf32, #tpu.memory_space<vmem>>, vector<128x128xf32>,
    %get3A_666 = arith.constant 2 : index
    %get3A_667 = arith.constant 3 : index
    %get3A_668 = arith.constant 0 : index
    %get3A_669 = vector.load %arg3[%get3A_666, %get3A_667, %get3A_668] : memref<16x4x128xf32, #tpu.memory_space<vmem>>, vector<1x1x128xf32>
    %get3A_670 = vector.shape_cast %get3A_669 : vector<1x1x128xf32> to vector<1x128xf32>
    %get3A_671 = arith.constant 2 : index
    %get3A_672 = arith.constant 3 : index
    %get3A_673 = arith.constant 0 : index
    %get3A_674 = vector.load %arg4[%get3A_671, %get3A_672, %get3A_673] : memref<16x4x128xf32, #tpu.memory_space<vmem>>, vector<1x1x128xf32>
    %get3A_675 = vector.shape_cast %get3A_674 : vector<1x1x128xf32> to vector<1x128xf32>
    %mul3A_676 = arith.constant 5.000000e-01 : f32
    %mul3A_677 = vector.broadcast %mul3A_676 : f32 to vector<1x128xf32>
    %mul3A_678 = arith.mulf %mul3A_677, %get3A_675 : vector<1x128xf32>
    %exp3A_679 = math.exp %mul3A_678 : vector<1x128xf32>
    %get3A_680 = arith.constant 0 : index
    %get3A_681 = arith.constant 1408 : index
    %get3A_682 = vector.load %arg6[%get3A_680, %get3A_681] : memref<1x8192xf32, #tpu.memory_space<vmem>>, vector<1x128xf32>
    %mul3A_683 = arith.mulf %exp3A_679, %get3A_682 : vector<1x128xf32>
    %add3A_684 = arith.addf %get3A_670, %mul3A_683 : vector<1x128xf32>
    %get3A_685 = arith.constant 2 : index
    %get3A_686 = arith.constant 48 : index
    %get3A_687 = arith.constant 0 : index
    %get3A_688 = vector.load %arg1[%get3A_685, %get3A_686, %get3A_687] : memref<16x64x128xf32, #tpu.memory_space<vmem>>, vector<1x16x128xf32>
    %get3A_689 = vector.shape_cast %get3A_688 : vector<1x16x128xf32> to vector<16x128xf32>
    %get3A_690 = arith.constant 2 : index
    %get3A_691 = arith.constant 48 : index
    %get3A_692 = arith.constant 0 : index
    %get3A_693 = vector.load %arg2[%get3A_690, %get3A_691, %get3A_692] : memref<16x64x128xf32, #tpu.memory_space<vmem>>, vector<1x16x128xf32>
    %get3A_694 = vector.shape_cast %get3A_693 : vector<1x16x128xf32> to vector<16x128xf32>
    %mul3A_695 = arith.constant 5.000000e-01 : f32
    %mul3A_696 = vector.broadcast %mul3A_695 : f32 to vector<16x128xf32>
    %mul3A_697 = arith.mulf %mul3A_696, %get3A_694 : vector<16x128xf32>
    %exp3A_698 = math.exp %mul3A_697 : vector<16x128xf32>
    %get3A_699 = arith.constant 0 : index
    %get3A_700 = arith.constant 1408 : index
    %get3A_701 = vector.load %arg5[%get3A_699, %get3A_700] : memref<16x8192xf32, #tpu.memory_space<vmem>>, vector<16x128xf32>
    %mul3A_702 = arith.mulf %exp3A_698, %get3A_701 : vector<16x128xf32>
    %add3A_703 = arith.addf %get3A_689, %mul3A_702 : vector<16x128xf32>
    %add3A_704 = vector.broadcast %add3A_684 : vector<1x128xf32> to vector<16x128xf32>
    %add3A_705 = arith.addf %add3A_703, %add3A_704 : vector<16x128xf32>
    %dot_general3A_706 = arith.constant dense<0.000000e+00> : vector<128x128xf32>
    %dot_general3A_707 = tpu.matmul %add3A_705, %get3A_1, %dot_general3A_706 {dimension_numbers = #tpu.dot_dimension_numbers<[0], [0], [1], [1], [0, 1, 1, 1], [], []>, transpose_lhs_hint = true} : vector<16x128xf32>, vector<16x128xf32>, vector<128x128xf32> -> vector<128x128xf32>
    %dot_general3A_708 = arith.constant dense<0.000000e+00> : vector<128x128xf32>
    %dot_general3A_709 = tpu.matmul %add3A_705, %get3A_4, %dot_general3A_708 {dimension_numbers = #tpu.dot_dimension_numbers<[0], [0], [1], [1], [0, 1, 1, 1], [], []>, transpose_lhs_hint = true} : vector<16x128xf32>, vector<16x128xf32>, vector<128x128xf32> -> vector<128x128xf32>
    %add3A_710 = vector.broadcast %get3A_7 : vector<1x128xf32> to vector<128x128xf32>
    %add3A_711 = arith.addf %dot_general3A_707, %add3A_710 : vector<128x128xf32>
    %add3A_712 = vector.broadcast %get3A_10 : vector<1x128xf32> to vector<128x128xf32>
    %add3A_713 = arith.addf %dot_general3A_709, %add3A_712 : vector<128x128xf32>
    %mul3A_714 = arith.constant 5.000000e-01 : f32
    %mul3A_715 = vector.broadcast %mul3A_714 : f32 to vector<128x128xf32>
    %mul3A_716 = arith.mulf %mul3A_715, %add3A_713 : vector<128x128xf32>
    %exp3A_717 = math.exp %mul3A_716 : vector<128x128xf32>
    %get3A_718 = arith.constant 1408 : index
    %get3A_719 = arith.constant 0 : index
    %get3A_720 = vector.load %arg7[%get3A_718, %get3A_719] : memref<8192x128xf32, #tpu.memory_space<vmem>>, vector<128x128xf32>
    %mul3A_721 = arith.mulf %exp3A_717, %get3A_720 : vector<128x128xf32>
    %add3A_722 = arith.addf %add3A_711, %mul3A_721 : vector<128x128xf32>
    %swap3A_723 = arith.constant 1408 : index
    %swap3A_724 = arith.constant 0 : index
    %swap3A_725 = vector.load %arg12[%swap3A_723, %swap3A_724] : memref<8192x128xf32, #tpu.memory_space<vmem>>, vector<128x128xf32>
    tpu.vector_store %arg12[%swap3A_723, %swap3A_724], %add3A_722 {strides = array<i32>} : memref<8192x128xf32, #tpu.memory_space<vmem>>, vector<128x128xf32>,
    %get3A_726 = arith.constant 3 : index
    %get3A_727 = arith.constant 0 : index
    %get3A_728 = arith.constant 0 : index
    %get3A_729 = vector.load %arg3[%get3A_726, %get3A_727, %get3A_728] : memref<16x4x128xf32, #tpu.memory_space<vmem>>, vector<1x1x128xf32>
    %get3A_730 = vector.shape_cast %get3A_729 : vector<1x1x128xf32> to vector<1x128xf32>
    %get3A_731 = arith.constant 3 : index
    %get3A_732 = arith.constant 0 : index
    %get3A_733 = arith.constant 0 : index
    %get3A_734 = vector.load %arg4[%get3A_731, %get3A_732, %get3A_733] : memref<16x4x128xf32, #tpu.memory_space<vmem>>, vector<1x1x128xf32>
    %get3A_735 = vector.shape_cast %get3A_734 : vector<1x1x128xf32> to vector<1x128xf32>
    %mul3A_736 = arith.constant 5.000000e-01 : f32
    %mul3A_737 = vector.broadcast %mul3A_736 : f32 to vector<1x128xf32>
    %mul3A_738 = arith.mulf %mul3A_737, %get3A_735 : vector<1x128xf32>
    %exp3A_739 = math.exp %mul3A_738 : vector<1x128xf32>
    %get3A_740 = arith.constant 0 : index
    %get3A_741 = arith.constant 1536 : index
    %get3A_742 = vector.load %arg6[%get3A_740, %get3A_741] : memref<1x8192xf32, #tpu.memory_space<vmem>>, vector<1x128xf32>
    %mul3A_743 = arith.mulf %exp3A_739, %get3A_742 : vector<1x128xf32>
    %add3A_744 = arith.addf %get3A_730, %mul3A_743 : vector<1x128xf32>
    %get3A_745 = arith.constant 3 : index
    %get3A_746 = arith.constant 0 : index
    %get3A_747 = arith.constant 0 : index
    %get3A_748 = vector.load %arg1[%get3A_745, %get3A_746, %get3A_747] : memref<16x64x128xf32, #tpu.memory_space<vmem>>, vector<1x16x128xf32>
    %get3A_749 = vector.shape_cast %get3A_748 : vector<1x16x128xf32> to vector<16x128xf32>
    %get3A_750 = arith.constant 3 : index
    %get3A_751 = arith.constant 0 : index
    %get3A_752 = arith.constant 0 : index
    %get3A_753 = vector.load %arg2[%get3A_750, %get3A_751, %get3A_752] : memref<16x64x128xf32, #tpu.memory_space<vmem>>, vector<1x16x128xf32>
    %get3A_754 = vector.shape_cast %get3A_753 : vector<1x16x128xf32> to vector<16x128xf32>
    %mul3A_755 = arith.constant 5.000000e-01 : f32
    %mul3A_756 = vector.broadcast %mul3A_755 : f32 to vector<16x128xf32>
    %mul3A_757 = arith.mulf %mul3A_756, %get3A_754 : vector<16x128xf32>
    %exp3A_758 = math.exp %mul3A_757 : vector<16x128xf32>
    %get3A_759 = arith.constant 0 : index
    %get3A_760 = arith.constant 1536 : index
    %get3A_761 = vector.load %arg5[%get3A_759, %get3A_760] : memref<16x8192xf32, #tpu.memory_space<vmem>>, vector<16x128xf32>
    %mul3A_762 = arith.mulf %exp3A_758, %get3A_761 : vector<16x128xf32>
    %add3A_763 = arith.addf %get3A_749, %mul3A_762 : vector<16x128xf32>
    %add3A_764 = vector.broadcast %add3A_744 : vector<1x128xf32> to vector<16x128xf32>
    %add3A_765 = arith.addf %add3A_763, %add3A_764 : vector<16x128xf32>
    %dot_general3A_766 = arith.constant dense<0.000000e+00> : vector<128x128xf32>
    %dot_general3A_767 = tpu.matmul %add3A_765, %get3A_1, %dot_general3A_766 {dimension_numbers = #tpu.dot_dimension_numbers<[0], [0], [1], [1], [0, 1, 1, 1], [], []>, transpose_lhs_hint = true} : vector<16x128xf32>, vector<16x128xf32>, vector<128x128xf32> -> vector<128x128xf32>
    %dot_general3A_768 = arith.constant dense<0.000000e+00> : vector<128x128xf32>
    %dot_general3A_769 = tpu.matmul %add3A_765, %get3A_4, %dot_general3A_768 {dimension_numbers = #tpu.dot_dimension_numbers<[0], [0], [1], [1], [0, 1, 1, 1], [], []>, transpose_lhs_hint = true} : vector<16x128xf32>, vector<16x128xf32>, vector<128x128xf32> -> vector<128x128xf32>
    %add3A_770 = vector.broadcast %get3A_7 : vector<1x128xf32> to vector<128x128xf32>
    %add3A_771 = arith.addf %dot_general3A_767, %add3A_770 : vector<128x128xf32>
    %add3A_772 = vector.broadcast %get3A_10 : vector<1x128xf32> to vector<128x128xf32>
    %add3A_773 = arith.addf %dot_general3A_769, %add3A_772 : vector<128x128xf32>
    %mul3A_774 = arith.constant 5.000000e-01 : f32
    %mul3A_775 = vector.broadcast %mul3A_774 : f32 to vector<128x128xf32>
    %mul3A_776 = arith.mulf %mul3A_775, %add3A_773 : vector<128x128xf32>
    %exp3A_777 = math.exp %mul3A_776 : vector<128x128xf32>
    %get3A_778 = arith.constant 1536 : index
    %get3A_779 = arith.constant 0 : index
    %get3A_780 = vector.load %arg7[%get3A_778, %get3A_779] : memref<8192x128xf32, #tpu.memory_space<vmem>>, vector<128x128xf32>
    %mul3A_781 = arith.mulf %exp3A_777, %get3A_780 : vector<128x128xf32>
    %add3A_782 = arith.addf %add3A_771, %mul3A_781 : vector<128x128xf32>
    %swap3A_783 = arith.constant 1536 : index
    %swap3A_784 = arith.constant 0 : index
    %swap3A_785 = vector.load %arg12[%swap3A_783, %swap3A_784] : memref<8192x128xf32, #tpu.memory_space<vmem>>, vector<128x128xf32>
    tpu.vector_store %arg12[%swap3A_783, %swap3A_784], %add3A_782 {strides = array<i32>} : memref<8192x128xf32, #tpu.memory_space<vmem>>, vector<128x128xf32>,
    %get3A_786 = arith.constant 3 : index
    %get3A_787 = arith.constant 1 : index
    %get3A_788 = arith.constant 0 : index
    %get3A_789 = vector.load %arg3[%get3A_786, %get3A_787, %get3A_788] : memref<16x4x128xf32, #tpu.memory_space<vmem>>, vector<1x1x128xf32>
    %get3A_790 = vector.shape_cast %get3A_789 : vector<1x1x128xf32> to vector<1x128xf32>
    %get3A_791 = arith.constant 3 : index
    %get3A_792 = arith.constant 1 : index
    %get3A_793 = arith.constant 0 : index
    %get3A_794 = vector.load %arg4[%get3A_791, %get3A_792, %get3A_793] : memref<16x4x128xf32, #tpu.memory_space<vmem>>, vector<1x1x128xf32>
    %get3A_795 = vector.shape_cast %get3A_794 : vector<1x1x128xf32> to vector<1x128xf32>
    %mul3A_796 = arith.constant 5.000000e-01 : f32
    %mul3A_797 = vector.broadcast %mul3A_796 : f32 to vector<1x128xf32>
    %mul3A_798 = arith.mulf %mul3A_797, %get3A_795 : vector<1x128xf32>
    %exp3A_799 = math.exp %mul3A_798 : vector<1x128xf32>
    %get3A_800 = arith.constant 0 : index
    %get3A_801 = arith.constant 1664 : index
    %get3A_802 = vector.load %arg6[%get3A_800, %get3A_801] : memref<1x8192xf32, #tpu.memory_space<vmem>>, vector<1x128xf32>
    %mul3A_803 = arith.mulf %exp3A_799, %get3A_802 : vector<1x128xf32>
    %add3A_804 = arith.addf %get3A_790, %mul3A_803 : vector<1x128xf32>
    %get3A_805 = arith.constant 3 : index
    %get3A_806 = arith.constant 16 : index
    %get3A_807 = arith.constant 0 : index
    %get3A_808 = vector.load %arg1[%get3A_805, %get3A_806, %get3A_807] : memref<16x64x128xf32, #tpu.memory_space<vmem>>, vector<1x16x128xf32>
    %get3A_809 = vector.shape_cast %get3A_808 : vector<1x16x128xf32> to vector<16x128xf32>
    %get3A_810 = arith.constant 3 : index
    %get3A_811 = arith.constant 16 : index
    %get3A_812 = arith.constant 0 : index
    %get3A_813 = vector.load %arg2[%get3A_810, %get3A_811, %get3A_812] : memref<16x64x128xf32, #tpu.memory_space<vmem>>, vector<1x16x128xf32>
    %get3A_814 = vector.shape_cast %get3A_813 : vector<1x16x128xf32> to vector<16x128xf32>
    %mul3A_815 = arith.constant 5.000000e-01 : f32
    %mul3A_816 = vector.broadcast %mul3A_815 : f32 to vector<16x128xf32>
    %mul3A_817 = arith.mulf %mul3A_816, %get3A_814 : vector<16x128xf32>
    %exp3A_818 = math.exp %mul3A_817 : vector<16x128xf32>
    %get3A_819 = arith.constant 0 : index
    %get3A_820 = arith.constant 1664 : index
    %get3A_821 = vector.load %arg5[%get3A_819, %get3A_820] : memref<16x8192xf32, #tpu.memory_space<vmem>>, vector<16x128xf32>
    %mul3A_822 = arith.mulf %exp3A_818, %get3A_821 : vector<16x128xf32>
    %add3A_823 = arith.addf %get3A_809, %mul3A_822 : vector<16x128xf32>
    %add3A_824 = vector.broadcast %add3A_804 : vector<1x128xf32> to vector<16x128xf32>
    %add3A_825 = arith.addf %add3A_823, %add3A_824 : vector<16x128xf32>
    %dot_general3A_826 = arith.constant dense<0.000000e+00> : vector<128x128xf32>
    %dot_general3A_827 = tpu.matmul %add3A_825, %get3A_1, %dot_general3A_826 {dimension_numbers = #tpu.dot_dimension_numbers<[0], [0], [1], [1], [0, 1, 1, 1], [], []>, transpose_lhs_hint = true} : vector<16x128xf32>, vector<16x128xf32>, vector<128x128xf32> -> vector<128x128xf32>
    %dot_general3A_828 = arith.constant dense<0.000000e+00> : vector<128x128xf32>
    %dot_general3A_829 = tpu.matmul %add3A_825, %get3A_4, %dot_general3A_828 {dimension_numbers = #tpu.dot_dimension_numbers<[0], [0], [1], [1], [0, 1, 1, 1], [], []>, transpose_lhs_hint = true} : vector<16x128xf32>, vector<16x128xf32>, vector<128x128xf32> -> vector<128x128xf32>
    %add3A_830 = vector.broadcast %get3A_7 : vector<1x128xf32> to vector<128x128xf32>
    %add3A_831 = arith.addf %dot_general3A_827, %add3A_830 : vector<128x128xf32>
    %add3A_832 = vector.broadcast %get3A_10 : vector<1x128xf32> to vector<128x128xf32>
    %add3A_833 = arith.addf %dot_general3A_829, %add3A_832 : vector<128x128xf32>
    %mul3A_834 = arith.constant 5.000000e-01 : f32
    %mul3A_835 = vector.broadcast %mul3A_834 : f32 to vector<128x128xf32>
    %mul3A_836 = arith.mulf %mul3A_835, %add3A_833 : vector<128x128xf32>
    %exp3A_837 = math.exp %mul3A_836 : vector<128x128xf32>
    %get3A_838 = arith.constant 1664 : index
    %get3A_839 = arith.constant 0 : index
    %get3A_840 = vector.load %arg7[%get3A_838, %get3A_839] : memref<8192x128xf32, #tpu.memory_space<vmem>>, vector<128x128xf32>
    %mul3A_841 = arith.mulf %exp3A_837, %get3A_840 : vector<128x128xf32>
    %add3A_842 = arith.addf %add3A_831, %mul3A_841 : vector<128x128xf32>
    %swap3A_843 = arith.constant 1664 : index
    %swap3A_844 = arith.constant 0 : index
    %swap3A_845 = vector.load %arg12[%swap3A_843, %swap3A_844] : memref<8192x128xf32, #tpu.memory_space<vmem>>, vector<128x128xf32>
    tpu.vector_store %arg12[%swap3A_843, %swap3A_844], %add3A_842 {strides = array<i32>} : memref<8192x128xf32, #tpu.memory_space<vmem>>, vector<128x128xf32>,
    %get3A_846 = arith.constant 3 : index
    %get3A_847 = arith.constant 2 : index
    %get3A_848 = arith.constant 0 : index
    %get3A_849 = vector.load %arg3[%get3A_846, %get3A_847, %get3A_848] : memref<16x4x128xf32, #tpu.memory_space<vmem>>, vector<1x1x128xf32>
    %get3A_850 = vector.shape_cast %get3A_849 : vector<1x1x128xf32> to vector<1x128xf32>
    %get3A_851 = arith.constant 3 : index
    %get3A_852 = arith.constant 2 : index
    %get3A_853 = arith.constant 0 : index
    %get3A_854 = vector.load %arg4[%get3A_851, %get3A_852, %get3A_853] : memref<16x4x128xf32, #tpu.memory_space<vmem>>, vector<1x1x128xf32>
    %get3A_855 = vector.shape_cast %get3A_854 : vector<1x1x128xf32> to vector<1x128xf32>
    %mul3A_856 = arith.constant 5.000000e-01 : f32
    %mul3A_857 = vector.broadcast %mul3A_856 : f32 to vector<1x128xf32>
    %mul3A_858 = arith.mulf %mul3A_857, %get3A_855 : vector<1x128xf32>
    %exp3A_859 = math.exp %mul3A_858 : vector<1x128xf32>
    %get3A_860 = arith.constant 0 : index
    %get3A_861 = arith.constant 1792 : index
    %get3A_862 = vector.load %arg6[%get3A_860, %get3A_861] : memref<1x8192xf32, #tpu.memory_space<vmem>>, vector<1x128xf32>
    %mul3A_863 = arith.mulf %exp3A_859, %get3A_862 : vector<1x128xf32>
    %add3A_864 = arith.addf %get3A_850, %mul3A_863 : vector<1x128xf32>
    %get3A_865 = arith.constant 3 : index
    %get3A_866 = arith.constant 32 : index
    %get3A_867 = arith.constant 0 : index
    %get3A_868 = vector.load %arg1[%get3A_865, %get3A_866, %get3A_867] : memref<16x64x128xf32, #tpu.memory_space<vmem>>, vector<1x16x128xf32>
    %get3A_869 = vector.shape_cast %get3A_868 : vector<1x16x128xf32> to vector<16x128xf32>
    %get3A_870 = arith.constant 3 : index
    %get3A_871 = arith.constant 32 : index
    %get3A_872 = arith.constant 0 : index
    %get3A_873 = vector.load %arg2[%get3A_870, %get3A_871, %get3A_872] : memref<16x64x128xf32, #tpu.memory_space<vmem>>, vector<1x16x128xf32>
    %get3A_874 = vector.shape_cast %get3A_873 : vector<1x16x128xf32> to vector<16x128xf32>
    %mul3A_875 = arith.constant 5.000000e-01 : f32
    %mul3A_876 = vector.broadcast %mul3A_875 : f32 to vector<16x128xf32>
    %mul3A_877 = arith.mulf %mul3A_876, %get3A_874 : vector<16x128xf32>
    %exp3A_878 = math.exp %mul3A_877 : vector<16x128xf32>
    %get3A_879 = arith.constant 0 : index
    %get3A_880 = arith.constant 1792 : index
    %get3A_881 = vector.load %arg5[%get3A_879, %get3A_880] : memref<16x8192xf32, #tpu.memory_space<vmem>>, vector<16x128xf32>
    %mul3A_882 = arith.mulf %exp3A_878, %get3A_881 : vector<16x128xf32>
    %add3A_883 = arith.addf %get3A_869, %mul3A_882 : vector<16x128xf32>
    %add3A_884 = vector.broadcast %add3A_864 : vector<1x128xf32> to vector<16x128xf32>
    %add3A_885 = arith.addf %add3A_883, %add3A_884 : vector<16x128xf32>
    %dot_general3A_886 = arith.constant dense<0.000000e+00> : vector<128x128xf32>
    %dot_general3A_887 = tpu.matmul %add3A_885, %get3A_1, %dot_general3A_886 {dimension_numbers = #tpu.dot_dimension_numbers<[0], [0], [1], [1], [0, 1, 1, 1], [], []>, transpose_lhs_hint = true} : vector<16x128xf32>, vector<16x128xf32>, vector<128x128xf32> -> vector<128x128xf32>
    %dot_general3A_888 = arith.constant dense<0.000000e+00> : vector<128x128xf32>
    %dot_general3A_889 = tpu.matmul %add3A_885, %get3A_4, %dot_general3A_888 {dimension_numbers = #tpu.dot_dimension_numbers<[0], [0], [1], [1], [0, 1, 1, 1], [], []>, transpose_lhs_hint = true} : vector<16x128xf32>, vector<16x128xf32>, vector<128x128xf32> -> vector<128x128xf32>
    %add3A_890 = vector.broadcast %get3A_7 : vector<1x128xf32> to vector<128x128xf32>
    %add3A_891 = arith.addf %dot_general3A_887, %add3A_890 : vector<128x128xf32>
    %add3A_892 = vector.broadcast %get3A_10 : vector<1x128xf32> to vector<128x128xf32>
    %add3A_893 = arith.addf %dot_general3A_889, %add3A_892 : vector<128x128xf32>
    %mul3A_894 = arith.constant 5.000000e-01 : f32
    %mul3A_895 = vector.broadcast %mul3A_894 : f32 to vector<128x128xf32>
    %mul3A_896 = arith.mulf %mul3A_895, %add3A_893 : vector<128x128xf32>
    %exp3A_897 = math.exp %mul3A_896 : vector<128x128xf32>
    %get3A_898 = arith.constant 1792 : index
    %get3A_899 = arith.constant 0 : index
    %get3A_900 = vector.load %arg7[%get3A_898, %get3A_899] : memref<8192x128xf32, #tpu.memory_space<vmem>>, vector<128x128xf32>
    %mul3A_901 = arith.mulf %exp3A_897, %get3A_900 : vector<128x128xf32>
    %add3A_902 = arith.addf %add3A_891, %mul3A_901 : vector<128x128xf32>
    %swap3A_903 = arith.constant 1792 : index
    %swap3A_904 = arith.constant 0 : index
    %swap3A_905 = vector.load %arg12[%swap3A_903, %swap3A_904] : memref<8192x128xf32, #tpu.memory_space<vmem>>, vector<128x128xf32>
    tpu.vector_store %arg12[%swap3A_903, %swap3A_904], %add3A_902 {strides = array<i32>} : memref<8192x128xf32, #tpu.memory_space<vmem>>, vector<128x128xf32>,
    %get3A_906 = arith.constant 3 : index
    %get3A_907 = arith.constant 3 : index
    %get3A_908 = arith.constant 0 : index
    %get3A_909 = vector.load %arg3[%get3A_906, %get3A_907, %get3A_908] : memref<16x4x128xf32, #tpu.memory_space<vmem>>, vector<1x1x128xf32>
    %get3A_910 = vector.shape_cast %get3A_909 : vector<1x1x128xf32> to vector<1x128xf32>
    %get3A_911 = arith.constant 3 : index
    %get3A_912 = arith.constant 3 : index
    %get3A_913 = arith.constant 0 : index
    %get3A_914 = vector.load %arg4[%get3A_911, %get3A_912, %get3A_913] : memref<16x4x128xf32, #tpu.memory_space<vmem>>, vector<1x1x128xf32>
    %get3A_915 = vector.shape_cast %get3A_914 : vector<1x1x128xf32> to vector<1x128xf32>
    %mul3A_916 = arith.constant 5.000000e-01 : f32
    %mul3A_917 = vector.broadcast %mul3A_916 : f32 to vector<1x128xf32>
    %mul3A_918 = arith.mulf %mul3A_917, %get3A_915 : vector<1x128xf32>
    %exp3A_919 = math.exp %mul3A_918 : vector<1x128xf32>
    %get3A_920 = arith.constant 0 : index
    %get3A_921 = arith.constant 1920 : index
    %get3A_922 = vector.load %arg6[%get3A_920, %get3A_921] : memref<1x8192xf32, #tpu.memory_space<vmem>>, vector<1x128xf32>
    %mul3A_923 = arith.mulf %exp3A_919, %get3A_922 : vector<1x128xf32>
    %add3A_924 = arith.addf %get3A_910, %mul3A_923 : vector<1x128xf32>
    %get3A_925 = arith.constant 3 : index
    %get3A_926 = arith.constant 48 : index
    %get3A_927 = arith.constant 0 : index
    %get3A_928 = vector.load %arg1[%get3A_925, %get3A_926, %get3A_927] : memref<16x64x128xf32, #tpu.memory_space<vmem>>, vector<1x16x128xf32>
    %get3A_929 = vector.shape_cast %get3A_928 : vector<1x16x128xf32> to vector<16x128xf32>
    %get3A_930 = arith.constant 3 : index
    %get3A_931 = arith.constant 48 : index
    %get3A_932 = arith.constant 0 : index
    %get3A_933 = vector.load %arg2[%get3A_930, %get3A_931, %get3A_932] : memref<16x64x128xf32, #tpu.memory_space<vmem>>, vector<1x16x128xf32>
    %get3A_934 = vector.shape_cast %get3A_933 : vector<1x16x128xf32> to vector<16x128xf32>
    %mul3A_935 = arith.constant 5.000000e-01 : f32
    %mul3A_936 = vector.broadcast %mul3A_935 : f32 to vector<16x128xf32>
    %mul3A_937 = arith.mulf %mul3A_936, %get3A_934 : vector<16x128xf32>
    %exp3A_938 = math.exp %mul3A_937 : vector<16x128xf32>
    %get3A_939 = arith.constant 0 : index
    %get3A_940 = arith.constant 1920 : index
    %get3A_941 = vector.load %arg5[%get3A_939, %get3A_940] : memref<16x8192xf32, #tpu.memory_space<vmem>>, vector<16x128xf32>
    %mul3A_942 = arith.mulf %exp3A_938, %get3A_941 : vector<16x128xf32>
    %add3A_943 = arith.addf %get3A_929, %mul3A_942 : vector<16x128xf32>
    %add3A_944 = vector.broadcast %add3A_924 : vector<1x128xf32> to vector<16x128xf32>
    %add3A_945 = arith.addf %add3A_943, %add3A_944 : vector<16x128xf32>
    %dot_general3A_946 = arith.constant dense<0.000000e+00> : vector<128x128xf32>
    %dot_general3A_947 = tpu.matmul %add3A_945, %get3A_1, %dot_general3A_946 {dimension_numbers = #tpu.dot_dimension_numbers<[0], [0], [1], [1], [0, 1, 1, 1], [], []>, transpose_lhs_hint = true} : vector<16x128xf32>, vector<16x128xf32>, vector<128x128xf32> -> vector<128x128xf32>
    %dot_general3A_948 = arith.constant dense<0.000000e+00> : vector<128x128xf32>
    %dot_general3A_949 = tpu.matmul %add3A_945, %get3A_4, %dot_general3A_948 {dimension_numbers = #tpu.dot_dimension_numbers<[0], [0], [1], [1], [0, 1, 1, 1], [], []>, transpose_lhs_hint = true} : vector<16x128xf32>, vector<16x128xf32>, vector<128x128xf32> -> vector<128x128xf32>
    %add3A_950 = vector.broadcast %get3A_7 : vector<1x128xf32> to vector<128x128xf32>
    %add3A_951 = arith.addf %dot_general3A_947, %add3A_950 : vector<128x128xf32>
    %add3A_952 = vector.broadcast %get3A_10 : vector<1x128xf32> to vector<128x128xf32>
    %add3A_953 = arith.addf %dot_general3A_949, %add3A_952 : vector<128x128xf32>
    %mul3A_954 = arith.constant 5.000000e-01 : f32
    %mul3A_955 = vector.broadcast %mul3A_954 : f32 to vector<128x128xf32>
    %mul3A_956 = arith.mulf %mul3A_955, %add3A_953 : vector<128x128xf32>
    %exp3A_957 = math.exp %mul3A_956 : vector<128x128xf32>
    %get3A_958 = arith.constant 1920 : index
    %get3A_959 = arith.constant 0 : index
    %get3A_960 = vector.load %arg7[%get3A_958, %get3A_959] : memref<8192x128xf32, #tpu.memory_space<vmem>>, vector<128x128xf32>
    %mul3A_961 = arith.mulf %exp3A_957, %get3A_960 : vector<128x128xf32>
    %add3A_962 = arith.addf %add3A_951, %mul3A_961 : vector<128x128xf32>
    %swap3A_963 = arith.constant 1920 : index
    %swap3A_964 = arith.constant 0 : index
    %swap3A_965 = vector.load %arg12[%swap3A_963, %swap3A_964] : memref<8192x128xf32, #tpu.memory_space<vmem>>, vector<128x128xf32>
    tpu.vector_store %arg12[%swap3A_963, %swap3A_964], %add3A_962 {strides = array<i32>} : memref<8192x128xf32, #tpu.memory_space<vmem>>, vector<128x128xf32>,
    %get3A_966 = arith.constant 4 : index
    %get3A_967 = arith.constant 0 : index
    %get3A_968 = arith.constant 0 : index
    %get3A_969 = vector.load %arg3[%get3A_966, %get3A_967, %get3A_968] : memref<16x4x128xf32, #tpu.memory_space<vmem>>, vector<1x1x128xf32>
    %get3A_970 = vector.shape_cast %get3A_969 : vector<1x1x128xf32> to vector<1x128xf32>
    %get3A_971 = arith.constant 4 : index
    %get3A_972 = arith.constant 0 : index
    %get3A_973 = arith.constant 0 : index
    %get3A_974 = vector.load %arg4[%get3A_971, %get3A_972, %get3A_973] : memref<16x4x128xf32, #tpu.memory_space<vmem>>, vector<1x1x128xf32>
    %get3A_975 = vector.shape_cast %get3A_974 : vector<1x1x128xf32> to vector<1x128xf32>
    %mul3A_976 = arith.constant 5.000000e-01 : f32
    %mul3A_977 = vector.broadcast %mul3A_976 : f32 to vector<1x128xf32>
    %mul3A_978 = arith.mulf %mul3A_977, %get3A_975 : vector<1x128xf32>
    %exp3A_979 = math.exp %mul3A_978 : vector<1x128xf32>
    %get3A_980 = arith.constant 0 : index
    %get3A_981 = arith.constant 2048 : index
    %get3A_982 = vector.load %arg6[%get3A_980, %get3A_981] : memref<1x8192xf32, #tpu.memory_space<vmem>>, vector<1x128xf32>
    %mul3A_983 = arith.mulf %exp3A_979, %get3A_982 : vector<1x128xf32>
    %add3A_984 = arith.addf %get3A_970, %mul3A_983 : vector<1x128xf32>
    %get3A_985 = arith.constant 4 : index
    %get3A_986 = arith.constant 0 : index
    %get3A_987 = arith.constant 0 : index
    %get3A_988 = vector.load %arg1[%get3A_985, %get3A_986, %get3A_987] : memref<16x64x128xf32, #tpu.memory_space<vmem>>, vector<1x16x128xf32>
    %get3A_989 = vector.shape_cast %get3A_988 : vector<1x16x128xf32> to vector<16x128xf32>
    %get3A_990 = arith.constant 4 : index
    %get3A_991 = arith.constant 0 : index
    %get3A_992 = arith.constant 0 : index
    %get3A_993 = vector.load %arg2[%get3A_990, %get3A_991, %get3A_992] : memref<16x64x128xf32, #tpu.memory_space<vmem>>, vector<1x16x128xf32>
    %get3A_994 = vector.shape_cast %get3A_993 : vector<1x16x128xf32> to vector<16x128xf32>
    %mul3A_995 = arith.constant 5.000000e-01 : f32
    %mul3A_996 = vector.broadcast %mul3A_995 : f32 to vector<16x128xf32>
    %mul3A_997 = arith.mulf %mul3A_996, %get3A_994 : vector<16x128xf32>
    %exp3A_998 = math.exp %mul3A_997 : vector<16x128xf32>
    %get3A_999 = arith.constant 0 : index
    %get3A_1000 = arith.constant 2048 : index
    %get3A_1001 = vector.load %arg5[%get3A_999, %get3A_1000] : memref<16x8192xf32, #tpu.memory_space<vmem>>, vector<16x128xf32>
    %mul3A_1002 = arith.mulf %exp3A_998, %get3A_1001 : vector<16x128xf32>
    %add3A_1003 = arith.addf %get3A_989, %mul3A_1002 : vector<16x128xf32>
    %add3A_1004 = vector.broadcast %add3A_984 : vector<1x128xf32> to vector<16x128xf32>
    %add3A_1005 = arith.addf %add3A_1003, %add3A_1004 : vector<16x128xf32>
    %dot_general3A_1006 = arith.constant dense<0.000000e+00> : vector<128x128xf32>
    %dot_general3A_1007 = tpu.matmul %add3A_1005, %get3A_1, %dot_general3A_1006 {dimension_numbers = #tpu.dot_dimension_numbers<[0], [0], [1], [1], [0, 1, 1, 1], [], []>, transpose_lhs_hint = true} : vector<16x128xf32>, vector<16x128xf32>, vector<128x128xf32> -> vector<128x128xf32>
    %dot_general3A_1008 = arith.constant dense<0.000000e+00> : vector<128x128xf32>
    %dot_general3A_1009 = tpu.matmul %add3A_1005, %get3A_4, %dot_general3A_1008 {dimension_numbers = #tpu.dot_dimension_numbers<[0], [0], [1], [1], [0, 1, 1, 1], [], []>, transpose_lhs_hint = true} : vector<16x128xf32>, vector<16x128xf32>, vector<128x128xf32> -> vector<128x128xf32>
    %add3A_1010 = vector.broadcast %get3A_7 : vector<1x128xf32> to vector<128x128xf32>
    %add3A_1011 = arith.addf %dot_general3A_1007, %add3A_1010 : vector<128x128xf32>
    %add3A_1012 = vector.broadcast %get3A_10 : vector<1x128xf32> to vector<128x128xf32>
    %add3A_1013 = arith.addf %dot_general3A_1009, %add3A_1012 : vector<128x128xf32>
    %mul3A_1014 = arith.constant 5.000000e-01 : f32
    %mul3A_1015 = vector.broadcast %mul3A_1014 : f32 to vector<128x128xf32>
    %mul3A_1016 = arith.mulf %mul3A_1015, %add3A_1013 : vector<128x128xf32>
    %exp3A_1017 = math.exp %mul3A_1016 : vector<128x128xf32>
    %get3A_1018 = arith.constant 2048 : index
    %get3A_1019 = arith.constant 0 : index
    %get3A_1020 = vector.load %arg7[%get3A_1018, %get3A_1019] : memref<8192x128xf32, #tpu.memory_space<vmem>>, vector<128x128xf32>
    %mul3A_1021 = arith.mulf %exp3A_1017, %get3A_1020 : vector<128x128xf32>
    %add3A_1022 = arith.addf %add3A_1011, %mul3A_1021 : vector<128x128xf32>
    %swap3A_1023 = arith.constant 2048 : index
    %swap3A_1024 = arith.constant 0 : index
    %swap3A_1025 = vector.load %arg12[%swap3A_1023, %swap3A_1024] : memref<8192x128xf32, #tpu.memory_space<vmem>>, vector<128x128xf32>
    tpu.vector_store %arg12[%swap3A_1023, %swap3A_1024], %add3A_1022 {strides = array<i32>} : memref<8192x128xf32, #tpu.memory_space<vmem>>, vector<128x128xf32>,
    %get3A_1026 = arith.constant 4 : index
    %get3A_1027 = arith.constant 1 : index
    %get3A_1028 = arith.constant 0 : index
    %get3A_1029 = vector.load %arg3[%get3A_1026, %get3A_1027, %get3A_1028] : memref<16x4x128xf32, #tpu.memory_space<vmem>>, vector<1x1x128xf32>
    %get3A_1030 = vector.shape_cast %get3A_1029 : vector<1x1x128xf32> to vector<1x128xf32>
    %get3A_1031 = arith.constant 4 : index
    %get3A_1032 = arith.constant 1 : index
    %get3A_1033 = arith.constant 0 : index
    %get3A_1034 = vector.load %arg4[%get3A_1031, %get3A_1032, %get3A_1033] : memref<16x4x128xf32, #tpu.memory_space<vmem>>, vector<1x1x128xf32>
    %get3A_1035 = vector.shape_cast %get3A_1034 : vector<1x1x128xf32> to vector<1x128xf32>
    %mul3A_1036 = arith.constant 5.000000e-01 : f32
    %mul3A_1037 = vector.broadcast %mul3A_1036 : f32 to vector<1x128xf32>
    %mul3A_1038 = arith.mulf %mul3A_1037, %get3A_1035 : vector<1x128xf32>
    %exp3A_1039 = math.exp %mul3A_1038 : vector<1x128xf32>
    %get3A_1040 = arith.constant 0 : index
    %get3A_1041 = arith.constant 2176 : index
    %get3A_1042 = vector.load %arg6[%get3A_1040, %get3A_1041] : memref<1x8192xf32, #tpu.memory_space<vmem>>, vector<1x128xf32>
    %mul3A_1043 = arith.mulf %exp3A_1039, %get3A_1042 : vector<1x128xf32>
    %add3A_1044 = arith.addf %get3A_1030, %mul3A_1043 : vector<1x128xf32>
    %get3A_1045 = arith.constant 4 : index
    %get3A_1046 = arith.constant 16 : index
    %get3A_1047 = arith.constant 0 : index
    %get3A_1048 = vector.load %arg1[%get3A_1045, %get3A_1046, %get3A_1047] : memref<16x64x128xf32, #tpu.memory_space<vmem>>, vector<1x16x128xf32>
    %get3A_1049 = vector.shape_cast %get3A_1048 : vector<1x16x128xf32> to vector<16x128xf32>
    %get3A_1050 = arith.constant 4 : index
    %get3A_1051 = arith.constant 16 : index
    %get3A_1052 = arith.constant 0 : index
    %get3A_1053 = vector.load %arg2[%get3A_1050, %get3A_1051, %get3A_1052] : memref<16x64x128xf32, #tpu.memory_space<vmem>>, vector<1x16x128xf32>
    %get3A_1054 = vector.shape_cast %get3A_1053 : vector<1x16x128xf32> to vector<16x128xf32>
    %mul3A_1055 = arith.constant 5.000000e-01 : f32
    %mul3A_1056 = vector.broadcast %mul3A_1055 : f32 to vector<16x128xf32>
    %mul3A_1057 = arith.mulf %mul3A_1056, %get3A_1054 : vector<16x128xf32>
    %exp3A_1058 = math.exp %mul3A_1057 : vector<16x128xf32>
    %get3A_1059 = arith.constant 0 : index
    %get3A_1060 = arith.constant 2176 : index
    %get3A_1061 = vector.load %arg5[%get3A_1059, %get3A_1060] : memref<16x8192xf32, #tpu.memory_space<vmem>>, vector<16x128xf32>
    %mul3A_1062 = arith.mulf %exp3A_1058, %get3A_1061 : vector<16x128xf32>
    %add3A_1063 = arith.addf %get3A_1049, %mul3A_1062 : vector<16x128xf32>
    %add3A_1064 = vector.broadcast %add3A_1044 : vector<1x128xf32> to vector<16x128xf32>
    %add3A_1065 = arith.addf %add3A_1063, %add3A_1064 : vector<16x128xf32>
    %dot_general3A_1066 = arith.constant dense<0.000000e+00> : vector<128x128xf32>
    %dot_general3A_1067 = tpu.matmul %add3A_1065, %get3A_1, %dot_general3A_1066 {dimension_numbers = #tpu.dot_dimension_numbers<[0], [0], [1], [1], [0, 1, 1, 1], [], []>, transpose_lhs_hint = true} : vector<16x128xf32>, vector<16x128xf32>, vector<128x128xf32> -> vector<128x128xf32>
    %dot_general3A_1068 = arith.constant dense<0.000000e+00> : vector<128x128xf32>
    %dot_general3A_1069 = tpu.matmul %add3A_1065, %get3A_4, %dot_general3A_1068 {dimension_numbers = #tpu.dot_dimension_numbers<[0], [0], [1], [1], [0, 1, 1, 1], [], []>, transpose_lhs_hint = true} : vector<16x128xf32>, vector<16x128xf32>, vector<128x128xf32> -> vector<128x128xf32>
    %add3A_1070 = vector.broadcast %get3A_7 : vector<1x128xf32> to vector<128x128xf32>
    %add3A_1071 = arith.addf %dot_general3A_1067, %add3A_1070 : vector<128x128xf32>
    %add3A_1072 = vector.broadcast %get3A_10 : vector<1x128xf32> to vector<128x128xf32>
    %add3A_1073 = arith.addf %dot_general3A_1069, %add3A_1072 : vector<128x128xf32>
    %mul3A_1074 = arith.constant 5.000000e-01 : f32
    %mul3A_1075 = vector.broadcast %mul3A_1074 : f32 to vector<128x128xf32>
    %mul3A_1076 = arith.mulf %mul3A_1075, %add3A_1073 : vector<128x128xf32>
    %exp3A_1077 = math.exp %mul3A_1076 : vector<128x128xf32>
    %get3A_1078 = arith.constant 2176 : index
    %get3A_1079 = arith.constant 0 : index
    %get3A_1080 = vector.load %arg7[%get3A_1078, %get3A_1079] : memref<8192x128xf32, #tpu.memory_space<vmem>>, vector<128x128xf32>
    %mul3A_1081 = arith.mulf %exp3A_1077, %get3A_1080 : vector<128x128xf32>
    %add3A_1082 = arith.addf %add3A_1071, %mul3A_1081 : vector<128x128xf32>
    %swap3A_1083 = arith.constant 2176 : index
    %swap3A_1084 = arith.constant 0 : index
    %swap3A_1085 = vector.load %arg12[%swap3A_1083, %swap3A_1084] : memref<8192x128xf32, #tpu.memory_space<vmem>>, vector<128x128xf32>
    tpu.vector_store %arg12[%swap3A_1083, %swap3A_1084], %add3A_1082 {strides = array<i32>} : memref<8192x128xf32, #tpu.memory_space<vmem>>, vector<128x128xf32>,
    %get3A_1086 = arith.constant 4 : index
    %get3A_1087 = arith.constant 2 : index
    %get3A_1088 = arith.constant 0 : index
    %get3A_1089 = vector.load %arg3[%get3A_1086, %get3A_1087, %get3A_1088] : memref<16x4x128xf32, #tpu.memory_space<vmem>>, vector<1x1x128xf32>
    %get3A_1090 = vector.shape_cast %get3A_1089 : vector<1x1x128xf32> to vector<1x128xf32>
    %get3A_1091 = arith.constant 4 : index
    %get3A_1092 = arith.constant 2 : index
    %get3A_1093 = arith.constant 0 : index
    %get3A_1094 = vector.load %arg4[%get3A_1091, %get3A_1092, %get3A_1093] : memref<16x4x128xf32, #tpu.memory_space<vmem>>, vector<1x1x128xf32>
    %get3A_1095 = vector.shape_cast %get3A_1094 : vector<1x1x128xf32> to vector<1x128xf32>
    %mul3A_1096 = arith.constant 5.000000e-01 : f32
    %mul3A_1097 = vector.broadcast %mul3A_1096 : f32 to vector<1x128xf32>
    %mul3A_1098 = arith.mulf %mul3A_1097, %get3A_1095 : vector<1x128xf32>
    %exp3A_1099 = math.exp %mul3A_1098 : vector<1x128xf32>
    %get3A_1100 = arith.constant 0 : index
    %get3A_1101 = arith.constant 2304 : index
    %get3A_1102 = vector.load %arg6[%get3A_1100, %get3A_1101] : memref<1x8192xf32, #tpu.memory_space<vmem>>, vector<1x128xf32>
    %mul3A_1103 = arith.mulf %exp3A_1099, %get3A_1102 : vector<1x128xf32>
    %add3A_1104 = arith.addf %get3A_1090, %mul3A_1103 : vector<1x128xf32>
    %get3A_1105 = arith.constant 4 : index
    %get3A_1106 = arith.constant 32 : index
    %get3A_1107 = arith.constant 0 : index
    %get3A_1108 = vector.load %arg1[%get3A_1105, %get3A_1106, %get3A_1107] : memref<16x64x128xf32, #tpu.memory_space<vmem>>, vector<1x16x128xf32>
    %get3A_1109 = vector.shape_cast %get3A_1108 : vector<1x16x128xf32> to vector<16x128xf32>
    %get3A_1110 = arith.constant 4 : index
    %get3A_1111 = arith.constant 32 : index
    %get3A_1112 = arith.constant 0 : index
    %get3A_1113 = vector.load %arg2[%get3A_1110, %get3A_1111, %get3A_1112] : memref<16x64x128xf32, #tpu.memory_space<vmem>>, vector<1x16x128xf32>
    %get3A_1114 = vector.shape_cast %get3A_1113 : vector<1x16x128xf32> to vector<16x128xf32>
    %mul3A_1115 = arith.constant 5.000000e-01 : f32
    %mul3A_1116 = vector.broadcast %mul3A_1115 : f32 to vector<16x128xf32>
    %mul3A_1117 = arith.mulf %mul3A_1116, %get3A_1114 : vector<16x128xf32>
    %exp3A_1118 = math.exp %mul3A_1117 : vector<16x128xf32>
    %get3A_1119 = arith.constant 0 : index
    %get3A_1120 = arith.constant 2304 : index
    %get3A_1121 = vector.load %arg5[%get3A_1119, %get3A_1120] : memref<16x8192xf32, #tpu.memory_space<vmem>>, vector<16x128xf32>
    %mul3A_1122 = arith.mulf %exp3A_1118, %get3A_1121 : vector<16x128xf32>
    %add3A_1123 = arith.addf %get3A_1109, %mul3A_1122 : vector<16x128xf32>
    %add3A_1124 = vector.broadcast %add3A_1104 : vector<1x128xf32> to vector<16x128xf32>
    %add3A_1125 = arith.addf %add3A_1123, %add3A_1124 : vector<16x128xf32>
    %dot_general3A_1126 = arith.constant dense<0.000000e+00> : vector<128x128xf32>
    %dot_general3A_1127 = tpu.matmul %add3A_1125, %get3A_1, %dot_general3A_1126 {dimension_numbers = #tpu.dot_dimension_numbers<[0], [0], [1], [1], [0, 1, 1, 1], [], []>, transpose_lhs_hint = true} : vector<16x128xf32>, vector<16x128xf32>, vector<128x128xf32> -> vector<128x128xf32>
    %dot_general3A_1128 = arith.constant dense<0.000000e+00> : vector<128x128xf32>
    %dot_general3A_1129 = tpu.matmul %add3A_1125, %get3A_4, %dot_general3A_1128 {dimension_numbers = #tpu.dot_dimension_numbers<[0], [0], [1], [1], [0, 1, 1, 1], [], []>, transpose_lhs_hint = true} : vector<16x128xf32>, vector<16x128xf32>, vector<128x128xf32> -> vector<128x128xf32>
    %add3A_1130 = vector.broadcast %get3A_7 : vector<1x128xf32> to vector<128x128xf32>
    %add3A_1131 = arith.addf %dot_general3A_1127, %add3A_1130 : vector<128x128xf32>
    %add3A_1132 = vector.broadcast %get3A_10 : vector<1x128xf32> to vector<128x128xf32>
    %add3A_1133 = arith.addf %dot_general3A_1129, %add3A_1132 : vector<128x128xf32>
    %mul3A_1134 = arith.constant 5.000000e-01 : f32
    %mul3A_1135 = vector.broadcast %mul3A_1134 : f32 to vector<128x128xf32>
    %mul3A_1136 = arith.mulf %mul3A_1135, %add3A_1133 : vector<128x128xf32>
    %exp3A_1137 = math.exp %mul3A_1136 : vector<128x128xf32>
    %get3A_1138 = arith.constant 2304 : index
    %get3A_1139 = arith.constant 0 : index
    %get3A_1140 = vector.load %arg7[%get3A_1138, %get3A_1139] : memref<8192x128xf32, #tpu.memory_space<vmem>>, vector<128x128xf32>
    %mul3A_1141 = arith.mulf %exp3A_1137, %get3A_1140 : vector<128x128xf32>
    %add3A_1142 = arith.addf %add3A_1131, %mul3A_1141 : vector<128x128xf32>
    %swap3A_1143 = arith.constant 2304 : index
    %swap3A_1144 = arith.constant 0 : index
    %swap3A_1145 = vector.load %arg12[%swap3A_1143, %swap3A_1144] : memref<8192x128xf32, #tpu.memory_space<vmem>>, vector<128x128xf32>
    tpu.vector_store %arg12[%swap3A_1143, %swap3A_1144], %add3A_1142 {strides = array<i32>} : memref<8192x128xf32, #tpu.memory_space<vmem>>, vector<128x128xf32>,
    %get3A_1146 = arith.constant 4 : index
    %get3A_1147 = arith.constant 3 : index
    %get3A_1148 = arith.constant 0 : index
    %get3A_1149 = vector.load %arg3[%get3A_1146, %get3A_1147, %get3A_1148] : memref<16x4x128xf32, #tpu.memory_space<vmem>>, vector<1x1x128xf32>
    %get3A_1150 = vector.shape_cast %get3A_1149 : vector<1x1x128xf32> to vector<1x128xf32>
    %get3A_1151 = arith.constant 4 : index
    %get3A_1152 = arith.constant 3 : index
    %get3A_1153 = arith.constant 0 : index
    %get3A_1154 = vector.load %arg4[%get3A_1151, %get3A_1152, %get3A_1153] : memref<16x4x128xf32, #tpu.memory_space<vmem>>, vector<1x1x128xf32>
    %get3A_1155 = vector.shape_cast %get3A_1154 : vector<1x1x128xf32> to vector<1x128xf32>
    %mul3A_1156 = arith.constant 5.000000e-01 : f32
    %mul3A_1157 = vector.broadcast %mul3A_1156 : f32 to vector<1x128xf32>
    %mul3A_1158 = arith.mulf %mul3A_1157, %get3A_1155 : vector<1x128xf32>
    %exp3A_1159 = math.exp %mul3A_1158 : vector<1x128xf32>
    %get3A_1160 = arith.constant 0 : index
    %get3A_1161 = arith.constant 2432 : index
    %get3A_1162 = vector.load %arg6[%get3A_1160, %get3A_1161] : memref<1x8192xf32, #tpu.memory_space<vmem>>, vector<1x128xf32>
    %mul3A_1163 = arith.mulf %exp3A_1159, %get3A_1162 : vector<1x128xf32>
    %add3A_1164 = arith.addf %get3A_1150, %mul3A_1163 : vector<1x128xf32>
    %get3A_1165 = arith.constant 4 : index
    %get3A_1166 = arith.constant 48 : index
    %get3A_1167 = arith.constant 0 : index
    %get3A_1168 = vector.load %arg1[%get3A_1165, %get3A_1166, %get3A_1167] : memref<16x64x128xf32, #tpu.memory_space<vmem>>, vector<1x16x128xf32>
    %get3A_1169 = vector.shape_cast %get3A_1168 : vector<1x16x128xf32> to vector<16x128xf32>
    %get3A_1170 = arith.constant 4 : index
    %get3A_1171 = arith.constant 48 : index
    %get3A_1172 = arith.constant 0 : index
    %get3A_1173 = vector.load %arg2[%get3A_1170, %get3A_1171, %get3A_1172] : memref<16x64x128xf32, #tpu.memory_space<vmem>>, vector<1x16x128xf32>
    %get3A_1174 = vector.shape_cast %get3A_1173 : vector<1x16x128xf32> to vector<16x128xf32>
    %mul3A_1175 = arith.constant 5.000000e-01 : f32
    %mul3A_1176 = vector.broadcast %mul3A_1175 : f32 to vector<16x128xf32>
    %mul3A_1177 = arith.mulf %mul3A_1176, %get3A_1174 : vector<16x128xf32>
    %exp3A_1178 = math.exp %mul3A_1177 : vector<16x128xf32>
    %get3A_1179 = arith.constant 0 : index
    %get3A_1180 = arith.constant 2432 : index
    %get3A_1181 = vector.load %arg5[%get3A_1179, %get3A_1180] : memref<16x8192xf32, #tpu.memory_space<vmem>>, vector<16x128xf32>
    %mul3A_1182 = arith.mulf %exp3A_1178, %get3A_1181 : vector<16x128xf32>
    %add3A_1183 = arith.addf %get3A_1169, %mul3A_1182 : vector<16x128xf32>
    %add3A_1184 = vector.broadcast %add3A_1164 : vector<1x128xf32> to vector<16x128xf32>
    %add3A_1185 = arith.addf %add3A_1183, %add3A_1184 : vector<16x128xf32>
    %dot_general3A_1186 = arith.constant dense<0.000000e+00> : vector<128x128xf32>
    %dot_general3A_1187 = tpu.matmul %add3A_1185, %get3A_1, %dot_general3A_1186 {dimension_numbers = #tpu.dot_dimension_numbers<[0], [0], [1], [1], [0, 1, 1, 1], [], []>, transpose_lhs_hint = true} : vector<16x128xf32>, vector<16x128xf32>, vector<128x128xf32> -> vector<128x128xf32>
    %dot_general3A_1188 = arith.constant dense<0.000000e+00> : vector<128x128xf32>
    %dot_general3A_1189 = tpu.matmul %add3A_1185, %get3A_4, %dot_general3A_1188 {dimension_numbers = #tpu.dot_dimension_numbers<[0], [0], [1], [1], [0, 1, 1, 1], [], []>, transpose_lhs_hint = true} : vector<16x128xf32>, vector<16x128xf32>, vector<128x128xf32> -> vector<128x128xf32>
    %add3A_1190 = vector.broadcast %get3A_7 : vector<1x128xf32> to vector<128x128xf32>
    %add3A_1191 = arith.addf %dot_general3A_1187, %add3A_1190 : vector<128x128xf32>
    %add3A_1192 = vector.broadcast %get3A_10 : vector<1x128xf32> to vector<128x128xf32>
    %add3A_1193 = arith.addf %dot_general3A_1189, %add3A_1192 : vector<128x128xf32>
    %mul3A_1194 = arith.constant 5.000000e-01 : f32
    %mul3A_1195 = vector.broadcast %mul3A_1194 : f32 to vector<128x128xf32>
    %mul3A_1196 = arith.mulf %mul3A_1195, %add3A_1193 : vector<128x128xf32>
    %exp3A_1197 = math.exp %mul3A_1196 : vector<128x128xf32>
    %get3A_1198 = arith.constant 2432 : index
    %get3A_1199 = arith.constant 0 : index
    %get3A_1200 = vector.load %arg7[%get3A_1198, %get3A_1199] : memref<8192x128xf32, #tpu.memory_space<vmem>>, vector<128x128xf32>
    %mul3A_1201 = arith.mulf %exp3A_1197, %get3A_1200 : vector<128x128xf32>
    %add3A_1202 = arith.addf %add3A_1191, %mul3A_1201 : vector<128x128xf32>
    %swap3A_1203 = arith.constant 2432 : index
    %swap3A_1204 = arith.constant 0 : index
    %swap3A_1205 = vector.load %arg12[%swap3A_1203, %swap3A_1204] : memref<8192x128xf32, #tpu.memory_space<vmem>>, vector<128x128xf32>
    tpu.vector_store %arg12[%swap3A_1203, %swap3A_1204], %add3A_1202 {strides = array<i32>} : memref<8192x128xf32, #tpu.memory_space<vmem>>, vector<128x128xf32>,
    %get3A_1206 = arith.constant 5 : index
    %get3A_1207 = arith.constant 0 : index
    %get3A_1208 = arith.constant 0 : index
    %get3A_1209 = vector.load %arg3[%get3A_1206, %get3A_1207, %get3A_1208] : memref<16x4x128xf32, #tpu.memory_space<vmem>>, vector<1x1x128xf32>
    %get3A_1210 = vector.shape_cast %get3A_1209 : vector<1x1x128xf32> to vector<1x128xf32>
    %get3A_1211 = arith.constant 5 : index
    %get3A_1212 = arith.constant 0 : index
    %get3A_1213 = arith.constant 0 : index
    %get3A_1214 = vector.load %arg4[%get3A_1211, %get3A_1212, %get3A_1213] : memref<16x4x128xf32, #tpu.memory_space<vmem>>, vector<1x1x128xf32>
    %get3A_1215 = vector.shape_cast %get3A_1214 : vector<1x1x128xf32> to vector<1x128xf32>
    %mul3A_1216 = arith.constant 5.000000e-01 : f32
    %mul3A_1217 = vector.broadcast %mul3A_1216 : f32 to vector<1x128xf32>
    %mul3A_1218 = arith.mulf %mul3A_1217, %get3A_1215 : vector<1x128xf32>
    %exp3A_1219 = math.exp %mul3A_1218 : vector<1x128xf32>
    %get3A_1220 = arith.constant 0 : index
    %get3A_1221 = arith.constant 2560 : index
    %get3A_1222 = vector.load %arg6[%get3A_1220, %get3A_1221] : memref<1x8192xf32, #tpu.memory_space<vmem>>, vector<1x128xf32>
    %mul3A_1223 = arith.mulf %exp3A_1219, %get3A_1222 : vector<1x128xf32>
    %add3A_1224 = arith.addf %get3A_1210, %mul3A_1223 : vector<1x128xf32>
    %get3A_1225 = arith.constant 5 : index
    %get3A_1226 = arith.constant 0 : index
    %get3A_1227 = arith.constant 0 : index
    %get3A_1228 = vector.load %arg1[%get3A_1225, %get3A_1226, %get3A_1227] : memref<16x64x128xf32, #tpu.memory_space<vmem>>, vector<1x16x128xf32>
    %get3A_1229 = vector.shape_cast %get3A_1228 : vector<1x16x128xf32> to vector<16x128xf32>
    %get3A_1230 = arith.constant 5 : index
    %get3A_1231 = arith.constant 0 : index
    %get3A_1232 = arith.constant 0 : index
    %get3A_1233 = vector.load %arg2[%get3A_1230, %get3A_1231, %get3A_1232] : memref<16x64x128xf32, #tpu.memory_space<vmem>>, vector<1x16x128xf32>
    %get3A_1234 = vector.shape_cast %get3A_1233 : vector<1x16x128xf32> to vector<16x128xf32>
    %mul3A_1235 = arith.constant 5.000000e-01 : f32
    %mul3A_1236 = vector.broadcast %mul3A_1235 : f32 to vector<16x128xf32>
    %mul3A_1237 = arith.mulf %mul3A_1236, %get3A_1234 : vector<16x128xf32>
    %exp3A_1238 = math.exp %mul3A_1237 : vector<16x128xf32>
    %get3A_1239 = arith.constant 0 : index
    %get3A_1240 = arith.constant 2560 : index
    %get3A_1241 = vector.load %arg5[%get3A_1239, %get3A_1240] : memref<16x8192xf32, #tpu.memory_space<vmem>>, vector<16x128xf32>
    %mul3A_1242 = arith.mulf %exp3A_1238, %get3A_1241 : vector<16x128xf32>
    %add3A_1243 = arith.addf %get3A_1229, %mul3A_1242 : vector<16x128xf32>
    %add3A_1244 = vector.broadcast %add3A_1224 : vector<1x128xf32> to vector<16x128xf32>
    %add3A_1245 = arith.addf %add3A_1243, %add3A_1244 : vector<16x128xf32>
    %dot_general3A_1246 = arith.constant dense<0.000000e+00> : vector<128x128xf32>
    %dot_general3A_1247 = tpu.matmul %add3A_1245, %get3A_1, %dot_general3A_1246 {dimension_numbers = #tpu.dot_dimension_numbers<[0], [0], [1], [1], [0, 1, 1, 1], [], []>, transpose_lhs_hint = true} : vector<16x128xf32>, vector<16x128xf32>, vector<128x128xf32> -> vector<128x128xf32>
    %dot_general3A_1248 = arith.constant dense<0.000000e+00> : vector<128x128xf32>
    %dot_general3A_1249 = tpu.matmul %add3A_1245, %get3A_4, %dot_general3A_1248 {dimension_numbers = #tpu.dot_dimension_numbers<[0], [0], [1], [1], [0, 1, 1, 1], [], []>, transpose_lhs_hint = true} : vector<16x128xf32>, vector<16x128xf32>, vector<128x128xf32> -> vector<128x128xf32>
    %add3A_1250 = vector.broadcast %get3A_7 : vector<1x128xf32> to vector<128x128xf32>
    %add3A_1251 = arith.addf %dot_general3A_1247, %add3A_1250 : vector<128x128xf32>
    %add3A_1252 = vector.broadcast %get3A_10 : vector<1x128xf32> to vector<128x128xf32>
    %add3A_1253 = arith.addf %dot_general3A_1249, %add3A_1252 : vector<128x128xf32>
    %mul3A_1254 = arith.constant 5.000000e-01 : f32
    %mul3A_1255 = vector.broadcast %mul3A_1254 : f32 to vector<128x128xf32>
    %mul3A_1256 = arith.mulf %mul3A_1255, %add3A_1253 : vector<128x128xf32>
    %exp3A_1257 = math.exp %mul3A_1256 : vector<128x128xf32>
    %get3A_1258 = arith.constant 2560 : index
    %get3A_1259 = arith.constant 0 : index
    %get3A_1260 = vector.load %arg7[%get3A_1258, %get3A_1259] : memref<8192x128xf32, #tpu.memory_space<vmem>>, vector<128x128xf32>
    %mul3A_1261 = arith.mulf %exp3A_1257, %get3A_1260 : vector<128x128xf32>
    %add3A_1262 = arith.addf %add3A_1251, %mul3A_1261 : vector<128x128xf32>
    %swap3A_1263 = arith.constant 2560 : index
    %swap3A_1264 = arith.constant 0 : index
    %swap3A_1265 = vector.load %arg12[%swap3A_1263, %swap3A_1264] : memref<8192x128xf32, #tpu.memory_space<vmem>>, vector<128x128xf32>
    tpu.vector_store %arg12[%swap3A_1263, %swap3A_1264], %add3A_1262 {strides = array<i32>} : memref<8192x128xf32, #tpu.memory_space<vmem>>, vector<128x128xf32>,
    %get3A_1266 = arith.constant 5 : index
    %get3A_1267 = arith.constant 1 : index
    %get3A_1268 = arith.constant 0 : index
    %get3A_1269 = vector.load %arg3[%get3A_1266, %get3A_1267, %get3A_1268] : memref<16x4x128xf32, #tpu.memory_space<vmem>>, vector<1x1x128xf32>
    %get3A_1270 = vector.shape_cast %get3A_1269 : vector<1x1x128xf32> to vector<1x128xf32>
    %get3A_1271 = arith.constant 5 : index
    %get3A_1272 = arith.constant 1 : index
    %get3A_1273 = arith.constant 0 : index
    %get3A_1274 = vector.load %arg4[%get3A_1271, %get3A_1272, %get3A_1273] : memref<16x4x128xf32, #tpu.memory_space<vmem>>, vector<1x1x128xf32>
    %get3A_1275 = vector.shape_cast %get3A_1274 : vector<1x1x128xf32> to vector<1x128xf32>
    %mul3A_1276 = arith.constant 5.000000e-01 : f32
    %mul3A_1277 = vector.broadcast %mul3A_1276 : f32 to vector<1x128xf32>
    %mul3A_1278 = arith.mulf %mul3A_1277, %get3A_1275 : vector<1x128xf32>
    %exp3A_1279 = math.exp %mul3A_1278 : vector<1x128xf32>
    %get3A_1280 = arith.constant 0 : index
    %get3A_1281 = arith.constant 2688 : index
    %get3A_1282 = vector.load %arg6[%get3A_1280, %get3A_1281] : memref<1x8192xf32, #tpu.memory_space<vmem>>, vector<1x128xf32>
    %mul3A_1283 = arith.mulf %exp3A_1279, %get3A_1282 : vector<1x128xf32>
    %add3A_1284 = arith.addf %get3A_1270, %mul3A_1283 : vector<1x128xf32>
    %get3A_1285 = arith.constant 5 : index
    %get3A_1286 = arith.constant 16 : index
    %get3A_1287 = arith.constant 0 : index
    %get3A_1288 = vector.load %arg1[%get3A_1285, %get3A_1286, %get3A_1287] : memref<16x64x128xf32, #tpu.memory_space<vmem>>, vector<1x16x128xf32>
    %get3A_1289 = vector.shape_cast %get3A_1288 : vector<1x16x128xf32> to vector<16x128xf32>
    %get3A_1290 = arith.constant 5 : index
    %get3A_1291 = arith.constant 16 : index
    %get3A_1292 = arith.constant 0 : index
    %get3A_1293 = vector.load %arg2[%get3A_1290, %get3A_1291, %get3A_1292] : memref<16x64x128xf32, #tpu.memory_space<vmem>>, vector<1x16x128xf32>
    %get3A_1294 = vector.shape_cast %get3A_1293 : vector<1x16x128xf32> to vector<16x128xf32>
    %mul3A_1295 = arith.constant 5.000000e-01 : f32
    %mul3A_1296 = vector.broadcast %mul3A_1295 : f32 to vector<16x128xf32>
    %mul3A_1297 = arith.mulf %mul3A_1296, %get3A_1294 : vector<16x128xf32>
    %exp3A_1298 = math.exp %mul3A_1297 : vector<16x128xf32>
    %get3A_1299 = arith.constant 0 : index
    %get3A_1300 = arith.constant 2688 : index
    %get3A_1301 = vector.load %arg5[%get3A_1299, %get3A_1300] : memref<16x8192xf32, #tpu.memory_space<vmem>>, vector<16x128xf32>
    %mul3A_1302 = arith.mulf %exp3A_1298, %get3A_1301 : vector<16x128xf32>
    %add3A_1303 = arith.addf %get3A_1289, %mul3A_1302 : vector<16x128xf32>
    %add3A_1304 = vector.broadcast %add3A_1284 : vector<1x128xf32> to vector<16x128xf32>
    %add3A_1305 = arith.addf %add3A_1303, %add3A_1304 : vector<16x128xf32>
    %dot_general3A_1306 = arith.constant dense<0.000000e+00> : vector<128x128xf32>
    %dot_general3A_1307 = tpu.matmul %add3A_1305, %get3A_1, %dot_general3A_1306 {dimension_numbers = #tpu.dot_dimension_numbers<[0], [0], [1], [1], [0, 1, 1, 1], [], []>, transpose_lhs_hint = true} : vector<16x128xf32>, vector<16x128xf32>, vector<128x128xf32> -> vector<128x128xf32>
    %dot_general3A_1308 = arith.constant dense<0.000000e+00> : vector<128x128xf32>
    %dot_general3A_1309 = tpu.matmul %add3A_1305, %get3A_4, %dot_general3A_1308 {dimension_numbers = #tpu.dot_dimension_numbers<[0], [0], [1], [1], [0, 1, 1, 1], [], []>, transpose_lhs_hint = true} : vector<16x128xf32>, vector<16x128xf32>, vector<128x128xf32> -> vector<128x128xf32>
    %add3A_1310 = vector.broadcast %get3A_7 : vector<1x128xf32> to vector<128x128xf32>
    %add3A_1311 = arith.addf %dot_general3A_1307, %add3A_1310 : vector<128x128xf32>
    %add3A_1312 = vector.broadcast %get3A_10 : vector<1x128xf32> to vector<128x128xf32>
    %add3A_1313 = arith.addf %dot_general3A_1309, %add3A_1312 : vector<128x128xf32>
    %mul3A_1314 = arith.constant 5.000000e-01 : f32
    %mul3A_1315 = vector.broadcast %mul3A_1314 : f32 to vector<128x128xf32>
    %mul3A_1316 = arith.mulf %mul3A_1315, %add3A_1313 : vector<128x128xf32>
    %exp3A_1317 = math.exp %mul3A_1316 : vector<128x128xf32>
    %get3A_1318 = arith.constant 2688 : index
    %get3A_1319 = arith.constant 0 : index
    %get3A_1320 = vector.load %arg7[%get3A_1318, %get3A_1319] : memref<8192x128xf32, #tpu.memory_space<vmem>>, vector<128x128xf32>
    %mul3A_1321 = arith.mulf %exp3A_1317, %get3A_1320 : vector<128x128xf32>
    %add3A_1322 = arith.addf %add3A_1311, %mul3A_1321 : vector<128x128xf32>
    %swap3A_1323 = arith.constant 2688 : index
    %swap3A_1324 = arith.constant 0 : index
    %swap3A_1325 = vector.load %arg12[%swap3A_1323, %swap3A_1324] : memref<8192x128xf32, #tpu.memory_space<vmem>>, vector<128x128xf32>
    tpu.vector_store %arg12[%swap3A_1323, %swap3A_1324], %add3A_1322 {strides = array<i32>} : memref<8192x128xf32, #tpu.memory_space<vmem>>, vector<128x128xf32>,
    %get3A_1326 = arith.constant 5 : index
    %get3A_1327 = arith.constant 2 : index
    %get3A_1328 = arith.constant 0 : index
    %get3A_1329 = vector.load %arg3[%get3A_1326, %get3A_1327, %get3A_1328] : memref<16x4x128xf32, #tpu.memory_space<vmem>>, vector<1x1x128xf32>
    %get3A_1330 = vector.shape_cast %get3A_1329 : vector<1x1x128xf32> to vector<1x128xf32>
    %get3A_1331 = arith.constant 5 : index
    %get3A_1332 = arith.constant 2 : index
    %get3A_1333 = arith.constant 0 : index
    %get3A_1334 = vector.load %arg4[%get3A_1331, %get3A_1332, %get3A_1333] : memref<16x4x128xf32, #tpu.memory_space<vmem>>, vector<1x1x128xf32>
    %get3A_1335 = vector.shape_cast %get3A_1334 : vector<1x1x128xf32> to vector<1x128xf32>
    %mul3A_1336 = arith.constant 5.000000e-01 : f32
    %mul3A_1337 = vector.broadcast %mul3A_1336 : f32 to vector<1x128xf32>
    %mul3A_1338 = arith.mulf %mul3A_1337, %get3A_1335 : vector<1x128xf32>
    %exp3A_1339 = math.exp %mul3A_1338 : vector<1x128xf32>
    %get3A_1340 = arith.constant 0 : index
    %get3A_1341 = arith.constant 2816 : index
    %get3A_1342 = vector.load %arg6[%get3A_1340, %get3A_1341] : memref<1x8192xf32, #tpu.memory_space<vmem>>, vector<1x128xf32>
    %mul3A_1343 = arith.mulf %exp3A_1339, %get3A_1342 : vector<1x128xf32>
    %add3A_1344 = arith.addf %get3A_1330, %mul3A_1343 : vector<1x128xf32>
    %get3A_1345 = arith.constant 5 : index
    %get3A_1346 = arith.constant 32 : index
    %get3A_1347 = arith.constant 0 : index
    %get3A_1348 = vector.load %arg1[%get3A_1345, %get3A_1346, %get3A_1347] : memref<16x64x128xf32, #tpu.memory_space<vmem>>, vector<1x16x128xf32>
    %get3A_1349 = vector.shape_cast %get3A_1348 : vector<1x16x128xf32> to vector<16x128xf32>
    %get3A_1350 = arith.constant 5 : index
    %get3A_1351 = arith.constant 32 : index
    %get3A_1352 = arith.constant 0 : index
    %get3A_1353 = vector.load %arg2[%get3A_1350, %get3A_1351, %get3A_1352] : memref<16x64x128xf32, #tpu.memory_space<vmem>>, vector<1x16x128xf32>
    %get3A_1354 = vector.shape_cast %get3A_1353 : vector<1x16x128xf32> to vector<16x128xf32>
    %mul3A_1355 = arith.constant 5.000000e-01 : f32
    %mul3A_1356 = vector.broadcast %mul3A_1355 : f32 to vector<16x128xf32>
    %mul3A_1357 = arith.mulf %mul3A_1356, %get3A_1354 : vector<16x128xf32>
    %exp3A_1358 = math.exp %mul3A_1357 : vector<16x128xf32>
    %get3A_1359 = arith.constant 0 : index
    %get3A_1360 = arith.constant 2816 : index
    %get3A_1361 = vector.load %arg5[%get3A_1359, %get3A_1360] : memref<16x8192xf32, #tpu.memory_space<vmem>>, vector<16x128xf32>
    %mul3A_1362 = arith.mulf %exp3A_1358, %get3A_1361 : vector<16x128xf32>
    %add3A_1363 = arith.addf %get3A_1349, %mul3A_1362 : vector<16x128xf32>
    %add3A_1364 = vector.broadcast %add3A_1344 : vector<1x128xf32> to vector<16x128xf32>
    %add3A_1365 = arith.addf %add3A_1363, %add3A_1364 : vector<16x128xf32>
    %dot_general3A_1366 = arith.constant dense<0.000000e+00> : vector<128x128xf32>
    %dot_general3A_1367 = tpu.matmul %add3A_1365, %get3A_1, %dot_general3A_1366 {dimension_numbers = #tpu.dot_dimension_numbers<[0], [0], [1], [1], [0, 1, 1, 1], [], []>, transpose_lhs_hint = true} : vector<16x128xf32>, vector<16x128xf32>, vector<128x128xf32> -> vector<128x128xf32>
    %dot_general3A_1368 = arith.constant dense<0.000000e+00> : vector<128x128xf32>
    %dot_general3A_1369 = tpu.matmul %add3A_1365, %get3A_4, %dot_general3A_1368 {dimension_numbers = #tpu.dot_dimension_numbers<[0], [0], [1], [1], [0, 1, 1, 1], [], []>, transpose_lhs_hint = true} : vector<16x128xf32>, vector<16x128xf32>, vector<128x128xf32> -> vector<128x128xf32>
    %add3A_1370 = vector.broadcast %get3A_7 : vector<1x128xf32> to vector<128x128xf32>
    %add3A_1371 = arith.addf %dot_general3A_1367, %add3A_1370 : vector<128x128xf32>
    %add3A_1372 = vector.broadcast %get3A_10 : vector<1x128xf32> to vector<128x128xf32>
    %add3A_1373 = arith.addf %dot_general3A_1369, %add3A_1372 : vector<128x128xf32>
    %mul3A_1374 = arith.constant 5.000000e-01 : f32
    %mul3A_1375 = vector.broadcast %mul3A_1374 : f32 to vector<128x128xf32>
    %mul3A_1376 = arith.mulf %mul3A_1375, %add3A_1373 : vector<128x128xf32>
    %exp3A_1377 = math.exp %mul3A_1376 : vector<128x128xf32>
    %get3A_1378 = arith.constant 2816 : index
    %get3A_1379 = arith.constant 0 : index
    %get3A_1380 = vector.load %arg7[%get3A_1378, %get3A_1379] : memref<8192x128xf32, #tpu.memory_space<vmem>>, vector<128x128xf32>
    %mul3A_1381 = arith.mulf %exp3A_1377, %get3A_1380 : vector<128x128xf32>
    %add3A_1382 = arith.addf %add3A_1371, %mul3A_1381 : vector<128x128xf32>
    %swap3A_1383 = arith.constant 2816 : index
    %swap3A_1384 = arith.constant 0 : index
    %swap3A_1385 = vector.load %arg12[%swap3A_1383, %swap3A_1384] : memref<8192x128xf32, #tpu.memory_space<vmem>>, vector<128x128xf32>
    tpu.vector_store %arg12[%swap3A_1383, %swap3A_1384], %add3A_1382 {strides = array<i32>} : memref<8192x128xf32, #tpu.memory_space<vmem>>, vector<128x128xf32>,
    %get3A_1386 = arith.constant 5 : index
    %get3A_1387 = arith.constant 3 : index
    %get3A_1388 = arith.constant 0 : index
    %get3A_1389 = vector.load %arg3[%get3A_1386, %get3A_1387, %get3A_1388] : memref<16x4x128xf32, #tpu.memory_space<vmem>>, vector<1x1x128xf32>
    %get3A_1390 = vector.shape_cast %get3A_1389 : vector<1x1x128xf32> to vector<1x128xf32>
    %get3A_1391 = arith.constant 5 : index
    %get3A_1392 = arith.constant 3 : index
    %get3A_1393 = arith.constant 0 : index
    %get3A_1394 = vector.load %arg4[%get3A_1391, %get3A_1392, %get3A_1393] : memref<16x4x128xf32, #tpu.memory_space<vmem>>, vector<1x1x128xf32>
    %get3A_1395 = vector.shape_cast %get3A_1394 : vector<1x1x128xf32> to vector<1x128xf32>
    %mul3A_1396 = arith.constant 5.000000e-01 : f32
    %mul3A_1397 = vector.broadcast %mul3A_1396 : f32 to vector<1x128xf32>
    %mul3A_1398 = arith.mulf %mul3A_1397, %get3A_1395 : vector<1x128xf32>
    %exp3A_1399 = math.exp %mul3A_1398 : vector<1x128xf32>
    %get3A_1400 = arith.constant 0 : index
    %get3A_1401 = arith.constant 2944 : index
    %get3A_1402 = vector.load %arg6[%get3A_1400, %get3A_1401] : memref<1x8192xf32, #tpu.memory_space<vmem>>, vector<1x128xf32>
    %mul3A_1403 = arith.mulf %exp3A_1399, %get3A_1402 : vector<1x128xf32>
    %add3A_1404 = arith.addf %get3A_1390, %mul3A_1403 : vector<1x128xf32>
    %get3A_1405 = arith.constant 5 : index
    %get3A_1406 = arith.constant 48 : index
    %get3A_1407 = arith.constant 0 : index
    %get3A_1408 = vector.load %arg1[%get3A_1405, %get3A_1406, %get3A_1407] : memref<16x64x128xf32, #tpu.memory_space<vmem>>, vector<1x16x128xf32>
    %get3A_1409 = vector.shape_cast %get3A_1408 : vector<1x16x128xf32> to vector<16x128xf32>
    %get3A_1410 = arith.constant 5 : index
    %get3A_1411 = arith.constant 48 : index
    %get3A_1412 = arith.constant 0 : index
    %get3A_1413 = vector.load %arg2[%get3A_1410, %get3A_1411, %get3A_1412] : memref<16x64x128xf32, #tpu.memory_space<vmem>>, vector<1x16x128xf32>
    %get3A_1414 = vector.shape_cast %get3A_1413 : vector<1x16x128xf32> to vector<16x128xf32>
    %mul3A_1415 = arith.constant 5.000000e-01 : f32
    %mul3A_1416 = vector.broadcast %mul3A_1415 : f32 to vector<16x128xf32>
    %mul3A_1417 = arith.mulf %mul3A_1416, %get3A_1414 : vector<16x128xf32>
    %exp3A_1418 = math.exp %mul3A_1417 : vector<16x128xf32>
    %get3A_1419 = arith.constant 0 : index
    %get3A_1420 = arith.constant 2944 : index
    %get3A_1421 = vector.load %arg5[%get3A_1419, %get3A_1420] : memref<16x8192xf32, #tpu.memory_space<vmem>>, vector<16x128xf32>
    %mul3A_1422 = arith.mulf %exp3A_1418, %get3A_1421 : vector<16x128xf32>
    %add3A_1423 = arith.addf %get3A_1409, %mul3A_1422 : vector<16x128xf32>
    %add3A_1424 = vector.broadcast %add3A_1404 : vector<1x128xf32> to vector<16x128xf32>
    %add3A_1425 = arith.addf %add3A_1423, %add3A_1424 : vector<16x128xf32>
    %dot_general3A_1426 = arith.constant dense<0.000000e+00> : vector<128x128xf32>
    %dot_general3A_1427 = tpu.matmul %add3A_1425, %get3A_1, %dot_general3A_1426 {dimension_numbers = #tpu.dot_dimension_numbers<[0], [0], [1], [1], [0, 1, 1, 1], [], []>, transpose_lhs_hint = true} : vector<16x128xf32>, vector<16x128xf32>, vector<128x128xf32> -> vector<128x128xf32>
    %dot_general3A_1428 = arith.constant dense<0.000000e+00> : vector<128x128xf32>
    %dot_general3A_1429 = tpu.matmul %add3A_1425, %get3A_4, %dot_general3A_1428 {dimension_numbers = #tpu.dot_dimension_numbers<[0], [0], [1], [1], [0, 1, 1, 1], [], []>, transpose_lhs_hint = true} : vector<16x128xf32>, vector<16x128xf32>, vector<128x128xf32> -> vector<128x128xf32>
    %add3A_1430 = vector.broadcast %get3A_7 : vector<1x128xf32> to vector<128x128xf32>
    %add3A_1431 = arith.addf %dot_general3A_1427, %add3A_1430 : vector<128x128xf32>
    %add3A_1432 = vector.broadcast %get3A_10 : vector<1x128xf32> to vector<128x128xf32>
    %add3A_1433 = arith.addf %dot_general3A_1429, %add3A_1432 : vector<128x128xf32>
    %mul3A_1434 = arith.constant 5.000000e-01 : f32
    %mul3A_1435 = vector.broadcast %mul3A_1434 : f32 to vector<128x128xf32>
    %mul3A_1436 = arith.mulf %mul3A_1435, %add3A_1433 : vector<128x128xf32>
    %exp3A_1437 = math.exp %mul3A_1436 : vector<128x128xf32>
    %get3A_1438 = arith.constant 2944 : index
    %get3A_1439 = arith.constant 0 : index
    %get3A_1440 = vector.load %arg7[%get3A_1438, %get3A_1439] : memref<8192x128xf32, #tpu.memory_space<vmem>>, vector<128x128xf32>
    %mul3A_1441 = arith.mulf %exp3A_1437, %get3A_1440 : vector<128x128xf32>
    %add3A_1442 = arith.addf %add3A_1431, %mul3A_1441 : vector<128x128xf32>
    %swap3A_1443 = arith.constant 2944 : index
    %swap3A_1444 = arith.constant 0 : index
    %swap3A_1445 = vector.load %arg12[%swap3A_1443, %swap3A_1444] : memref<8192x128xf32, #tpu.memory_space<vmem>>, vector<128x128xf32>
    tpu.vector_store %arg12[%swap3A_1443, %swap3A_1444], %add3A_1442 {strides = array<i32>} : memref<8192x128xf32, #tpu.memory_space<vmem>>, vector<128x128xf32>,
    %get3A_1446 = arith.constant 6 : index
    %get3A_1447 = arith.constant 0 : index
    %get3A_1448 = arith.constant 0 : index
    %get3A_1449 = vector.load %arg3[%get3A_1446, %get3A_1447, %get3A_1448] : memref<16x4x128xf32, #tpu.memory_space<vmem>>, vector<1x1x128xf32>
    %get3A_1450 = vector.shape_cast %get3A_1449 : vector<1x1x128xf32> to vector<1x128xf32>
    %get3A_1451 = arith.constant 6 : index
    %get3A_1452 = arith.constant 0 : index
    %get3A_1453 = arith.constant 0 : index
    %get3A_1454 = vector.load %arg4[%get3A_1451, %get3A_1452, %get3A_1453] : memref<16x4x128xf32, #tpu.memory_space<vmem>>, vector<1x1x128xf32>
    %get3A_1455 = vector.shape_cast %get3A_1454 : vector<1x1x128xf32> to vector<1x128xf32>
    %mul3A_1456 = arith.constant 5.000000e-01 : f32
    %mul3A_1457 = vector.broadcast %mul3A_1456 : f32 to vector<1x128xf32>
    %mul3A_1458 = arith.mulf %mul3A_1457, %get3A_1455 : vector<1x128xf32>
    %exp3A_1459 = math.exp %mul3A_1458 : vector<1x128xf32>
    %get3A_1460 = arith.constant 0 : index
    %get3A_1461 = arith.constant 3072 : index
    %get3A_1462 = vector.load %arg6[%get3A_1460, %get3A_1461] : memref<1x8192xf32, #tpu.memory_space<vmem>>, vector<1x128xf32>
    %mul3A_1463 = arith.mulf %exp3A_1459, %get3A_1462 : vector<1x128xf32>
    %add3A_1464 = arith.addf %get3A_1450, %mul3A_1463 : vector<1x128xf32>
    %get3A_1465 = arith.constant 6 : index
    %get3A_1466 = arith.constant 0 : index
    %get3A_1467 = arith.constant 0 : index
    %get3A_1468 = vector.load %arg1[%get3A_1465, %get3A_1466, %get3A_1467] : memref<16x64x128xf32, #tpu.memory_space<vmem>>, vector<1x16x128xf32>
    %get3A_1469 = vector.shape_cast %get3A_1468 : vector<1x16x128xf32> to vector<16x128xf32>
    %get3A_1470 = arith.constant 6 : index
    %get3A_1471 = arith.constant 0 : index
    %get3A_1472 = arith.constant 0 : index
    %get3A_1473 = vector.load %arg2[%get3A_1470, %get3A_1471, %get3A_1472] : memref<16x64x128xf32, #tpu.memory_space<vmem>>, vector<1x16x128xf32>
    %get3A_1474 = vector.shape_cast %get3A_1473 : vector<1x16x128xf32> to vector<16x128xf32>
    %mul3A_1475 = arith.constant 5.000000e-01 : f32
    %mul3A_1476 = vector.broadcast %mul3A_1475 : f32 to vector<16x128xf32>
    %mul3A_1477 = arith.mulf %mul3A_1476, %get3A_1474 : vector<16x128xf32>
    %exp3A_1478 = math.exp %mul3A_1477 : vector<16x128xf32>
    %get3A_1479 = arith.constant 0 : index
    %get3A_1480 = arith.constant 3072 : index
    %get3A_1481 = vector.load %arg5[%get3A_1479, %get3A_1480] : memref<16x8192xf32, #tpu.memory_space<vmem>>, vector<16x128xf32>
    %mul3A_1482 = arith.mulf %exp3A_1478, %get3A_1481 : vector<16x128xf32>
    %add3A_1483 = arith.addf %get3A_1469, %mul3A_1482 : vector<16x128xf32>
    %add3A_1484 = vector.broadcast %add3A_1464 : vector<1x128xf32> to vector<16x128xf32>
    %add3A_1485 = arith.addf %add3A_1483, %add3A_1484 : vector<16x128xf32>
    %dot_general3A_1486 = arith.constant dense<0.000000e+00> : vector<128x128xf32>
    %dot_general3A_1487 = tpu.matmul %add3A_1485, %get3A_1, %dot_general3A_1486 {dimension_numbers = #tpu.dot_dimension_numbers<[0], [0], [1], [1], [0, 1, 1, 1], [], []>, transpose_lhs_hint = true} : vector<16x128xf32>, vector<16x128xf32>, vector<128x128xf32> -> vector<128x128xf32>
    %dot_general3A_1488 = arith.constant dense<0.000000e+00> : vector<128x128xf32>
    %dot_general3A_1489 = tpu.matmul %add3A_1485, %get3A_4, %dot_general3A_1488 {dimension_numbers = #tpu.dot_dimension_numbers<[0], [0], [1], [1], [0, 1, 1, 1], [], []>, transpose_lhs_hint = true} : vector<16x128xf32>, vector<16x128xf32>, vector<128x128xf32> -> vector<128x128xf32>
    %add3A_1490 = vector.broadcast %get3A_7 : vector<1x128xf32> to vector<128x128xf32>
    %add3A_1491 = arith.addf %dot_general3A_1487, %add3A_1490 : vector<128x128xf32>
    %add3A_1492 = vector.broadcast %get3A_10 : vector<1x128xf32> to vector<128x128xf32>
    %add3A_1493 = arith.addf %dot_general3A_1489, %add3A_1492 : vector<128x128xf32>
    %mul3A_1494 = arith.constant 5.000000e-01 : f32
    %mul3A_1495 = vector.broadcast %mul3A_1494 : f32 to vector<128x128xf32>
    %mul3A_1496 = arith.mulf %mul3A_1495, %add3A_1493 : vector<128x128xf32>
    %exp3A_1497 = math.exp %mul3A_1496 : vector<128x128xf32>
    %get3A_1498 = arith.constant 3072 : index
    %get3A_1499 = arith.constant 0 : index
    %get3A_1500 = vector.load %arg7[%get3A_1498, %get3A_1499] : memref<8192x128xf32, #tpu.memory_space<vmem>>, vector<128x128xf32>
    %mul3A_1501 = arith.mulf %exp3A_1497, %get3A_1500 : vector<128x128xf32>
    %add3A_1502 = arith.addf %add3A_1491, %mul3A_1501 : vector<128x128xf32>
    %swap3A_1503 = arith.constant 3072 : index
    %swap3A_1504 = arith.constant 0 : index
    %swap3A_1505 = vector.load %arg12[%swap3A_1503, %swap3A_1504] : memref<8192x128xf32, #tpu.memory_space<vmem>>, vector<128x128xf32>
    tpu.vector_store %arg12[%swap3A_1503, %swap3A_1504], %add3A_1502 {strides = array<i32>} : memref<8192x128xf32, #tpu.memory_space<vmem>>, vector<128x128xf32>,
    %get3A_1506 = arith.constant 6 : index
    %get3A_1507 = arith.constant 1 : index
    %get3A_1508 = arith.constant 0 : index
    %get3A_1509 = vector.load %arg3[%get3A_1506, %get3A_1507, %get3A_1508] : memref<16x4x128xf32, #tpu.memory_space<vmem>>, vector<1x1x128xf32>
    %get3A_1510 = vector.shape_cast %get3A_1509 : vector<1x1x128xf32> to vector<1x128xf32>
    %get3A_1511 = arith.constant 6 : index
    %get3A_1512 = arith.constant 1 : index
    %get3A_1513 = arith.constant 0 : index
    %get3A_1514 = vector.load %arg4[%get3A_1511, %get3A_1512, %get3A_1513] : memref<16x4x128xf32, #tpu.memory_space<vmem>>, vector<1x1x128xf32>
    %get3A_1515 = vector.shape_cast %get3A_1514 : vector<1x1x128xf32> to vector<1x128xf32>
    %mul3A_1516 = arith.constant 5.000000e-01 : f32
    %mul3A_1517 = vector.broadcast %mul3A_1516 : f32 to vector<1x128xf32>
    %mul3A_1518 = arith.mulf %mul3A_1517, %get3A_1515 : vector<1x128xf32>
    %exp3A_1519 = math.exp %mul3A_1518 : vector<1x128xf32>
    %get3A_1520 = arith.constant 0 : index
    %get3A_1521 = arith.constant 3200 : index
    %get3A_1522 = vector.load %arg6[%get3A_1520, %get3A_1521] : memref<1x8192xf32, #tpu.memory_space<vmem>>, vector<1x128xf32>
    %mul3A_1523 = arith.mulf %exp3A_1519, %get3A_1522 : vector<1x128xf32>
    %add3A_1524 = arith.addf %get3A_1510, %mul3A_1523 : vector<1x128xf32>
    %get3A_1525 = arith.constant 6 : index
    %get3A_1526 = arith.constant 16 : index
    %get3A_1527 = arith.constant 0 : index
    %get3A_1528 = vector.load %arg1[%get3A_1525, %get3A_1526, %get3A_1527] : memref<16x64x128xf32, #tpu.memory_space<vmem>>, vector<1x16x128xf32>
    %get3A_1529 = vector.shape_cast %get3A_1528 : vector<1x16x128xf32> to vector<16x128xf32>
    %get3A_1530 = arith.constant 6 : index
    %get3A_1531 = arith.constant 16 : index
    %get3A_1532 = arith.constant 0 : index
    %get3A_1533 = vector.load %arg2[%get3A_1530, %get3A_1531, %get3A_1532] : memref<16x64x128xf32, #tpu.memory_space<vmem>>, vector<1x16x128xf32>
    %get3A_1534 = vector.shape_cast %get3A_1533 : vector<1x16x128xf32> to vector<16x128xf32>
    %mul3A_1535 = arith.constant 5.000000e-01 : f32
    %mul3A_1536 = vector.broadcast %mul3A_1535 : f32 to vector<16x128xf32>
    %mul3A_1537 = arith.mulf %mul3A_1536, %get3A_1534 : vector<16x128xf32>
    %exp3A_1538 = math.exp %mul3A_1537 : vector<16x128xf32>
    %get3A_1539 = arith.constant 0 : index
    %get3A_1540 = arith.constant 3200 : index
    %get3A_1541 = vector.load %arg5[%get3A_1539, %get3A_1540] : memref<16x8192xf32, #tpu.memory_space<vmem>>, vector<16x128xf32>
    %mul3A_1542 = arith.mulf %exp3A_1538, %get3A_1541 : vector<16x128xf32>
    %add3A_1543 = arith.addf %get3A_1529, %mul3A_1542 : vector<16x128xf32>
    %add3A_1544 = vector.broadcast %add3A_1524 : vector<1x128xf32> to vector<16x128xf32>
    %add3A_1545 = arith.addf %add3A_1543, %add3A_1544 : vector<16x128xf32>
    %dot_general3A_1546 = arith.constant dense<0.000000e+00> : vector<128x128xf32>
    %dot_general3A_1547 = tpu.matmul %add3A_1545, %get3A_1, %dot_general3A_1546 {dimension_numbers = #tpu.dot_dimension_numbers<[0], [0], [1], [1], [0, 1, 1, 1], [], []>, transpose_lhs_hint = true} : vector<16x128xf32>, vector<16x128xf32>, vector<128x128xf32> -> vector<128x128xf32>
    %dot_general3A_1548 = arith.constant dense<0.000000e+00> : vector<128x128xf32>
    %dot_general3A_1549 = tpu.matmul %add3A_1545, %get3A_4, %dot_general3A_1548 {dimension_numbers = #tpu.dot_dimension_numbers<[0], [0], [1], [1], [0, 1, 1, 1], [], []>, transpose_lhs_hint = true} : vector<16x128xf32>, vector<16x128xf32>, vector<128x128xf32> -> vector<128x128xf32>
    %add3A_1550 = vector.broadcast %get3A_7 : vector<1x128xf32> to vector<128x128xf32>
    %add3A_1551 = arith.addf %dot_general3A_1547, %add3A_1550 : vector<128x128xf32>
    %add3A_1552 = vector.broadcast %get3A_10 : vector<1x128xf32> to vector<128x128xf32>
    %add3A_1553 = arith.addf %dot_general3A_1549, %add3A_1552 : vector<128x128xf32>
    %mul3A_1554 = arith.constant 5.000000e-01 : f32
    %mul3A_1555 = vector.broadcast %mul3A_1554 : f32 to vector<128x128xf32>
    %mul3A_1556 = arith.mulf %mul3A_1555, %add3A_1553 : vector<128x128xf32>
    %exp3A_1557 = math.exp %mul3A_1556 : vector<128x128xf32>
    %get3A_1558 = arith.constant 3200 : index
    %get3A_1559 = arith.constant 0 : index
    %get3A_1560 = vector.load %arg7[%get3A_1558, %get3A_1559] : memref<8192x128xf32, #tpu.memory_space<vmem>>, vector<128x128xf32>
    %mul3A_1561 = arith.mulf %exp3A_1557, %get3A_1560 : vector<128x128xf32>
    %add3A_1562 = arith.addf %add3A_1551, %mul3A_1561 : vector<128x128xf32>
    %swap3A_1563 = arith.constant 3200 : index
    %swap3A_1564 = arith.constant 0 : index
    %swap3A_1565 = vector.load %arg12[%swap3A_1563, %swap3A_1564] : memref<8192x128xf32, #tpu.memory_space<vmem>>, vector<128x128xf32>
    tpu.vector_store %arg12[%swap3A_1563, %swap3A_1564], %add3A_1562 {strides = array<i32>} : memref<8192x128xf32, #tpu.memory_space<vmem>>, vector<128x128xf32>,
    %get3A_1566 = arith.constant 6 : index
    %get3A_1567 = arith.constant 2 : index
    %get3A_1568 = arith.constant 0 : index
    %get3A_1569 = vector.load %arg3[%get3A_1566, %get3A_1567, %get3A_1568] : memref<16x4x128xf32, #tpu.memory_space<vmem>>, vector<1x1x128xf32>
    %get3A_1570 = vector.shape_cast %get3A_1569 : vector<1x1x128xf32> to vector<1x128xf32>
    %get3A_1571 = arith.constant 6 : index
    %get3A_1572 = arith.constant 2 : index
    %get3A_1573 = arith.constant 0 : index
    %get3A_1574 = vector.load %arg4[%get3A_1571, %get3A_1572, %get3A_1573] : memref<16x4x128xf32, #tpu.memory_space<vmem>>, vector<1x1x128xf32>
    %get3A_1575 = vector.shape_cast %get3A_1574 : vector<1x1x128xf32> to vector<1x128xf32>
    %mul3A_1576 = arith.constant 5.000000e-01 : f32
    %mul3A_1577 = vector.broadcast %mul3A_1576 : f32 to vector<1x128xf32>
    %mul3A_1578 = arith.mulf %mul3A_1577, %get3A_1575 : vector<1x128xf32>
    %exp3A_1579 = math.exp %mul3A_1578 : vector<1x128xf32>
    %get3A_1580 = arith.constant 0 : index
    %get3A_1581 = arith.constant 3328 : index
    %get3A_1582 = vector.load %arg6[%get3A_1580, %get3A_1581] : memref<1x8192xf32, #tpu.memory_space<vmem>>, vector<1x128xf32>
    %mul3A_1583 = arith.mulf %exp3A_1579, %get3A_1582 : vector<1x128xf32>
    %add3A_1584 = arith.addf %get3A_1570, %mul3A_1583 : vector<1x128xf32>
    %get3A_1585 = arith.constant 6 : index
    %get3A_1586 = arith.constant 32 : index
    %get3A_1587 = arith.constant 0 : index
    %get3A_1588 = vector.load %arg1[%get3A_1585, %get3A_1586, %get3A_1587] : memref<16x64x128xf32, #tpu.memory_space<vmem>>, vector<1x16x128xf32>
    %get3A_1589 = vector.shape_cast %get3A_1588 : vector<1x16x128xf32> to vector<16x128xf32>
    %get3A_1590 = arith.constant 6 : index
    %get3A_1591 = arith.constant 32 : index
    %get3A_1592 = arith.constant 0 : index
    %get3A_1593 = vector.load %arg2[%get3A_1590, %get3A_1591, %get3A_1592] : memref<16x64x128xf32, #tpu.memory_space<vmem>>, vector<1x16x128xf32>
    %get3A_1594 = vector.shape_cast %get3A_1593 : vector<1x16x128xf32> to vector<16x128xf32>
    %mul3A_1595 = arith.constant 5.000000e-01 : f32
    %mul3A_1596 = vector.broadcast %mul3A_1595 : f32 to vector<16x128xf32>
    %mul3A_1597 = arith.mulf %mul3A_1596, %get3A_1594 : vector<16x128xf32>
    %exp3A_1598 = math.exp %mul3A_1597 : vector<16x128xf32>
    %get3A_1599 = arith.constant 0 : index
    %get3A_1600 = arith.constant 3328 : index
    %get3A_1601 = vector.load %arg5[%get3A_1599, %get3A_1600] : memref<16x8192xf32, #tpu.memory_space<vmem>>, vector<16x128xf32>
    %mul3A_1602 = arith.mulf %exp3A_1598, %get3A_1601 : vector<16x128xf32>
    %add3A_1603 = arith.addf %get3A_1589, %mul3A_1602 : vector<16x128xf32>
    %add3A_1604 = vector.broadcast %add3A_1584 : vector<1x128xf32> to vector<16x128xf32>
    %add3A_1605 = arith.addf %add3A_1603, %add3A_1604 : vector<16x128xf32>
    %dot_general3A_1606 = arith.constant dense<0.000000e+00> : vector<128x128xf32>
    %dot_general3A_1607 = tpu.matmul %add3A_1605, %get3A_1, %dot_general3A_1606 {dimension_numbers = #tpu.dot_dimension_numbers<[0], [0], [1], [1], [0, 1, 1, 1], [], []>, transpose_lhs_hint = true} : vector<16x128xf32>, vector<16x128xf32>, vector<128x128xf32> -> vector<128x128xf32>
    %dot_general3A_1608 = arith.constant dense<0.000000e+00> : vector<128x128xf32>
    %dot_general3A_1609 = tpu.matmul %add3A_1605, %get3A_4, %dot_general3A_1608 {dimension_numbers = #tpu.dot_dimension_numbers<[0], [0], [1], [1], [0, 1, 1, 1], [], []>, transpose_lhs_hint = true} : vector<16x128xf32>, vector<16x128xf32>, vector<128x128xf32> -> vector<128x128xf32>
    %add3A_1610 = vector.broadcast %get3A_7 : vector<1x128xf32> to vector<128x128xf32>
    %add3A_1611 = arith.addf %dot_general3A_1607, %add3A_1610 : vector<128x128xf32>
    %add3A_1612 = vector.broadcast %get3A_10 : vector<1x128xf32> to vector<128x128xf32>
    %add3A_1613 = arith.addf %dot_general3A_1609, %add3A_1612 : vector<128x128xf32>
    %mul3A_1614 = arith.constant 5.000000e-01 : f32
    %mul3A_1615 = vector.broadcast %mul3A_1614 : f32 to vector<128x128xf32>
    %mul3A_1616 = arith.mulf %mul3A_1615, %add3A_1613 : vector<128x128xf32>
    %exp3A_1617 = math.exp %mul3A_1616 : vector<128x128xf32>
    %get3A_1618 = arith.constant 3328 : index
    %get3A_1619 = arith.constant 0 : index
    %get3A_1620 = vector.load %arg7[%get3A_1618, %get3A_1619] : memref<8192x128xf32, #tpu.memory_space<vmem>>, vector<128x128xf32>
    %mul3A_1621 = arith.mulf %exp3A_1617, %get3A_1620 : vector<128x128xf32>
    %add3A_1622 = arith.addf %add3A_1611, %mul3A_1621 : vector<128x128xf32>
    %swap3A_1623 = arith.constant 3328 : index
    %swap3A_1624 = arith.constant 0 : index
    %swap3A_1625 = vector.load %arg12[%swap3A_1623, %swap3A_1624] : memref<8192x128xf32, #tpu.memory_space<vmem>>, vector<128x128xf32>
    tpu.vector_store %arg12[%swap3A_1623, %swap3A_1624], %add3A_1622 {strides = array<i32>} : memref<8192x128xf32, #tpu.memory_space<vmem>>, vector<128x128xf32>,
    %get3A_1626 = arith.constant 6 : index
    %get3A_1627 = arith.constant 3 : index
    %get3A_1628 = arith.constant 0 : index
    %get3A_1629 = vector.load %arg3[%get3A_1626, %get3A_1627, %get3A_1628] : memref<16x4x128xf32, #tpu.memory_space<vmem>>, vector<1x1x128xf32>
    %get3A_1630 = vector.shape_cast %get3A_1629 : vector<1x1x128xf32> to vector<1x128xf32>
    %get3A_1631 = arith.constant 6 : index
    %get3A_1632 = arith.constant 3 : index
    %get3A_1633 = arith.constant 0 : index
    %get3A_1634 = vector.load %arg4[%get3A_1631, %get3A_1632, %get3A_1633] : memref<16x4x128xf32, #tpu.memory_space<vmem>>, vector<1x1x128xf32>
    %get3A_1635 = vector.shape_cast %get3A_1634 : vector<1x1x128xf32> to vector<1x128xf32>
    %mul3A_1636 = arith.constant 5.000000e-01 : f32
    %mul3A_1637 = vector.broadcast %mul3A_1636 : f32 to vector<1x128xf32>
    %mul3A_1638 = arith.mulf %mul3A_1637, %get3A_1635 : vector<1x128xf32>
    %exp3A_1639 = math.exp %mul3A_1638 : vector<1x128xf32>
    %get3A_1640 = arith.constant 0 : index
    %get3A_1641 = arith.constant 3456 : index
    %get3A_1642 = vector.load %arg6[%get3A_1640, %get3A_1641] : memref<1x8192xf32, #tpu.memory_space<vmem>>, vector<1x128xf32>
    %mul3A_1643 = arith.mulf %exp3A_1639, %get3A_1642 : vector<1x128xf32>
    %add3A_1644 = arith.addf %get3A_1630, %mul3A_1643 : vector<1x128xf32>
    %get3A_1645 = arith.constant 6 : index
    %get3A_1646 = arith.constant 48 : index
    %get3A_1647 = arith.constant 0 : index
    %get3A_1648 = vector.load %arg1[%get3A_1645, %get3A_1646, %get3A_1647] : memref<16x64x128xf32, #tpu.memory_space<vmem>>, vector<1x16x128xf32>
    %get3A_1649 = vector.shape_cast %get3A_1648 : vector<1x16x128xf32> to vector<16x128xf32>
    %get3A_1650 = arith.constant 6 : index
    %get3A_1651 = arith.constant 48 : index
    %get3A_1652 = arith.constant 0 : index
    %get3A_1653 = vector.load %arg2[%get3A_1650, %get3A_1651, %get3A_1652] : memref<16x64x128xf32, #tpu.memory_space<vmem>>, vector<1x16x128xf32>
    %get3A_1654 = vector.shape_cast %get3A_1653 : vector<1x16x128xf32> to vector<16x128xf32>
    %mul3A_1655 = arith.constant 5.000000e-01 : f32
    %mul3A_1656 = vector.broadcast %mul3A_1655 : f32 to vector<16x128xf32>
    %mul3A_1657 = arith.mulf %mul3A_1656, %get3A_1654 : vector<16x128xf32>
    %exp3A_1658 = math.exp %mul3A_1657 : vector<16x128xf32>
    %get3A_1659 = arith.constant 0 : index
    %get3A_1660 = arith.constant 3456 : index
    %get3A_1661 = vector.load %arg5[%get3A_1659, %get3A_1660] : memref<16x8192xf32, #tpu.memory_space<vmem>>, vector<16x128xf32>
    %mul3A_1662 = arith.mulf %exp3A_1658, %get3A_1661 : vector<16x128xf32>
    %add3A_1663 = arith.addf %get3A_1649, %mul3A_1662 : vector<16x128xf32>
    %add3A_1664 = vector.broadcast %add3A_1644 : vector<1x128xf32> to vector<16x128xf32>
    %add3A_1665 = arith.addf %add3A_1663, %add3A_1664 : vector<16x128xf32>
    %dot_general3A_1666 = arith.constant dense<0.000000e+00> : vector<128x128xf32>
    %dot_general3A_1667 = tpu.matmul %add3A_1665, %get3A_1, %dot_general3A_1666 {dimension_numbers = #tpu.dot_dimension_numbers<[0], [0], [1], [1], [0, 1, 1, 1], [], []>, transpose_lhs_hint = true} : vector<16x128xf32>, vector<16x128xf32>, vector<128x128xf32> -> vector<128x128xf32>
    %dot_general3A_1668 = arith.constant dense<0.000000e+00> : vector<128x128xf32>
    %dot_general3A_1669 = tpu.matmul %add3A_1665, %get3A_4, %dot_general3A_1668 {dimension_numbers = #tpu.dot_dimension_numbers<[0], [0], [1], [1], [0, 1, 1, 1], [], []>, transpose_lhs_hint = true} : vector<16x128xf32>, vector<16x128xf32>, vector<128x128xf32> -> vector<128x128xf32>
    %add3A_1670 = vector.broadcast %get3A_7 : vector<1x128xf32> to vector<128x128xf32>
    %add3A_1671 = arith.addf %dot_general3A_1667, %add3A_1670 : vector<128x128xf32>
    %add3A_1672 = vector.broadcast %get3A_10 : vector<1x128xf32> to vector<128x128xf32>
    %add3A_1673 = arith.addf %dot_general3A_1669, %add3A_1672 : vector<128x128xf32>
    %mul3A_1674 = arith.constant 5.000000e-01 : f32
    %mul3A_1675 = vector.broadcast %mul3A_1674 : f32 to vector<128x128xf32>
    %mul3A_1676 = arith.mulf %mul3A_1675, %add3A_1673 : vector<128x128xf32>
    %exp3A_1677 = math.exp %mul3A_1676 : vector<128x128xf32>
    %get3A_1678 = arith.constant 3456 : index
    %get3A_1679 = arith.constant 0 : index
    %get3A_1680 = vector.load %arg7[%get3A_1678, %get3A_1679] : memref<8192x128xf32, #tpu.memory_space<vmem>>, vector<128x128xf32>
    %mul3A_1681 = arith.mulf %exp3A_1677, %get3A_1680 : vector<128x128xf32>
    %add3A_1682 = arith.addf %add3A_1671, %mul3A_1681 : vector<128x128xf32>
    %swap3A_1683 = arith.constant 3456 : index
    %swap3A_1684 = arith.constant 0 : index
    %swap3A_1685 = vector.load %arg12[%swap3A_1683, %swap3A_1684] : memref<8192x128xf32, #tpu.memory_space<vmem>>, vector<128x128xf32>
    tpu.vector_store %arg12[%swap3A_1683, %swap3A_1684], %add3A_1682 {strides = array<i32>} : memref<8192x128xf32, #tpu.memory_space<vmem>>, vector<128x128xf32>,
    %get3A_1686 = arith.constant 7 : index
    %get3A_1687 = arith.constant 0 : index
    %get3A_1688 = arith.constant 0 : index
    %get3A_1689 = vector.load %arg3[%get3A_1686, %get3A_1687, %get3A_1688] : memref<16x4x128xf32, #tpu.memory_space<vmem>>, vector<1x1x128xf32>
    %get3A_1690 = vector.shape_cast %get3A_1689 : vector<1x1x128xf32> to vector<1x128xf32>
    %get3A_1691 = arith.constant 7 : index
    %get3A_1692 = arith.constant 0 : index
    %get3A_1693 = arith.constant 0 : index
    %get3A_1694 = vector.load %arg4[%get3A_1691, %get3A_1692, %get3A_1693] : memref<16x4x128xf32, #tpu.memory_space<vmem>>, vector<1x1x128xf32>
    %get3A_1695 = vector.shape_cast %get3A_1694 : vector<1x1x128xf32> to vector<1x128xf32>
    %mul3A_1696 = arith.constant 5.000000e-01 : f32
    %mul3A_1697 = vector.broadcast %mul3A_1696 : f32 to vector<1x128xf32>
    %mul3A_1698 = arith.mulf %mul3A_1697, %get3A_1695 : vector<1x128xf32>
    %exp3A_1699 = math.exp %mul3A_1698 : vector<1x128xf32>
    %get3A_1700 = arith.constant 0 : index
    %get3A_1701 = arith.constant 3584 : index
    %get3A_1702 = vector.load %arg6[%get3A_1700, %get3A_1701] : memref<1x8192xf32, #tpu.memory_space<vmem>>, vector<1x128xf32>
    %mul3A_1703 = arith.mulf %exp3A_1699, %get3A_1702 : vector<1x128xf32>
    %add3A_1704 = arith.addf %get3A_1690, %mul3A_1703 : vector<1x128xf32>
    %get3A_1705 = arith.constant 7 : index
    %get3A_1706 = arith.constant 0 : index
    %get3A_1707 = arith.constant 0 : index
    %get3A_1708 = vector.load %arg1[%get3A_1705, %get3A_1706, %get3A_1707] : memref<16x64x128xf32, #tpu.memory_space<vmem>>, vector<1x16x128xf32>
    %get3A_1709 = vector.shape_cast %get3A_1708 : vector<1x16x128xf32> to vector<16x128xf32>
    %get3A_1710 = arith.constant 7 : index
    %get3A_1711 = arith.constant 0 : index
    %get3A_1712 = arith.constant 0 : index
    %get3A_1713 = vector.load %arg2[%get3A_1710, %get3A_1711, %get3A_1712] : memref<16x64x128xf32, #tpu.memory_space<vmem>>, vector<1x16x128xf32>
    %get3A_1714 = vector.shape_cast %get3A_1713 : vector<1x16x128xf32> to vector<16x128xf32>
    %mul3A_1715 = arith.constant 5.000000e-01 : f32
    %mul3A_1716 = vector.broadcast %mul3A_1715 : f32 to vector<16x128xf32>
    %mul3A_1717 = arith.mulf %mul3A_1716, %get3A_1714 : vector<16x128xf32>
    %exp3A_1718 = math.exp %mul3A_1717 : vector<16x128xf32>
    %get3A_1719 = arith.constant 0 : index
    %get3A_1720 = arith.constant 3584 : index
    %get3A_1721 = vector.load %arg5[%get3A_1719, %get3A_1720] : memref<16x8192xf32, #tpu.memory_space<vmem>>, vector<16x128xf32>
    %mul3A_1722 = arith.mulf %exp3A_1718, %get3A_1721 : vector<16x128xf32>
    %add3A_1723 = arith.addf %get3A_1709, %mul3A_1722 : vector<16x128xf32>
    %add3A_1724 = vector.broadcast %add3A_1704 : vector<1x128xf32> to vector<16x128xf32>
    %add3A_1725 = arith.addf %add3A_1723, %add3A_1724 : vector<16x128xf32>
    %dot_general3A_1726 = arith.constant dense<0.000000e+00> : vector<128x128xf32>
    %dot_general3A_1727 = tpu.matmul %add3A_1725, %get3A_1, %dot_general3A_1726 {dimension_numbers = #tpu.dot_dimension_numbers<[0], [0], [1], [1], [0, 1, 1, 1], [], []>, transpose_lhs_hint = true} : vector<16x128xf32>, vector<16x128xf32>, vector<128x128xf32> -> vector<128x128xf32>
    %dot_general3A_1728 = arith.constant dense<0.000000e+00> : vector<128x128xf32>
    %dot_general3A_1729 = tpu.matmul %add3A_1725, %get3A_4, %dot_general3A_1728 {dimension_numbers = #tpu.dot_dimension_numbers<[0], [0], [1], [1], [0, 1, 1, 1], [], []>, transpose_lhs_hint = true} : vector<16x128xf32>, vector<16x128xf32>, vector<128x128xf32> -> vector<128x128xf32>
    %add3A_1730 = vector.broadcast %get3A_7 : vector<1x128xf32> to vector<128x128xf32>
    %add3A_1731 = arith.addf %dot_general3A_1727, %add3A_1730 : vector<128x128xf32>
    %add3A_1732 = vector.broadcast %get3A_10 : vector<1x128xf32> to vector<128x128xf32>
    %add3A_1733 = arith.addf %dot_general3A_1729, %add3A_1732 : vector<128x128xf32>
    %mul3A_1734 = arith.constant 5.000000e-01 : f32
    %mul3A_1735 = vector.broadcast %mul3A_1734 : f32 to vector<128x128xf32>
    %mul3A_1736 = arith.mulf %mul3A_1735, %add3A_1733 : vector<128x128xf32>
    %exp3A_1737 = math.exp %mul3A_1736 : vector<128x128xf32>
    %get3A_1738 = arith.constant 3584 : index
    %get3A_1739 = arith.constant 0 : index
    %get3A_1740 = vector.load %arg7[%get3A_1738, %get3A_1739] : memref<8192x128xf32, #tpu.memory_space<vmem>>, vector<128x128xf32>
    %mul3A_1741 = arith.mulf %exp3A_1737, %get3A_1740 : vector<128x128xf32>
    %add3A_1742 = arith.addf %add3A_1731, %mul3A_1741 : vector<128x128xf32>
    %swap3A_1743 = arith.constant 3584 : index
    %swap3A_1744 = arith.constant 0 : index
    %swap3A_1745 = vector.load %arg12[%swap3A_1743, %swap3A_1744] : memref<8192x128xf32, #tpu.memory_space<vmem>>, vector<128x128xf32>
    tpu.vector_store %arg12[%swap3A_1743, %swap3A_1744], %add3A_1742 {strides = array<i32>} : memref<8192x128xf32, #tpu.memory_space<vmem>>, vector<128x128xf32>,
    %get3A_1746 = arith.constant 7 : index
    %get3A_1747 = arith.constant 1 : index
    %get3A_1748 = arith.constant 0 : index
    %get3A_1749 = vector.load %arg3[%get3A_1746, %get3A_1747, %get3A_1748] : memref<16x4x128xf32, #tpu.memory_space<vmem>>, vector<1x1x128xf32>
    %get3A_1750 = vector.shape_cast %get3A_1749 : vector<1x1x128xf32> to vector<1x128xf32>
    %get3A_1751 = arith.constant 7 : index
    %get3A_1752 = arith.constant 1 : index
    %get3A_1753 = arith.constant 0 : index
    %get3A_1754 = vector.load %arg4[%get3A_1751, %get3A_1752, %get3A_1753] : memref<16x4x128xf32, #tpu.memory_space<vmem>>, vector<1x1x128xf32>
    %get3A_1755 = vector.shape_cast %get3A_1754 : vector<1x1x128xf32> to vector<1x128xf32>
    %mul3A_1756 = arith.constant 5.000000e-01 : f32
    %mul3A_1757 = vector.broadcast %mul3A_1756 : f32 to vector<1x128xf32>
    %mul3A_1758 = arith.mulf %mul3A_1757, %get3A_1755 : vector<1x128xf32>
    %exp3A_1759 = math.exp %mul3A_1758 : vector<1x128xf32>
    %get3A_1760 = arith.constant 0 : index
    %get3A_1761 = arith.constant 3712 : index
    %get3A_1762 = vector.load %arg6[%get3A_1760, %get3A_1761] : memref<1x8192xf32, #tpu.memory_space<vmem>>, vector<1x128xf32>
    %mul3A_1763 = arith.mulf %exp3A_1759, %get3A_1762 : vector<1x128xf32>
    %add3A_1764 = arith.addf %get3A_1750, %mul3A_1763 : vector<1x128xf32>
    %get3A_1765 = arith.constant 7 : index
    %get3A_1766 = arith.constant 16 : index
    %get3A_1767 = arith.constant 0 : index
    %get3A_1768 = vector.load %arg1[%get3A_1765, %get3A_1766, %get3A_1767] : memref<16x64x128xf32, #tpu.memory_space<vmem>>, vector<1x16x128xf32>
    %get3A_1769 = vector.shape_cast %get3A_1768 : vector<1x16x128xf32> to vector<16x128xf32>
    %get3A_1770 = arith.constant 7 : index
    %get3A_1771 = arith.constant 16 : index
    %get3A_1772 = arith.constant 0 : index
    %get3A_1773 = vector.load %arg2[%get3A_1770, %get3A_1771, %get3A_1772] : memref<16x64x128xf32, #tpu.memory_space<vmem>>, vector<1x16x128xf32>
    %get3A_1774 = vector.shape_cast %get3A_1773 : vector<1x16x128xf32> to vector<16x128xf32>
    %mul3A_1775 = arith.constant 5.000000e-01 : f32
    %mul3A_1776 = vector.broadcast %mul3A_1775 : f32 to vector<16x128xf32>
    %mul3A_1777 = arith.mulf %mul3A_1776, %get3A_1774 : vector<16x128xf32>
    %exp3A_1778 = math.exp %mul3A_1777 : vector<16x128xf32>
    %get3A_1779 = arith.constant 0 : index
    %get3A_1780 = arith.constant 3712 : index
    %get3A_1781 = vector.load %arg5[%get3A_1779, %get3A_1780] : memref<16x8192xf32, #tpu.memory_space<vmem>>, vector<16x128xf32>
    %mul3A_1782 = arith.mulf %exp3A_1778, %get3A_1781 : vector<16x128xf32>
    %add3A_1783 = arith.addf %get3A_1769, %mul3A_1782 : vector<16x128xf32>
    %add3A_1784 = vector.broadcast %add3A_1764 : vector<1x128xf32> to vector<16x128xf32>
    %add3A_1785 = arith.addf %add3A_1783, %add3A_1784 : vector<16x128xf32>
    %dot_general3A_1786 = arith.constant dense<0.000000e+00> : vector<128x128xf32>
    %dot_general3A_1787 = tpu.matmul %add3A_1785, %get3A_1, %dot_general3A_1786 {dimension_numbers = #tpu.dot_dimension_numbers<[0], [0], [1], [1], [0, 1, 1, 1], [], []>, transpose_lhs_hint = true} : vector<16x128xf32>, vector<16x128xf32>, vector<128x128xf32> -> vector<128x128xf32>
    %dot_general3A_1788 = arith.constant dense<0.000000e+00> : vector<128x128xf32>
    %dot_general3A_1789 = tpu.matmul %add3A_1785, %get3A_4, %dot_general3A_1788 {dimension_numbers = #tpu.dot_dimension_numbers<[0], [0], [1], [1], [0, 1, 1, 1], [], []>, transpose_lhs_hint = true} : vector<16x128xf32>, vector<16x128xf32>, vector<128x128xf32> -> vector<128x128xf32>
    %add3A_1790 = vector.broadcast %get3A_7 : vector<1x128xf32> to vector<128x128xf32>
    %add3A_1791 = arith.addf %dot_general3A_1787, %add3A_1790 : vector<128x128xf32>
    %add3A_1792 = vector.broadcast %get3A_10 : vector<1x128xf32> to vector<128x128xf32>
    %add3A_1793 = arith.addf %dot_general3A_1789, %add3A_1792 : vector<128x128xf32>
    %mul3A_1794 = arith.constant 5.000000e-01 : f32
    %mul3A_1795 = vector.broadcast %mul3A_1794 : f32 to vector<128x128xf32>
    %mul3A_1796 = arith.mulf %mul3A_1795, %add3A_1793 : vector<128x128xf32>
    %exp3A_1797 = math.exp %mul3A_1796 : vector<128x128xf32>
    %get3A_1798 = arith.constant 3712 : index
    %get3A_1799 = arith.constant 0 : index
    %get3A_1800 = vector.load %arg7[%get3A_1798, %get3A_1799] : memref<8192x128xf32, #tpu.memory_space<vmem>>, vector<128x128xf32>
    %mul3A_1801 = arith.mulf %exp3A_1797, %get3A_1800 : vector<128x128xf32>
    %add3A_1802 = arith.addf %add3A_1791, %mul3A_1801 : vector<128x128xf32>
    %swap3A_1803 = arith.constant 3712 : index
    %swap3A_1804 = arith.constant 0 : index
    %swap3A_1805 = vector.load %arg12[%swap3A_1803, %swap3A_1804] : memref<8192x128xf32, #tpu.memory_space<vmem>>, vector<128x128xf32>
    tpu.vector_store %arg12[%swap3A_1803, %swap3A_1804], %add3A_1802 {strides = array<i32>} : memref<8192x128xf32, #tpu.memory_space<vmem>>, vector<128x128xf32>,
    %get3A_1806 = arith.constant 7 : index
    %get3A_1807 = arith.constant 2 : index
    %get3A_1808 = arith.constant 0 : index
    %get3A_1809 = vector.load %arg3[%get3A_1806, %get3A_1807, %get3A_1808] : memref<16x4x128xf32, #tpu.memory_space<vmem>>, vector<1x1x128xf32>
    %get3A_1810 = vector.shape_cast %get3A_1809 : vector<1x1x128xf32> to vector<1x128xf32>
    %get3A_1811 = arith.constant 7 : index
    %get3A_1812 = arith.constant 2 : index
    %get3A_1813 = arith.constant 0 : index
    %get3A_1814 = vector.load %arg4[%get3A_1811, %get3A_1812, %get3A_1813] : memref<16x4x128xf32, #tpu.memory_space<vmem>>, vector<1x1x128xf32>
    %get3A_1815 = vector.shape_cast %get3A_1814 : vector<1x1x128xf32> to vector<1x128xf32>
    %mul3A_1816 = arith.constant 5.000000e-01 : f32
    %mul3A_1817 = vector.broadcast %mul3A_1816 : f32 to vector<1x128xf32>
    %mul3A_1818 = arith.mulf %mul3A_1817, %get3A_1815 : vector<1x128xf32>
    %exp3A_1819 = math.exp %mul3A_1818 : vector<1x128xf32>
    %get3A_1820 = arith.constant 0 : index
    %get3A_1821 = arith.constant 3840 : index
    %get3A_1822 = vector.load %arg6[%get3A_1820, %get3A_1821] : memref<1x8192xf32, #tpu.memory_space<vmem>>, vector<1x128xf32>
    %mul3A_1823 = arith.mulf %exp3A_1819, %get3A_1822 : vector<1x128xf32>
    %add3A_1824 = arith.addf %get3A_1810, %mul3A_1823 : vector<1x128xf32>
    %get3A_1825 = arith.constant 7 : index
    %get3A_1826 = arith.constant 32 : index
    %get3A_1827 = arith.constant 0 : index
    %get3A_1828 = vector.load %arg1[%get3A_1825, %get3A_1826, %get3A_1827] : memref<16x64x128xf32, #tpu.memory_space<vmem>>, vector<1x16x128xf32>
    %get3A_1829 = vector.shape_cast %get3A_1828 : vector<1x16x128xf32> to vector<16x128xf32>
    %get3A_1830 = arith.constant 7 : index
    %get3A_1831 = arith.constant 32 : index
    %get3A_1832 = arith.constant 0 : index
    %get3A_1833 = vector.load %arg2[%get3A_1830, %get3A_1831, %get3A_1832] : memref<16x64x128xf32, #tpu.memory_space<vmem>>, vector<1x16x128xf32>
    %get3A_1834 = vector.shape_cast %get3A_1833 : vector<1x16x128xf32> to vector<16x128xf32>
    %mul3A_1835 = arith.constant 5.000000e-01 : f32
    %mul3A_1836 = vector.broadcast %mul3A_1835 : f32 to vector<16x128xf32>
    %mul3A_1837 = arith.mulf %mul3A_1836, %get3A_1834 : vector<16x128xf32>
    %exp3A_1838 = math.exp %mul3A_1837 : vector<16x128xf32>
    %get3A_1839 = arith.constant 0 : index
    %get3A_1840 = arith.constant 3840 : index
    %get3A_1841 = vector.load %arg5[%get3A_1839, %get3A_1840] : memref<16x8192xf32, #tpu.memory_space<vmem>>, vector<16x128xf32>
    %mul3A_1842 = arith.mulf %exp3A_1838, %get3A_1841 : vector<16x128xf32>
    %add3A_1843 = arith.addf %get3A_1829, %mul3A_1842 : vector<16x128xf32>
    %add3A_1844 = vector.broadcast %add3A_1824 : vector<1x128xf32> to vector<16x128xf32>
    %add3A_1845 = arith.addf %add3A_1843, %add3A_1844 : vector<16x128xf32>
    %dot_general3A_1846 = arith.constant dense<0.000000e+00> : vector<128x128xf32>
    %dot_general3A_1847 = tpu.matmul %add3A_1845, %get3A_1, %dot_general3A_1846 {dimension_numbers = #tpu.dot_dimension_numbers<[0], [0], [1], [1], [0, 1, 1, 1], [], []>, transpose_lhs_hint = true} : vector<16x128xf32>, vector<16x128xf32>, vector<128x128xf32> -> vector<128x128xf32>
    %dot_general3A_1848 = arith.constant dense<0.000000e+00> : vector<128x128xf32>
    %dot_general3A_1849 = tpu.matmul %add3A_1845, %get3A_4, %dot_general3A_1848 {dimension_numbers = #tpu.dot_dimension_numbers<[0], [0], [1], [1], [0, 1, 1, 1], [], []>, transpose_lhs_hint = true} : vector<16x128xf32>, vector<16x128xf32>, vector<128x128xf32> -> vector<128x128xf32>
    %add3A_1850 = vector.broadcast %get3A_7 : vector<1x128xf32> to vector<128x128xf32>
    %add3A_1851 = arith.addf %dot_general3A_1847, %add3A_1850 : vector<128x128xf32>
    %add3A_1852 = vector.broadcast %get3A_10 : vector<1x128xf32> to vector<128x128xf32>
    %add3A_1853 = arith.addf %dot_general3A_1849, %add3A_1852 : vector<128x128xf32>
    %mul3A_1854 = arith.constant 5.000000e-01 : f32
    %mul3A_1855 = vector.broadcast %mul3A_1854 : f32 to vector<128x128xf32>
    %mul3A_1856 = arith.mulf %mul3A_1855, %add3A_1853 : vector<128x128xf32>
    %exp3A_1857 = math.exp %mul3A_1856 : vector<128x128xf32>
    %get3A_1858 = arith.constant 3840 : index
    %get3A_1859 = arith.constant 0 : index
    %get3A_1860 = vector.load %arg7[%get3A_1858, %get3A_1859] : memref<8192x128xf32, #tpu.memory_space<vmem>>, vector<128x128xf32>
    %mul3A_1861 = arith.mulf %exp3A_1857, %get3A_1860 : vector<128x128xf32>
    %add3A_1862 = arith.addf %add3A_1851, %mul3A_1861 : vector<128x128xf32>
    %swap3A_1863 = arith.constant 3840 : index
    %swap3A_1864 = arith.constant 0 : index
    %swap3A_1865 = vector.load %arg12[%swap3A_1863, %swap3A_1864] : memref<8192x128xf32, #tpu.memory_space<vmem>>, vector<128x128xf32>
    tpu.vector_store %arg12[%swap3A_1863, %swap3A_1864], %add3A_1862 {strides = array<i32>} : memref<8192x128xf32, #tpu.memory_space<vmem>>, vector<128x128xf32>,
    %get3A_1866 = arith.constant 7 : index
    %get3A_1867 = arith.constant 3 : index
    %get3A_1868 = arith.constant 0 : index
    %get3A_1869 = vector.load %arg3[%get3A_1866, %get3A_1867, %get3A_1868] : memref<16x4x128xf32, #tpu.memory_space<vmem>>, vector<1x1x128xf32>
    %get3A_1870 = vector.shape_cast %get3A_1869 : vector<1x1x128xf32> to vector<1x128xf32>
    %get3A_1871 = arith.constant 7 : index
    %get3A_1872 = arith.constant 3 : index
    %get3A_1873 = arith.constant 0 : index
    %get3A_1874 = vector.load %arg4[%get3A_1871, %get3A_1872, %get3A_1873] : memref<16x4x128xf32, #tpu.memory_space<vmem>>, vector<1x1x128xf32>
    %get3A_1875 = vector.shape_cast %get3A_1874 : vector<1x1x128xf32> to vector<1x128xf32>
    %mul3A_1876 = arith.constant 5.000000e-01 : f32
    %mul3A_1877 = vector.broadcast %mul3A_1876 : f32 to vector<1x128xf32>
    %mul3A_1878 = arith.mulf %mul3A_1877, %get3A_1875 : vector<1x128xf32>
    %exp3A_1879 = math.exp %mul3A_1878 : vector<1x128xf32>
    %get3A_1880 = arith.constant 0 : index
    %get3A_1881 = arith.constant 3968 : index
    %get3A_1882 = vector.load %arg6[%get3A_1880, %get3A_1881] : memref<1x8192xf32, #tpu.memory_space<vmem>>, vector<1x128xf32>
    %mul3A_1883 = arith.mulf %exp3A_1879, %get3A_1882 : vector<1x128xf32>
    %add3A_1884 = arith.addf %get3A_1870, %mul3A_1883 : vector<1x128xf32>
    %get3A_1885 = arith.constant 7 : index
    %get3A_1886 = arith.constant 48 : index
    %get3A_1887 = arith.constant 0 : index
    %get3A_1888 = vector.load %arg1[%get3A_1885, %get3A_1886, %get3A_1887] : memref<16x64x128xf32, #tpu.memory_space<vmem>>, vector<1x16x128xf32>
    %get3A_1889 = vector.shape_cast %get3A_1888 : vector<1x16x128xf32> to vector<16x128xf32>
    %get3A_1890 = arith.constant 7 : index
    %get3A_1891 = arith.constant 48 : index
    %get3A_1892 = arith.constant 0 : index
    %get3A_1893 = vector.load %arg2[%get3A_1890, %get3A_1891, %get3A_1892] : memref<16x64x128xf32, #tpu.memory_space<vmem>>, vector<1x16x128xf32>
    %get3A_1894 = vector.shape_cast %get3A_1893 : vector<1x16x128xf32> to vector<16x128xf32>
    %mul3A_1895 = arith.constant 5.000000e-01 : f32
    %mul3A_1896 = vector.broadcast %mul3A_1895 : f32 to vector<16x128xf32>
    %mul3A_1897 = arith.mulf %mul3A_1896, %get3A_1894 : vector<16x128xf32>
    %exp3A_1898 = math.exp %mul3A_1897 : vector<16x128xf32>
    %get3A_1899 = arith.constant 0 : index
    %get3A_1900 = arith.constant 3968 : index
    %get3A_1901 = vector.load %arg5[%get3A_1899, %get3A_1900] : memref<16x8192xf32, #tpu.memory_space<vmem>>, vector<16x128xf32>
    %mul3A_1902 = arith.mulf %exp3A_1898, %get3A_1901 : vector<16x128xf32>
    %add3A_1903 = arith.addf %get3A_1889, %mul3A_1902 : vector<16x128xf32>
    %add3A_1904 = vector.broadcast %add3A_1884 : vector<1x128xf32> to vector<16x128xf32>
    %add3A_1905 = arith.addf %add3A_1903, %add3A_1904 : vector<16x128xf32>
    %dot_general3A_1906 = arith.constant dense<0.000000e+00> : vector<128x128xf32>
    %dot_general3A_1907 = tpu.matmul %add3A_1905, %get3A_1, %dot_general3A_1906 {dimension_numbers = #tpu.dot_dimension_numbers<[0], [0], [1], [1], [0, 1, 1, 1], [], []>, transpose_lhs_hint = true} : vector<16x128xf32>, vector<16x128xf32>, vector<128x128xf32> -> vector<128x128xf32>
    %dot_general3A_1908 = arith.constant dense<0.000000e+00> : vector<128x128xf32>
    %dot_general3A_1909 = tpu.matmul %add3A_1905, %get3A_4, %dot_general3A_1908 {dimension_numbers = #tpu.dot_dimension_numbers<[0], [0], [1], [1], [0, 1, 1, 1], [], []>, transpose_lhs_hint = true} : vector<16x128xf32>, vector<16x128xf32>, vector<128x128xf32> -> vector<128x128xf32>
    %add3A_1910 = vector.broadcast %get3A_7 : vector<1x128xf32> to vector<128x128xf32>
    %add3A_1911 = arith.addf %dot_general3A_1907, %add3A_1910 : vector<128x128xf32>
    %add3A_1912 = vector.broadcast %get3A_10 : vector<1x128xf32> to vector<128x128xf32>
    %add3A_1913 = arith.addf %dot_general3A_1909, %add3A_1912 : vector<128x128xf32>
    %mul3A_1914 = arith.constant 5.000000e-01 : f32
    %mul3A_1915 = vector.broadcast %mul3A_1914 : f32 to vector<128x128xf32>
    %mul3A_1916 = arith.mulf %mul3A_1915, %add3A_1913 : vector<128x128xf32>
    %exp3A_1917 = math.exp %mul3A_1916 : vector<128x128xf32>
    %get3A_1918 = arith.constant 3968 : index
    %get3A_1919 = arith.constant 0 : index
    %get3A_1920 = vector.load %arg7[%get3A_1918, %get3A_1919] : memref<8192x128xf32, #tpu.memory_space<vmem>>, vector<128x128xf32>
    %mul3A_1921 = arith.mulf %exp3A_1917, %get3A_1920 : vector<128x128xf32>
    %add3A_1922 = arith.addf %add3A_1911, %mul3A_1921 : vector<128x128xf32>
    %swap3A_1923 = arith.constant 3968 : index
    %swap3A_1924 = arith.constant 0 : index
    %swap3A_1925 = vector.load %arg12[%swap3A_1923, %swap3A_1924] : memref<8192x128xf32, #tpu.memory_space<vmem>>, vector<128x128xf32>
    tpu.vector_store %arg12[%swap3A_1923, %swap3A_1924], %add3A_1922 {strides = array<i32>} : memref<8192x128xf32, #tpu.memory_space<vmem>>, vector<128x128xf32>,
    %get3A_1926 = arith.constant 8 : index
    %get3A_1927 = arith.constant 0 : index
    %get3A_1928 = arith.constant 0 : index
    %get3A_1929 = vector.load %arg3[%get3A_1926, %get3A_1927, %get3A_1928] : memref<16x4x128xf32, #tpu.memory_space<vmem>>, vector<1x1x128xf32>
    %get3A_1930 = vector.shape_cast %get3A_1929 : vector<1x1x128xf32> to vector<1x128xf32>
    %get3A_1931 = arith.constant 8 : index
    %get3A_1932 = arith.constant 0 : index
    %get3A_1933 = arith.constant 0 : index
    %get3A_1934 = vector.load %arg4[%get3A_1931, %get3A_1932, %get3A_1933] : memref<16x4x128xf32, #tpu.memory_space<vmem>>, vector<1x1x128xf32>
    %get3A_1935 = vector.shape_cast %get3A_1934 : vector<1x1x128xf32> to vector<1x128xf32>
    %mul3A_1936 = arith.constant 5.000000e-01 : f32
    %mul3A_1937 = vector.broadcast %mul3A_1936 : f32 to vector<1x128xf32>
    %mul3A_1938 = arith.mulf %mul3A_1937, %get3A_1935 : vector<1x128xf32>
    %exp3A_1939 = math.exp %mul3A_1938 : vector<1x128xf32>
    %get3A_1940 = arith.constant 0 : index
    %get3A_1941 = arith.constant 4096 : index
    %get3A_1942 = vector.load %arg6[%get3A_1940, %get3A_1941] : memref<1x8192xf32, #tpu.memory_space<vmem>>, vector<1x128xf32>
    %mul3A_1943 = arith.mulf %exp3A_1939, %get3A_1942 : vector<1x128xf32>
    %add3A_1944 = arith.addf %get3A_1930, %mul3A_1943 : vector<1x128xf32>
    %get3A_1945 = arith.constant 8 : index
    %get3A_1946 = arith.constant 0 : index
    %get3A_1947 = arith.constant 0 : index
    %get3A_1948 = vector.load %arg1[%get3A_1945, %get3A_1946, %get3A_1947] : memref<16x64x128xf32, #tpu.memory_space<vmem>>, vector<1x16x128xf32>
    %get3A_1949 = vector.shape_cast %get3A_1948 : vector<1x16x128xf32> to vector<16x128xf32>
    %get3A_1950 = arith.constant 8 : index
    %get3A_1951 = arith.constant 0 : index
    %get3A_1952 = arith.constant 0 : index
    %get3A_1953 = vector.load %arg2[%get3A_1950, %get3A_1951, %get3A_1952] : memref<16x64x128xf32, #tpu.memory_space<vmem>>, vector<1x16x128xf32>
    %get3A_1954 = vector.shape_cast %get3A_1953 : vector<1x16x128xf32> to vector<16x128xf32>
    %mul3A_1955 = arith.constant 5.000000e-01 : f32
    %mul3A_1956 = vector.broadcast %mul3A_1955 : f32 to vector<16x128xf32>
    %mul3A_1957 = arith.mulf %mul3A_1956, %get3A_1954 : vector<16x128xf32>
    %exp3A_1958 = math.exp %mul3A_1957 : vector<16x128xf32>
    %get3A_1959 = arith.constant 0 : index
    %get3A_1960 = arith.constant 4096 : index
    %get3A_1961 = vector.load %arg5[%get3A_1959, %get3A_1960] : memref<16x8192xf32, #tpu.memory_space<vmem>>, vector<16x128xf32>
    %mul3A_1962 = arith.mulf %exp3A_1958, %get3A_1961 : vector<16x128xf32>
    %add3A_1963 = arith.addf %get3A_1949, %mul3A_1962 : vector<16x128xf32>
    %add3A_1964 = vector.broadcast %add3A_1944 : vector<1x128xf32> to vector<16x128xf32>
    %add3A_1965 = arith.addf %add3A_1963, %add3A_1964 : vector<16x128xf32>
    %dot_general3A_1966 = arith.constant dense<0.000000e+00> : vector<128x128xf32>
    %dot_general3A_1967 = tpu.matmul %add3A_1965, %get3A_1, %dot_general3A_1966 {dimension_numbers = #tpu.dot_dimension_numbers<[0], [0], [1], [1], [0, 1, 1, 1], [], []>, transpose_lhs_hint = true} : vector<16x128xf32>, vector<16x128xf32>, vector<128x128xf32> -> vector<128x128xf32>
    %dot_general3A_1968 = arith.constant dense<0.000000e+00> : vector<128x128xf32>
    %dot_general3A_1969 = tpu.matmul %add3A_1965, %get3A_4, %dot_general3A_1968 {dimension_numbers = #tpu.dot_dimension_numbers<[0], [0], [1], [1], [0, 1, 1, 1], [], []>, transpose_lhs_hint = true} : vector<16x128xf32>, vector<16x128xf32>, vector<128x128xf32> -> vector<128x128xf32>
    %add3A_1970 = vector.broadcast %get3A_7 : vector<1x128xf32> to vector<128x128xf32>
    %add3A_1971 = arith.addf %dot_general3A_1967, %add3A_1970 : vector<128x128xf32>
    %add3A_1972 = vector.broadcast %get3A_10 : vector<1x128xf32> to vector<128x128xf32>
    %add3A_1973 = arith.addf %dot_general3A_1969, %add3A_1972 : vector<128x128xf32>
    %mul3A_1974 = arith.constant 5.000000e-01 : f32
    %mul3A_1975 = vector.broadcast %mul3A_1974 : f32 to vector<128x128xf32>
    %mul3A_1976 = arith.mulf %mul3A_1975, %add3A_1973 : vector<128x128xf32>
    %exp3A_1977 = math.exp %mul3A_1976 : vector<128x128xf32>
    %get3A_1978 = arith.constant 4096 : index
    %get3A_1979 = arith.constant 0 : index
    %get3A_1980 = vector.load %arg7[%get3A_1978, %get3A_1979] : memref<8192x128xf32, #tpu.memory_space<vmem>>, vector<128x128xf32>
    %mul3A_1981 = arith.mulf %exp3A_1977, %get3A_1980 : vector<128x128xf32>
    %add3A_1982 = arith.addf %add3A_1971, %mul3A_1981 : vector<128x128xf32>
    %swap3A_1983 = arith.constant 4096 : index
    %swap3A_1984 = arith.constant 0 : index
    %swap3A_1985 = vector.load %arg12[%swap3A_1983, %swap3A_1984] : memref<8192x128xf32, #tpu.memory_space<vmem>>, vector<128x128xf32>
    tpu.vector_store %arg12[%swap3A_1983, %swap3A_1984], %add3A_1982 {strides = array<i32>} : memref<8192x128xf32, #tpu.memory_space<vmem>>, vector<128x128xf32>,
    %get3A_1986 = arith.constant 8 : index
    %get3A_1987 = arith.constant 1 : index
    %get3A_1988 = arith.constant 0 : index
    %get3A_1989 = vector.load %arg3[%get3A_1986, %get3A_1987, %get3A_1988] : memref<16x4x128xf32, #tpu.memory_space<vmem>>, vector<1x1x128xf32>
    %get3A_1990 = vector.shape_cast %get3A_1989 : vector<1x1x128xf32> to vector<1x128xf32>
    %get3A_1991 = arith.constant 8 : index
    %get3A_1992 = arith.constant 1 : index
    %get3A_1993 = arith.constant 0 : index
    %get3A_1994 = vector.load %arg4[%get3A_1991, %get3A_1992, %get3A_1993] : memref<16x4x128xf32, #tpu.memory_space<vmem>>, vector<1x1x128xf32>
    %get3A_1995 = vector.shape_cast %get3A_1994 : vector<1x1x128xf32> to vector<1x128xf32>
    %mul3A_1996 = arith.constant 5.000000e-01 : f32
    %mul3A_1997 = vector.broadcast %mul3A_1996 : f32 to vector<1x128xf32>
    %mul3A_1998 = arith.mulf %mul3A_1997, %get3A_1995 : vector<1x128xf32>
    %exp3A_1999 = math.exp %mul3A_1998 : vector<1x128xf32>
    %get3A_2000 = arith.constant 0 : index
    %get3A_2001 = arith.constant 4224 : index
    %get3A_2002 = vector.load %arg6[%get3A_2000, %get3A_2001] : memref<1x8192xf32, #tpu.memory_space<vmem>>, vector<1x128xf32>
    %mul3A_2003 = arith.mulf %exp3A_1999, %get3A_2002 : vector<1x128xf32>
    %add3A_2004 = arith.addf %get3A_1990, %mul3A_2003 : vector<1x128xf32>
    %get3A_2005 = arith.constant 8 : index
    %get3A_2006 = arith.constant 16 : index
    %get3A_2007 = arith.constant 0 : index
    %get3A_2008 = vector.load %arg1[%get3A_2005, %get3A_2006, %get3A_2007] : memref<16x64x128xf32, #tpu.memory_space<vmem>>, vector<1x16x128xf32>
    %get3A_2009 = vector.shape_cast %get3A_2008 : vector<1x16x128xf32> to vector<16x128xf32>
    %get3A_2010 = arith.constant 8 : index
    %get3A_2011 = arith.constant 16 : index
    %get3A_2012 = arith.constant 0 : index
    %get3A_2013 = vector.load %arg2[%get3A_2010, %get3A_2011, %get3A_2012] : memref<16x64x128xf32, #tpu.memory_space<vmem>>, vector<1x16x128xf32>
    %get3A_2014 = vector.shape_cast %get3A_2013 : vector<1x16x128xf32> to vector<16x128xf32>
    %mul3A_2015 = arith.constant 5.000000e-01 : f32
    %mul3A_2016 = vector.broadcast %mul3A_2015 : f32 to vector<16x128xf32>
    %mul3A_2017 = arith.mulf %mul3A_2016, %get3A_2014 : vector<16x128xf32>
    %exp3A_2018 = math.exp %mul3A_2017 : vector<16x128xf32>
    %get3A_2019 = arith.constant 0 : index
    %get3A_2020 = arith.constant 4224 : index
    %get3A_2021 = vector.load %arg5[%get3A_2019, %get3A_2020] : memref<16x8192xf32, #tpu.memory_space<vmem>>, vector<16x128xf32>
    %mul3A_2022 = arith.mulf %exp3A_2018, %get3A_2021 : vector<16x128xf32>
    %add3A_2023 = arith.addf %get3A_2009, %mul3A_2022 : vector<16x128xf32>
    %add3A_2024 = vector.broadcast %add3A_2004 : vector<1x128xf32> to vector<16x128xf32>
    %add3A_2025 = arith.addf %add3A_2023, %add3A_2024 : vector<16x128xf32>
    %dot_general3A_2026 = arith.constant dense<0.000000e+00> : vector<128x128xf32>
    %dot_general3A_2027 = tpu.matmul %add3A_2025, %get3A_1, %dot_general3A_2026 {dimension_numbers = #tpu.dot_dimension_numbers<[0], [0], [1], [1], [0, 1, 1, 1], [], []>, transpose_lhs_hint = true} : vector<16x128xf32>, vector<16x128xf32>, vector<128x128xf32> -> vector<128x128xf32>
    %dot_general3A_2028 = arith.constant dense<0.000000e+00> : vector<128x128xf32>
    %dot_general3A_2029 = tpu.matmul %add3A_2025, %get3A_4, %dot_general3A_2028 {dimension_numbers = #tpu.dot_dimension_numbers<[0], [0], [1], [1], [0, 1, 1, 1], [], []>, transpose_lhs_hint = true} : vector<16x128xf32>, vector<16x128xf32>, vector<128x128xf32> -> vector<128x128xf32>
    %add3A_2030 = vector.broadcast %get3A_7 : vector<1x128xf32> to vector<128x128xf32>
    %add3A_2031 = arith.addf %dot_general3A_2027, %add3A_2030 : vector<128x128xf32>
    %add3A_2032 = vector.broadcast %get3A_10 : vector<1x128xf32> to vector<128x128xf32>
    %add3A_2033 = arith.addf %dot_general3A_2029, %add3A_2032 : vector<128x128xf32>
    %mul3A_2034 = arith.constant 5.000000e-01 : f32
    %mul3A_2035 = vector.broadcast %mul3A_2034 : f32 to vector<128x128xf32>
    %mul3A_2036 = arith.mulf %mul3A_2035, %add3A_2033 : vector<128x128xf32>
    %exp3A_2037 = math.exp %mul3A_2036 : vector<128x128xf32>
    %get3A_2038 = arith.constant 4224 : index
    %get3A_2039 = arith.constant 0 : index
    %get3A_2040 = vector.load %arg7[%get3A_2038, %get3A_2039] : memref<8192x128xf32, #tpu.memory_space<vmem>>, vector<128x128xf32>
    %mul3A_2041 = arith.mulf %exp3A_2037, %get3A_2040 : vector<128x128xf32>
    %add3A_2042 = arith.addf %add3A_2031, %mul3A_2041 : vector<128x128xf32>
    %swap3A_2043 = arith.constant 4224 : index
    %swap3A_2044 = arith.constant 0 : index
    %swap3A_2045 = vector.load %arg12[%swap3A_2043, %swap3A_2044] : memref<8192x128xf32, #tpu.memory_space<vmem>>, vector<128x128xf32>
    tpu.vector_store %arg12[%swap3A_2043, %swap3A_2044], %add3A_2042 {strides = array<i32>} : memref<8192x128xf32, #tpu.memory_space<vmem>>, vector<128x128xf32>,
    %get3A_2046 = arith.constant 8 : index
    %get3A_2047 = arith.constant 2 : index
    %get3A_2048 = arith.constant 0 : index
    %get3A_2049 = vector.load %arg3[%get3A_2046, %get3A_2047, %get3A_2048] : memref<16x4x128xf32, #tpu.memory_space<vmem>>, vector<1x1x128xf32>
    %get3A_2050 = vector.shape_cast %get3A_2049 : vector<1x1x128xf32> to vector<1x128xf32>
    %get3A_2051 = arith.constant 8 : index
    %get3A_2052 = arith.constant 2 : index
    %get3A_2053 = arith.constant 0 : index
    %get3A_2054 = vector.load %arg4[%get3A_2051, %get3A_2052, %get3A_2053] : memref<16x4x128xf32, #tpu.memory_space<vmem>>, vector<1x1x128xf32>
    %get3A_2055 = vector.shape_cast %get3A_2054 : vector<1x1x128xf32> to vector<1x128xf32>
    %mul3A_2056 = arith.constant 5.000000e-01 : f32
    %mul3A_2057 = vector.broadcast %mul3A_2056 : f32 to vector<1x128xf32>
    %mul3A_2058 = arith.mulf %mul3A_2057, %get3A_2055 : vector<1x128xf32>
    %exp3A_2059 = math.exp %mul3A_2058 : vector<1x128xf32>
    %get3A_2060 = arith.constant 0 : index
    %get3A_2061 = arith.constant 4352 : index
    %get3A_2062 = vector.load %arg6[%get3A_2060, %get3A_2061] : memref<1x8192xf32, #tpu.memory_space<vmem>>, vector<1x128xf32>
    %mul3A_2063 = arith.mulf %exp3A_2059, %get3A_2062 : vector<1x128xf32>
    %add3A_2064 = arith.addf %get3A_2050, %mul3A_2063 : vector<1x128xf32>
    %get3A_2065 = arith.constant 8 : index
    %get3A_2066 = arith.constant 32 : index
    %get3A_2067 = arith.constant 0 : index
    %get3A_2068 = vector.load %arg1[%get3A_2065, %get3A_2066, %get3A_2067] : memref<16x64x128xf32, #tpu.memory_space<vmem>>, vector<1x16x128xf32>
    %get3A_2069 = vector.shape_cast %get3A_2068 : vector<1x16x128xf32> to vector<16x128xf32>
    %get3A_2070 = arith.constant 8 : index
    %get3A_2071 = arith.constant 32 : index
    %get3A_2072 = arith.constant 0 : index
    %get3A_2073 = vector.load %arg2[%get3A_2070, %get3A_2071, %get3A_2072] : memref<16x64x128xf32, #tpu.memory_space<vmem>>, vector<1x16x128xf32>
    %get3A_2074 = vector.shape_cast %get3A_2073 : vector<1x16x128xf32> to vector<16x128xf32>
    %mul3A_2075 = arith.constant 5.000000e-01 : f32
    %mul3A_2076 = vector.broadcast %mul3A_2075 : f32 to vector<16x128xf32>
    %mul3A_2077 = arith.mulf %mul3A_2076, %get3A_2074 : vector<16x128xf32>
    %exp3A_2078 = math.exp %mul3A_2077 : vector<16x128xf32>
    %get3A_2079 = arith.constant 0 : index
    %get3A_2080 = arith.constant 4352 : index
    %get3A_2081 = vector.load %arg5[%get3A_2079, %get3A_2080] : memref<16x8192xf32, #tpu.memory_space<vmem>>, vector<16x128xf32>
    %mul3A_2082 = arith.mulf %exp3A_2078, %get3A_2081 : vector<16x128xf32>
    %add3A_2083 = arith.addf %get3A_2069, %mul3A_2082 : vector<16x128xf32>
    %add3A_2084 = vector.broadcast %add3A_2064 : vector<1x128xf32> to vector<16x128xf32>
    %add3A_2085 = arith.addf %add3A_2083, %add3A_2084 : vector<16x128xf32>
    %dot_general3A_2086 = arith.constant dense<0.000000e+00> : vector<128x128xf32>
    %dot_general3A_2087 = tpu.matmul %add3A_2085, %get3A_1, %dot_general3A_2086 {dimension_numbers = #tpu.dot_dimension_numbers<[0], [0], [1], [1], [0, 1, 1, 1], [], []>, transpose_lhs_hint = true} : vector<16x128xf32>, vector<16x128xf32>, vector<128x128xf32> -> vector<128x128xf32>
    %dot_general3A_2088 = arith.constant dense<0.000000e+00> : vector<128x128xf32>
    %dot_general3A_2089 = tpu.matmul %add3A_2085, %get3A_4, %dot_general3A_2088 {dimension_numbers = #tpu.dot_dimension_numbers<[0], [0], [1], [1], [0, 1, 1, 1], [], []>, transpose_lhs_hint = true} : vector<16x128xf32>, vector<16x128xf32>, vector<128x128xf32> -> vector<128x128xf32>
    %add3A_2090 = vector.broadcast %get3A_7 : vector<1x128xf32> to vector<128x128xf32>
    %add3A_2091 = arith.addf %dot_general3A_2087, %add3A_2090 : vector<128x128xf32>
    %add3A_2092 = vector.broadcast %get3A_10 : vector<1x128xf32> to vector<128x128xf32>
    %add3A_2093 = arith.addf %dot_general3A_2089, %add3A_2092 : vector<128x128xf32>
    %mul3A_2094 = arith.constant 5.000000e-01 : f32
    %mul3A_2095 = vector.broadcast %mul3A_2094 : f32 to vector<128x128xf32>
    %mul3A_2096 = arith.mulf %mul3A_2095, %add3A_2093 : vector<128x128xf32>
    %exp3A_2097 = math.exp %mul3A_2096 : vector<128x128xf32>
    %get3A_2098 = arith.constant 4352 : index
    %get3A_2099 = arith.constant 0 : index
    %get3A_2100 = vector.load %arg7[%get3A_2098, %get3A_2099] : memref<8192x128xf32, #tpu.memory_space<vmem>>, vector<128x128xf32>
    %mul3A_2101 = arith.mulf %exp3A_2097, %get3A_2100 : vector<128x128xf32>
    %add3A_2102 = arith.addf %add3A_2091, %mul3A_2101 : vector<128x128xf32>
    %swap3A_2103 = arith.constant 4352 : index
    %swap3A_2104 = arith.constant 0 : index
    %swap3A_2105 = vector.load %arg12[%swap3A_2103, %swap3A_2104] : memref<8192x128xf32, #tpu.memory_space<vmem>>, vector<128x128xf32>
    tpu.vector_store %arg12[%swap3A_2103, %swap3A_2104], %add3A_2102 {strides = array<i32>} : memref<8192x128xf32, #tpu.memory_space<vmem>>, vector<128x128xf32>,
    %get3A_2106 = arith.constant 8 : index
    %get3A_2107 = arith.constant 3 : index
    %get3A_2108 = arith.constant 0 : index
    %get3A_2109 = vector.load %arg3[%get3A_2106, %get3A_2107, %get3A_2108] : memref<16x4x128xf32, #tpu.memory_space<vmem>>, vector<1x1x128xf32>
    %get3A_2110 = vector.shape_cast %get3A_2109 : vector<1x1x128xf32> to vector<1x128xf32>
    %get3A_2111 = arith.constant 8 : index
    %get3A_2112 = arith.constant 3 : index
    %get3A_2113 = arith.constant 0 : index
    %get3A_2114 = vector.load %arg4[%get3A_2111, %get3A_2112, %get3A_2113] : memref<16x4x128xf32, #tpu.memory_space<vmem>>, vector<1x1x128xf32>
    %get3A_2115 = vector.shape_cast %get3A_2114 : vector<1x1x128xf32> to vector<1x128xf32>
    %mul3A_2116 = arith.constant 5.000000e-01 : f32
    %mul3A_2117 = vector.broadcast %mul3A_2116 : f32 to vector<1x128xf32>
    %mul3A_2118 = arith.mulf %mul3A_2117, %get3A_2115 : vector<1x128xf32>
    %exp3A_2119 = math.exp %mul3A_2118 : vector<1x128xf32>
    %get3A_2120 = arith.constant 0 : index
    %get3A_2121 = arith.constant 4480 : index
    %get3A_2122 = vector.load %arg6[%get3A_2120, %get3A_2121] : memref<1x8192xf32, #tpu.memory_space<vmem>>, vector<1x128xf32>
    %mul3A_2123 = arith.mulf %exp3A_2119, %get3A_2122 : vector<1x128xf32>
    %add3A_2124 = arith.addf %get3A_2110, %mul3A_2123 : vector<1x128xf32>
    %get3A_2125 = arith.constant 8 : index
    %get3A_2126 = arith.constant 48 : index
    %get3A_2127 = arith.constant 0 : index
    %get3A_2128 = vector.load %arg1[%get3A_2125, %get3A_2126, %get3A_2127] : memref<16x64x128xf32, #tpu.memory_space<vmem>>, vector<1x16x128xf32>
    %get3A_2129 = vector.shape_cast %get3A_2128 : vector<1x16x128xf32> to vector<16x128xf32>
    %get3A_2130 = arith.constant 8 : index
    %get3A_2131 = arith.constant 48 : index
    %get3A_2132 = arith.constant 0 : index
    %get3A_2133 = vector.load %arg2[%get3A_2130, %get3A_2131, %get3A_2132] : memref<16x64x128xf32, #tpu.memory_space<vmem>>, vector<1x16x128xf32>
    %get3A_2134 = vector.shape_cast %get3A_2133 : vector<1x16x128xf32> to vector<16x128xf32>
    %mul3A_2135 = arith.constant 5.000000e-01 : f32
    %mul3A_2136 = vector.broadcast %mul3A_2135 : f32 to vector<16x128xf32>
    %mul3A_2137 = arith.mulf %mul3A_2136, %get3A_2134 : vector<16x128xf32>
    %exp3A_2138 = math.exp %mul3A_2137 : vector<16x128xf32>
    %get3A_2139 = arith.constant 0 : index
    %get3A_2140 = arith.constant 4480 : index
    %get3A_2141 = vector.load %arg5[%get3A_2139, %get3A_2140] : memref<16x8192xf32, #tpu.memory_space<vmem>>, vector<16x128xf32>
    %mul3A_2142 = arith.mulf %exp3A_2138, %get3A_2141 : vector<16x128xf32>
    %add3A_2143 = arith.addf %get3A_2129, %mul3A_2142 : vector<16x128xf32>
    %add3A_2144 = vector.broadcast %add3A_2124 : vector<1x128xf32> to vector<16x128xf32>
    %add3A_2145 = arith.addf %add3A_2143, %add3A_2144 : vector<16x128xf32>
    %dot_general3A_2146 = arith.constant dense<0.000000e+00> : vector<128x128xf32>
    %dot_general3A_2147 = tpu.matmul %add3A_2145, %get3A_1, %dot_general3A_2146 {dimension_numbers = #tpu.dot_dimension_numbers<[0], [0], [1], [1], [0, 1, 1, 1], [], []>, transpose_lhs_hint = true} : vector<16x128xf32>, vector<16x128xf32>, vector<128x128xf32> -> vector<128x128xf32>
    %dot_general3A_2148 = arith.constant dense<0.000000e+00> : vector<128x128xf32>
    %dot_general3A_2149 = tpu.matmul %add3A_2145, %get3A_4, %dot_general3A_2148 {dimension_numbers = #tpu.dot_dimension_numbers<[0], [0], [1], [1], [0, 1, 1, 1], [], []>, transpose_lhs_hint = true} : vector<16x128xf32>, vector<16x128xf32>, vector<128x128xf32> -> vector<128x128xf32>
    %add3A_2150 = vector.broadcast %get3A_7 : vector<1x128xf32> to vector<128x128xf32>
    %add3A_2151 = arith.addf %dot_general3A_2147, %add3A_2150 : vector<128x128xf32>
    %add3A_2152 = vector.broadcast %get3A_10 : vector<1x128xf32> to vector<128x128xf32>
    %add3A_2153 = arith.addf %dot_general3A_2149, %add3A_2152 : vector<128x128xf32>
    %mul3A_2154 = arith.constant 5.000000e-01 : f32
    %mul3A_2155 = vector.broadcast %mul3A_2154 : f32 to vector<128x128xf32>
    %mul3A_2156 = arith.mulf %mul3A_2155, %add3A_2153 : vector<128x128xf32>
    %exp3A_2157 = math.exp %mul3A_2156 : vector<128x128xf32>
    %get3A_2158 = arith.constant 4480 : index
    %get3A_2159 = arith.constant 0 : index
    %get3A_2160 = vector.load %arg7[%get3A_2158, %get3A_2159] : memref<8192x128xf32, #tpu.memory_space<vmem>>, vector<128x128xf32>
    %mul3A_2161 = arith.mulf %exp3A_2157, %get3A_2160 : vector<128x128xf32>
    %add3A_2162 = arith.addf %add3A_2151, %mul3A_2161 : vector<128x128xf32>
    %swap3A_2163 = arith.constant 4480 : index
    %swap3A_2164 = arith.constant 0 : index
    %swap3A_2165 = vector.load %arg12[%swap3A_2163, %swap3A_2164] : memref<8192x128xf32, #tpu.memory_space<vmem>>, vector<128x128xf32>
    tpu.vector_store %arg12[%swap3A_2163, %swap3A_2164], %add3A_2162 {strides = array<i32>} : memref<8192x128xf32, #tpu.memory_space<vmem>>, vector<128x128xf32>,
    %get3A_2166 = arith.constant 9 : index
    %get3A_2167 = arith.constant 0 : index
    %get3A_2168 = arith.constant 0 : index
    %get3A_2169 = vector.load %arg3[%get3A_2166, %get3A_2167, %get3A_2168] : memref<16x4x128xf32, #tpu.memory_space<vmem>>, vector<1x1x128xf32>
    %get3A_2170 = vector.shape_cast %get3A_2169 : vector<1x1x128xf32> to vector<1x128xf32>
    %get3A_2171 = arith.constant 9 : index
    %get3A_2172 = arith.constant 0 : index
    %get3A_2173 = arith.constant 0 : index
    %get3A_2174 = vector.load %arg4[%get3A_2171, %get3A_2172, %get3A_2173] : memref<16x4x128xf32, #tpu.memory_space<vmem>>, vector<1x1x128xf32>
    %get3A_2175 = vector.shape_cast %get3A_2174 : vector<1x1x128xf32> to vector<1x128xf32>
    %mul3A_2176 = arith.constant 5.000000e-01 : f32
    %mul3A_2177 = vector.broadcast %mul3A_2176 : f32 to vector<1x128xf32>
    %mul3A_2178 = arith.mulf %mul3A_2177, %get3A_2175 : vector<1x128xf32>
    %exp3A_2179 = math.exp %mul3A_2178 : vector<1x128xf32>
    %get3A_2180 = arith.constant 0 : index
    %get3A_2181 = arith.constant 4608 : index
    %get3A_2182 = vector.load %arg6[%get3A_2180, %get3A_2181] : memref<1x8192xf32, #tpu.memory_space<vmem>>, vector<1x128xf32>
    %mul3A_2183 = arith.mulf %exp3A_2179, %get3A_2182 : vector<1x128xf32>
    %add3A_2184 = arith.addf %get3A_2170, %mul3A_2183 : vector<1x128xf32>
    %get3A_2185 = arith.constant 9 : index
    %get3A_2186 = arith.constant 0 : index
    %get3A_2187 = arith.constant 0 : index
    %get3A_2188 = vector.load %arg1[%get3A_2185, %get3A_2186, %get3A_2187] : memref<16x64x128xf32, #tpu.memory_space<vmem>>, vector<1x16x128xf32>
    %get3A_2189 = vector.shape_cast %get3A_2188 : vector<1x16x128xf32> to vector<16x128xf32>
    %get3A_2190 = arith.constant 9 : index
    %get3A_2191 = arith.constant 0 : index
    %get3A_2192 = arith.constant 0 : index
    %get3A_2193 = vector.load %arg2[%get3A_2190, %get3A_2191, %get3A_2192] : memref<16x64x128xf32, #tpu.memory_space<vmem>>, vector<1x16x128xf32>
    %get3A_2194 = vector.shape_cast %get3A_2193 : vector<1x16x128xf32> to vector<16x128xf32>
    %mul3A_2195 = arith.constant 5.000000e-01 : f32
    %mul3A_2196 = vector.broadcast %mul3A_2195 : f32 to vector<16x128xf32>
    %mul3A_2197 = arith.mulf %mul3A_2196, %get3A_2194 : vector<16x128xf32>
    %exp3A_2198 = math.exp %mul3A_2197 : vector<16x128xf32>
    %get3A_2199 = arith.constant 0 : index
    %get3A_2200 = arith.constant 4608 : index
    %get3A_2201 = vector.load %arg5[%get3A_2199, %get3A_2200] : memref<16x8192xf32, #tpu.memory_space<vmem>>, vector<16x128xf32>
    %mul3A_2202 = arith.mulf %exp3A_2198, %get3A_2201 : vector<16x128xf32>
    %add3A_2203 = arith.addf %get3A_2189, %mul3A_2202 : vector<16x128xf32>
    %add3A_2204 = vector.broadcast %add3A_2184 : vector<1x128xf32> to vector<16x128xf32>
    %add3A_2205 = arith.addf %add3A_2203, %add3A_2204 : vector<16x128xf32>
    %dot_general3A_2206 = arith.constant dense<0.000000e+00> : vector<128x128xf32>
    %dot_general3A_2207 = tpu.matmul %add3A_2205, %get3A_1, %dot_general3A_2206 {dimension_numbers = #tpu.dot_dimension_numbers<[0], [0], [1], [1], [0, 1, 1, 1], [], []>, transpose_lhs_hint = true} : vector<16x128xf32>, vector<16x128xf32>, vector<128x128xf32> -> vector<128x128xf32>
    %dot_general3A_2208 = arith.constant dense<0.000000e+00> : vector<128x128xf32>
    %dot_general3A_2209 = tpu.matmul %add3A_2205, %get3A_4, %dot_general3A_2208 {dimension_numbers = #tpu.dot_dimension_numbers<[0], [0], [1], [1], [0, 1, 1, 1], [], []>, transpose_lhs_hint = true} : vector<16x128xf32>, vector<16x128xf32>, vector<128x128xf32> -> vector<128x128xf32>
    %add3A_2210 = vector.broadcast %get3A_7 : vector<1x128xf32> to vector<128x128xf32>
    %add3A_2211 = arith.addf %dot_general3A_2207, %add3A_2210 : vector<128x128xf32>
    %add3A_2212 = vector.broadcast %get3A_10 : vector<1x128xf32> to vector<128x128xf32>
    %add3A_2213 = arith.addf %dot_general3A_2209, %add3A_2212 : vector<128x128xf32>
    %mul3A_2214 = arith.constant 5.000000e-01 : f32
    %mul3A_2215 = vector.broadcast %mul3A_2214 : f32 to vector<128x128xf32>
    %mul3A_2216 = arith.mulf %mul3A_2215, %add3A_2213 : vector<128x128xf32>
    %exp3A_2217 = math.exp %mul3A_2216 : vector<128x128xf32>
    %get3A_2218 = arith.constant 4608 : index
    %get3A_2219 = arith.constant 0 : index
    %get3A_2220 = vector.load %arg7[%get3A_2218, %get3A_2219] : memref<8192x128xf32, #tpu.memory_space<vmem>>, vector<128x128xf32>
    %mul3A_2221 = arith.mulf %exp3A_2217, %get3A_2220 : vector<128x128xf32>
    %add3A_2222 = arith.addf %add3A_2211, %mul3A_2221 : vector<128x128xf32>
    %swap3A_2223 = arith.constant 4608 : index
    %swap3A_2224 = arith.constant 0 : index
    %swap3A_2225 = vector.load %arg12[%swap3A_2223, %swap3A_2224] : memref<8192x128xf32, #tpu.memory_space<vmem>>, vector<128x128xf32>
    tpu.vector_store %arg12[%swap3A_2223, %swap3A_2224], %add3A_2222 {strides = array<i32>} : memref<8192x128xf32, #tpu.memory_space<vmem>>, vector<128x128xf32>,
    %get3A_2226 = arith.constant 9 : index
    %get3A_2227 = arith.constant 1 : index
    %get3A_2228 = arith.constant 0 : index
    %get3A_2229 = vector.load %arg3[%get3A_2226, %get3A_2227, %get3A_2228] : memref<16x4x128xf32, #tpu.memory_space<vmem>>, vector<1x1x128xf32>
    %get3A_2230 = vector.shape_cast %get3A_2229 : vector<1x1x128xf32> to vector<1x128xf32>
    %get3A_2231 = arith.constant 9 : index
    %get3A_2232 = arith.constant 1 : index
    %get3A_2233 = arith.constant 0 : index
    %get3A_2234 = vector.load %arg4[%get3A_2231, %get3A_2232, %get3A_2233] : memref<16x4x128xf32, #tpu.memory_space<vmem>>, vector<1x1x128xf32>
    %get3A_2235 = vector.shape_cast %get3A_2234 : vector<1x1x128xf32> to vector<1x128xf32>
    %mul3A_2236 = arith.constant 5.000000e-01 : f32
    %mul3A_2237 = vector.broadcast %mul3A_2236 : f32 to vector<1x128xf32>
    %mul3A_2238 = arith.mulf %mul3A_2237, %get3A_2235 : vector<1x128xf32>
    %exp3A_2239 = math.exp %mul3A_2238 : vector<1x128xf32>
    %get3A_2240 = arith.constant 0 : index
    %get3A_2241 = arith.constant 4736 : index
    %get3A_2242 = vector.load %arg6[%get3A_2240, %get3A_2241] : memref<1x8192xf32, #tpu.memory_space<vmem>>, vector<1x128xf32>
    %mul3A_2243 = arith.mulf %exp3A_2239, %get3A_2242 : vector<1x128xf32>
    %add3A_2244 = arith.addf %get3A_2230, %mul3A_2243 : vector<1x128xf32>
    %get3A_2245 = arith.constant 9 : index
    %get3A_2246 = arith.constant 16 : index
    %get3A_2247 = arith.constant 0 : index
    %get3A_2248 = vector.load %arg1[%get3A_2245, %get3A_2246, %get3A_2247] : memref<16x64x128xf32, #tpu.memory_space<vmem>>, vector<1x16x128xf32>
    %get3A_2249 = vector.shape_cast %get3A_2248 : vector<1x16x128xf32> to vector<16x128xf32>
    %get3A_2250 = arith.constant 9 : index
    %get3A_2251 = arith.constant 16 : index
    %get3A_2252 = arith.constant 0 : index
    %get3A_2253 = vector.load %arg2[%get3A_2250, %get3A_2251, %get3A_2252] : memref<16x64x128xf32, #tpu.memory_space<vmem>>, vector<1x16x128xf32>
    %get3A_2254 = vector.shape_cast %get3A_2253 : vector<1x16x128xf32> to vector<16x128xf32>
    %mul3A_2255 = arith.constant 5.000000e-01 : f32
    %mul3A_2256 = vector.broadcast %mul3A_2255 : f32 to vector<16x128xf32>
    %mul3A_2257 = arith.mulf %mul3A_2256, %get3A_2254 : vector<16x128xf32>
    %exp3A_2258 = math.exp %mul3A_2257 : vector<16x128xf32>
    %get3A_2259 = arith.constant 0 : index
    %get3A_2260 = arith.constant 4736 : index
    %get3A_2261 = vector.load %arg5[%get3A_2259, %get3A_2260] : memref<16x8192xf32, #tpu.memory_space<vmem>>, vector<16x128xf32>
    %mul3A_2262 = arith.mulf %exp3A_2258, %get3A_2261 : vector<16x128xf32>
    %add3A_2263 = arith.addf %get3A_2249, %mul3A_2262 : vector<16x128xf32>
    %add3A_2264 = vector.broadcast %add3A_2244 : vector<1x128xf32> to vector<16x128xf32>
    %add3A_2265 = arith.addf %add3A_2263, %add3A_2264 : vector<16x128xf32>
    %dot_general3A_2266 = arith.constant dense<0.000000e+00> : vector<128x128xf32>
    %dot_general3A_2267 = tpu.matmul %add3A_2265, %get3A_1, %dot_general3A_2266 {dimension_numbers = #tpu.dot_dimension_numbers<[0], [0], [1], [1], [0, 1, 1, 1], [], []>, transpose_lhs_hint = true} : vector<16x128xf32>, vector<16x128xf32>, vector<128x128xf32> -> vector<128x128xf32>
    %dot_general3A_2268 = arith.constant dense<0.000000e+00> : vector<128x128xf32>
    %dot_general3A_2269 = tpu.matmul %add3A_2265, %get3A_4, %dot_general3A_2268 {dimension_numbers = #tpu.dot_dimension_numbers<[0], [0], [1], [1], [0, 1, 1, 1], [], []>, transpose_lhs_hint = true} : vector<16x128xf32>, vector<16x128xf32>, vector<128x128xf32> -> vector<128x128xf32>
    %add3A_2270 = vector.broadcast %get3A_7 : vector<1x128xf32> to vector<128x128xf32>
    %add3A_2271 = arith.addf %dot_general3A_2267, %add3A_2270 : vector<128x128xf32>
    %add3A_2272 = vector.broadcast %get3A_10 : vector<1x128xf32> to vector<128x128xf32>
    %add3A_2273 = arith.addf %dot_general3A_2269, %add3A_2272 : vector<128x128xf32>
    %mul3A_2274 = arith.constant 5.000000e-01 : f32
    %mul3A_2275 = vector.broadcast %mul3A_2274 : f32 to vector<128x128xf32>
    %mul3A_2276 = arith.mulf %mul3A_2275, %add3A_2273 : vector<128x128xf32>
    %exp3A_2277 = math.exp %mul3A_2276 : vector<128x128xf32>
    %get3A_2278 = arith.constant 4736 : index
    %get3A_2279 = arith.constant 0 : index
    %get3A_2280 = vector.load %arg7[%get3A_2278, %get3A_2279] : memref<8192x128xf32, #tpu.memory_space<vmem>>, vector<128x128xf32>
    %mul3A_2281 = arith.mulf %exp3A_2277, %get3A_2280 : vector<128x128xf32>
    %add3A_2282 = arith.addf %add3A_2271, %mul3A_2281 : vector<128x128xf32>
    %swap3A_2283 = arith.constant 4736 : index
    %swap3A_2284 = arith.constant 0 : index
    %swap3A_2285 = vector.load %arg12[%swap3A_2283, %swap3A_2284] : memref<8192x128xf32, #tpu.memory_space<vmem>>, vector<128x128xf32>
    tpu.vector_store %arg12[%swap3A_2283, %swap3A_2284], %add3A_2282 {strides = array<i32>} : memref<8192x128xf32, #tpu.memory_space<vmem>>, vector<128x128xf32>,
    %get3A_2286 = arith.constant 9 : index
    %get3A_2287 = arith.constant 2 : index
    %get3A_2288 = arith.constant 0 : index
    %get3A_2289 = vector.load %arg3[%get3A_2286, %get3A_2287, %get3A_2288] : memref<16x4x128xf32, #tpu.memory_space<vmem>>, vector<1x1x128xf32>
    %get3A_2290 = vector.shape_cast %get3A_2289 : vector<1x1x128xf32> to vector<1x128xf32>
    %get3A_2291 = arith.constant 9 : index
    %get3A_2292 = arith.constant 2 : index
    %get3A_2293 = arith.constant 0 : index
    %get3A_2294 = vector.load %arg4[%get3A_2291, %get3A_2292, %get3A_2293] : memref<16x4x128xf32, #tpu.memory_space<vmem>>, vector<1x1x128xf32>
    %get3A_2295 = vector.shape_cast %get3A_2294 : vector<1x1x128xf32> to vector<1x128xf32>
    %mul3A_2296 = arith.constant 5.000000e-01 : f32
    %mul3A_2297 = vector.broadcast %mul3A_2296 : f32 to vector<1x128xf32>
    %mul3A_2298 = arith.mulf %mul3A_2297, %get3A_2295 : vector<1x128xf32>
    %exp3A_2299 = math.exp %mul3A_2298 : vector<1x128xf32>
    %get3A_2300 = arith.constant 0 : index
    %get3A_2301 = arith.constant 4864 : index
    %get3A_2302 = vector.load %arg6[%get3A_2300, %get3A_2301] : memref<1x8192xf32, #tpu.memory_space<vmem>>, vector<1x128xf32>
    %mul3A_2303 = arith.mulf %exp3A_2299, %get3A_2302 : vector<1x128xf32>
    %add3A_2304 = arith.addf %get3A_2290, %mul3A_2303 : vector<1x128xf32>
    %get3A_2305 = arith.constant 9 : index
    %get3A_2306 = arith.constant 32 : index
    %get3A_2307 = arith.constant 0 : index
    %get3A_2308 = vector.load %arg1[%get3A_2305, %get3A_2306, %get3A_2307] : memref<16x64x128xf32, #tpu.memory_space<vmem>>, vector<1x16x128xf32>
    %get3A_2309 = vector.shape_cast %get3A_2308 : vector<1x16x128xf32> to vector<16x128xf32>
    %get3A_2310 = arith.constant 9 : index
    %get3A_2311 = arith.constant 32 : index
    %get3A_2312 = arith.constant 0 : index
    %get3A_2313 = vector.load %arg2[%get3A_2310, %get3A_2311, %get3A_2312] : memref<16x64x128xf32, #tpu.memory_space<vmem>>, vector<1x16x128xf32>
    %get3A_2314 = vector.shape_cast %get3A_2313 : vector<1x16x128xf32> to vector<16x128xf32>
    %mul3A_2315 = arith.constant 5.000000e-01 : f32
    %mul3A_2316 = vector.broadcast %mul3A_2315 : f32 to vector<16x128xf32>
    %mul3A_2317 = arith.mulf %mul3A_2316, %get3A_2314 : vector<16x128xf32>
    %exp3A_2318 = math.exp %mul3A_2317 : vector<16x128xf32>
    %get3A_2319 = arith.constant 0 : index
    %get3A_2320 = arith.constant 4864 : index
    %get3A_2321 = vector.load %arg5[%get3A_2319, %get3A_2320] : memref<16x8192xf32, #tpu.memory_space<vmem>>, vector<16x128xf32>
    %mul3A_2322 = arith.mulf %exp3A_2318, %get3A_2321 : vector<16x128xf32>
    %add3A_2323 = arith.addf %get3A_2309, %mul3A_2322 : vector<16x128xf32>
    %add3A_2324 = vector.broadcast %add3A_2304 : vector<1x128xf32> to vector<16x128xf32>
    %add3A_2325 = arith.addf %add3A_2323, %add3A_2324 : vector<16x128xf32>
    %dot_general3A_2326 = arith.constant dense<0.000000e+00> : vector<128x128xf32>
    %dot_general3A_2327 = tpu.matmul %add3A_2325, %get3A_1, %dot_general3A_2326 {dimension_numbers = #tpu.dot_dimension_numbers<[0], [0], [1], [1], [0, 1, 1, 1], [], []>, transpose_lhs_hint = true} : vector<16x128xf32>, vector<16x128xf32>, vector<128x128xf32> -> vector<128x128xf32>
    %dot_general3A_2328 = arith.constant dense<0.000000e+00> : vector<128x128xf32>
    %dot_general3A_2329 = tpu.matmul %add3A_2325, %get3A_4, %dot_general3A_2328 {dimension_numbers = #tpu.dot_dimension_numbers<[0], [0], [1], [1], [0, 1, 1, 1], [], []>, transpose_lhs_hint = true} : vector<16x128xf32>, vector<16x128xf32>, vector<128x128xf32> -> vector<128x128xf32>
    %add3A_2330 = vector.broadcast %get3A_7 : vector<1x128xf32> to vector<128x128xf32>
    %add3A_2331 = arith.addf %dot_general3A_2327, %add3A_2330 : vector<128x128xf32>
    %add3A_2332 = vector.broadcast %get3A_10 : vector<1x128xf32> to vector<128x128xf32>
    %add3A_2333 = arith.addf %dot_general3A_2329, %add3A_2332 : vector<128x128xf32>
    %mul3A_2334 = arith.constant 5.000000e-01 : f32
    %mul3A_2335 = vector.broadcast %mul3A_2334 : f32 to vector<128x128xf32>
    %mul3A_2336 = arith.mulf %mul3A_2335, %add3A_2333 : vector<128x128xf32>
    %exp3A_2337 = math.exp %mul3A_2336 : vector<128x128xf32>
    %get3A_2338 = arith.constant 4864 : index
    %get3A_2339 = arith.constant 0 : index
    %get3A_2340 = vector.load %arg7[%get3A_2338, %get3A_2339] : memref<8192x128xf32, #tpu.memory_space<vmem>>, vector<128x128xf32>
    %mul3A_2341 = arith.mulf %exp3A_2337, %get3A_2340 : vector<128x128xf32>
    %add3A_2342 = arith.addf %add3A_2331, %mul3A_2341 : vector<128x128xf32>
    %swap3A_2343 = arith.constant 4864 : index
    %swap3A_2344 = arith.constant 0 : index
    %swap3A_2345 = vector.load %arg12[%swap3A_2343, %swap3A_2344] : memref<8192x128xf32, #tpu.memory_space<vmem>>, vector<128x128xf32>
    tpu.vector_store %arg12[%swap3A_2343, %swap3A_2344], %add3A_2342 {strides = array<i32>} : memref<8192x128xf32, #tpu.memory_space<vmem>>, vector<128x128xf32>,
    %get3A_2346 = arith.constant 9 : index
    %get3A_2347 = arith.constant 3 : index
    %get3A_2348 = arith.constant 0 : index
    %get3A_2349 = vector.load %arg3[%get3A_2346, %get3A_2347, %get3A_2348] : memref<16x4x128xf32, #tpu.memory_space<vmem>>, vector<1x1x128xf32>
    %get3A_2350 = vector.shape_cast %get3A_2349 : vector<1x1x128xf32> to vector<1x128xf32>
    %get3A_2351 = arith.constant 9 : index
    %get3A_2352 = arith.constant 3 : index
    %get3A_2353 = arith.constant 0 : index
    %get3A_2354 = vector.load %arg4[%get3A_2351, %get3A_2352, %get3A_2353] : memref<16x4x128xf32, #tpu.memory_space<vmem>>, vector<1x1x128xf32>
    %get3A_2355 = vector.shape_cast %get3A_2354 : vector<1x1x128xf32> to vector<1x128xf32>
    %mul3A_2356 = arith.constant 5.000000e-01 : f32
    %mul3A_2357 = vector.broadcast %mul3A_2356 : f32 to vector<1x128xf32>
    %mul3A_2358 = arith.mulf %mul3A_2357, %get3A_2355 : vector<1x128xf32>
    %exp3A_2359 = math.exp %mul3A_2358 : vector<1x128xf32>
    %get3A_2360 = arith.constant 0 : index
    %get3A_2361 = arith.constant 4992 : index
    %get3A_2362 = vector.load %arg6[%get3A_2360, %get3A_2361] : memref<1x8192xf32, #tpu.memory_space<vmem>>, vector<1x128xf32>
    %mul3A_2363 = arith.mulf %exp3A_2359, %get3A_2362 : vector<1x128xf32>
    %add3A_2364 = arith.addf %get3A_2350, %mul3A_2363 : vector<1x128xf32>
    %get3A_2365 = arith.constant 9 : index
    %get3A_2366 = arith.constant 48 : index
    %get3A_2367 = arith.constant 0 : index
    %get3A_2368 = vector.load %arg1[%get3A_2365, %get3A_2366, %get3A_2367] : memref<16x64x128xf32, #tpu.memory_space<vmem>>, vector<1x16x128xf32>
    %get3A_2369 = vector.shape_cast %get3A_2368 : vector<1x16x128xf32> to vector<16x128xf32>
    %get3A_2370 = arith.constant 9 : index
    %get3A_2371 = arith.constant 48 : index
    %get3A_2372 = arith.constant 0 : index
    %get3A_2373 = vector.load %arg2[%get3A_2370, %get3A_2371, %get3A_2372] : memref<16x64x128xf32, #tpu.memory_space<vmem>>, vector<1x16x128xf32>
    %get3A_2374 = vector.shape_cast %get3A_2373 : vector<1x16x128xf32> to vector<16x128xf32>
    %mul3A_2375 = arith.constant 5.000000e-01 : f32
    %mul3A_2376 = vector.broadcast %mul3A_2375 : f32 to vector<16x128xf32>
    %mul3A_2377 = arith.mulf %mul3A_2376, %get3A_2374 : vector<16x128xf32>
    %exp3A_2378 = math.exp %mul3A_2377 : vector<16x128xf32>
    %get3A_2379 = arith.constant 0 : index
    %get3A_2380 = arith.constant 4992 : index
    %get3A_2381 = vector.load %arg5[%get3A_2379, %get3A_2380] : memref<16x8192xf32, #tpu.memory_space<vmem>>, vector<16x128xf32>
    %mul3A_2382 = arith.mulf %exp3A_2378, %get3A_2381 : vector<16x128xf32>
    %add3A_2383 = arith.addf %get3A_2369, %mul3A_2382 : vector<16x128xf32>
    %add3A_2384 = vector.broadcast %add3A_2364 : vector<1x128xf32> to vector<16x128xf32>
    %add3A_2385 = arith.addf %add3A_2383, %add3A_2384 : vector<16x128xf32>
    %dot_general3A_2386 = arith.constant dense<0.000000e+00> : vector<128x128xf32>
    %dot_general3A_2387 = tpu.matmul %add3A_2385, %get3A_1, %dot_general3A_2386 {dimension_numbers = #tpu.dot_dimension_numbers<[0], [0], [1], [1], [0, 1, 1, 1], [], []>, transpose_lhs_hint = true} : vector<16x128xf32>, vector<16x128xf32>, vector<128x128xf32> -> vector<128x128xf32>
    %dot_general3A_2388 = arith.constant dense<0.000000e+00> : vector<128x128xf32>
    %dot_general3A_2389 = tpu.matmul %add3A_2385, %get3A_4, %dot_general3A_2388 {dimension_numbers = #tpu.dot_dimension_numbers<[0], [0], [1], [1], [0, 1, 1, 1], [], []>, transpose_lhs_hint = true} : vector<16x128xf32>, vector<16x128xf32>, vector<128x128xf32> -> vector<128x128xf32>
    %add3A_2390 = vector.broadcast %get3A_7 : vector<1x128xf32> to vector<128x128xf32>
    %add3A_2391 = arith.addf %dot_general3A_2387, %add3A_2390 : vector<128x128xf32>
    %add3A_2392 = vector.broadcast %get3A_10 : vector<1x128xf32> to vector<128x128xf32>
    %add3A_2393 = arith.addf %dot_general3A_2389, %add3A_2392 : vector<128x128xf32>
    %mul3A_2394 = arith.constant 5.000000e-01 : f32
    %mul3A_2395 = vector.broadcast %mul3A_2394 : f32 to vector<128x128xf32>
    %mul3A_2396 = arith.mulf %mul3A_2395, %add3A_2393 : vector<128x128xf32>
    %exp3A_2397 = math.exp %mul3A_2396 : vector<128x128xf32>
    %get3A_2398 = arith.constant 4992 : index
    %get3A_2399 = arith.constant 0 : index
    %get3A_2400 = vector.load %arg7[%get3A_2398, %get3A_2399] : memref<8192x128xf32, #tpu.memory_space<vmem>>, vector<128x128xf32>
    %mul3A_2401 = arith.mulf %exp3A_2397, %get3A_2400 : vector<128x128xf32>
    %add3A_2402 = arith.addf %add3A_2391, %mul3A_2401 : vector<128x128xf32>
    %swap3A_2403 = arith.constant 4992 : index
    %swap3A_2404 = arith.constant 0 : index
    %swap3A_2405 = vector.load %arg12[%swap3A_2403, %swap3A_2404] : memref<8192x128xf32, #tpu.memory_space<vmem>>, vector<128x128xf32>
    tpu.vector_store %arg12[%swap3A_2403, %swap3A_2404], %add3A_2402 {strides = array<i32>} : memref<8192x128xf32, #tpu.memory_space<vmem>>, vector<128x128xf32>,
    %get3A_2406 = arith.constant 10 : index
    %get3A_2407 = arith.constant 0 : index
    %get3A_2408 = arith.constant 0 : index
    %get3A_2409 = vector.load %arg3[%get3A_2406, %get3A_2407, %get3A_2408] : memref<16x4x128xf32, #tpu.memory_space<vmem>>, vector<1x1x128xf32>
    %get3A_2410 = vector.shape_cast %get3A_2409 : vector<1x1x128xf32> to vector<1x128xf32>
    %get3A_2411 = arith.constant 10 : index
    %get3A_2412 = arith.constant 0 : index
    %get3A_2413 = arith.constant 0 : index
    %get3A_2414 = vector.load %arg4[%get3A_2411, %get3A_2412, %get3A_2413] : memref<16x4x128xf32, #tpu.memory_space<vmem>>, vector<1x1x128xf32>
    %get3A_2415 = vector.shape_cast %get3A_2414 : vector<1x1x128xf32> to vector<1x128xf32>
    %mul3A_2416 = arith.constant 5.000000e-01 : f32
    %mul3A_2417 = vector.broadcast %mul3A_2416 : f32 to vector<1x128xf32>
    %mul3A_2418 = arith.mulf %mul3A_2417, %get3A_2415 : vector<1x128xf32>
    %exp3A_2419 = math.exp %mul3A_2418 : vector<1x128xf32>
    %get3A_2420 = arith.constant 0 : index
    %get3A_2421 = arith.constant 5120 : index
    %get3A_2422 = vector.load %arg6[%get3A_2420, %get3A_2421] : memref<1x8192xf32, #tpu.memory_space<vmem>>, vector<1x128xf32>
    %mul3A_2423 = arith.mulf %exp3A_2419, %get3A_2422 : vector<1x128xf32>
    %add3A_2424 = arith.addf %get3A_2410, %mul3A_2423 : vector<1x128xf32>
    %get3A_2425 = arith.constant 10 : index
    %get3A_2426 = arith.constant 0 : index
    %get3A_2427 = arith.constant 0 : index
    %get3A_2428 = vector.load %arg1[%get3A_2425, %get3A_2426, %get3A_2427] : memref<16x64x128xf32, #tpu.memory_space<vmem>>, vector<1x16x128xf32>
    %get3A_2429 = vector.shape_cast %get3A_2428 : vector<1x16x128xf32> to vector<16x128xf32>
    %get3A_2430 = arith.constant 10 : index
    %get3A_2431 = arith.constant 0 : index
    %get3A_2432 = arith.constant 0 : index
    %get3A_2433 = vector.load %arg2[%get3A_2430, %get3A_2431, %get3A_2432] : memref<16x64x128xf32, #tpu.memory_space<vmem>>, vector<1x16x128xf32>
    %get3A_2434 = vector.shape_cast %get3A_2433 : vector<1x16x128xf32> to vector<16x128xf32>
    %mul3A_2435 = arith.constant 5.000000e-01 : f32
    %mul3A_2436 = vector.broadcast %mul3A_2435 : f32 to vector<16x128xf32>
    %mul3A_2437 = arith.mulf %mul3A_2436, %get3A_2434 : vector<16x128xf32>
    %exp3A_2438 = math.exp %mul3A_2437 : vector<16x128xf32>
    %get3A_2439 = arith.constant 0 : index
    %get3A_2440 = arith.constant 5120 : index
    %get3A_2441 = vector.load %arg5[%get3A_2439, %get3A_2440] : memref<16x8192xf32, #tpu.memory_space<vmem>>, vector<16x128xf32>
    %mul3A_2442 = arith.mulf %exp3A_2438, %get3A_2441 : vector<16x128xf32>
    %add3A_2443 = arith.addf %get3A_2429, %mul3A_2442 : vector<16x128xf32>
    %add3A_2444 = vector.broadcast %add3A_2424 : vector<1x128xf32> to vector<16x128xf32>
    %add3A_2445 = arith.addf %add3A_2443, %add3A_2444 : vector<16x128xf32>
    %dot_general3A_2446 = arith.constant dense<0.000000e+00> : vector<128x128xf32>
    %dot_general3A_2447 = tpu.matmul %add3A_2445, %get3A_1, %dot_general3A_2446 {dimension_numbers = #tpu.dot_dimension_numbers<[0], [0], [1], [1], [0, 1, 1, 1], [], []>, transpose_lhs_hint = true} : vector<16x128xf32>, vector<16x128xf32>, vector<128x128xf32> -> vector<128x128xf32>
    %dot_general3A_2448 = arith.constant dense<0.000000e+00> : vector<128x128xf32>
    %dot_general3A_2449 = tpu.matmul %add3A_2445, %get3A_4, %dot_general3A_2448 {dimension_numbers = #tpu.dot_dimension_numbers<[0], [0], [1], [1], [0, 1, 1, 1], [], []>, transpose_lhs_hint = true} : vector<16x128xf32>, vector<16x128xf32>, vector<128x128xf32> -> vector<128x128xf32>
    %add3A_2450 = vector.broadcast %get3A_7 : vector<1x128xf32> to vector<128x128xf32>
    %add3A_2451 = arith.addf %dot_general3A_2447, %add3A_2450 : vector<128x128xf32>
    %add3A_2452 = vector.broadcast %get3A_10 : vector<1x128xf32> to vector<128x128xf32>
    %add3A_2453 = arith.addf %dot_general3A_2449, %add3A_2452 : vector<128x128xf32>
    %mul3A_2454 = arith.constant 5.000000e-01 : f32
    %mul3A_2455 = vector.broadcast %mul3A_2454 : f32 to vector<128x128xf32>
    %mul3A_2456 = arith.mulf %mul3A_2455, %add3A_2453 : vector<128x128xf32>
    %exp3A_2457 = math.exp %mul3A_2456 : vector<128x128xf32>
    %get3A_2458 = arith.constant 5120 : index
    %get3A_2459 = arith.constant 0 : index
    %get3A_2460 = vector.load %arg7[%get3A_2458, %get3A_2459] : memref<8192x128xf32, #tpu.memory_space<vmem>>, vector<128x128xf32>
    %mul3A_2461 = arith.mulf %exp3A_2457, %get3A_2460 : vector<128x128xf32>
    %add3A_2462 = arith.addf %add3A_2451, %mul3A_2461 : vector<128x128xf32>
    %swap3A_2463 = arith.constant 5120 : index
    %swap3A_2464 = arith.constant 0 : index
    %swap3A_2465 = vector.load %arg12[%swap3A_2463, %swap3A_2464] : memref<8192x128xf32, #tpu.memory_space<vmem>>, vector<128x128xf32>
    tpu.vector_store %arg12[%swap3A_2463, %swap3A_2464], %add3A_2462 {strides = array<i32>} : memref<8192x128xf32, #tpu.memory_space<vmem>>, vector<128x128xf32>,
    %get3A_2466 = arith.constant 10 : index
    %get3A_2467 = arith.constant 1 : index
    %get3A_2468 = arith.constant 0 : index
    %get3A_2469 = vector.load %arg3[%get3A_2466, %get3A_2467, %get3A_2468] : memref<16x4x128xf32, #tpu.memory_space<vmem>>, vector<1x1x128xf32>
    %get3A_2470 = vector.shape_cast %get3A_2469 : vector<1x1x128xf32> to vector<1x128xf32>
    %get3A_2471 = arith.constant 10 : index
    %get3A_2472 = arith.constant 1 : index
    %get3A_2473 = arith.constant 0 : index
    %get3A_2474 = vector.load %arg4[%get3A_2471, %get3A_2472, %get3A_2473] : memref<16x4x128xf32, #tpu.memory_space<vmem>>, vector<1x1x128xf32>
    %get3A_2475 = vector.shape_cast %get3A_2474 : vector<1x1x128xf32> to vector<1x128xf32>
    %mul3A_2476 = arith.constant 5.000000e-01 : f32
    %mul3A_2477 = vector.broadcast %mul3A_2476 : f32 to vector<1x128xf32>
    %mul3A_2478 = arith.mulf %mul3A_2477, %get3A_2475 : vector<1x128xf32>
    %exp3A_2479 = math.exp %mul3A_2478 : vector<1x128xf32>
    %get3A_2480 = arith.constant 0 : index
    %get3A_2481 = arith.constant 5248 : index
    %get3A_2482 = vector.load %arg6[%get3A_2480, %get3A_2481] : memref<1x8192xf32, #tpu.memory_space<vmem>>, vector<1x128xf32>
    %mul3A_2483 = arith.mulf %exp3A_2479, %get3A_2482 : vector<1x128xf32>
    %add3A_2484 = arith.addf %get3A_2470, %mul3A_2483 : vector<1x128xf32>
    %get3A_2485 = arith.constant 10 : index
    %get3A_2486 = arith.constant 16 : index
    %get3A_2487 = arith.constant 0 : index
    %get3A_2488 = vector.load %arg1[%get3A_2485, %get3A_2486, %get3A_2487] : memref<16x64x128xf32, #tpu.memory_space<vmem>>, vector<1x16x128xf32>
    %get3A_2489 = vector.shape_cast %get3A_2488 : vector<1x16x128xf32> to vector<16x128xf32>
    %get3A_2490 = arith.constant 10 : index
    %get3A_2491 = arith.constant 16 : index
    %get3A_2492 = arith.constant 0 : index
    %get3A_2493 = vector.load %arg2[%get3A_2490, %get3A_2491, %get3A_2492] : memref<16x64x128xf32, #tpu.memory_space<vmem>>, vector<1x16x128xf32>
    %get3A_2494 = vector.shape_cast %get3A_2493 : vector<1x16x128xf32> to vector<16x128xf32>
    %mul3A_2495 = arith.constant 5.000000e-01 : f32
    %mul3A_2496 = vector.broadcast %mul3A_2495 : f32 to vector<16x128xf32>
    %mul3A_2497 = arith.mulf %mul3A_2496, %get3A_2494 : vector<16x128xf32>
    %exp3A_2498 = math.exp %mul3A_2497 : vector<16x128xf32>
    %get3A_2499 = arith.constant 0 : index
    %get3A_2500 = arith.constant 5248 : index
    %get3A_2501 = vector.load %arg5[%get3A_2499, %get3A_2500] : memref<16x8192xf32, #tpu.memory_space<vmem>>, vector<16x128xf32>
    %mul3A_2502 = arith.mulf %exp3A_2498, %get3A_2501 : vector<16x128xf32>
    %add3A_2503 = arith.addf %get3A_2489, %mul3A_2502 : vector<16x128xf32>
    %add3A_2504 = vector.broadcast %add3A_2484 : vector<1x128xf32> to vector<16x128xf32>
    %add3A_2505 = arith.addf %add3A_2503, %add3A_2504 : vector<16x128xf32>
    %dot_general3A_2506 = arith.constant dense<0.000000e+00> : vector<128x128xf32>
    %dot_general3A_2507 = tpu.matmul %add3A_2505, %get3A_1, %dot_general3A_2506 {dimension_numbers = #tpu.dot_dimension_numbers<[0], [0], [1], [1], [0, 1, 1, 1], [], []>, transpose_lhs_hint = true} : vector<16x128xf32>, vector<16x128xf32>, vector<128x128xf32> -> vector<128x128xf32>
    %dot_general3A_2508 = arith.constant dense<0.000000e+00> : vector<128x128xf32>
    %dot_general3A_2509 = tpu.matmul %add3A_2505, %get3A_4, %dot_general3A_2508 {dimension_numbers = #tpu.dot_dimension_numbers<[0], [0], [1], [1], [0, 1, 1, 1], [], []>, transpose_lhs_hint = true} : vector<16x128xf32>, vector<16x128xf32>, vector<128x128xf32> -> vector<128x128xf32>
    %add3A_2510 = vector.broadcast %get3A_7 : vector<1x128xf32> to vector<128x128xf32>
    %add3A_2511 = arith.addf %dot_general3A_2507, %add3A_2510 : vector<128x128xf32>
    %add3A_2512 = vector.broadcast %get3A_10 : vector<1x128xf32> to vector<128x128xf32>
    %add3A_2513 = arith.addf %dot_general3A_2509, %add3A_2512 : vector<128x128xf32>
    %mul3A_2514 = arith.constant 5.000000e-01 : f32
    %mul3A_2515 = vector.broadcast %mul3A_2514 : f32 to vector<128x128xf32>
    %mul3A_2516 = arith.mulf %mul3A_2515, %add3A_2513 : vector<128x128xf32>
    %exp3A_2517 = math.exp %mul3A_2516 : vector<128x128xf32>
    %get3A_2518 = arith.constant 5248 : index
    %get3A_2519 = arith.constant 0 : index
    %get3A_2520 = vector.load %arg7[%get3A_2518, %get3A_2519] : memref<8192x128xf32, #tpu.memory_space<vmem>>, vector<128x128xf32>
    %mul3A_2521 = arith.mulf %exp3A_2517, %get3A_2520 : vector<128x128xf32>
    %add3A_2522 = arith.addf %add3A_2511, %mul3A_2521 : vector<128x128xf32>
    %swap3A_2523 = arith.constant 5248 : index
    %swap3A_2524 = arith.constant 0 : index
    %swap3A_2525 = vector.load %arg12[%swap3A_2523, %swap3A_2524] : memref<8192x128xf32, #tpu.memory_space<vmem>>, vector<128x128xf32>
    tpu.vector_store %arg12[%swap3A_2523, %swap3A_2524], %add3A_2522 {strides = array<i32>} : memref<8192x128xf32, #tpu.memory_space<vmem>>, vector<128x128xf32>,
    %get3A_2526 = arith.constant 10 : index
    %get3A_2527 = arith.constant 2 : index
    %get3A_2528 = arith.constant 0 : index
    %get3A_2529 = vector.load %arg3[%get3A_2526, %get3A_2527, %get3A_2528] : memref<16x4x128xf32, #tpu.memory_space<vmem>>, vector<1x1x128xf32>
    %get3A_2530 = vector.shape_cast %get3A_2529 : vector<1x1x128xf32> to vector<1x128xf32>
    %get3A_2531 = arith.constant 10 : index
    %get3A_2532 = arith.constant 2 : index
    %get3A_2533 = arith.constant 0 : index
    %get3A_2534 = vector.load %arg4[%get3A_2531, %get3A_2532, %get3A_2533] : memref<16x4x128xf32, #tpu.memory_space<vmem>>, vector<1x1x128xf32>
    %get3A_2535 = vector.shape_cast %get3A_2534 : vector<1x1x128xf32> to vector<1x128xf32>
    %mul3A_2536 = arith.constant 5.000000e-01 : f32
    %mul3A_2537 = vector.broadcast %mul3A_2536 : f32 to vector<1x128xf32>
    %mul3A_2538 = arith.mulf %mul3A_2537, %get3A_2535 : vector<1x128xf32>
    %exp3A_2539 = math.exp %mul3A_2538 : vector<1x128xf32>
    %get3A_2540 = arith.constant 0 : index
    %get3A_2541 = arith.constant 5376 : index
    %get3A_2542 = vector.load %arg6[%get3A_2540, %get3A_2541] : memref<1x8192xf32, #tpu.memory_space<vmem>>, vector<1x128xf32>
    %mul3A_2543 = arith.mulf %exp3A_2539, %get3A_2542 : vector<1x128xf32>
    %add3A_2544 = arith.addf %get3A_2530, %mul3A_2543 : vector<1x128xf32>
    %get3A_2545 = arith.constant 10 : index
    %get3A_2546 = arith.constant 32 : index
    %get3A_2547 = arith.constant 0 : index
    %get3A_2548 = vector.load %arg1[%get3A_2545, %get3A_2546, %get3A_2547] : memref<16x64x128xf32, #tpu.memory_space<vmem>>, vector<1x16x128xf32>
    %get3A_2549 = vector.shape_cast %get3A_2548 : vector<1x16x128xf32> to vector<16x128xf32>
    %get3A_2550 = arith.constant 10 : index
    %get3A_2551 = arith.constant 32 : index
    %get3A_2552 = arith.constant 0 : index
    %get3A_2553 = vector.load %arg2[%get3A_2550, %get3A_2551, %get3A_2552] : memref<16x64x128xf32, #tpu.memory_space<vmem>>, vector<1x16x128xf32>
    %get3A_2554 = vector.shape_cast %get3A_2553 : vector<1x16x128xf32> to vector<16x128xf32>
    %mul3A_2555 = arith.constant 5.000000e-01 : f32
    %mul3A_2556 = vector.broadcast %mul3A_2555 : f32 to vector<16x128xf32>
    %mul3A_2557 = arith.mulf %mul3A_2556, %get3A_2554 : vector<16x128xf32>
    %exp3A_2558 = math.exp %mul3A_2557 : vector<16x128xf32>
    %get3A_2559 = arith.constant 0 : index
    %get3A_2560 = arith.constant 5376 : index
    %get3A_2561 = vector.load %arg5[%get3A_2559, %get3A_2560] : memref<16x8192xf32, #tpu.memory_space<vmem>>, vector<16x128xf32>
    %mul3A_2562 = arith.mulf %exp3A_2558, %get3A_2561 : vector<16x128xf32>
    %add3A_2563 = arith.addf %get3A_2549, %mul3A_2562 : vector<16x128xf32>
    %add3A_2564 = vector.broadcast %add3A_2544 : vector<1x128xf32> to vector<16x128xf32>
    %add3A_2565 = arith.addf %add3A_2563, %add3A_2564 : vector<16x128xf32>
    %dot_general3A_2566 = arith.constant dense<0.000000e+00> : vector<128x128xf32>
    %dot_general3A_2567 = tpu.matmul %add3A_2565, %get3A_1, %dot_general3A_2566 {dimension_numbers = #tpu.dot_dimension_numbers<[0], [0], [1], [1], [0, 1, 1, 1], [], []>, transpose_lhs_hint = true} : vector<16x128xf32>, vector<16x128xf32>, vector<128x128xf32> -> vector<128x128xf32>
    %dot_general3A_2568 = arith.constant dense<0.000000e+00> : vector<128x128xf32>
    %dot_general3A_2569 = tpu.matmul %add3A_2565, %get3A_4, %dot_general3A_2568 {dimension_numbers = #tpu.dot_dimension_numbers<[0], [0], [1], [1], [0, 1, 1, 1], [], []>, transpose_lhs_hint = true} : vector<16x128xf32>, vector<16x128xf32>, vector<128x128xf32> -> vector<128x128xf32>
    %add3A_2570 = vector.broadcast %get3A_7 : vector<1x128xf32> to vector<128x128xf32>
    %add3A_2571 = arith.addf %dot_general3A_2567, %add3A_2570 : vector<128x128xf32>
    %add3A_2572 = vector.broadcast %get3A_10 : vector<1x128xf32> to vector<128x128xf32>
    %add3A_2573 = arith.addf %dot_general3A_2569, %add3A_2572 : vector<128x128xf32>
    %mul3A_2574 = arith.constant 5.000000e-01 : f32
    %mul3A_2575 = vector.broadcast %mul3A_2574 : f32 to vector<128x128xf32>
    %mul3A_2576 = arith.mulf %mul3A_2575, %add3A_2573 : vector<128x128xf32>
    %exp3A_2577 = math.exp %mul3A_2576 : vector<128x128xf32>
    %get3A_2578 = arith.constant 5376 : index
    %get3A_2579 = arith.constant 0 : index
    %get3A_2580 = vector.load %arg7[%get3A_2578, %get3A_2579] : memref<8192x128xf32, #tpu.memory_space<vmem>>, vector<128x128xf32>
    %mul3A_2581 = arith.mulf %exp3A_2577, %get3A_2580 : vector<128x128xf32>
    %add3A_2582 = arith.addf %add3A_2571, %mul3A_2581 : vector<128x128xf32>
    %swap3A_2583 = arith.constant 5376 : index
    %swap3A_2584 = arith.constant 0 : index
    %swap3A_2585 = vector.load %arg12[%swap3A_2583, %swap3A_2584] : memref<8192x128xf32, #tpu.memory_space<vmem>>, vector<128x128xf32>
    tpu.vector_store %arg12[%swap3A_2583, %swap3A_2584], %add3A_2582 {strides = array<i32>} : memref<8192x128xf32, #tpu.memory_space<vmem>>, vector<128x128xf32>,
    %get3A_2586 = arith.constant 10 : index
    %get3A_2587 = arith.constant 3 : index
    %get3A_2588 = arith.constant 0 : index
    %get3A_2589 = vector.load %arg3[%get3A_2586, %get3A_2587, %get3A_2588] : memref<16x4x128xf32, #tpu.memory_space<vmem>>, vector<1x1x128xf32>
    %get3A_2590 = vector.shape_cast %get3A_2589 : vector<1x1x128xf32> to vector<1x128xf32>
    %get3A_2591 = arith.constant 10 : index
    %get3A_2592 = arith.constant 3 : index
    %get3A_2593 = arith.constant 0 : index
    %get3A_2594 = vector.load %arg4[%get3A_2591, %get3A_2592, %get3A_2593] : memref<16x4x128xf32, #tpu.memory_space<vmem>>, vector<1x1x128xf32>
    %get3A_2595 = vector.shape_cast %get3A_2594 : vector<1x1x128xf32> to vector<1x128xf32>
    %mul3A_2596 = arith.constant 5.000000e-01 : f32
    %mul3A_2597 = vector.broadcast %mul3A_2596 : f32 to vector<1x128xf32>
    %mul3A_2598 = arith.mulf %mul3A_2597, %get3A_2595 : vector<1x128xf32>
    %exp3A_2599 = math.exp %mul3A_2598 : vector<1x128xf32>
    %get3A_2600 = arith.constant 0 : index
    %get3A_2601 = arith.constant 5504 : index
    %get3A_2602 = vector.load %arg6[%get3A_2600, %get3A_2601] : memref<1x8192xf32, #tpu.memory_space<vmem>>, vector<1x128xf32>
    %mul3A_2603 = arith.mulf %exp3A_2599, %get3A_2602 : vector<1x128xf32>
    %add3A_2604 = arith.addf %get3A_2590, %mul3A_2603 : vector<1x128xf32>
    %get3A_2605 = arith.constant 10 : index
    %get3A_2606 = arith.constant 48 : index
    %get3A_2607 = arith.constant 0 : index
    %get3A_2608 = vector.load %arg1[%get3A_2605, %get3A_2606, %get3A_2607] : memref<16x64x128xf32, #tpu.memory_space<vmem>>, vector<1x16x128xf32>
    %get3A_2609 = vector.shape_cast %get3A_2608 : vector<1x16x128xf32> to vector<16x128xf32>
    %get3A_2610 = arith.constant 10 : index
    %get3A_2611 = arith.constant 48 : index
    %get3A_2612 = arith.constant 0 : index
    %get3A_2613 = vector.load %arg2[%get3A_2610, %get3A_2611, %get3A_2612] : memref<16x64x128xf32, #tpu.memory_space<vmem>>, vector<1x16x128xf32>
    %get3A_2614 = vector.shape_cast %get3A_2613 : vector<1x16x128xf32> to vector<16x128xf32>
    %mul3A_2615 = arith.constant 5.000000e-01 : f32
    %mul3A_2616 = vector.broadcast %mul3A_2615 : f32 to vector<16x128xf32>
    %mul3A_2617 = arith.mulf %mul3A_2616, %get3A_2614 : vector<16x128xf32>
    %exp3A_2618 = math.exp %mul3A_2617 : vector<16x128xf32>
    %get3A_2619 = arith.constant 0 : index
    %get3A_2620 = arith.constant 5504 : index
    %get3A_2621 = vector.load %arg5[%get3A_2619, %get3A_2620] : memref<16x8192xf32, #tpu.memory_space<vmem>>, vector<16x128xf32>
    %mul3A_2622 = arith.mulf %exp3A_2618, %get3A_2621 : vector<16x128xf32>
    %add3A_2623 = arith.addf %get3A_2609, %mul3A_2622 : vector<16x128xf32>
    %add3A_2624 = vector.broadcast %add3A_2604 : vector<1x128xf32> to vector<16x128xf32>
    %add3A_2625 = arith.addf %add3A_2623, %add3A_2624 : vector<16x128xf32>
    %dot_general3A_2626 = arith.constant dense<0.000000e+00> : vector<128x128xf32>
    %dot_general3A_2627 = tpu.matmul %add3A_2625, %get3A_1, %dot_general3A_2626 {dimension_numbers = #tpu.dot_dimension_numbers<[0], [0], [1], [1], [0, 1, 1, 1], [], []>, transpose_lhs_hint = true} : vector<16x128xf32>, vector<16x128xf32>, vector<128x128xf32> -> vector<128x128xf32>
    %dot_general3A_2628 = arith.constant dense<0.000000e+00> : vector<128x128xf32>
    %dot_general3A_2629 = tpu.matmul %add3A_2625, %get3A_4, %dot_general3A_2628 {dimension_numbers = #tpu.dot_dimension_numbers<[0], [0], [1], [1], [0, 1, 1, 1], [], []>, transpose_lhs_hint = true} : vector<16x128xf32>, vector<16x128xf32>, vector<128x128xf32> -> vector<128x128xf32>
    %add3A_2630 = vector.broadcast %get3A_7 : vector<1x128xf32> to vector<128x128xf32>
    %add3A_2631 = arith.addf %dot_general3A_2627, %add3A_2630 : vector<128x128xf32>
    %add3A_2632 = vector.broadcast %get3A_10 : vector<1x128xf32> to vector<128x128xf32>
    %add3A_2633 = arith.addf %dot_general3A_2629, %add3A_2632 : vector<128x128xf32>
    %mul3A_2634 = arith.constant 5.000000e-01 : f32
    %mul3A_2635 = vector.broadcast %mul3A_2634 : f32 to vector<128x128xf32>
    %mul3A_2636 = arith.mulf %mul3A_2635, %add3A_2633 : vector<128x128xf32>
    %exp3A_2637 = math.exp %mul3A_2636 : vector<128x128xf32>
    %get3A_2638 = arith.constant 5504 : index
    %get3A_2639 = arith.constant 0 : index
    %get3A_2640 = vector.load %arg7[%get3A_2638, %get3A_2639] : memref<8192x128xf32, #tpu.memory_space<vmem>>, vector<128x128xf32>
    %mul3A_2641 = arith.mulf %exp3A_2637, %get3A_2640 : vector<128x128xf32>
    %add3A_2642 = arith.addf %add3A_2631, %mul3A_2641 : vector<128x128xf32>
    %swap3A_2643 = arith.constant 5504 : index
    %swap3A_2644 = arith.constant 0 : index
    %swap3A_2645 = vector.load %arg12[%swap3A_2643, %swap3A_2644] : memref<8192x128xf32, #tpu.memory_space<vmem>>, vector<128x128xf32>
    tpu.vector_store %arg12[%swap3A_2643, %swap3A_2644], %add3A_2642 {strides = array<i32>} : memref<8192x128xf32, #tpu.memory_space<vmem>>, vector<128x128xf32>,
    %get3A_2646 = arith.constant 11 : index
    %get3A_2647 = arith.constant 0 : index
    %get3A_2648 = arith.constant 0 : index
    %get3A_2649 = vector.load %arg3[%get3A_2646, %get3A_2647, %get3A_2648] : memref<16x4x128xf32, #tpu.memory_space<vmem>>, vector<1x1x128xf32>
    %get3A_2650 = vector.shape_cast %get3A_2649 : vector<1x1x128xf32> to vector<1x128xf32>
    %get3A_2651 = arith.constant 11 : index
    %get3A_2652 = arith.constant 0 : index
    %get3A_2653 = arith.constant 0 : index
    %get3A_2654 = vector.load %arg4[%get3A_2651, %get3A_2652, %get3A_2653] : memref<16x4x128xf32, #tpu.memory_space<vmem>>, vector<1x1x128xf32>
    %get3A_2655 = vector.shape_cast %get3A_2654 : vector<1x1x128xf32> to vector<1x128xf32>
    %mul3A_2656 = arith.constant 5.000000e-01 : f32
    %mul3A_2657 = vector.broadcast %mul3A_2656 : f32 to vector<1x128xf32>
    %mul3A_2658 = arith.mulf %mul3A_2657, %get3A_2655 : vector<1x128xf32>
    %exp3A_2659 = math.exp %mul3A_2658 : vector<1x128xf32>
    %get3A_2660 = arith.constant 0 : index
    %get3A_2661 = arith.constant 5632 : index
    %get3A_2662 = vector.load %arg6[%get3A_2660, %get3A_2661] : memref<1x8192xf32, #tpu.memory_space<vmem>>, vector<1x128xf32>
    %mul3A_2663 = arith.mulf %exp3A_2659, %get3A_2662 : vector<1x128xf32>
    %add3A_2664 = arith.addf %get3A_2650, %mul3A_2663 : vector<1x128xf32>
    %get3A_2665 = arith.constant 11 : index
    %get3A_2666 = arith.constant 0 : index
    %get3A_2667 = arith.constant 0 : index
    %get3A_2668 = vector.load %arg1[%get3A_2665, %get3A_2666, %get3A_2667] : memref<16x64x128xf32, #tpu.memory_space<vmem>>, vector<1x16x128xf32>
    %get3A_2669 = vector.shape_cast %get3A_2668 : vector<1x16x128xf32> to vector<16x128xf32>
    %get3A_2670 = arith.constant 11 : index
    %get3A_2671 = arith.constant 0 : index
    %get3A_2672 = arith.constant 0 : index
    %get3A_2673 = vector.load %arg2[%get3A_2670, %get3A_2671, %get3A_2672] : memref<16x64x128xf32, #tpu.memory_space<vmem>>, vector<1x16x128xf32>
    %get3A_2674 = vector.shape_cast %get3A_2673 : vector<1x16x128xf32> to vector<16x128xf32>
    %mul3A_2675 = arith.constant 5.000000e-01 : f32
    %mul3A_2676 = vector.broadcast %mul3A_2675 : f32 to vector<16x128xf32>
    %mul3A_2677 = arith.mulf %mul3A_2676, %get3A_2674 : vector<16x128xf32>
    %exp3A_2678 = math.exp %mul3A_2677 : vector<16x128xf32>
    %get3A_2679 = arith.constant 0 : index
    %get3A_2680 = arith.constant 5632 : index
    %get3A_2681 = vector.load %arg5[%get3A_2679, %get3A_2680] : memref<16x8192xf32, #tpu.memory_space<vmem>>, vector<16x128xf32>
    %mul3A_2682 = arith.mulf %exp3A_2678, %get3A_2681 : vector<16x128xf32>
    %add3A_2683 = arith.addf %get3A_2669, %mul3A_2682 : vector<16x128xf32>
    %add3A_2684 = vector.broadcast %add3A_2664 : vector<1x128xf32> to vector<16x128xf32>
    %add3A_2685 = arith.addf %add3A_2683, %add3A_2684 : vector<16x128xf32>
    %dot_general3A_2686 = arith.constant dense<0.000000e+00> : vector<128x128xf32>
    %dot_general3A_2687 = tpu.matmul %add3A_2685, %get3A_1, %dot_general3A_2686 {dimension_numbers = #tpu.dot_dimension_numbers<[0], [0], [1], [1], [0, 1, 1, 1], [], []>, transpose_lhs_hint = true} : vector<16x128xf32>, vector<16x128xf32>, vector<128x128xf32> -> vector<128x128xf32>
    %dot_general3A_2688 = arith.constant dense<0.000000e+00> : vector<128x128xf32>
    %dot_general3A_2689 = tpu.matmul %add3A_2685, %get3A_4, %dot_general3A_2688 {dimension_numbers = #tpu.dot_dimension_numbers<[0], [0], [1], [1], [0, 1, 1, 1], [], []>, transpose_lhs_hint = true} : vector<16x128xf32>, vector<16x128xf32>, vector<128x128xf32> -> vector<128x128xf32>
    %add3A_2690 = vector.broadcast %get3A_7 : vector<1x128xf32> to vector<128x128xf32>
    %add3A_2691 = arith.addf %dot_general3A_2687, %add3A_2690 : vector<128x128xf32>
    %add3A_2692 = vector.broadcast %get3A_10 : vector<1x128xf32> to vector<128x128xf32>
    %add3A_2693 = arith.addf %dot_general3A_2689, %add3A_2692 : vector<128x128xf32>
    %mul3A_2694 = arith.constant 5.000000e-01 : f32
    %mul3A_2695 = vector.broadcast %mul3A_2694 : f32 to vector<128x128xf32>
    %mul3A_2696 = arith.mulf %mul3A_2695, %add3A_2693 : vector<128x128xf32>
    %exp3A_2697 = math.exp %mul3A_2696 : vector<128x128xf32>
    %get3A_2698 = arith.constant 5632 : index
    %get3A_2699 = arith.constant 0 : index
    %get3A_2700 = vector.load %arg7[%get3A_2698, %get3A_2699] : memref<8192x128xf32, #tpu.memory_space<vmem>>, vector<128x128xf32>
    %mul3A_2701 = arith.mulf %exp3A_2697, %get3A_2700 : vector<128x128xf32>
    %add3A_2702 = arith.addf %add3A_2691, %mul3A_2701 : vector<128x128xf32>
    %swap3A_2703 = arith.constant 5632 : index
    %swap3A_2704 = arith.constant 0 : index
    %swap3A_2705 = vector.load %arg12[%swap3A_2703, %swap3A_2704] : memref<8192x128xf32, #tpu.memory_space<vmem>>, vector<128x128xf32>
    tpu.vector_store %arg12[%swap3A_2703, %swap3A_2704], %add3A_2702 {strides = array<i32>} : memref<8192x128xf32, #tpu.memory_space<vmem>>, vector<128x128xf32>,
    %get3A_2706 = arith.constant 11 : index
    %get3A_2707 = arith.constant 1 : index
    %get3A_2708 = arith.constant 0 : index
    %get3A_2709 = vector.load %arg3[%get3A_2706, %get3A_2707, %get3A_2708] : memref<16x4x128xf32, #tpu.memory_space<vmem>>, vector<1x1x128xf32>
    %get3A_2710 = vector.shape_cast %get3A_2709 : vector<1x1x128xf32> to vector<1x128xf32>
    %get3A_2711 = arith.constant 11 : index
    %get3A_2712 = arith.constant 1 : index
    %get3A_2713 = arith.constant 0 : index
    %get3A_2714 = vector.load %arg4[%get3A_2711, %get3A_2712, %get3A_2713] : memref<16x4x128xf32, #tpu.memory_space<vmem>>, vector<1x1x128xf32>
    %get3A_2715 = vector.shape_cast %get3A_2714 : vector<1x1x128xf32> to vector<1x128xf32>
    %mul3A_2716 = arith.constant 5.000000e-01 : f32
    %mul3A_2717 = vector.broadcast %mul3A_2716 : f32 to vector<1x128xf32>
    %mul3A_2718 = arith.mulf %mul3A_2717, %get3A_2715 : vector<1x128xf32>
    %exp3A_2719 = math.exp %mul3A_2718 : vector<1x128xf32>
    %get3A_2720 = arith.constant 0 : index
    %get3A_2721 = arith.constant 5760 : index
    %get3A_2722 = vector.load %arg6[%get3A_2720, %get3A_2721] : memref<1x8192xf32, #tpu.memory_space<vmem>>, vector<1x128xf32>
    %mul3A_2723 = arith.mulf %exp3A_2719, %get3A_2722 : vector<1x128xf32>
    %add3A_2724 = arith.addf %get3A_2710, %mul3A_2723 : vector<1x128xf32>
    %get3A_2725 = arith.constant 11 : index
    %get3A_2726 = arith.constant 16 : index
    %get3A_2727 = arith.constant 0 : index
    %get3A_2728 = vector.load %arg1[%get3A_2725, %get3A_2726, %get3A_2727] : memref<16x64x128xf32, #tpu.memory_space<vmem>>, vector<1x16x128xf32>
    %get3A_2729 = vector.shape_cast %get3A_2728 : vector<1x16x128xf32> to vector<16x128xf32>
    %get3A_2730 = arith.constant 11 : index
    %get3A_2731 = arith.constant 16 : index
    %get3A_2732 = arith.constant 0 : index
    %get3A_2733 = vector.load %arg2[%get3A_2730, %get3A_2731, %get3A_2732] : memref<16x64x128xf32, #tpu.memory_space<vmem>>, vector<1x16x128xf32>
    %get3A_2734 = vector.shape_cast %get3A_2733 : vector<1x16x128xf32> to vector<16x128xf32>
    %mul3A_2735 = arith.constant 5.000000e-01 : f32
    %mul3A_2736 = vector.broadcast %mul3A_2735 : f32 to vector<16x128xf32>
    %mul3A_2737 = arith.mulf %mul3A_2736, %get3A_2734 : vector<16x128xf32>
    %exp3A_2738 = math.exp %mul3A_2737 : vector<16x128xf32>
    %get3A_2739 = arith.constant 0 : index
    %get3A_2740 = arith.constant 5760 : index
    %get3A_2741 = vector.load %arg5[%get3A_2739, %get3A_2740] : memref<16x8192xf32, #tpu.memory_space<vmem>>, vector<16x128xf32>
    %mul3A_2742 = arith.mulf %exp3A_2738, %get3A_2741 : vector<16x128xf32>
    %add3A_2743 = arith.addf %get3A_2729, %mul3A_2742 : vector<16x128xf32>
    %add3A_2744 = vector.broadcast %add3A_2724 : vector<1x128xf32> to vector<16x128xf32>
    %add3A_2745 = arith.addf %add3A_2743, %add3A_2744 : vector<16x128xf32>
    %dot_general3A_2746 = arith.constant dense<0.000000e+00> : vector<128x128xf32>
    %dot_general3A_2747 = tpu.matmul %add3A_2745, %get3A_1, %dot_general3A_2746 {dimension_numbers = #tpu.dot_dimension_numbers<[0], [0], [1], [1], [0, 1, 1, 1], [], []>, transpose_lhs_hint = true} : vector<16x128xf32>, vector<16x128xf32>, vector<128x128xf32> -> vector<128x128xf32>
    %dot_general3A_2748 = arith.constant dense<0.000000e+00> : vector<128x128xf32>
    %dot_general3A_2749 = tpu.matmul %add3A_2745, %get3A_4, %dot_general3A_2748 {dimension_numbers = #tpu.dot_dimension_numbers<[0], [0], [1], [1], [0, 1, 1, 1], [], []>, transpose_lhs_hint = true} : vector<16x128xf32>, vector<16x128xf32>, vector<128x128xf32> -> vector<128x128xf32>
    %add3A_2750 = vector.broadcast %get3A_7 : vector<1x128xf32> to vector<128x128xf32>
    %add3A_2751 = arith.addf %dot_general3A_2747, %add3A_2750 : vector<128x128xf32>
    %add3A_2752 = vector.broadcast %get3A_10 : vector<1x128xf32> to vector<128x128xf32>
    %add3A_2753 = arith.addf %dot_general3A_2749, %add3A_2752 : vector<128x128xf32>
    %mul3A_2754 = arith.constant 5.000000e-01 : f32
    %mul3A_2755 = vector.broadcast %mul3A_2754 : f32 to vector<128x128xf32>
    %mul3A_2756 = arith.mulf %mul3A_2755, %add3A_2753 : vector<128x128xf32>
    %exp3A_2757 = math.exp %mul3A_2756 : vector<128x128xf32>
    %get3A_2758 = arith.constant 5760 : index
    %get3A_2759 = arith.constant 0 : index
    %get3A_2760 = vector.load %arg7[%get3A_2758, %get3A_2759] : memref<8192x128xf32, #tpu.memory_space<vmem>>, vector<128x128xf32>
    %mul3A_2761 = arith.mulf %exp3A_2757, %get3A_2760 : vector<128x128xf32>
    %add3A_2762 = arith.addf %add3A_2751, %mul3A_2761 : vector<128x128xf32>
    %swap3A_2763 = arith.constant 5760 : index
    %swap3A_2764 = arith.constant 0 : index
    %swap3A_2765 = vector.load %arg12[%swap3A_2763, %swap3A_2764] : memref<8192x128xf32, #tpu.memory_space<vmem>>, vector<128x128xf32>
    tpu.vector_store %arg12[%swap3A_2763, %swap3A_2764], %add3A_2762 {strides = array<i32>} : memref<8192x128xf32, #tpu.memory_space<vmem>>, vector<128x128xf32>,
    %get3A_2766 = arith.constant 11 : index
    %get3A_2767 = arith.constant 2 : index
    %get3A_2768 = arith.constant 0 : index
    %get3A_2769 = vector.load %arg3[%get3A_2766, %get3A_2767, %get3A_2768] : memref<16x4x128xf32, #tpu.memory_space<vmem>>, vector<1x1x128xf32>
    %get3A_2770 = vector.shape_cast %get3A_2769 : vector<1x1x128xf32> to vector<1x128xf32>
    %get3A_2771 = arith.constant 11 : index
    %get3A_2772 = arith.constant 2 : index
    %get3A_2773 = arith.constant 0 : index
    %get3A_2774 = vector.load %arg4[%get3A_2771, %get3A_2772, %get3A_2773] : memref<16x4x128xf32, #tpu.memory_space<vmem>>, vector<1x1x128xf32>
    %get3A_2775 = vector.shape_cast %get3A_2774 : vector<1x1x128xf32> to vector<1x128xf32>
    %mul3A_2776 = arith.constant 5.000000e-01 : f32
    %mul3A_2777 = vector.broadcast %mul3A_2776 : f32 to vector<1x128xf32>
    %mul3A_2778 = arith.mulf %mul3A_2777, %get3A_2775 : vector<1x128xf32>
    %exp3A_2779 = math.exp %mul3A_2778 : vector<1x128xf32>
    %get3A_2780 = arith.constant 0 : index
    %get3A_2781 = arith.constant 5888 : index
    %get3A_2782 = vector.load %arg6[%get3A_2780, %get3A_2781] : memref<1x8192xf32, #tpu.memory_space<vmem>>, vector<1x128xf32>
    %mul3A_2783 = arith.mulf %exp3A_2779, %get3A_2782 : vector<1x128xf32>
    %add3A_2784 = arith.addf %get3A_2770, %mul3A_2783 : vector<1x128xf32>
    %get3A_2785 = arith.constant 11 : index
    %get3A_2786 = arith.constant 32 : index
    %get3A_2787 = arith.constant 0 : index
    %get3A_2788 = vector.load %arg1[%get3A_2785, %get3A_2786, %get3A_2787] : memref<16x64x128xf32, #tpu.memory_space<vmem>>, vector<1x16x128xf32>
    %get3A_2789 = vector.shape_cast %get3A_2788 : vector<1x16x128xf32> to vector<16x128xf32>
    %get3A_2790 = arith.constant 11 : index
    %get3A_2791 = arith.constant 32 : index
    %get3A_2792 = arith.constant 0 : index
    %get3A_2793 = vector.load %arg2[%get3A_2790, %get3A_2791, %get3A_2792] : memref<16x64x128xf32, #tpu.memory_space<vmem>>, vector<1x16x128xf32>
    %get3A_2794 = vector.shape_cast %get3A_2793 : vector<1x16x128xf32> to vector<16x128xf32>
    %mul3A_2795 = arith.constant 5.000000e-01 : f32
    %mul3A_2796 = vector.broadcast %mul3A_2795 : f32 to vector<16x128xf32>
    %mul3A_2797 = arith.mulf %mul3A_2796, %get3A_2794 : vector<16x128xf32>
    %exp3A_2798 = math.exp %mul3A_2797 : vector<16x128xf32>
    %get3A_2799 = arith.constant 0 : index
    %get3A_2800 = arith.constant 5888 : index
    %get3A_2801 = vector.load %arg5[%get3A_2799, %get3A_2800] : memref<16x8192xf32, #tpu.memory_space<vmem>>, vector<16x128xf32>
    %mul3A_2802 = arith.mulf %exp3A_2798, %get3A_2801 : vector<16x128xf32>
    %add3A_2803 = arith.addf %get3A_2789, %mul3A_2802 : vector<16x128xf32>
    %add3A_2804 = vector.broadcast %add3A_2784 : vector<1x128xf32> to vector<16x128xf32>
    %add3A_2805 = arith.addf %add3A_2803, %add3A_2804 : vector<16x128xf32>
    %dot_general3A_2806 = arith.constant dense<0.000000e+00> : vector<128x128xf32>
    %dot_general3A_2807 = tpu.matmul %add3A_2805, %get3A_1, %dot_general3A_2806 {dimension_numbers = #tpu.dot_dimension_numbers<[0], [0], [1], [1], [0, 1, 1, 1], [], []>, transpose_lhs_hint = true} : vector<16x128xf32>, vector<16x128xf32>, vector<128x128xf32> -> vector<128x128xf32>
    %dot_general3A_2808 = arith.constant dense<0.000000e+00> : vector<128x128xf32>
    %dot_general3A_2809 = tpu.matmul %add3A_2805, %get3A_4, %dot_general3A_2808 {dimension_numbers = #tpu.dot_dimension_numbers<[0], [0], [1], [1], [0, 1, 1, 1], [], []>, transpose_lhs_hint = true} : vector<16x128xf32>, vector<16x128xf32>, vector<128x128xf32> -> vector<128x128xf32>
    %add3A_2810 = vector.broadcast %get3A_7 : vector<1x128xf32> to vector<128x128xf32>
    %add3A_2811 = arith.addf %dot_general3A_2807, %add3A_2810 : vector<128x128xf32>
    %add3A_2812 = vector.broadcast %get3A_10 : vector<1x128xf32> to vector<128x128xf32>
    %add3A_2813 = arith.addf %dot_general3A_2809, %add3A_2812 : vector<128x128xf32>
    %mul3A_2814 = arith.constant 5.000000e-01 : f32
    %mul3A_2815 = vector.broadcast %mul3A_2814 : f32 to vector<128x128xf32>
    %mul3A_2816 = arith.mulf %mul3A_2815, %add3A_2813 : vector<128x128xf32>
    %exp3A_2817 = math.exp %mul3A_2816 : vector<128x128xf32>
    %get3A_2818 = arith.constant 5888 : index
    %get3A_2819 = arith.constant 0 : index
    %get3A_2820 = vector.load %arg7[%get3A_2818, %get3A_2819] : memref<8192x128xf32, #tpu.memory_space<vmem>>, vector<128x128xf32>
    %mul3A_2821 = arith.mulf %exp3A_2817, %get3A_2820 : vector<128x128xf32>
    %add3A_2822 = arith.addf %add3A_2811, %mul3A_2821 : vector<128x128xf32>
    %swap3A_2823 = arith.constant 5888 : index
    %swap3A_2824 = arith.constant 0 : index
    %swap3A_2825 = vector.load %arg12[%swap3A_2823, %swap3A_2824] : memref<8192x128xf32, #tpu.memory_space<vmem>>, vector<128x128xf32>
    tpu.vector_store %arg12[%swap3A_2823, %swap3A_2824], %add3A_2822 {strides = array<i32>} : memref<8192x128xf32, #tpu.memory_space<vmem>>, vector<128x128xf32>,
    %get3A_2826 = arith.constant 11 : index
    %get3A_2827 = arith.constant 3 : index
    %get3A_2828 = arith.constant 0 : index
    %get3A_2829 = vector.load %arg3[%get3A_2826, %get3A_2827, %get3A_2828] : memref<16x4x128xf32, #tpu.memory_space<vmem>>, vector<1x1x128xf32>
    %get3A_2830 = vector.shape_cast %get3A_2829 : vector<1x1x128xf32> to vector<1x128xf32>
    %get3A_2831 = arith.constant 11 : index
    %get3A_2832 = arith.constant 3 : index
    %get3A_2833 = arith.constant 0 : index
    %get3A_2834 = vector.load %arg4[%get3A_2831, %get3A_2832, %get3A_2833] : memref<16x4x128xf32, #tpu.memory_space<vmem>>, vector<1x1x128xf32>
    %get3A_2835 = vector.shape_cast %get3A_2834 : vector<1x1x128xf32> to vector<1x128xf32>
    %mul3A_2836 = arith.constant 5.000000e-01 : f32
    %mul3A_2837 = vector.broadcast %mul3A_2836 : f32 to vector<1x128xf32>
    %mul3A_2838 = arith.mulf %mul3A_2837, %get3A_2835 : vector<1x128xf32>
    %exp3A_2839 = math.exp %mul3A_2838 : vector<1x128xf32>
    %get3A_2840 = arith.constant 0 : index
    %get3A_2841 = arith.constant 6016 : index
    %get3A_2842 = vector.load %arg6[%get3A_2840, %get3A_2841] : memref<1x8192xf32, #tpu.memory_space<vmem>>, vector<1x128xf32>
    %mul3A_2843 = arith.mulf %exp3A_2839, %get3A_2842 : vector<1x128xf32>
    %add3A_2844 = arith.addf %get3A_2830, %mul3A_2843 : vector<1x128xf32>
    %get3A_2845 = arith.constant 11 : index
    %get3A_2846 = arith.constant 48 : index
    %get3A_2847 = arith.constant 0 : index
    %get3A_2848 = vector.load %arg1[%get3A_2845, %get3A_2846, %get3A_2847] : memref<16x64x128xf32, #tpu.memory_space<vmem>>, vector<1x16x128xf32>
    %get3A_2849 = vector.shape_cast %get3A_2848 : vector<1x16x128xf32> to vector<16x128xf32>
    %get3A_2850 = arith.constant 11 : index
    %get3A_2851 = arith.constant 48 : index
    %get3A_2852 = arith.constant 0 : index
    %get3A_2853 = vector.load %arg2[%get3A_2850, %get3A_2851, %get3A_2852] : memref<16x64x128xf32, #tpu.memory_space<vmem>>, vector<1x16x128xf32>
    %get3A_2854 = vector.shape_cast %get3A_2853 : vector<1x16x128xf32> to vector<16x128xf32>
    %mul3A_2855 = arith.constant 5.000000e-01 : f32
    %mul3A_2856 = vector.broadcast %mul3A_2855 : f32 to vector<16x128xf32>
    %mul3A_2857 = arith.mulf %mul3A_2856, %get3A_2854 : vector<16x128xf32>
    %exp3A_2858 = math.exp %mul3A_2857 : vector<16x128xf32>
    %get3A_2859 = arith.constant 0 : index
    %get3A_2860 = arith.constant 6016 : index
    %get3A_2861 = vector.load %arg5[%get3A_2859, %get3A_2860] : memref<16x8192xf32, #tpu.memory_space<vmem>>, vector<16x128xf32>
    %mul3A_2862 = arith.mulf %exp3A_2858, %get3A_2861 : vector<16x128xf32>
    %add3A_2863 = arith.addf %get3A_2849, %mul3A_2862 : vector<16x128xf32>
    %add3A_2864 = vector.broadcast %add3A_2844 : vector<1x128xf32> to vector<16x128xf32>
    %add3A_2865 = arith.addf %add3A_2863, %add3A_2864 : vector<16x128xf32>
    %dot_general3A_2866 = arith.constant dense<0.000000e+00> : vector<128x128xf32>
    %dot_general3A_2867 = tpu.matmul %add3A_2865, %get3A_1, %dot_general3A_2866 {dimension_numbers = #tpu.dot_dimension_numbers<[0], [0], [1], [1], [0, 1, 1, 1], [], []>, transpose_lhs_hint = true} : vector<16x128xf32>, vector<16x128xf32>, vector<128x128xf32> -> vector<128x128xf32>
    %dot_general3A_2868 = arith.constant dense<0.000000e+00> : vector<128x128xf32>
    %dot_general3A_2869 = tpu.matmul %add3A_2865, %get3A_4, %dot_general3A_2868 {dimension_numbers = #tpu.dot_dimension_numbers<[0], [0], [1], [1], [0, 1, 1, 1], [], []>, transpose_lhs_hint = true} : vector<16x128xf32>, vector<16x128xf32>, vector<128x128xf32> -> vector<128x128xf32>
    %add3A_2870 = vector.broadcast %get3A_7 : vector<1x128xf32> to vector<128x128xf32>
    %add3A_2871 = arith.addf %dot_general3A_2867, %add3A_2870 : vector<128x128xf32>
    %add3A_2872 = vector.broadcast %get3A_10 : vector<1x128xf32> to vector<128x128xf32>
    %add3A_2873 = arith.addf %dot_general3A_2869, %add3A_2872 : vector<128x128xf32>
    %mul3A_2874 = arith.constant 5.000000e-01 : f32
    %mul3A_2875 = vector.broadcast %mul3A_2874 : f32 to vector<128x128xf32>
    %mul3A_2876 = arith.mulf %mul3A_2875, %add3A_2873 : vector<128x128xf32>
    %exp3A_2877 = math.exp %mul3A_2876 : vector<128x128xf32>
    %get3A_2878 = arith.constant 6016 : index
    %get3A_2879 = arith.constant 0 : index
    %get3A_2880 = vector.load %arg7[%get3A_2878, %get3A_2879] : memref<8192x128xf32, #tpu.memory_space<vmem>>, vector<128x128xf32>
    %mul3A_2881 = arith.mulf %exp3A_2877, %get3A_2880 : vector<128x128xf32>
    %add3A_2882 = arith.addf %add3A_2871, %mul3A_2881 : vector<128x128xf32>
    %swap3A_2883 = arith.constant 6016 : index
    %swap3A_2884 = arith.constant 0 : index
    %swap3A_2885 = vector.load %arg12[%swap3A_2883, %swap3A_2884] : memref<8192x128xf32, #tpu.memory_space<vmem>>, vector<128x128xf32>
    tpu.vector_store %arg12[%swap3A_2883, %swap3A_2884], %add3A_2882 {strides = array<i32>} : memref<8192x128xf32, #tpu.memory_space<vmem>>, vector<128x128xf32>,
    %get3A_2886 = arith.constant 12 : index
    %get3A_2887 = arith.constant 0 : index
    %get3A_2888 = arith.constant 0 : index
    %get3A_2889 = vector.load %arg3[%get3A_2886, %get3A_2887, %get3A_2888] : memref<16x4x128xf32, #tpu.memory_space<vmem>>, vector<1x1x128xf32>
    %get3A_2890 = vector.shape_cast %get3A_2889 : vector<1x1x128xf32> to vector<1x128xf32>
    %get3A_2891 = arith.constant 12 : index
    %get3A_2892 = arith.constant 0 : index
    %get3A_2893 = arith.constant 0 : index
    %get3A_2894 = vector.load %arg4[%get3A_2891, %get3A_2892, %get3A_2893] : memref<16x4x128xf32, #tpu.memory_space<vmem>>, vector<1x1x128xf32>
    %get3A_2895 = vector.shape_cast %get3A_2894 : vector<1x1x128xf32> to vector<1x128xf32>
    %mul3A_2896 = arith.constant 5.000000e-01 : f32
    %mul3A_2897 = vector.broadcast %mul3A_2896 : f32 to vector<1x128xf32>
    %mul3A_2898 = arith.mulf %mul3A_2897, %get3A_2895 : vector<1x128xf32>
    %exp3A_2899 = math.exp %mul3A_2898 : vector<1x128xf32>
    %get3A_2900 = arith.constant 0 : index
    %get3A_2901 = arith.constant 6144 : index
    %get3A_2902 = vector.load %arg6[%get3A_2900, %get3A_2901] : memref<1x8192xf32, #tpu.memory_space<vmem>>, vector<1x128xf32>
    %mul3A_2903 = arith.mulf %exp3A_2899, %get3A_2902 : vector<1x128xf32>
    %add3A_2904 = arith.addf %get3A_2890, %mul3A_2903 : vector<1x128xf32>
    %get3A_2905 = arith.constant 12 : index
    %get3A_2906 = arith.constant 0 : index
    %get3A_2907 = arith.constant 0 : index
    %get3A_2908 = vector.load %arg1[%get3A_2905, %get3A_2906, %get3A_2907] : memref<16x64x128xf32, #tpu.memory_space<vmem>>, vector<1x16x128xf32>
    %get3A_2909 = vector.shape_cast %get3A_2908 : vector<1x16x128xf32> to vector<16x128xf32>
    %get3A_2910 = arith.constant 12 : index
    %get3A_2911 = arith.constant 0 : index
    %get3A_2912 = arith.constant 0 : index
    %get3A_2913 = vector.load %arg2[%get3A_2910, %get3A_2911, %get3A_2912] : memref<16x64x128xf32, #tpu.memory_space<vmem>>, vector<1x16x128xf32>
    %get3A_2914 = vector.shape_cast %get3A_2913 : vector<1x16x128xf32> to vector<16x128xf32>
    %mul3A_2915 = arith.constant 5.000000e-01 : f32
    %mul3A_2916 = vector.broadcast %mul3A_2915 : f32 to vector<16x128xf32>
    %mul3A_2917 = arith.mulf %mul3A_2916, %get3A_2914 : vector<16x128xf32>
    %exp3A_2918 = math.exp %mul3A_2917 : vector<16x128xf32>
    %get3A_2919 = arith.constant 0 : index
    %get3A_2920 = arith.constant 6144 : index
    %get3A_2921 = vector.load %arg5[%get3A_2919, %get3A_2920] : memref<16x8192xf32, #tpu.memory_space<vmem>>, vector<16x128xf32>
    %mul3A_2922 = arith.mulf %exp3A_2918, %get3A_2921 : vector<16x128xf32>
    %add3A_2923 = arith.addf %get3A_2909, %mul3A_2922 : vector<16x128xf32>
    %add3A_2924 = vector.broadcast %add3A_2904 : vector<1x128xf32> to vector<16x128xf32>
    %add3A_2925 = arith.addf %add3A_2923, %add3A_2924 : vector<16x128xf32>
    %dot_general3A_2926 = arith.constant dense<0.000000e+00> : vector<128x128xf32>
    %dot_general3A_2927 = tpu.matmul %add3A_2925, %get3A_1, %dot_general3A_2926 {dimension_numbers = #tpu.dot_dimension_numbers<[0], [0], [1], [1], [0, 1, 1, 1], [], []>, transpose_lhs_hint = true} : vector<16x128xf32>, vector<16x128xf32>, vector<128x128xf32> -> vector<128x128xf32>
    %dot_general3A_2928 = arith.constant dense<0.000000e+00> : vector<128x128xf32>
    %dot_general3A_2929 = tpu.matmul %add3A_2925, %get3A_4, %dot_general3A_2928 {dimension_numbers = #tpu.dot_dimension_numbers<[0], [0], [1], [1], [0, 1, 1, 1], [], []>, transpose_lhs_hint = true} : vector<16x128xf32>, vector<16x128xf32>, vector<128x128xf32> -> vector<128x128xf32>
    %add3A_2930 = vector.broadcast %get3A_7 : vector<1x128xf32> to vector<128x128xf32>
    %add3A_2931 = arith.addf %dot_general3A_2927, %add3A_2930 : vector<128x128xf32>
    %add3A_2932 = vector.broadcast %get3A_10 : vector<1x128xf32> to vector<128x128xf32>
    %add3A_2933 = arith.addf %dot_general3A_2929, %add3A_2932 : vector<128x128xf32>
    %mul3A_2934 = arith.constant 5.000000e-01 : f32
    %mul3A_2935 = vector.broadcast %mul3A_2934 : f32 to vector<128x128xf32>
    %mul3A_2936 = arith.mulf %mul3A_2935, %add3A_2933 : vector<128x128xf32>
    %exp3A_2937 = math.exp %mul3A_2936 : vector<128x128xf32>
    %get3A_2938 = arith.constant 6144 : index
    %get3A_2939 = arith.constant 0 : index
    %get3A_2940 = vector.load %arg7[%get3A_2938, %get3A_2939] : memref<8192x128xf32, #tpu.memory_space<vmem>>, vector<128x128xf32>
    %mul3A_2941 = arith.mulf %exp3A_2937, %get3A_2940 : vector<128x128xf32>
    %add3A_2942 = arith.addf %add3A_2931, %mul3A_2941 : vector<128x128xf32>
    %swap3A_2943 = arith.constant 6144 : index
    %swap3A_2944 = arith.constant 0 : index
    %swap3A_2945 = vector.load %arg12[%swap3A_2943, %swap3A_2944] : memref<8192x128xf32, #tpu.memory_space<vmem>>, vector<128x128xf32>
    tpu.vector_store %arg12[%swap3A_2943, %swap3A_2944], %add3A_2942 {strides = array<i32>} : memref<8192x128xf32, #tpu.memory_space<vmem>>, vector<128x128xf32>,
    %get3A_2946 = arith.constant 12 : index
    %get3A_2947 = arith.constant 1 : index
    %get3A_2948 = arith.constant 0 : index
    %get3A_2949 = vector.load %arg3[%get3A_2946, %get3A_2947, %get3A_2948] : memref<16x4x128xf32, #tpu.memory_space<vmem>>, vector<1x1x128xf32>
    %get3A_2950 = vector.shape_cast %get3A_2949 : vector<1x1x128xf32> to vector<1x128xf32>
    %get3A_2951 = arith.constant 12 : index
    %get3A_2952 = arith.constant 1 : index
    %get3A_2953 = arith.constant 0 : index
    %get3A_2954 = vector.load %arg4[%get3A_2951, %get3A_2952, %get3A_2953] : memref<16x4x128xf32, #tpu.memory_space<vmem>>, vector<1x1x128xf32>
    %get3A_2955 = vector.shape_cast %get3A_2954 : vector<1x1x128xf32> to vector<1x128xf32>
    %mul3A_2956 = arith.constant 5.000000e-01 : f32
    %mul3A_2957 = vector.broadcast %mul3A_2956 : f32 to vector<1x128xf32>
    %mul3A_2958 = arith.mulf %mul3A_2957, %get3A_2955 : vector<1x128xf32>
    %exp3A_2959 = math.exp %mul3A_2958 : vector<1x128xf32>
    %get3A_2960 = arith.constant 0 : index
    %get3A_2961 = arith.constant 6272 : index
    %get3A_2962 = vector.load %arg6[%get3A_2960, %get3A_2961] : memref<1x8192xf32, #tpu.memory_space<vmem>>, vector<1x128xf32>
    %mul3A_2963 = arith.mulf %exp3A_2959, %get3A_2962 : vector<1x128xf32>
    %add3A_2964 = arith.addf %get3A_2950, %mul3A_2963 : vector<1x128xf32>
    %get3A_2965 = arith.constant 12 : index
    %get3A_2966 = arith.constant 16 : index
    %get3A_2967 = arith.constant 0 : index
    %get3A_2968 = vector.load %arg1[%get3A_2965, %get3A_2966, %get3A_2967] : memref<16x64x128xf32, #tpu.memory_space<vmem>>, vector<1x16x128xf32>
    %get3A_2969 = vector.shape_cast %get3A_2968 : vector<1x16x128xf32> to vector<16x128xf32>
    %get3A_2970 = arith.constant 12 : index
    %get3A_2971 = arith.constant 16 : index
    %get3A_2972 = arith.constant 0 : index
    %get3A_2973 = vector.load %arg2[%get3A_2970, %get3A_2971, %get3A_2972] : memref<16x64x128xf32, #tpu.memory_space<vmem>>, vector<1x16x128xf32>
    %get3A_2974 = vector.shape_cast %get3A_2973 : vector<1x16x128xf32> to vector<16x128xf32>
    %mul3A_2975 = arith.constant 5.000000e-01 : f32
    %mul3A_2976 = vector.broadcast %mul3A_2975 : f32 to vector<16x128xf32>
    %mul3A_2977 = arith.mulf %mul3A_2976, %get3A_2974 : vector<16x128xf32>
    %exp3A_2978 = math.exp %mul3A_2977 : vector<16x128xf32>
    %get3A_2979 = arith.constant 0 : index
    %get3A_2980 = arith.constant 6272 : index
    %get3A_2981 = vector.load %arg5[%get3A_2979, %get3A_2980] : memref<16x8192xf32, #tpu.memory_space<vmem>>, vector<16x128xf32>
    %mul3A_2982 = arith.mulf %exp3A_2978, %get3A_2981 : vector<16x128xf32>
    %add3A_2983 = arith.addf %get3A_2969, %mul3A_2982 : vector<16x128xf32>
    %add3A_2984 = vector.broadcast %add3A_2964 : vector<1x128xf32> to vector<16x128xf32>
    %add3A_2985 = arith.addf %add3A_2983, %add3A_2984 : vector<16x128xf32>
    %dot_general3A_2986 = arith.constant dense<0.000000e+00> : vector<128x128xf32>
    %dot_general3A_2987 = tpu.matmul %add3A_2985, %get3A_1, %dot_general3A_2986 {dimension_numbers = #tpu.dot_dimension_numbers<[0], [0], [1], [1], [0, 1, 1, 1], [], []>, transpose_lhs_hint = true} : vector<16x128xf32>, vector<16x128xf32>, vector<128x128xf32> -> vector<128x128xf32>
    %dot_general3A_2988 = arith.constant dense<0.000000e+00> : vector<128x128xf32>
    %dot_general3A_2989 = tpu.matmul %add3A_2985, %get3A_4, %dot_general3A_2988 {dimension_numbers = #tpu.dot_dimension_numbers<[0], [0], [1], [1], [0, 1, 1, 1], [], []>, transpose_lhs_hint = true} : vector<16x128xf32>, vector<16x128xf32>, vector<128x128xf32> -> vector<128x128xf32>
    %add3A_2990 = vector.broadcast %get3A_7 : vector<1x128xf32> to vector<128x128xf32>
    %add3A_2991 = arith.addf %dot_general3A_2987, %add3A_2990 : vector<128x128xf32>
    %add3A_2992 = vector.broadcast %get3A_10 : vector<1x128xf32> to vector<128x128xf32>
    %add3A_2993 = arith.addf %dot_general3A_2989, %add3A_2992 : vector<128x128xf32>
    %mul3A_2994 = arith.constant 5.000000e-01 : f32
    %mul3A_2995 = vector.broadcast %mul3A_2994 : f32 to vector<128x128xf32>
    %mul3A_2996 = arith.mulf %mul3A_2995, %add3A_2993 : vector<128x128xf32>
    %exp3A_2997 = math.exp %mul3A_2996 : vector<128x128xf32>
    %get3A_2998 = arith.constant 6272 : index
    %get3A_2999 = arith.constant 0 : index
    %get3A_3000 = vector.load %arg7[%get3A_2998, %get3A_2999] : memref<8192x128xf32, #tpu.memory_space<vmem>>, vector<128x128xf32>
    %mul3A_3001 = arith.mulf %exp3A_2997, %get3A_3000 : vector<128x128xf32>
    %add3A_3002 = arith.addf %add3A_2991, %mul3A_3001 : vector<128x128xf32>
    %swap3A_3003 = arith.constant 6272 : index
    %swap3A_3004 = arith.constant 0 : index
    %swap3A_3005 = vector.load %arg12[%swap3A_3003, %swap3A_3004] : memref<8192x128xf32, #tpu.memory_space<vmem>>, vector<128x128xf32>
    tpu.vector_store %arg12[%swap3A_3003, %swap3A_3004], %add3A_3002 {strides = array<i32>} : memref<8192x128xf32, #tpu.memory_space<vmem>>, vector<128x128xf32>,
    %get3A_3006 = arith.constant 12 : index
    %get3A_3007 = arith.constant 2 : index
    %get3A_3008 = arith.constant 0 : index
    %get3A_3009 = vector.load %arg3[%get3A_3006, %get3A_3007, %get3A_3008] : memref<16x4x128xf32, #tpu.memory_space<vmem>>, vector<1x1x128xf32>
    %get3A_3010 = vector.shape_cast %get3A_3009 : vector<1x1x128xf32> to vector<1x128xf32>
    %get3A_3011 = arith.constant 12 : index
    %get3A_3012 = arith.constant 2 : index
    %get3A_3013 = arith.constant 0 : index
    %get3A_3014 = vector.load %arg4[%get3A_3011, %get3A_3012, %get3A_3013] : memref<16x4x128xf32, #tpu.memory_space<vmem>>, vector<1x1x128xf32>
    %get3A_3015 = vector.shape_cast %get3A_3014 : vector<1x1x128xf32> to vector<1x128xf32>
    %mul3A_3016 = arith.constant 5.000000e-01 : f32
    %mul3A_3017 = vector.broadcast %mul3A_3016 : f32 to vector<1x128xf32>
    %mul3A_3018 = arith.mulf %mul3A_3017, %get3A_3015 : vector<1x128xf32>
    %exp3A_3019 = math.exp %mul3A_3018 : vector<1x128xf32>
    %get3A_3020 = arith.constant 0 : index
    %get3A_3021 = arith.constant 6400 : index
    %get3A_3022 = vector.load %arg6[%get3A_3020, %get3A_3021] : memref<1x8192xf32, #tpu.memory_space<vmem>>, vector<1x128xf32>
    %mul3A_3023 = arith.mulf %exp3A_3019, %get3A_3022 : vector<1x128xf32>
    %add3A_3024 = arith.addf %get3A_3010, %mul3A_3023 : vector<1x128xf32>
    %get3A_3025 = arith.constant 12 : index
    %get3A_3026 = arith.constant 32 : index
    %get3A_3027 = arith.constant 0 : index
    %get3A_3028 = vector.load %arg1[%get3A_3025, %get3A_3026, %get3A_3027] : memref<16x64x128xf32, #tpu.memory_space<vmem>>, vector<1x16x128xf32>
    %get3A_3029 = vector.shape_cast %get3A_3028 : vector<1x16x128xf32> to vector<16x128xf32>
    %get3A_3030 = arith.constant 12 : index
    %get3A_3031 = arith.constant 32 : index
    %get3A_3032 = arith.constant 0 : index
    %get3A_3033 = vector.load %arg2[%get3A_3030, %get3A_3031, %get3A_3032] : memref<16x64x128xf32, #tpu.memory_space<vmem>>, vector<1x16x128xf32>
    %get3A_3034 = vector.shape_cast %get3A_3033 : vector<1x16x128xf32> to vector<16x128xf32>
    %mul3A_3035 = arith.constant 5.000000e-01 : f32
    %mul3A_3036 = vector.broadcast %mul3A_3035 : f32 to vector<16x128xf32>
    %mul3A_3037 = arith.mulf %mul3A_3036, %get3A_3034 : vector<16x128xf32>
    %exp3A_3038 = math.exp %mul3A_3037 : vector<16x128xf32>
    %get3A_3039 = arith.constant 0 : index
    %get3A_3040 = arith.constant 6400 : index
    %get3A_3041 = vector.load %arg5[%get3A_3039, %get3A_3040] : memref<16x8192xf32, #tpu.memory_space<vmem>>, vector<16x128xf32>
    %mul3A_3042 = arith.mulf %exp3A_3038, %get3A_3041 : vector<16x128xf32>
    %add3A_3043 = arith.addf %get3A_3029, %mul3A_3042 : vector<16x128xf32>
    %add3A_3044 = vector.broadcast %add3A_3024 : vector<1x128xf32> to vector<16x128xf32>
    %add3A_3045 = arith.addf %add3A_3043, %add3A_3044 : vector<16x128xf32>
    %dot_general3A_3046 = arith.constant dense<0.000000e+00> : vector<128x128xf32>
    %dot_general3A_3047 = tpu.matmul %add3A_3045, %get3A_1, %dot_general3A_3046 {dimension_numbers = #tpu.dot_dimension_numbers<[0], [0], [1], [1], [0, 1, 1, 1], [], []>, transpose_lhs_hint = true} : vector<16x128xf32>, vector<16x128xf32>, vector<128x128xf32> -> vector<128x128xf32>
    %dot_general3A_3048 = arith.constant dense<0.000000e+00> : vector<128x128xf32>
    %dot_general3A_3049 = tpu.matmul %add3A_3045, %get3A_4, %dot_general3A_3048 {dimension_numbers = #tpu.dot_dimension_numbers<[0], [0], [1], [1], [0, 1, 1, 1], [], []>, transpose_lhs_hint = true} : vector<16x128xf32>, vector<16x128xf32>, vector<128x128xf32> -> vector<128x128xf32>
    %add3A_3050 = vector.broadcast %get3A_7 : vector<1x128xf32> to vector<128x128xf32>
    %add3A_3051 = arith.addf %dot_general3A_3047, %add3A_3050 : vector<128x128xf32>
    %add3A_3052 = vector.broadcast %get3A_10 : vector<1x128xf32> to vector<128x128xf32>
    %add3A_3053 = arith.addf %dot_general3A_3049, %add3A_3052 : vector<128x128xf32>
    %mul3A_3054 = arith.constant 5.000000e-01 : f32
    %mul3A_3055 = vector.broadcast %mul3A_3054 : f32 to vector<128x128xf32>
    %mul3A_3056 = arith.mulf %mul3A_3055, %add3A_3053 : vector<128x128xf32>
    %exp3A_3057 = math.exp %mul3A_3056 : vector<128x128xf32>
    %get3A_3058 = arith.constant 6400 : index
    %get3A_3059 = arith.constant 0 : index
    %get3A_3060 = vector.load %arg7[%get3A_3058, %get3A_3059] : memref<8192x128xf32, #tpu.memory_space<vmem>>, vector<128x128xf32>
    %mul3A_3061 = arith.mulf %exp3A_3057, %get3A_3060 : vector<128x128xf32>
    %add3A_3062 = arith.addf %add3A_3051, %mul3A_3061 : vector<128x128xf32>
    %swap3A_3063 = arith.constant 6400 : index
    %swap3A_3064 = arith.constant 0 : index
    %swap3A_3065 = vector.load %arg12[%swap3A_3063, %swap3A_3064] : memref<8192x128xf32, #tpu.memory_space<vmem>>, vector<128x128xf32>
    tpu.vector_store %arg12[%swap3A_3063, %swap3A_3064], %add3A_3062 {strides = array<i32>} : memref<8192x128xf32, #tpu.memory_space<vmem>>, vector<128x128xf32>,
    %get3A_3066 = arith.constant 12 : index
    %get3A_3067 = arith.constant 3 : index
    %get3A_3068 = arith.constant 0 : index
    %get3A_3069 = vector.load %arg3[%get3A_3066, %get3A_3067, %get3A_3068] : memref<16x4x128xf32, #tpu.memory_space<vmem>>, vector<1x1x128xf32>
    %get3A_3070 = vector.shape_cast %get3A_3069 : vector<1x1x128xf32> to vector<1x128xf32>
    %get3A_3071 = arith.constant 12 : index
    %get3A_3072 = arith.constant 3 : index
    %get3A_3073 = arith.constant 0 : index
    %get3A_3074 = vector.load %arg4[%get3A_3071, %get3A_3072, %get3A_3073] : memref<16x4x128xf32, #tpu.memory_space<vmem>>, vector<1x1x128xf32>
    %get3A_3075 = vector.shape_cast %get3A_3074 : vector<1x1x128xf32> to vector<1x128xf32>
    %mul3A_3076 = arith.constant 5.000000e-01 : f32
    %mul3A_3077 = vector.broadcast %mul3A_3076 : f32 to vector<1x128xf32>
    %mul3A_3078 = arith.mulf %mul3A_3077, %get3A_3075 : vector<1x128xf32>
    %exp3A_3079 = math.exp %mul3A_3078 : vector<1x128xf32>
    %get3A_3080 = arith.constant 0 : index
    %get3A_3081 = arith.constant 6528 : index
    %get3A_3082 = vector.load %arg6[%get3A_3080, %get3A_3081] : memref<1x8192xf32, #tpu.memory_space<vmem>>, vector<1x128xf32>
    %mul3A_3083 = arith.mulf %exp3A_3079, %get3A_3082 : vector<1x128xf32>
    %add3A_3084 = arith.addf %get3A_3070, %mul3A_3083 : vector<1x128xf32>
    %get3A_3085 = arith.constant 12 : index
    %get3A_3086 = arith.constant 48 : index
    %get3A_3087 = arith.constant 0 : index
    %get3A_3088 = vector.load %arg1[%get3A_3085, %get3A_3086, %get3A_3087] : memref<16x64x128xf32, #tpu.memory_space<vmem>>, vector<1x16x128xf32>
    %get3A_3089 = vector.shape_cast %get3A_3088 : vector<1x16x128xf32> to vector<16x128xf32>
    %get3A_3090 = arith.constant 12 : index
    %get3A_3091 = arith.constant 48 : index
    %get3A_3092 = arith.constant 0 : index
    %get3A_3093 = vector.load %arg2[%get3A_3090, %get3A_3091, %get3A_3092] : memref<16x64x128xf32, #tpu.memory_space<vmem>>, vector<1x16x128xf32>
    %get3A_3094 = vector.shape_cast %get3A_3093 : vector<1x16x128xf32> to vector<16x128xf32>
    %mul3A_3095 = arith.constant 5.000000e-01 : f32
    %mul3A_3096 = vector.broadcast %mul3A_3095 : f32 to vector<16x128xf32>
    %mul3A_3097 = arith.mulf %mul3A_3096, %get3A_3094 : vector<16x128xf32>
    %exp3A_3098 = math.exp %mul3A_3097 : vector<16x128xf32>
    %get3A_3099 = arith.constant 0 : index
    %get3A_3100 = arith.constant 6528 : index
    %get3A_3101 = vector.load %arg5[%get3A_3099, %get3A_3100] : memref<16x8192xf32, #tpu.memory_space<vmem>>, vector<16x128xf32>
    %mul3A_3102 = arith.mulf %exp3A_3098, %get3A_3101 : vector<16x128xf32>
    %add3A_3103 = arith.addf %get3A_3089, %mul3A_3102 : vector<16x128xf32>
    %add3A_3104 = vector.broadcast %add3A_3084 : vector<1x128xf32> to vector<16x128xf32>
    %add3A_3105 = arith.addf %add3A_3103, %add3A_3104 : vector<16x128xf32>
    %dot_general3A_3106 = arith.constant dense<0.000000e+00> : vector<128x128xf32>
    %dot_general3A_3107 = tpu.matmul %add3A_3105, %get3A_1, %dot_general3A_3106 {dimension_numbers = #tpu.dot_dimension_numbers<[0], [0], [1], [1], [0, 1, 1, 1], [], []>, transpose_lhs_hint = true} : vector<16x128xf32>, vector<16x128xf32>, vector<128x128xf32> -> vector<128x128xf32>
    %dot_general3A_3108 = arith.constant dense<0.000000e+00> : vector<128x128xf32>
    %dot_general3A_3109 = tpu.matmul %add3A_3105, %get3A_4, %dot_general3A_3108 {dimension_numbers = #tpu.dot_dimension_numbers<[0], [0], [1], [1], [0, 1, 1, 1], [], []>, transpose_lhs_hint = true} : vector<16x128xf32>, vector<16x128xf32>, vector<128x128xf32> -> vector<128x128xf32>
    %add3A_3110 = vector.broadcast %get3A_7 : vector<1x128xf32> to vector<128x128xf32>
    %add3A_3111 = arith.addf %dot_general3A_3107, %add3A_3110 : vector<128x128xf32>
    %add3A_3112 = vector.broadcast %get3A_10 : vector<1x128xf32> to vector<128x128xf32>
    %add3A_3113 = arith.addf %dot_general3A_3109, %add3A_3112 : vector<128x128xf32>
    %mul3A_3114 = arith.constant 5.000000e-01 : f32
    %mul3A_3115 = vector.broadcast %mul3A_3114 : f32 to vector<128x128xf32>
    %mul3A_3116 = arith.mulf %mul3A_3115, %add3A_3113 : vector<128x128xf32>
    %exp3A_3117 = math.exp %mul3A_3116 : vector<128x128xf32>
    %get3A_3118 = arith.constant 6528 : index
    %get3A_3119 = arith.constant 0 : index
    %get3A_3120 = vector.load %arg7[%get3A_3118, %get3A_3119] : memref<8192x128xf32, #tpu.memory_space<vmem>>, vector<128x128xf32>
    %mul3A_3121 = arith.mulf %exp3A_3117, %get3A_3120 : vector<128x128xf32>
    %add3A_3122 = arith.addf %add3A_3111, %mul3A_3121 : vector<128x128xf32>
    %swap3A_3123 = arith.constant 6528 : index
    %swap3A_3124 = arith.constant 0 : index
    %swap3A_3125 = vector.load %arg12[%swap3A_3123, %swap3A_3124] : memref<8192x128xf32, #tpu.memory_space<vmem>>, vector<128x128xf32>
    tpu.vector_store %arg12[%swap3A_3123, %swap3A_3124], %add3A_3122 {strides = array<i32>} : memref<8192x128xf32, #tpu.memory_space<vmem>>, vector<128x128xf32>,
    %get3A_3126 = arith.constant 13 : index
    %get3A_3127 = arith.constant 0 : index
    %get3A_3128 = arith.constant 0 : index
    %get3A_3129 = vector.load %arg3[%get3A_3126, %get3A_3127, %get3A_3128] : memref<16x4x128xf32, #tpu.memory_space<vmem>>, vector<1x1x128xf32>
    %get3A_3130 = vector.shape_cast %get3A_3129 : vector<1x1x128xf32> to vector<1x128xf32>
    %get3A_3131 = arith.constant 13 : index
    %get3A_3132 = arith.constant 0 : index
    %get3A_3133 = arith.constant 0 : index
    %get3A_3134 = vector.load %arg4[%get3A_3131, %get3A_3132, %get3A_3133] : memref<16x4x128xf32, #tpu.memory_space<vmem>>, vector<1x1x128xf32>
    %get3A_3135 = vector.shape_cast %get3A_3134 : vector<1x1x128xf32> to vector<1x128xf32>
    %mul3A_3136 = arith.constant 5.000000e-01 : f32
    %mul3A_3137 = vector.broadcast %mul3A_3136 : f32 to vector<1x128xf32>
    %mul3A_3138 = arith.mulf %mul3A_3137, %get3A_3135 : vector<1x128xf32>
    %exp3A_3139 = math.exp %mul3A_3138 : vector<1x128xf32>
    %get3A_3140 = arith.constant 0 : index
    %get3A_3141 = arith.constant 6656 : index
    %get3A_3142 = vector.load %arg6[%get3A_3140, %get3A_3141] : memref<1x8192xf32, #tpu.memory_space<vmem>>, vector<1x128xf32>
    %mul3A_3143 = arith.mulf %exp3A_3139, %get3A_3142 : vector<1x128xf32>
    %add3A_3144 = arith.addf %get3A_3130, %mul3A_3143 : vector<1x128xf32>
    %get3A_3145 = arith.constant 13 : index
    %get3A_3146 = arith.constant 0 : index
    %get3A_3147 = arith.constant 0 : index
    %get3A_3148 = vector.load %arg1[%get3A_3145, %get3A_3146, %get3A_3147] : memref<16x64x128xf32, #tpu.memory_space<vmem>>, vector<1x16x128xf32>
    %get3A_3149 = vector.shape_cast %get3A_3148 : vector<1x16x128xf32> to vector<16x128xf32>
    %get3A_3150 = arith.constant 13 : index
    %get3A_3151 = arith.constant 0 : index
    %get3A_3152 = arith.constant 0 : index
    %get3A_3153 = vector.load %arg2[%get3A_3150, %get3A_3151, %get3A_3152] : memref<16x64x128xf32, #tpu.memory_space<vmem>>, vector<1x16x128xf32>
    %get3A_3154 = vector.shape_cast %get3A_3153 : vector<1x16x128xf32> to vector<16x128xf32>
    %mul3A_3155 = arith.constant 5.000000e-01 : f32
    %mul3A_3156 = vector.broadcast %mul3A_3155 : f32 to vector<16x128xf32>
    %mul3A_3157 = arith.mulf %mul3A_3156, %get3A_3154 : vector<16x128xf32>
    %exp3A_3158 = math.exp %mul3A_3157 : vector<16x128xf32>
    %get3A_3159 = arith.constant 0 : index
    %get3A_3160 = arith.constant 6656 : index
    %get3A_3161 = vector.load %arg5[%get3A_3159, %get3A_3160] : memref<16x8192xf32, #tpu.memory_space<vmem>>, vector<16x128xf32>
    %mul3A_3162 = arith.mulf %exp3A_3158, %get3A_3161 : vector<16x128xf32>
    %add3A_3163 = arith.addf %get3A_3149, %mul3A_3162 : vector<16x128xf32>
    %add3A_3164 = vector.broadcast %add3A_3144 : vector<1x128xf32> to vector<16x128xf32>
    %add3A_3165 = arith.addf %add3A_3163, %add3A_3164 : vector<16x128xf32>
    %dot_general3A_3166 = arith.constant dense<0.000000e+00> : vector<128x128xf32>
    %dot_general3A_3167 = tpu.matmul %add3A_3165, %get3A_1, %dot_general3A_3166 {dimension_numbers = #tpu.dot_dimension_numbers<[0], [0], [1], [1], [0, 1, 1, 1], [], []>, transpose_lhs_hint = true} : vector<16x128xf32>, vector<16x128xf32>, vector<128x128xf32> -> vector<128x128xf32>
    %dot_general3A_3168 = arith.constant dense<0.000000e+00> : vector<128x128xf32>
    %dot_general3A_3169 = tpu.matmul %add3A_3165, %get3A_4, %dot_general3A_3168 {dimension_numbers = #tpu.dot_dimension_numbers<[0], [0], [1], [1], [0, 1, 1, 1], [], []>, transpose_lhs_hint = true} : vector<16x128xf32>, vector<16x128xf32>, vector<128x128xf32> -> vector<128x128xf32>
    %add3A_3170 = vector.broadcast %get3A_7 : vector<1x128xf32> to vector<128x128xf32>
    %add3A_3171 = arith.addf %dot_general3A_3167, %add3A_3170 : vector<128x128xf32>
    %add3A_3172 = vector.broadcast %get3A_10 : vector<1x128xf32> to vector<128x128xf32>
    %add3A_3173 = arith.addf %dot_general3A_3169, %add3A_3172 : vector<128x128xf32>
    %mul3A_3174 = arith.constant 5.000000e-01 : f32
    %mul3A_3175 = vector.broadcast %mul3A_3174 : f32 to vector<128x128xf32>
    %mul3A_3176 = arith.mulf %mul3A_3175, %add3A_3173 : vector<128x128xf32>
    %exp3A_3177 = math.exp %mul3A_3176 : vector<128x128xf32>
    %get3A_3178 = arith.constant 6656 : index
    %get3A_3179 = arith.constant 0 : index
    %get3A_3180 = vector.load %arg7[%get3A_3178, %get3A_3179] : memref<8192x128xf32, #tpu.memory_space<vmem>>, vector<128x128xf32>
    %mul3A_3181 = arith.mulf %exp3A_3177, %get3A_3180 : vector<128x128xf32>
    %add3A_3182 = arith.addf %add3A_3171, %mul3A_3181 : vector<128x128xf32>
    %swap3A_3183 = arith.constant 6656 : index
    %swap3A_3184 = arith.constant 0 : index
    %swap3A_3185 = vector.load %arg12[%swap3A_3183, %swap3A_3184] : memref<8192x128xf32, #tpu.memory_space<vmem>>, vector<128x128xf32>
    tpu.vector_store %arg12[%swap3A_3183, %swap3A_3184], %add3A_3182 {strides = array<i32>} : memref<8192x128xf32, #tpu.memory_space<vmem>>, vector<128x128xf32>,
    %get3A_3186 = arith.constant 13 : index
    %get3A_3187 = arith.constant 1 : index
    %get3A_3188 = arith.constant 0 : index
    %get3A_3189 = vector.load %arg3[%get3A_3186, %get3A_3187, %get3A_3188] : memref<16x4x128xf32, #tpu.memory_space<vmem>>, vector<1x1x128xf32>
    %get3A_3190 = vector.shape_cast %get3A_3189 : vector<1x1x128xf32> to vector<1x128xf32>
    %get3A_3191 = arith.constant 13 : index
    %get3A_3192 = arith.constant 1 : index
    %get3A_3193 = arith.constant 0 : index
    %get3A_3194 = vector.load %arg4[%get3A_3191, %get3A_3192, %get3A_3193] : memref<16x4x128xf32, #tpu.memory_space<vmem>>, vector<1x1x128xf32>
    %get3A_3195 = vector.shape_cast %get3A_3194 : vector<1x1x128xf32> to vector<1x128xf32>
    %mul3A_3196 = arith.constant 5.000000e-01 : f32
    %mul3A_3197 = vector.broadcast %mul3A_3196 : f32 to vector<1x128xf32>
    %mul3A_3198 = arith.mulf %mul3A_3197, %get3A_3195 : vector<1x128xf32>
    %exp3A_3199 = math.exp %mul3A_3198 : vector<1x128xf32>
    %get3A_3200 = arith.constant 0 : index
    %get3A_3201 = arith.constant 6784 : index
    %get3A_3202 = vector.load %arg6[%get3A_3200, %get3A_3201] : memref<1x8192xf32, #tpu.memory_space<vmem>>, vector<1x128xf32>
    %mul3A_3203 = arith.mulf %exp3A_3199, %get3A_3202 : vector<1x128xf32>
    %add3A_3204 = arith.addf %get3A_3190, %mul3A_3203 : vector<1x128xf32>
    %get3A_3205 = arith.constant 13 : index
    %get3A_3206 = arith.constant 16 : index
    %get3A_3207 = arith.constant 0 : index
    %get3A_3208 = vector.load %arg1[%get3A_3205, %get3A_3206, %get3A_3207] : memref<16x64x128xf32, #tpu.memory_space<vmem>>, vector<1x16x128xf32>
    %get3A_3209 = vector.shape_cast %get3A_3208 : vector<1x16x128xf32> to vector<16x128xf32>
    %get3A_3210 = arith.constant 13 : index
    %get3A_3211 = arith.constant 16 : index
    %get3A_3212 = arith.constant 0 : index
    %get3A_3213 = vector.load %arg2[%get3A_3210, %get3A_3211, %get3A_3212] : memref<16x64x128xf32, #tpu.memory_space<vmem>>, vector<1x16x128xf32>
    %get3A_3214 = vector.shape_cast %get3A_3213 : vector<1x16x128xf32> to vector<16x128xf32>
    %mul3A_3215 = arith.constant 5.000000e-01 : f32
    %mul3A_3216 = vector.broadcast %mul3A_3215 : f32 to vector<16x128xf32>
    %mul3A_3217 = arith.mulf %mul3A_3216, %get3A_3214 : vector<16x128xf32>
    %exp3A_3218 = math.exp %mul3A_3217 : vector<16x128xf32>
    %get3A_3219 = arith.constant 0 : index
    %get3A_3220 = arith.constant 6784 : index
    %get3A_3221 = vector.load %arg5[%get3A_3219, %get3A_3220] : memref<16x8192xf32, #tpu.memory_space<vmem>>, vector<16x128xf32>
    %mul3A_3222 = arith.mulf %exp3A_3218, %get3A_3221 : vector<16x128xf32>
    %add3A_3223 = arith.addf %get3A_3209, %mul3A_3222 : vector<16x128xf32>
    %add3A_3224 = vector.broadcast %add3A_3204 : vector<1x128xf32> to vector<16x128xf32>
    %add3A_3225 = arith.addf %add3A_3223, %add3A_3224 : vector<16x128xf32>
    %dot_general3A_3226 = arith.constant dense<0.000000e+00> : vector<128x128xf32>
    %dot_general3A_3227 = tpu.matmul %add3A_3225, %get3A_1, %dot_general3A_3226 {dimension_numbers = #tpu.dot_dimension_numbers<[0], [0], [1], [1], [0, 1, 1, 1], [], []>, transpose_lhs_hint = true} : vector<16x128xf32>, vector<16x128xf32>, vector<128x128xf32> -> vector<128x128xf32>
    %dot_general3A_3228 = arith.constant dense<0.000000e+00> : vector<128x128xf32>
    %dot_general3A_3229 = tpu.matmul %add3A_3225, %get3A_4, %dot_general3A_3228 {dimension_numbers = #tpu.dot_dimension_numbers<[0], [0], [1], [1], [0, 1, 1, 1], [], []>, transpose_lhs_hint = true} : vector<16x128xf32>, vector<16x128xf32>, vector<128x128xf32> -> vector<128x128xf32>
    %add3A_3230 = vector.broadcast %get3A_7 : vector<1x128xf32> to vector<128x128xf32>
    %add3A_3231 = arith.addf %dot_general3A_3227, %add3A_3230 : vector<128x128xf32>
    %add3A_3232 = vector.broadcast %get3A_10 : vector<1x128xf32> to vector<128x128xf32>
    %add3A_3233 = arith.addf %dot_general3A_3229, %add3A_3232 : vector<128x128xf32>
    %mul3A_3234 = arith.constant 5.000000e-01 : f32
    %mul3A_3235 = vector.broadcast %mul3A_3234 : f32 to vector<128x128xf32>
    %mul3A_3236 = arith.mulf %mul3A_3235, %add3A_3233 : vector<128x128xf32>
    %exp3A_3237 = math.exp %mul3A_3236 : vector<128x128xf32>
    %get3A_3238 = arith.constant 6784 : index
    %get3A_3239 = arith.constant 0 : index
    %get3A_3240 = vector.load %arg7[%get3A_3238, %get3A_3239] : memref<8192x128xf32, #tpu.memory_space<vmem>>, vector<128x128xf32>
    %mul3A_3241 = arith.mulf %exp3A_3237, %get3A_3240 : vector<128x128xf32>
    %add3A_3242 = arith.addf %add3A_3231, %mul3A_3241 : vector<128x128xf32>
    %swap3A_3243 = arith.constant 6784 : index
    %swap3A_3244 = arith.constant 0 : index
    %swap3A_3245 = vector.load %arg12[%swap3A_3243, %swap3A_3244] : memref<8192x128xf32, #tpu.memory_space<vmem>>, vector<128x128xf32>
    tpu.vector_store %arg12[%swap3A_3243, %swap3A_3244], %add3A_3242 {strides = array<i32>} : memref<8192x128xf32, #tpu.memory_space<vmem>>, vector<128x128xf32>,
    %get3A_3246 = arith.constant 13 : index
    %get3A_3247 = arith.constant 2 : index
    %get3A_3248 = arith.constant 0 : index
    %get3A_3249 = vector.load %arg3[%get3A_3246, %get3A_3247, %get3A_3248] : memref<16x4x128xf32, #tpu.memory_space<vmem>>, vector<1x1x128xf32>
    %get3A_3250 = vector.shape_cast %get3A_3249 : vector<1x1x128xf32> to vector<1x128xf32>
    %get3A_3251 = arith.constant 13 : index
    %get3A_3252 = arith.constant 2 : index
    %get3A_3253 = arith.constant 0 : index
    %get3A_3254 = vector.load %arg4[%get3A_3251, %get3A_3252, %get3A_3253] : memref<16x4x128xf32, #tpu.memory_space<vmem>>, vector<1x1x128xf32>
    %get3A_3255 = vector.shape_cast %get3A_3254 : vector<1x1x128xf32> to vector<1x128xf32>
    %mul3A_3256 = arith.constant 5.000000e-01 : f32
    %mul3A_3257 = vector.broadcast %mul3A_3256 : f32 to vector<1x128xf32>
    %mul3A_3258 = arith.mulf %mul3A_3257, %get3A_3255 : vector<1x128xf32>
    %exp3A_3259 = math.exp %mul3A_3258 : vector<1x128xf32>
    %get3A_3260 = arith.constant 0 : index
    %get3A_3261 = arith.constant 6912 : index
    %get3A_3262 = vector.load %arg6[%get3A_3260, %get3A_3261] : memref<1x8192xf32, #tpu.memory_space<vmem>>, vector<1x128xf32>
    %mul3A_3263 = arith.mulf %exp3A_3259, %get3A_3262 : vector<1x128xf32>
    %add3A_3264 = arith.addf %get3A_3250, %mul3A_3263 : vector<1x128xf32>
    %get3A_3265 = arith.constant 13 : index
    %get3A_3266 = arith.constant 32 : index
    %get3A_3267 = arith.constant 0 : index
    %get3A_3268 = vector.load %arg1[%get3A_3265, %get3A_3266, %get3A_3267] : memref<16x64x128xf32, #tpu.memory_space<vmem>>, vector<1x16x128xf32>
    %get3A_3269 = vector.shape_cast %get3A_3268 : vector<1x16x128xf32> to vector<16x128xf32>
    %get3A_3270 = arith.constant 13 : index
    %get3A_3271 = arith.constant 32 : index
    %get3A_3272 = arith.constant 0 : index
    %get3A_3273 = vector.load %arg2[%get3A_3270, %get3A_3271, %get3A_3272] : memref<16x64x128xf32, #tpu.memory_space<vmem>>, vector<1x16x128xf32>
    %get3A_3274 = vector.shape_cast %get3A_3273 : vector<1x16x128xf32> to vector<16x128xf32>
    %mul3A_3275 = arith.constant 5.000000e-01 : f32
    %mul3A_3276 = vector.broadcast %mul3A_3275 : f32 to vector<16x128xf32>
    %mul3A_3277 = arith.mulf %mul3A_3276, %get3A_3274 : vector<16x128xf32>
    %exp3A_3278 = math.exp %mul3A_3277 : vector<16x128xf32>
    %get3A_3279 = arith.constant 0 : index
    %get3A_3280 = arith.constant 6912 : index
    %get3A_3281 = vector.load %arg5[%get3A_3279, %get3A_3280] : memref<16x8192xf32, #tpu.memory_space<vmem>>, vector<16x128xf32>
    %mul3A_3282 = arith.mulf %exp3A_3278, %get3A_3281 : vector<16x128xf32>
    %add3A_3283 = arith.addf %get3A_3269, %mul3A_3282 : vector<16x128xf32>
    %add3A_3284 = vector.broadcast %add3A_3264 : vector<1x128xf32> to vector<16x128xf32>
    %add3A_3285 = arith.addf %add3A_3283, %add3A_3284 : vector<16x128xf32>
    %dot_general3A_3286 = arith.constant dense<0.000000e+00> : vector<128x128xf32>
    %dot_general3A_3287 = tpu.matmul %add3A_3285, %get3A_1, %dot_general3A_3286 {dimension_numbers = #tpu.dot_dimension_numbers<[0], [0], [1], [1], [0, 1, 1, 1], [], []>, transpose_lhs_hint = true} : vector<16x128xf32>, vector<16x128xf32>, vector<128x128xf32> -> vector<128x128xf32>
    %dot_general3A_3288 = arith.constant dense<0.000000e+00> : vector<128x128xf32>
    %dot_general3A_3289 = tpu.matmul %add3A_3285, %get3A_4, %dot_general3A_3288 {dimension_numbers = #tpu.dot_dimension_numbers<[0], [0], [1], [1], [0, 1, 1, 1], [], []>, transpose_lhs_hint = true} : vector<16x128xf32>, vector<16x128xf32>, vector<128x128xf32> -> vector<128x128xf32>
    %add3A_3290 = vector.broadcast %get3A_7 : vector<1x128xf32> to vector<128x128xf32>
    %add3A_3291 = arith.addf %dot_general3A_3287, %add3A_3290 : vector<128x128xf32>
    %add3A_3292 = vector.broadcast %get3A_10 : vector<1x128xf32> to vector<128x128xf32>
    %add3A_3293 = arith.addf %dot_general3A_3289, %add3A_3292 : vector<128x128xf32>
    %mul3A_3294 = arith.constant 5.000000e-01 : f32
    %mul3A_3295 = vector.broadcast %mul3A_3294 : f32 to vector<128x128xf32>
    %mul3A_3296 = arith.mulf %mul3A_3295, %add3A_3293 : vector<128x128xf32>
    %exp3A_3297 = math.exp %mul3A_3296 : vector<128x128xf32>
    %get3A_3298 = arith.constant 6912 : index
    %get3A_3299 = arith.constant 0 : index
    %get3A_3300 = vector.load %arg7[%get3A_3298, %get3A_3299] : memref<8192x128xf32, #tpu.memory_space<vmem>>, vector<128x128xf32>
    %mul3A_3301 = arith.mulf %exp3A_3297, %get3A_3300 : vector<128x128xf32>
    %add3A_3302 = arith.addf %add3A_3291, %mul3A_3301 : vector<128x128xf32>
    %swap3A_3303 = arith.constant 6912 : index
    %swap3A_3304 = arith.constant 0 : index
    %swap3A_3305 = vector.load %arg12[%swap3A_3303, %swap3A_3304] : memref<8192x128xf32, #tpu.memory_space<vmem>>, vector<128x128xf32>
    tpu.vector_store %arg12[%swap3A_3303, %swap3A_3304], %add3A_3302 {strides = array<i32>} : memref<8192x128xf32, #tpu.memory_space<vmem>>, vector<128x128xf32>,
    %get3A_3306 = arith.constant 13 : index
    %get3A_3307 = arith.constant 3 : index
    %get3A_3308 = arith.constant 0 : index
    %get3A_3309 = vector.load %arg3[%get3A_3306, %get3A_3307, %get3A_3308] : memref<16x4x128xf32, #tpu.memory_space<vmem>>, vector<1x1x128xf32>
    %get3A_3310 = vector.shape_cast %get3A_3309 : vector<1x1x128xf32> to vector<1x128xf32>
    %get3A_3311 = arith.constant 13 : index
    %get3A_3312 = arith.constant 3 : index
    %get3A_3313 = arith.constant 0 : index
    %get3A_3314 = vector.load %arg4[%get3A_3311, %get3A_3312, %get3A_3313] : memref<16x4x128xf32, #tpu.memory_space<vmem>>, vector<1x1x128xf32>
    %get3A_3315 = vector.shape_cast %get3A_3314 : vector<1x1x128xf32> to vector<1x128xf32>
    %mul3A_3316 = arith.constant 5.000000e-01 : f32
    %mul3A_3317 = vector.broadcast %mul3A_3316 : f32 to vector<1x128xf32>
    %mul3A_3318 = arith.mulf %mul3A_3317, %get3A_3315 : vector<1x128xf32>
    %exp3A_3319 = math.exp %mul3A_3318 : vector<1x128xf32>
    %get3A_3320 = arith.constant 0 : index
    %get3A_3321 = arith.constant 7040 : index
    %get3A_3322 = vector.load %arg6[%get3A_3320, %get3A_3321] : memref<1x8192xf32, #tpu.memory_space<vmem>>, vector<1x128xf32>
    %mul3A_3323 = arith.mulf %exp3A_3319, %get3A_3322 : vector<1x128xf32>
    %add3A_3324 = arith.addf %get3A_3310, %mul3A_3323 : vector<1x128xf32>
    %get3A_3325 = arith.constant 13 : index
    %get3A_3326 = arith.constant 48 : index
    %get3A_3327 = arith.constant 0 : index
    %get3A_3328 = vector.load %arg1[%get3A_3325, %get3A_3326, %get3A_3327] : memref<16x64x128xf32, #tpu.memory_space<vmem>>, vector<1x16x128xf32>
    %get3A_3329 = vector.shape_cast %get3A_3328 : vector<1x16x128xf32> to vector<16x128xf32>
    %get3A_3330 = arith.constant 13 : index
    %get3A_3331 = arith.constant 48 : index
    %get3A_3332 = arith.constant 0 : index
    %get3A_3333 = vector.load %arg2[%get3A_3330, %get3A_3331, %get3A_3332] : memref<16x64x128xf32, #tpu.memory_space<vmem>>, vector<1x16x128xf32>
    %get3A_3334 = vector.shape_cast %get3A_3333 : vector<1x16x128xf32> to vector<16x128xf32>
    %mul3A_3335 = arith.constant 5.000000e-01 : f32
    %mul3A_3336 = vector.broadcast %mul3A_3335 : f32 to vector<16x128xf32>
    %mul3A_3337 = arith.mulf %mul3A_3336, %get3A_3334 : vector<16x128xf32>
    %exp3A_3338 = math.exp %mul3A_3337 : vector<16x128xf32>
    %get3A_3339 = arith.constant 0 : index
    %get3A_3340 = arith.constant 7040 : index
    %get3A_3341 = vector.load %arg5[%get3A_3339, %get3A_3340] : memref<16x8192xf32, #tpu.memory_space<vmem>>, vector<16x128xf32>
    %mul3A_3342 = arith.mulf %exp3A_3338, %get3A_3341 : vector<16x128xf32>
    %add3A_3343 = arith.addf %get3A_3329, %mul3A_3342 : vector<16x128xf32>
    %add3A_3344 = vector.broadcast %add3A_3324 : vector<1x128xf32> to vector<16x128xf32>
    %add3A_3345 = arith.addf %add3A_3343, %add3A_3344 : vector<16x128xf32>
    %dot_general3A_3346 = arith.constant dense<0.000000e+00> : vector<128x128xf32>
    %dot_general3A_3347 = tpu.matmul %add3A_3345, %get3A_1, %dot_general3A_3346 {dimension_numbers = #tpu.dot_dimension_numbers<[0], [0], [1], [1], [0, 1, 1, 1], [], []>, transpose_lhs_hint = true} : vector<16x128xf32>, vector<16x128xf32>, vector<128x128xf32> -> vector<128x128xf32>
    %dot_general3A_3348 = arith.constant dense<0.000000e+00> : vector<128x128xf32>
    %dot_general3A_3349 = tpu.matmul %add3A_3345, %get3A_4, %dot_general3A_3348 {dimension_numbers = #tpu.dot_dimension_numbers<[0], [0], [1], [1], [0, 1, 1, 1], [], []>, transpose_lhs_hint = true} : vector<16x128xf32>, vector<16x128xf32>, vector<128x128xf32> -> vector<128x128xf32>
    %add3A_3350 = vector.broadcast %get3A_7 : vector<1x128xf32> to vector<128x128xf32>
    %add3A_3351 = arith.addf %dot_general3A_3347, %add3A_3350 : vector<128x128xf32>
    %add3A_3352 = vector.broadcast %get3A_10 : vector<1x128xf32> to vector<128x128xf32>
    %add3A_3353 = arith.addf %dot_general3A_3349, %add3A_3352 : vector<128x128xf32>
    %mul3A_3354 = arith.constant 5.000000e-01 : f32
    %mul3A_3355 = vector.broadcast %mul3A_3354 : f32 to vector<128x128xf32>
    %mul3A_3356 = arith.mulf %mul3A_3355, %add3A_3353 : vector<128x128xf32>
    %exp3A_3357 = math.exp %mul3A_3356 : vector<128x128xf32>
    %get3A_3358 = arith.constant 7040 : index
    %get3A_3359 = arith.constant 0 : index
    %get3A_3360 = vector.load %arg7[%get3A_3358, %get3A_3359] : memref<8192x128xf32, #tpu.memory_space<vmem>>, vector<128x128xf32>
    %mul3A_3361 = arith.mulf %exp3A_3357, %get3A_3360 : vector<128x128xf32>
    %add3A_3362 = arith.addf %add3A_3351, %mul3A_3361 : vector<128x128xf32>
    %swap3A_3363 = arith.constant 7040 : index
    %swap3A_3364 = arith.constant 0 : index
    %swap3A_3365 = vector.load %arg12[%swap3A_3363, %swap3A_3364] : memref<8192x128xf32, #tpu.memory_space<vmem>>, vector<128x128xf32>
    tpu.vector_store %arg12[%swap3A_3363, %swap3A_3364], %add3A_3362 {strides = array<i32>} : memref<8192x128xf32, #tpu.memory_space<vmem>>, vector<128x128xf32>,
    %get3A_3366 = arith.constant 14 : index
    %get3A_3367 = arith.constant 0 : index
    %get3A_3368 = arith.constant 0 : index
    %get3A_3369 = vector.load %arg3[%get3A_3366, %get3A_3367, %get3A_3368] : memref<16x4x128xf32, #tpu.memory_space<vmem>>, vector<1x1x128xf32>
    %get3A_3370 = vector.shape_cast %get3A_3369 : vector<1x1x128xf32> to vector<1x128xf32>
    %get3A_3371 = arith.constant 14 : index
    %get3A_3372 = arith.constant 0 : index
    %get3A_3373 = arith.constant 0 : index
    %get3A_3374 = vector.load %arg4[%get3A_3371, %get3A_3372, %get3A_3373] : memref<16x4x128xf32, #tpu.memory_space<vmem>>, vector<1x1x128xf32>
    %get3A_3375 = vector.shape_cast %get3A_3374 : vector<1x1x128xf32> to vector<1x128xf32>
    %mul3A_3376 = arith.constant 5.000000e-01 : f32
    %mul3A_3377 = vector.broadcast %mul3A_3376 : f32 to vector<1x128xf32>
    %mul3A_3378 = arith.mulf %mul3A_3377, %get3A_3375 : vector<1x128xf32>
    %exp3A_3379 = math.exp %mul3A_3378 : vector<1x128xf32>
    %get3A_3380 = arith.constant 0 : index
    %get3A_3381 = arith.constant 7168 : index
    %get3A_3382 = vector.load %arg6[%get3A_3380, %get3A_3381] : memref<1x8192xf32, #tpu.memory_space<vmem>>, vector<1x128xf32>
    %mul3A_3383 = arith.mulf %exp3A_3379, %get3A_3382 : vector<1x128xf32>
    %add3A_3384 = arith.addf %get3A_3370, %mul3A_3383 : vector<1x128xf32>
    %get3A_3385 = arith.constant 14 : index
    %get3A_3386 = arith.constant 0 : index
    %get3A_3387 = arith.constant 0 : index
    %get3A_3388 = vector.load %arg1[%get3A_3385, %get3A_3386, %get3A_3387] : memref<16x64x128xf32, #tpu.memory_space<vmem>>, vector<1x16x128xf32>
    %get3A_3389 = vector.shape_cast %get3A_3388 : vector<1x16x128xf32> to vector<16x128xf32>
    %get3A_3390 = arith.constant 14 : index
    %get3A_3391 = arith.constant 0 : index
    %get3A_3392 = arith.constant 0 : index
    %get3A_3393 = vector.load %arg2[%get3A_3390, %get3A_3391, %get3A_3392] : memref<16x64x128xf32, #tpu.memory_space<vmem>>, vector<1x16x128xf32>
    %get3A_3394 = vector.shape_cast %get3A_3393 : vector<1x16x128xf32> to vector<16x128xf32>
    %mul3A_3395 = arith.constant 5.000000e-01 : f32
    %mul3A_3396 = vector.broadcast %mul3A_3395 : f32 to vector<16x128xf32>
    %mul3A_3397 = arith.mulf %mul3A_3396, %get3A_3394 : vector<16x128xf32>
    %exp3A_3398 = math.exp %mul3A_3397 : vector<16x128xf32>
    %get3A_3399 = arith.constant 0 : index
    %get3A_3400 = arith.constant 7168 : index
    %get3A_3401 = vector.load %arg5[%get3A_3399, %get3A_3400] : memref<16x8192xf32, #tpu.memory_space<vmem>>, vector<16x128xf32>
    %mul3A_3402 = arith.mulf %exp3A_3398, %get3A_3401 : vector<16x128xf32>
    %add3A_3403 = arith.addf %get3A_3389, %mul3A_3402 : vector<16x128xf32>
    %add3A_3404 = vector.broadcast %add3A_3384 : vector<1x128xf32> to vector<16x128xf32>
    %add3A_3405 = arith.addf %add3A_3403, %add3A_3404 : vector<16x128xf32>
    %dot_general3A_3406 = arith.constant dense<0.000000e+00> : vector<128x128xf32>
    %dot_general3A_3407 = tpu.matmul %add3A_3405, %get3A_1, %dot_general3A_3406 {dimension_numbers = #tpu.dot_dimension_numbers<[0], [0], [1], [1], [0, 1, 1, 1], [], []>, transpose_lhs_hint = true} : vector<16x128xf32>, vector<16x128xf32>, vector<128x128xf32> -> vector<128x128xf32>
    %dot_general3A_3408 = arith.constant dense<0.000000e+00> : vector<128x128xf32>
    %dot_general3A_3409 = tpu.matmul %add3A_3405, %get3A_4, %dot_general3A_3408 {dimension_numbers = #tpu.dot_dimension_numbers<[0], [0], [1], [1], [0, 1, 1, 1], [], []>, transpose_lhs_hint = true} : vector<16x128xf32>, vector<16x128xf32>, vector<128x128xf32> -> vector<128x128xf32>
    %add3A_3410 = vector.broadcast %get3A_7 : vector<1x128xf32> to vector<128x128xf32>
    %add3A_3411 = arith.addf %dot_general3A_3407, %add3A_3410 : vector<128x128xf32>
    %add3A_3412 = vector.broadcast %get3A_10 : vector<1x128xf32> to vector<128x128xf32>
    %add3A_3413 = arith.addf %dot_general3A_3409, %add3A_3412 : vector<128x128xf32>
    %mul3A_3414 = arith.constant 5.000000e-01 : f32
    %mul3A_3415 = vector.broadcast %mul3A_3414 : f32 to vector<128x128xf32>
    %mul3A_3416 = arith.mulf %mul3A_3415, %add3A_3413 : vector<128x128xf32>
    %exp3A_3417 = math.exp %mul3A_3416 : vector<128x128xf32>
    %get3A_3418 = arith.constant 7168 : index
    %get3A_3419 = arith.constant 0 : index
    %get3A_3420 = vector.load %arg7[%get3A_3418, %get3A_3419] : memref<8192x128xf32, #tpu.memory_space<vmem>>, vector<128x128xf32>
    %mul3A_3421 = arith.mulf %exp3A_3417, %get3A_3420 : vector<128x128xf32>
    %add3A_3422 = arith.addf %add3A_3411, %mul3A_3421 : vector<128x128xf32>
    %swap3A_3423 = arith.constant 7168 : index
    %swap3A_3424 = arith.constant 0 : index
    %swap3A_3425 = vector.load %arg12[%swap3A_3423, %swap3A_3424] : memref<8192x128xf32, #tpu.memory_space<vmem>>, vector<128x128xf32>
    tpu.vector_store %arg12[%swap3A_3423, %swap3A_3424], %add3A_3422 {strides = array<i32>} : memref<8192x128xf32, #tpu.memory_space<vmem>>, vector<128x128xf32>,
    %get3A_3426 = arith.constant 14 : index
    %get3A_3427 = arith.constant 1 : index
    %get3A_3428 = arith.constant 0 : index
    %get3A_3429 = vector.load %arg3[%get3A_3426, %get3A_3427, %get3A_3428] : memref<16x4x128xf32, #tpu.memory_space<vmem>>, vector<1x1x128xf32>
    %get3A_3430 = vector.shape_cast %get3A_3429 : vector<1x1x128xf32> to vector<1x128xf32>
    %get3A_3431 = arith.constant 14 : index
    %get3A_3432 = arith.constant 1 : index
    %get3A_3433 = arith.constant 0 : index
    %get3A_3434 = vector.load %arg4[%get3A_3431, %get3A_3432, %get3A_3433] : memref<16x4x128xf32, #tpu.memory_space<vmem>>, vector<1x1x128xf32>
    %get3A_3435 = vector.shape_cast %get3A_3434 : vector<1x1x128xf32> to vector<1x128xf32>
    %mul3A_3436 = arith.constant 5.000000e-01 : f32
    %mul3A_3437 = vector.broadcast %mul3A_3436 : f32 to vector<1x128xf32>
    %mul3A_3438 = arith.mulf %mul3A_3437, %get3A_3435 : vector<1x128xf32>
    %exp3A_3439 = math.exp %mul3A_3438 : vector<1x128xf32>
    %get3A_3440 = arith.constant 0 : index
    %get3A_3441 = arith.constant 7296 : index
    %get3A_3442 = vector.load %arg6[%get3A_3440, %get3A_3441] : memref<1x8192xf32, #tpu.memory_space<vmem>>, vector<1x128xf32>
    %mul3A_3443 = arith.mulf %exp3A_3439, %get3A_3442 : vector<1x128xf32>
    %add3A_3444 = arith.addf %get3A_3430, %mul3A_3443 : vector<1x128xf32>
    %get3A_3445 = arith.constant 14 : index
    %get3A_3446 = arith.constant 16 : index
    %get3A_3447 = arith.constant 0 : index
    %get3A_3448 = vector.load %arg1[%get3A_3445, %get3A_3446, %get3A_3447] : memref<16x64x128xf32, #tpu.memory_space<vmem>>, vector<1x16x128xf32>
    %get3A_3449 = vector.shape_cast %get3A_3448 : vector<1x16x128xf32> to vector<16x128xf32>
    %get3A_3450 = arith.constant 14 : index
    %get3A_3451 = arith.constant 16 : index
    %get3A_3452 = arith.constant 0 : index
    %get3A_3453 = vector.load %arg2[%get3A_3450, %get3A_3451, %get3A_3452] : memref<16x64x128xf32, #tpu.memory_space<vmem>>, vector<1x16x128xf32>
    %get3A_3454 = vector.shape_cast %get3A_3453 : vector<1x16x128xf32> to vector<16x128xf32>
    %mul3A_3455 = arith.constant 5.000000e-01 : f32
    %mul3A_3456 = vector.broadcast %mul3A_3455 : f32 to vector<16x128xf32>
    %mul3A_3457 = arith.mulf %mul3A_3456, %get3A_3454 : vector<16x128xf32>
    %exp3A_3458 = math.exp %mul3A_3457 : vector<16x128xf32>
    %get3A_3459 = arith.constant 0 : index
    %get3A_3460 = arith.constant 7296 : index
    %get3A_3461 = vector.load %arg5[%get3A_3459, %get3A_3460] : memref<16x8192xf32, #tpu.memory_space<vmem>>, vector<16x128xf32>
    %mul3A_3462 = arith.mulf %exp3A_3458, %get3A_3461 : vector<16x128xf32>
    %add3A_3463 = arith.addf %get3A_3449, %mul3A_3462 : vector<16x128xf32>
    %add3A_3464 = vector.broadcast %add3A_3444 : vector<1x128xf32> to vector<16x128xf32>
    %add3A_3465 = arith.addf %add3A_3463, %add3A_3464 : vector<16x128xf32>
    %dot_general3A_3466 = arith.constant dense<0.000000e+00> : vector<128x128xf32>
    %dot_general3A_3467 = tpu.matmul %add3A_3465, %get3A_1, %dot_general3A_3466 {dimension_numbers = #tpu.dot_dimension_numbers<[0], [0], [1], [1], [0, 1, 1, 1], [], []>, transpose_lhs_hint = true} : vector<16x128xf32>, vector<16x128xf32>, vector<128x128xf32> -> vector<128x128xf32>
    %dot_general3A_3468 = arith.constant dense<0.000000e+00> : vector<128x128xf32>
    %dot_general3A_3469 = tpu.matmul %add3A_3465, %get3A_4, %dot_general3A_3468 {dimension_numbers = #tpu.dot_dimension_numbers<[0], [0], [1], [1], [0, 1, 1, 1], [], []>, transpose_lhs_hint = true} : vector<16x128xf32>, vector<16x128xf32>, vector<128x128xf32> -> vector<128x128xf32>
    %add3A_3470 = vector.broadcast %get3A_7 : vector<1x128xf32> to vector<128x128xf32>
    %add3A_3471 = arith.addf %dot_general3A_3467, %add3A_3470 : vector<128x128xf32>
    %add3A_3472 = vector.broadcast %get3A_10 : vector<1x128xf32> to vector<128x128xf32>
    %add3A_3473 = arith.addf %dot_general3A_3469, %add3A_3472 : vector<128x128xf32>
    %mul3A_3474 = arith.constant 5.000000e-01 : f32
    %mul3A_3475 = vector.broadcast %mul3A_3474 : f32 to vector<128x128xf32>
    %mul3A_3476 = arith.mulf %mul3A_3475, %add3A_3473 : vector<128x128xf32>
    %exp3A_3477 = math.exp %mul3A_3476 : vector<128x128xf32>
    %get3A_3478 = arith.constant 7296 : index
    %get3A_3479 = arith.constant 0 : index
    %get3A_3480 = vector.load %arg7[%get3A_3478, %get3A_3479] : memref<8192x128xf32, #tpu.memory_space<vmem>>, vector<128x128xf32>
    %mul3A_3481 = arith.mulf %exp3A_3477, %get3A_3480 : vector<128x128xf32>
    %add3A_3482 = arith.addf %add3A_3471, %mul3A_3481 : vector<128x128xf32>
    %swap3A_3483 = arith.constant 7296 : index
    %swap3A_3484 = arith.constant 0 : index
    %swap3A_3485 = vector.load %arg12[%swap3A_3483, %swap3A_3484] : memref<8192x128xf32, #tpu.memory_space<vmem>>, vector<128x128xf32>
    tpu.vector_store %arg12[%swap3A_3483, %swap3A_3484], %add3A_3482 {strides = array<i32>} : memref<8192x128xf32, #tpu.memory_space<vmem>>, vector<128x128xf32>,
    %get3A_3486 = arith.constant 14 : index
    %get3A_3487 = arith.constant 2 : index
    %get3A_3488 = arith.constant 0 : index
    %get3A_3489 = vector.load %arg3[%get3A_3486, %get3A_3487, %get3A_3488] : memref<16x4x128xf32, #tpu.memory_space<vmem>>, vector<1x1x128xf32>
    %get3A_3490 = vector.shape_cast %get3A_3489 : vector<1x1x128xf32> to vector<1x128xf32>
    %get3A_3491 = arith.constant 14 : index
    %get3A_3492 = arith.constant 2 : index
    %get3A_3493 = arith.constant 0 : index
    %get3A_3494 = vector.load %arg4[%get3A_3491, %get3A_3492, %get3A_3493] : memref<16x4x128xf32, #tpu.memory_space<vmem>>, vector<1x1x128xf32>
    %get3A_3495 = vector.shape_cast %get3A_3494 : vector<1x1x128xf32> to vector<1x128xf32>
    %mul3A_3496 = arith.constant 5.000000e-01 : f32
    %mul3A_3497 = vector.broadcast %mul3A_3496 : f32 to vector<1x128xf32>
    %mul3A_3498 = arith.mulf %mul3A_3497, %get3A_3495 : vector<1x128xf32>
    %exp3A_3499 = math.exp %mul3A_3498 : vector<1x128xf32>
    %get3A_3500 = arith.constant 0 : index
    %get3A_3501 = arith.constant 7424 : index
    %get3A_3502 = vector.load %arg6[%get3A_3500, %get3A_3501] : memref<1x8192xf32, #tpu.memory_space<vmem>>, vector<1x128xf32>
    %mul3A_3503 = arith.mulf %exp3A_3499, %get3A_3502 : vector<1x128xf32>
    %add3A_3504 = arith.addf %get3A_3490, %mul3A_3503 : vector<1x128xf32>
    %get3A_3505 = arith.constant 14 : index
    %get3A_3506 = arith.constant 32 : index
    %get3A_3507 = arith.constant 0 : index
    %get3A_3508 = vector.load %arg1[%get3A_3505, %get3A_3506, %get3A_3507] : memref<16x64x128xf32, #tpu.memory_space<vmem>>, vector<1x16x128xf32>
    %get3A_3509 = vector.shape_cast %get3A_3508 : vector<1x16x128xf32> to vector<16x128xf32>
    %get3A_3510 = arith.constant 14 : index
    %get3A_3511 = arith.constant 32 : index
    %get3A_3512 = arith.constant 0 : index
    %get3A_3513 = vector.load %arg2[%get3A_3510, %get3A_3511, %get3A_3512] : memref<16x64x128xf32, #tpu.memory_space<vmem>>, vector<1x16x128xf32>
    %get3A_3514 = vector.shape_cast %get3A_3513 : vector<1x16x128xf32> to vector<16x128xf32>
    %mul3A_3515 = arith.constant 5.000000e-01 : f32
    %mul3A_3516 = vector.broadcast %mul3A_3515 : f32 to vector<16x128xf32>
    %mul3A_3517 = arith.mulf %mul3A_3516, %get3A_3514 : vector<16x128xf32>
    %exp3A_3518 = math.exp %mul3A_3517 : vector<16x128xf32>
    %get3A_3519 = arith.constant 0 : index
    %get3A_3520 = arith.constant 7424 : index
    %get3A_3521 = vector.load %arg5[%get3A_3519, %get3A_3520] : memref<16x8192xf32, #tpu.memory_space<vmem>>, vector<16x128xf32>
    %mul3A_3522 = arith.mulf %exp3A_3518, %get3A_3521 : vector<16x128xf32>
    %add3A_3523 = arith.addf %get3A_3509, %mul3A_3522 : vector<16x128xf32>
    %add3A_3524 = vector.broadcast %add3A_3504 : vector<1x128xf32> to vector<16x128xf32>
    %add3A_3525 = arith.addf %add3A_3523, %add3A_3524 : vector<16x128xf32>
    %dot_general3A_3526 = arith.constant dense<0.000000e+00> : vector<128x128xf32>
    %dot_general3A_3527 = tpu.matmul %add3A_3525, %get3A_1, %dot_general3A_3526 {dimension_numbers = #tpu.dot_dimension_numbers<[0], [0], [1], [1], [0, 1, 1, 1], [], []>, transpose_lhs_hint = true} : vector<16x128xf32>, vector<16x128xf32>, vector<128x128xf32> -> vector<128x128xf32>
    %dot_general3A_3528 = arith.constant dense<0.000000e+00> : vector<128x128xf32>
    %dot_general3A_3529 = tpu.matmul %add3A_3525, %get3A_4, %dot_general3A_3528 {dimension_numbers = #tpu.dot_dimension_numbers<[0], [0], [1], [1], [0, 1, 1, 1], [], []>, transpose_lhs_hint = true} : vector<16x128xf32>, vector<16x128xf32>, vector<128x128xf32> -> vector<128x128xf32>
    %add3A_3530 = vector.broadcast %get3A_7 : vector<1x128xf32> to vector<128x128xf32>
    %add3A_3531 = arith.addf %dot_general3A_3527, %add3A_3530 : vector<128x128xf32>
    %add3A_3532 = vector.broadcast %get3A_10 : vector<1x128xf32> to vector<128x128xf32>
    %add3A_3533 = arith.addf %dot_general3A_3529, %add3A_3532 : vector<128x128xf32>
    %mul3A_3534 = arith.constant 5.000000e-01 : f32
    %mul3A_3535 = vector.broadcast %mul3A_3534 : f32 to vector<128x128xf32>
    %mul3A_3536 = arith.mulf %mul3A_3535, %add3A_3533 : vector<128x128xf32>
    %exp3A_3537 = math.exp %mul3A_3536 : vector<128x128xf32>
    %get3A_3538 = arith.constant 7424 : index
    %get3A_3539 = arith.constant 0 : index
    %get3A_3540 = vector.load %arg7[%get3A_3538, %get3A_3539] : memref<8192x128xf32, #tpu.memory_space<vmem>>, vector<128x128xf32>
    %mul3A_3541 = arith.mulf %exp3A_3537, %get3A_3540 : vector<128x128xf32>
    %add3A_3542 = arith.addf %add3A_3531, %mul3A_3541 : vector<128x128xf32>
    %swap3A_3543 = arith.constant 7424 : index
    %swap3A_3544 = arith.constant 0 : index
    %swap3A_3545 = vector.load %arg12[%swap3A_3543, %swap3A_3544] : memref<8192x128xf32, #tpu.memory_space<vmem>>, vector<128x128xf32>
    tpu.vector_store %arg12[%swap3A_3543, %swap3A_3544], %add3A_3542 {strides = array<i32>} : memref<8192x128xf32, #tpu.memory_space<vmem>>, vector<128x128xf32>,
    %get3A_3546 = arith.constant 14 : index
    %get3A_3547 = arith.constant 3 : index
    %get3A_3548 = arith.constant 0 : index
    %get3A_3549 = vector.load %arg3[%get3A_3546, %get3A_3547, %get3A_3548] : memref<16x4x128xf32, #tpu.memory_space<vmem>>, vector<1x1x128xf32>
    %get3A_3550 = vector.shape_cast %get3A_3549 : vector<1x1x128xf32> to vector<1x128xf32>
    %get3A_3551 = arith.constant 14 : index
    %get3A_3552 = arith.constant 3 : index
    %get3A_3553 = arith.constant 0 : index
    %get3A_3554 = vector.load %arg4[%get3A_3551, %get3A_3552, %get3A_3553] : memref<16x4x128xf32, #tpu.memory_space<vmem>>, vector<1x1x128xf32>
    %get3A_3555 = vector.shape_cast %get3A_3554 : vector<1x1x128xf32> to vector<1x128xf32>
    %mul3A_3556 = arith.constant 5.000000e-01 : f32
    %mul3A_3557 = vector.broadcast %mul3A_3556 : f32 to vector<1x128xf32>
    %mul3A_3558 = arith.mulf %mul3A_3557, %get3A_3555 : vector<1x128xf32>
    %exp3A_3559 = math.exp %mul3A_3558 : vector<1x128xf32>
    %get3A_3560 = arith.constant 0 : index
    %get3A_3561 = arith.constant 7552 : index
    %get3A_3562 = vector.load %arg6[%get3A_3560, %get3A_3561] : memref<1x8192xf32, #tpu.memory_space<vmem>>, vector<1x128xf32>
    %mul3A_3563 = arith.mulf %exp3A_3559, %get3A_3562 : vector<1x128xf32>
    %add3A_3564 = arith.addf %get3A_3550, %mul3A_3563 : vector<1x128xf32>
    %get3A_3565 = arith.constant 14 : index
    %get3A_3566 = arith.constant 48 : index
    %get3A_3567 = arith.constant 0 : index
    %get3A_3568 = vector.load %arg1[%get3A_3565, %get3A_3566, %get3A_3567] : memref<16x64x128xf32, #tpu.memory_space<vmem>>, vector<1x16x128xf32>
    %get3A_3569 = vector.shape_cast %get3A_3568 : vector<1x16x128xf32> to vector<16x128xf32>
    %get3A_3570 = arith.constant 14 : index
    %get3A_3571 = arith.constant 48 : index
    %get3A_3572 = arith.constant 0 : index
    %get3A_3573 = vector.load %arg2[%get3A_3570, %get3A_3571, %get3A_3572] : memref<16x64x128xf32, #tpu.memory_space<vmem>>, vector<1x16x128xf32>
    %get3A_3574 = vector.shape_cast %get3A_3573 : vector<1x16x128xf32> to vector<16x128xf32>
    %mul3A_3575 = arith.constant 5.000000e-01 : f32
    %mul3A_3576 = vector.broadcast %mul3A_3575 : f32 to vector<16x128xf32>
    %mul3A_3577 = arith.mulf %mul3A_3576, %get3A_3574 : vector<16x128xf32>
    %exp3A_3578 = math.exp %mul3A_3577 : vector<16x128xf32>
    %get3A_3579 = arith.constant 0 : index
    %get3A_3580 = arith.constant 7552 : index
    %get3A_3581 = vector.load %arg5[%get3A_3579, %get3A_3580] : memref<16x8192xf32, #tpu.memory_space<vmem>>, vector<16x128xf32>
    %mul3A_3582 = arith.mulf %exp3A_3578, %get3A_3581 : vector<16x128xf32>
    %add3A_3583 = arith.addf %get3A_3569, %mul3A_3582 : vector<16x128xf32>
    %add3A_3584 = vector.broadcast %add3A_3564 : vector<1x128xf32> to vector<16x128xf32>
    %add3A_3585 = arith.addf %add3A_3583, %add3A_3584 : vector<16x128xf32>
    %dot_general3A_3586 = arith.constant dense<0.000000e+00> : vector<128x128xf32>
    %dot_general3A_3587 = tpu.matmul %add3A_3585, %get3A_1, %dot_general3A_3586 {dimension_numbers = #tpu.dot_dimension_numbers<[0], [0], [1], [1], [0, 1, 1, 1], [], []>, transpose_lhs_hint = true} : vector<16x128xf32>, vector<16x128xf32>, vector<128x128xf32> -> vector<128x128xf32>
    %dot_general3A_3588 = arith.constant dense<0.000000e+00> : vector<128x128xf32>
    %dot_general3A_3589 = tpu.matmul %add3A_3585, %get3A_4, %dot_general3A_3588 {dimension_numbers = #tpu.dot_dimension_numbers<[0], [0], [1], [1], [0, 1, 1, 1], [], []>, transpose_lhs_hint = true} : vector<16x128xf32>, vector<16x128xf32>, vector<128x128xf32> -> vector<128x128xf32>
    %add3A_3590 = vector.broadcast %get3A_7 : vector<1x128xf32> to vector<128x128xf32>
    %add3A_3591 = arith.addf %dot_general3A_3587, %add3A_3590 : vector<128x128xf32>
    %add3A_3592 = vector.broadcast %get3A_10 : vector<1x128xf32> to vector<128x128xf32>
    %add3A_3593 = arith.addf %dot_general3A_3589, %add3A_3592 : vector<128x128xf32>
    %mul3A_3594 = arith.constant 5.000000e-01 : f32
    %mul3A_3595 = vector.broadcast %mul3A_3594 : f32 to vector<128x128xf32>
    %mul3A_3596 = arith.mulf %mul3A_3595, %add3A_3593 : vector<128x128xf32>
    %exp3A_3597 = math.exp %mul3A_3596 : vector<128x128xf32>
    %get3A_3598 = arith.constant 7552 : index
    %get3A_3599 = arith.constant 0 : index
    %get3A_3600 = vector.load %arg7[%get3A_3598, %get3A_3599] : memref<8192x128xf32, #tpu.memory_space<vmem>>, vector<128x128xf32>
    %mul3A_3601 = arith.mulf %exp3A_3597, %get3A_3600 : vector<128x128xf32>
    %add3A_3602 = arith.addf %add3A_3591, %mul3A_3601 : vector<128x128xf32>
    %swap3A_3603 = arith.constant 7552 : index
    %swap3A_3604 = arith.constant 0 : index
    %swap3A_3605 = vector.load %arg12[%swap3A_3603, %swap3A_3604] : memref<8192x128xf32, #tpu.memory_space<vmem>>, vector<128x128xf32>
    tpu.vector_store %arg12[%swap3A_3603, %swap3A_3604], %add3A_3602 {strides = array<i32>} : memref<8192x128xf32, #tpu.memory_space<vmem>>, vector<128x128xf32>,
    %get3A_3606 = arith.constant 15 : index
    %get3A_3607 = arith.constant 0 : index
    %get3A_3608 = arith.constant 0 : index
    %get3A_3609 = vector.load %arg3[%get3A_3606, %get3A_3607, %get3A_3608] : memref<16x4x128xf32, #tpu.memory_space<vmem>>, vector<1x1x128xf32>
    %get3A_3610 = vector.shape_cast %get3A_3609 : vector<1x1x128xf32> to vector<1x128xf32>
    %get3A_3611 = arith.constant 15 : index
    %get3A_3612 = arith.constant 0 : index
    %get3A_3613 = arith.constant 0 : index
    %get3A_3614 = vector.load %arg4[%get3A_3611, %get3A_3612, %get3A_3613] : memref<16x4x128xf32, #tpu.memory_space<vmem>>, vector<1x1x128xf32>
    %get3A_3615 = vector.shape_cast %get3A_3614 : vector<1x1x128xf32> to vector<1x128xf32>
    %mul3A_3616 = arith.constant 5.000000e-01 : f32
    %mul3A_3617 = vector.broadcast %mul3A_3616 : f32 to vector<1x128xf32>
    %mul3A_3618 = arith.mulf %mul3A_3617, %get3A_3615 : vector<1x128xf32>
    %exp3A_3619 = math.exp %mul3A_3618 : vector<1x128xf32>
    %get3A_3620 = arith.constant 0 : index
    %get3A_3621 = arith.constant 7680 : index
    %get3A_3622 = vector.load %arg6[%get3A_3620, %get3A_3621] : memref<1x8192xf32, #tpu.memory_space<vmem>>, vector<1x128xf32>
    %mul3A_3623 = arith.mulf %exp3A_3619, %get3A_3622 : vector<1x128xf32>
    %add3A_3624 = arith.addf %get3A_3610, %mul3A_3623 : vector<1x128xf32>
    %get3A_3625 = arith.constant 15 : index
    %get3A_3626 = arith.constant 0 : index
    %get3A_3627 = arith.constant 0 : index
    %get3A_3628 = vector.load %arg1[%get3A_3625, %get3A_3626, %get3A_3627] : memref<16x64x128xf32, #tpu.memory_space<vmem>>, vector<1x16x128xf32>
    %get3A_3629 = vector.shape_cast %get3A_3628 : vector<1x16x128xf32> to vector<16x128xf32>
    %get3A_3630 = arith.constant 15 : index
    %get3A_3631 = arith.constant 0 : index
    %get3A_3632 = arith.constant 0 : index
    %get3A_3633 = vector.load %arg2[%get3A_3630, %get3A_3631, %get3A_3632] : memref<16x64x128xf32, #tpu.memory_space<vmem>>, vector<1x16x128xf32>
    %get3A_3634 = vector.shape_cast %get3A_3633 : vector<1x16x128xf32> to vector<16x128xf32>
    %mul3A_3635 = arith.constant 5.000000e-01 : f32
    %mul3A_3636 = vector.broadcast %mul3A_3635 : f32 to vector<16x128xf32>
    %mul3A_3637 = arith.mulf %mul3A_3636, %get3A_3634 : vector<16x128xf32>
    %exp3A_3638 = math.exp %mul3A_3637 : vector<16x128xf32>
    %get3A_3639 = arith.constant 0 : index
    %get3A_3640 = arith.constant 7680 : index
    %get3A_3641 = vector.load %arg5[%get3A_3639, %get3A_3640] : memref<16x8192xf32, #tpu.memory_space<vmem>>, vector<16x128xf32>
    %mul3A_3642 = arith.mulf %exp3A_3638, %get3A_3641 : vector<16x128xf32>
    %add3A_3643 = arith.addf %get3A_3629, %mul3A_3642 : vector<16x128xf32>
    %add3A_3644 = vector.broadcast %add3A_3624 : vector<1x128xf32> to vector<16x128xf32>
    %add3A_3645 = arith.addf %add3A_3643, %add3A_3644 : vector<16x128xf32>
    %dot_general3A_3646 = arith.constant dense<0.000000e+00> : vector<128x128xf32>
    %dot_general3A_3647 = tpu.matmul %add3A_3645, %get3A_1, %dot_general3A_3646 {dimension_numbers = #tpu.dot_dimension_numbers<[0], [0], [1], [1], [0, 1, 1, 1], [], []>, transpose_lhs_hint = true} : vector<16x128xf32>, vector<16x128xf32>, vector<128x128xf32> -> vector<128x128xf32>
    %dot_general3A_3648 = arith.constant dense<0.000000e+00> : vector<128x128xf32>
    %dot_general3A_3649 = tpu.matmul %add3A_3645, %get3A_4, %dot_general3A_3648 {dimension_numbers = #tpu.dot_dimension_numbers<[0], [0], [1], [1], [0, 1, 1, 1], [], []>, transpose_lhs_hint = true} : vector<16x128xf32>, vector<16x128xf32>, vector<128x128xf32> -> vector<128x128xf32>
    %add3A_3650 = vector.broadcast %get3A_7 : vector<1x128xf32> to vector<128x128xf32>
    %add3A_3651 = arith.addf %dot_general3A_3647, %add3A_3650 : vector<128x128xf32>
    %add3A_3652 = vector.broadcast %get3A_10 : vector<1x128xf32> to vector<128x128xf32>
    %add3A_3653 = arith.addf %dot_general3A_3649, %add3A_3652 : vector<128x128xf32>
    %mul3A_3654 = arith.constant 5.000000e-01 : f32
    %mul3A_3655 = vector.broadcast %mul3A_3654 : f32 to vector<128x128xf32>
    %mul3A_3656 = arith.mulf %mul3A_3655, %add3A_3653 : vector<128x128xf32>
    %exp3A_3657 = math.exp %mul3A_3656 : vector<128x128xf32>
    %get3A_3658 = arith.constant 7680 : index
    %get3A_3659 = arith.constant 0 : index
    %get3A_3660 = vector.load %arg7[%get3A_3658, %get3A_3659] : memref<8192x128xf32, #tpu.memory_space<vmem>>, vector<128x128xf32>
    %mul3A_3661 = arith.mulf %exp3A_3657, %get3A_3660 : vector<128x128xf32>
    %add3A_3662 = arith.addf %add3A_3651, %mul3A_3661 : vector<128x128xf32>
    %swap3A_3663 = arith.constant 7680 : index
    %swap3A_3664 = arith.constant 0 : index
    %swap3A_3665 = vector.load %arg12[%swap3A_3663, %swap3A_3664] : memref<8192x128xf32, #tpu.memory_space<vmem>>, vector<128x128xf32>
    tpu.vector_store %arg12[%swap3A_3663, %swap3A_3664], %add3A_3662 {strides = array<i32>} : memref<8192x128xf32, #tpu.memory_space<vmem>>, vector<128x128xf32>,
    %get3A_3666 = arith.constant 15 : index
    %get3A_3667 = arith.constant 1 : index
    %get3A_3668 = arith.constant 0 : index
    %get3A_3669 = vector.load %arg3[%get3A_3666, %get3A_3667, %get3A_3668] : memref<16x4x128xf32, #tpu.memory_space<vmem>>, vector<1x1x128xf32>
    %get3A_3670 = vector.shape_cast %get3A_3669 : vector<1x1x128xf32> to vector<1x128xf32>
    %get3A_3671 = arith.constant 15 : index
    %get3A_3672 = arith.constant 1 : index
    %get3A_3673 = arith.constant 0 : index
    %get3A_3674 = vector.load %arg4[%get3A_3671, %get3A_3672, %get3A_3673] : memref<16x4x128xf32, #tpu.memory_space<vmem>>, vector<1x1x128xf32>
    %get3A_3675 = vector.shape_cast %get3A_3674 : vector<1x1x128xf32> to vector<1x128xf32>
    %mul3A_3676 = arith.constant 5.000000e-01 : f32
    %mul3A_3677 = vector.broadcast %mul3A_3676 : f32 to vector<1x128xf32>
    %mul3A_3678 = arith.mulf %mul3A_3677, %get3A_3675 : vector<1x128xf32>
    %exp3A_3679 = math.exp %mul3A_3678 : vector<1x128xf32>
    %get3A_3680 = arith.constant 0 : index
    %get3A_3681 = arith.constant 7808 : index
    %get3A_3682 = vector.load %arg6[%get3A_3680, %get3A_3681] : memref<1x8192xf32, #tpu.memory_space<vmem>>, vector<1x128xf32>
    %mul3A_3683 = arith.mulf %exp3A_3679, %get3A_3682 : vector<1x128xf32>
    %add3A_3684 = arith.addf %get3A_3670, %mul3A_3683 : vector<1x128xf32>
    %get3A_3685 = arith.constant 15 : index
    %get3A_3686 = arith.constant 16 : index
    %get3A_3687 = arith.constant 0 : index
    %get3A_3688 = vector.load %arg1[%get3A_3685, %get3A_3686, %get3A_3687] : memref<16x64x128xf32, #tpu.memory_space<vmem>>, vector<1x16x128xf32>
    %get3A_3689 = vector.shape_cast %get3A_3688 : vector<1x16x128xf32> to vector<16x128xf32>
    %get3A_3690 = arith.constant 15 : index
    %get3A_3691 = arith.constant 16 : index
    %get3A_3692 = arith.constant 0 : index
    %get3A_3693 = vector.load %arg2[%get3A_3690, %get3A_3691, %get3A_3692] : memref<16x64x128xf32, #tpu.memory_space<vmem>>, vector<1x16x128xf32>
    %get3A_3694 = vector.shape_cast %get3A_3693 : vector<1x16x128xf32> to vector<16x128xf32>
    %mul3A_3695 = arith.constant 5.000000e-01 : f32
    %mul3A_3696 = vector.broadcast %mul3A_3695 : f32 to vector<16x128xf32>
    %mul3A_3697 = arith.mulf %mul3A_3696, %get3A_3694 : vector<16x128xf32>
    %exp3A_3698 = math.exp %mul3A_3697 : vector<16x128xf32>
    %get3A_3699 = arith.constant 0 : index
    %get3A_3700 = arith.constant 7808 : index
    %get3A_3701 = vector.load %arg5[%get3A_3699, %get3A_3700] : memref<16x8192xf32, #tpu.memory_space<vmem>>, vector<16x128xf32>
    %mul3A_3702 = arith.mulf %exp3A_3698, %get3A_3701 : vector<16x128xf32>
    %add3A_3703 = arith.addf %get3A_3689, %mul3A_3702 : vector<16x128xf32>
    %add3A_3704 = vector.broadcast %add3A_3684 : vector<1x128xf32> to vector<16x128xf32>
    %add3A_3705 = arith.addf %add3A_3703, %add3A_3704 : vector<16x128xf32>
    %dot_general3A_3706 = arith.constant dense<0.000000e+00> : vector<128x128xf32>
    %dot_general3A_3707 = tpu.matmul %add3A_3705, %get3A_1, %dot_general3A_3706 {dimension_numbers = #tpu.dot_dimension_numbers<[0], [0], [1], [1], [0, 1, 1, 1], [], []>, transpose_lhs_hint = true} : vector<16x128xf32>, vector<16x128xf32>, vector<128x128xf32> -> vector<128x128xf32>
    %dot_general3A_3708 = arith.constant dense<0.000000e+00> : vector<128x128xf32>
    %dot_general3A_3709 = tpu.matmul %add3A_3705, %get3A_4, %dot_general3A_3708 {dimension_numbers = #tpu.dot_dimension_numbers<[0], [0], [1], [1], [0, 1, 1, 1], [], []>, transpose_lhs_hint = true} : vector<16x128xf32>, vector<16x128xf32>, vector<128x128xf32> -> vector<128x128xf32>
    %add3A_3710 = vector.broadcast %get3A_7 : vector<1x128xf32> to vector<128x128xf32>
    %add3A_3711 = arith.addf %dot_general3A_3707, %add3A_3710 : vector<128x128xf32>
    %add3A_3712 = vector.broadcast %get3A_10 : vector<1x128xf32> to vector<128x128xf32>
    %add3A_3713 = arith.addf %dot_general3A_3709, %add3A_3712 : vector<128x128xf32>
    %mul3A_3714 = arith.constant 5.000000e-01 : f32
    %mul3A_3715 = vector.broadcast %mul3A_3714 : f32 to vector<128x128xf32>
    %mul3A_3716 = arith.mulf %mul3A_3715, %add3A_3713 : vector<128x128xf32>
    %exp3A_3717 = math.exp %mul3A_3716 : vector<128x128xf32>
    %get3A_3718 = arith.constant 7808 : index
    %get3A_3719 = arith.constant 0 : index
    %get3A_3720 = vector.load %arg7[%get3A_3718, %get3A_3719] : memref<8192x128xf32, #tpu.memory_space<vmem>>, vector<128x128xf32>
    %mul3A_3721 = arith.mulf %exp3A_3717, %get3A_3720 : vector<128x128xf32>
    %add3A_3722 = arith.addf %add3A_3711, %mul3A_3721 : vector<128x128xf32>
    %swap3A_3723 = arith.constant 7808 : index
    %swap3A_3724 = arith.constant 0 : index
    %swap3A_3725 = vector.load %arg12[%swap3A_3723, %swap3A_3724] : memref<8192x128xf32, #tpu.memory_space<vmem>>, vector<128x128xf32>
    tpu.vector_store %arg12[%swap3A_3723, %swap3A_3724], %add3A_3722 {strides = array<i32>} : memref<8192x128xf32, #tpu.memory_space<vmem>>, vector<128x128xf32>,
    %get3A_3726 = arith.constant 15 : index
    %get3A_3727 = arith.constant 2 : index
    %get3A_3728 = arith.constant 0 : index
    %get3A_3729 = vector.load %arg3[%get3A_3726, %get3A_3727, %get3A_3728] : memref<16x4x128xf32, #tpu.memory_space<vmem>>, vector<1x1x128xf32>
    %get3A_3730 = vector.shape_cast %get3A_3729 : vector<1x1x128xf32> to vector<1x128xf32>
    %get3A_3731 = arith.constant 15 : index
    %get3A_3732 = arith.constant 2 : index
    %get3A_3733 = arith.constant 0 : index
    %get3A_3734 = vector.load %arg4[%get3A_3731, %get3A_3732, %get3A_3733] : memref<16x4x128xf32, #tpu.memory_space<vmem>>, vector<1x1x128xf32>
    %get3A_3735 = vector.shape_cast %get3A_3734 : vector<1x1x128xf32> to vector<1x128xf32>
    %mul3A_3736 = arith.constant 5.000000e-01 : f32
    %mul3A_3737 = vector.broadcast %mul3A_3736 : f32 to vector<1x128xf32>
    %mul3A_3738 = arith.mulf %mul3A_3737, %get3A_3735 : vector<1x128xf32>
    %exp3A_3739 = math.exp %mul3A_3738 : vector<1x128xf32>
    %get3A_3740 = arith.constant 0 : index
    %get3A_3741 = arith.constant 7936 : index
    %get3A_3742 = vector.load %arg6[%get3A_3740, %get3A_3741] : memref<1x8192xf32, #tpu.memory_space<vmem>>, vector<1x128xf32>
    %mul3A_3743 = arith.mulf %exp3A_3739, %get3A_3742 : vector<1x128xf32>
    %add3A_3744 = arith.addf %get3A_3730, %mul3A_3743 : vector<1x128xf32>
    %get3A_3745 = arith.constant 15 : index
    %get3A_3746 = arith.constant 32 : index
    %get3A_3747 = arith.constant 0 : index
    %get3A_3748 = vector.load %arg1[%get3A_3745, %get3A_3746, %get3A_3747] : memref<16x64x128xf32, #tpu.memory_space<vmem>>, vector<1x16x128xf32>
    %get3A_3749 = vector.shape_cast %get3A_3748 : vector<1x16x128xf32> to vector<16x128xf32>
    %get3A_3750 = arith.constant 15 : index
    %get3A_3751 = arith.constant 32 : index
    %get3A_3752 = arith.constant 0 : index
    %get3A_3753 = vector.load %arg2[%get3A_3750, %get3A_3751, %get3A_3752] : memref<16x64x128xf32, #tpu.memory_space<vmem>>, vector<1x16x128xf32>
    %get3A_3754 = vector.shape_cast %get3A_3753 : vector<1x16x128xf32> to vector<16x128xf32>
    %mul3A_3755 = arith.constant 5.000000e-01 : f32
    %mul3A_3756 = vector.broadcast %mul3A_3755 : f32 to vector<16x128xf32>
    %mul3A_3757 = arith.mulf %mul3A_3756, %get3A_3754 : vector<16x128xf32>
    %exp3A_3758 = math.exp %mul3A_3757 : vector<16x128xf32>
    %get3A_3759 = arith.constant 0 : index
    %get3A_3760 = arith.constant 7936 : index
    %get3A_3761 = vector.load %arg5[%get3A_3759, %get3A_3760] : memref<16x8192xf32, #tpu.memory_space<vmem>>, vector<16x128xf32>
    %mul3A_3762 = arith.mulf %exp3A_3758, %get3A_3761 : vector<16x128xf32>
    %add3A_3763 = arith.addf %get3A_3749, %mul3A_3762 : vector<16x128xf32>
    %add3A_3764 = vector.broadcast %add3A_3744 : vector<1x128xf32> to vector<16x128xf32>
    %add3A_3765 = arith.addf %add3A_3763, %add3A_3764 : vector<16x128xf32>
    %dot_general3A_3766 = arith.constant dense<0.000000e+00> : vector<128x128xf32>
    %dot_general3A_3767 = tpu.matmul %add3A_3765, %get3A_1, %dot_general3A_3766 {dimension_numbers = #tpu.dot_dimension_numbers<[0], [0], [1], [1], [0, 1, 1, 1], [], []>, transpose_lhs_hint = true} : vector<16x128xf32>, vector<16x128xf32>, vector<128x128xf32> -> vector<128x128xf32>
    %dot_general3A_3768 = arith.constant dense<0.000000e+00> : vector<128x128xf32>
    %dot_general3A_3769 = tpu.matmul %add3A_3765, %get3A_4, %dot_general3A_3768 {dimension_numbers = #tpu.dot_dimension_numbers<[0], [0], [1], [1], [0, 1, 1, 1], [], []>, transpose_lhs_hint = true} : vector<16x128xf32>, vector<16x128xf32>, vector<128x128xf32> -> vector<128x128xf32>
    %add3A_3770 = vector.broadcast %get3A_7 : vector<1x128xf32> to vector<128x128xf32>
    %add3A_3771 = arith.addf %dot_general3A_3767, %add3A_3770 : vector<128x128xf32>
    %add3A_3772 = vector.broadcast %get3A_10 : vector<1x128xf32> to vector<128x128xf32>
    %add3A_3773 = arith.addf %dot_general3A_3769, %add3A_3772 : vector<128x128xf32>
    %mul3A_3774 = arith.constant 5.000000e-01 : f32
    %mul3A_3775 = vector.broadcast %mul3A_3774 : f32 to vector<128x128xf32>
    %mul3A_3776 = arith.mulf %mul3A_3775, %add3A_3773 : vector<128x128xf32>
    %exp3A_3777 = math.exp %mul3A_3776 : vector<128x128xf32>
    %get3A_3778 = arith.constant 7936 : index
    %get3A_3779 = arith.constant 0 : index
    %get3A_3780 = vector.load %arg7[%get3A_3778, %get3A_3779] : memref<8192x128xf32, #tpu.memory_space<vmem>>, vector<128x128xf32>
    %mul3A_3781 = arith.mulf %exp3A_3777, %get3A_3780 : vector<128x128xf32>
    %add3A_3782 = arith.addf %add3A_3771, %mul3A_3781 : vector<128x128xf32>
    %swap3A_3783 = arith.constant 7936 : index
    %swap3A_3784 = arith.constant 0 : index
    %swap3A_3785 = vector.load %arg12[%swap3A_3783, %swap3A_3784] : memref<8192x128xf32, #tpu.memory_space<vmem>>, vector<128x128xf32>
    tpu.vector_store %arg12[%swap3A_3783, %swap3A_3784], %add3A_3782 {strides = array<i32>} : memref<8192x128xf32, #tpu.memory_space<vmem>>, vector<128x128xf32>,
    %get3A_3786 = arith.constant 15 : index
    %get3A_3787 = arith.constant 3 : index
    %get3A_3788 = arith.constant 0 : index
    %get3A_3789 = vector.load %arg3[%get3A_3786, %get3A_3787, %get3A_3788] : memref<16x4x128xf32, #tpu.memory_space<vmem>>, vector<1x1x128xf32>
    %get3A_3790 = vector.shape_cast %get3A_3789 : vector<1x1x128xf32> to vector<1x128xf32>
    %get3A_3791 = arith.constant 15 : index
    %get3A_3792 = arith.constant 3 : index
    %get3A_3793 = arith.constant 0 : index
    %get3A_3794 = vector.load %arg4[%get3A_3791, %get3A_3792, %get3A_3793] : memref<16x4x128xf32, #tpu.memory_space<vmem>>, vector<1x1x128xf32>
    %get3A_3795 = vector.shape_cast %get3A_3794 : vector<1x1x128xf32> to vector<1x128xf32>
    %mul3A_3796 = arith.constant 5.000000e-01 : f32
    %mul3A_3797 = vector.broadcast %mul3A_3796 : f32 to vector<1x128xf32>
    %mul3A_3798 = arith.mulf %mul3A_3797, %get3A_3795 : vector<1x128xf32>
    %exp3A_3799 = math.exp %mul3A_3798 : vector<1x128xf32>
    %get3A_3800 = arith.constant 0 : index
    %get3A_3801 = arith.constant 8064 : index
    %get3A_3802 = vector.load %arg6[%get3A_3800, %get3A_3801] : memref<1x8192xf32, #tpu.memory_space<vmem>>, vector<1x128xf32>
    %mul3A_3803 = arith.mulf %exp3A_3799, %get3A_3802 : vector<1x128xf32>
    %add3A_3804 = arith.addf %get3A_3790, %mul3A_3803 : vector<1x128xf32>
    %get3A_3805 = arith.constant 15 : index
    %get3A_3806 = arith.constant 48 : index
    %get3A_3807 = arith.constant 0 : index
    %get3A_3808 = vector.load %arg1[%get3A_3805, %get3A_3806, %get3A_3807] : memref<16x64x128xf32, #tpu.memory_space<vmem>>, vector<1x16x128xf32>
    %get3A_3809 = vector.shape_cast %get3A_3808 : vector<1x16x128xf32> to vector<16x128xf32>
    %get3A_3810 = arith.constant 15 : index
    %get3A_3811 = arith.constant 48 : index
    %get3A_3812 = arith.constant 0 : index
    %get3A_3813 = vector.load %arg2[%get3A_3810, %get3A_3811, %get3A_3812] : memref<16x64x128xf32, #tpu.memory_space<vmem>>, vector<1x16x128xf32>
    %get3A_3814 = vector.shape_cast %get3A_3813 : vector<1x16x128xf32> to vector<16x128xf32>
    %mul3A_3815 = arith.constant 5.000000e-01 : f32
    %mul3A_3816 = vector.broadcast %mul3A_3815 : f32 to vector<16x128xf32>
    %mul3A_3817 = arith.mulf %mul3A_3816, %get3A_3814 : vector<16x128xf32>
    %exp3A_3818 = math.exp %mul3A_3817 : vector<16x128xf32>
    %get3A_3819 = arith.constant 0 : index
    %get3A_3820 = arith.constant 8064 : index
    %get3A_3821 = vector.load %arg5[%get3A_3819, %get3A_3820] : memref<16x8192xf32, #tpu.memory_space<vmem>>, vector<16x128xf32>
    %mul3A_3822 = arith.mulf %exp3A_3818, %get3A_3821 : vector<16x128xf32>
    %add3A_3823 = arith.addf %get3A_3809, %mul3A_3822 : vector<16x128xf32>
    %add3A_3824 = vector.broadcast %add3A_3804 : vector<1x128xf32> to vector<16x128xf32>
    %add3A_3825 = arith.addf %add3A_3823, %add3A_3824 : vector<16x128xf32>
    %dot_general3A_3826 = arith.constant dense<0.000000e+00> : vector<128x128xf32>
    %dot_general3A_3827 = tpu.matmul %add3A_3825, %get3A_1, %dot_general3A_3826 {dimension_numbers = #tpu.dot_dimension_numbers<[0], [0], [1], [1], [0, 1, 1, 1], [], []>, transpose_lhs_hint = true} : vector<16x128xf32>, vector<16x128xf32>, vector<128x128xf32> -> vector<128x128xf32>
    %dot_general3A_3828 = arith.constant dense<0.000000e+00> : vector<128x128xf32>
    %dot_general3A_3829 = tpu.matmul %add3A_3825, %get3A_4, %dot_general3A_3828 {dimension_numbers = #tpu.dot_dimension_numbers<[0], [0], [1], [1], [0, 1, 1, 1], [], []>, transpose_lhs_hint = true} : vector<16x128xf32>, vector<16x128xf32>, vector<128x128xf32> -> vector<128x128xf32>
    %add3A_3830 = vector.broadcast %get3A_7 : vector<1x128xf32> to vector<128x128xf32>
    %add3A_3831 = arith.addf %dot_general3A_3827, %add3A_3830 : vector<128x128xf32>
    %add3A_3832 = vector.broadcast %get3A_10 : vector<1x128xf32> to vector<128x128xf32>
    %add3A_3833 = arith.addf %dot_general3A_3829, %add3A_3832 : vector<128x128xf32>
    %mul3A_3834 = arith.constant 5.000000e-01 : f32
    %mul3A_3835 = vector.broadcast %mul3A_3834 : f32 to vector<128x128xf32>
    %mul3A_3836 = arith.mulf %mul3A_3835, %add3A_3833 : vector<128x128xf32>
    %exp3A_3837 = math.exp %mul3A_3836 : vector<128x128xf32>
    %get3A_3838 = arith.constant 8064 : index
    %get3A_3839 = arith.constant 0 : index
    %get3A_3840 = vector.load %arg7[%get3A_3838, %get3A_3839] : memref<8192x128xf32, #tpu.memory_space<vmem>>, vector<128x128xf32>
    %mul3A_3841 = arith.mulf %exp3A_3837, %get3A_3840 : vector<128x128xf32>
    %add3A_3842 = arith.addf %add3A_3831, %mul3A_3841 : vector<128x128xf32>
    %swap3A_3843 = arith.constant 8064 : index
    %swap3A_3844 = arith.constant 0 : index
    %swap3A_3845 = vector.load %arg12[%swap3A_3843, %swap3A_3844] : memref<8192x128xf32, #tpu.memory_space<vmem>>, vector<128x128xf32>
    tpu.vector_store %arg12[%swap3A_3843, %swap3A_3844], %add3A_3842 {strides = array<i32>} : memref<8192x128xf32, #tpu.memory_space<vmem>>, vector<128x128xf32>,
    return
  }
  func.func @transform_0(%arg0: i32) -> (i32, i32, i32) {
    %c0_i32 = arith.constant 0 : i32
    %c0_i32_0 = arith.constant 0 : i32
    %c0_i32_1 = arith.constant 0 : i32
    return %arg0, %c0_i32, %c0_i32_0 : i32, i32, i32
  }
  func.func @transform_1(%arg0: i32) -> (i32, i32, i32) {
    %c0_i32 = arith.constant 0 : i32
    %c0_i32_0 = arith.constant 0 : i32
    %c0_i32_1 = arith.constant 0 : i32
    return %arg0, %c0_i32, %c0_i32_0 : i32, i32, i32
  }
  func.func @transform_2(%arg0: i32) -> (i32, i32, i32) {
    %c0_i32 = arith.constant 0 : i32
    %c0_i32_0 = arith.constant 0 : i32
    %c0_i32_1 = arith.constant 0 : i32
    return %arg0, %c0_i32, %c0_i32_0 : i32, i32, i32
  }
  func.func @transform_3(%arg0: i32) -> (i32, i32, i32) {
    %c0_i32 = arith.constant 0 : i32
    %c0_i32_0 = arith.constant 0 : i32
    %c0_i32_1 = arith.constant 0 : i32
    return %arg0, %c0_i32, %c0_i32_0 : i32, i32, i32
  }
  func.func @transform_4(%arg0: i32) -> (i32, i32) {
    %c0_i32 = arith.constant 0 : i32
    %c0_i32_0 = arith.constant 0 : i32
    return %c0_i32, %arg0 : i32, i32
  }
  func.func @transform_5(%arg0: i32) -> (i32, i32) {
    %c0_i32 = arith.constant 0 : i32
    %c0_i32_0 = arith.constant 0 : i32
    return %c0_i32, %arg0 : i32, i32
  }
  func.func @transform_6(%arg0: i32) -> (i32, i32) {
    %c0_i32 = arith.constant 0 : i32
    %c0_i32_0 = arith.constant 0 : i32
    return %arg0, %c0_i32 : i32, i32
  }
  func.func @transform_7(%arg0: i32) -> (i32, i32) {
    %c0_i32 = arith.constant 0 : i32
    %c0_i32_0 = arith.constant 0 : i32
    %c0_i32_1 = arith.constant 0 : i32
    return %c0_i32, %c0_i32_0 : i32, i32
  }
  func.func @transform_8(%arg0: i32) -> (i32, i32) {
    %c0_i32 = arith.constant 0 : i32
    %c0_i32_0 = arith.constant 0 : i32
    %c0_i32_1 = arith.constant 0 : i32
    return %c0_i32, %c0_i32_0 : i32, i32
  }
  func.func @transform_9(%arg0: i32) -> (i32, i32) {
    %c0_i32 = arith.constant 0 : i32
    %c0_i32_0 = arith.constant 0 : i32
    %c0_i32_1 = arith.constant 0 : i32
    return %c0_i32, %c0_i32_0 : i32, i32
  }
  func.func @transform_10(%arg0: i32) -> (i32, i32) {
    %c0_i32 = arith.constant 0 : i32
    %c0_i32_0 = arith.constant 0 : i32
    %c0_i32_1 = arith.constant 0 : i32
    return %c0_i32, %c0_i32_0 : i32, i32
  }
  func.func @transform_11(%arg0: i32) -> (i32, i32) {
    %c0_i32 = arith.constant 0 : i32
    %c0_i32_0 = arith.constant 0 : i32
    return %arg0, %c0_i32 : i32, i32
  }
}

</mosaic_0001>

<sc_bundles>
// kernel: kernel.5.cloned.1.call-start
scs
__scs_entry_jumppad:
0x0: {  	(pc) =	sbr.rel $0x88, $3  }
0x1: {  	(tag) =	ssettag $0x0;
	lr =	simm.s32 $0x1  }
0x2: {  	[smem:$0x3F95] =	sst lr;
	_ =	strace $0xD0000000  }
0x3: {  	_ = 	snop  }
0x4: {  	_ = 	snop  }
0x5: {  	_ = 	snop  }
0x6: {  	_ = 	snop  }
0x7: {  	_ = 	snop  }
__scs_overlays_trampoline_lowered:
0x8: {  	[smem:$0x3FA4] =	sst s0  }
0x9: {  	[smem:$0x3FA5] =	sst s1  }
0xa: {  	[smem:$0x3FA6] =	sst s2  }
0xb: {  	[smem:$0x3FA7] =	sst s3  }
0xc: {  	[smem:$0x3FA8] =	sst s4  }
0xd: {  	[smem:$0x3FA9] =	sst s5  }
0xe: {  	[smem:$0x3FAA] =	sst s6  }
0xf: {  	[smem:$0x3FAB] =	sst s7  }
0x10: {  	[smem:$0x3FAC] =	sst s8  }
0x11: {  	[smem:$0x3FAD] =	sst s9;
	s0 =	simm.s32 @!p0 $0x0  }
0x12: {  	s1 =	sld [smem:$0x3F93];
	s0 =	simm.s32 @p0 $0x1  }
0x13: {  	[smem:$0x3FAE] =	sst s0;
	s0 =	simm.s32 @!p1 $0x0  }
0x14: {  	s2 =	sld [smem:$0x3F92];
	s0 =	simm.s32 @p1 $0x1  }
0x15: {  	[smem:$0x3FAF] =	sst s0;
	s0 =	simm.s32 @!p2 $0x0  }
0x16: {  	s3 =	sld [smem:$0x3FDB];
	s0 =	simm.s32 @p2 $0x1  }
0x17: {  	s4 =	simm.s32 $0x1BF5;
	[smem:$0x3FB1] =	sst s0  }
0x18: {  	s0 =	sld [smem:$0x3F94];
	_ =	swait.ge [sflag:s4], $0x0  }
0x19: {  	s7 =	sld [smem:$0x3F95]  }
0x1a: {  	s8 =	sadd.s32 $0xFFFFE003, lr  }
0x1b: {  	s9 =	sadd.s32 $0xFFFFFEF7, lr;
	s5 =	simm.s32 $0xFFFFFFFF;
	p2 =	slt.u32 s8, $0xFFFFF086  }
0x1c: {  	p1 =	slt.u32 s9, $0xF7A;
	s5 =	simm.s32 @!p2 $0x0  }
0x1d: {  	s5 =	simm.s32 @p1 $0x1;
	p0 =	seq.s32 s7, s2  }
0x1e: {  	s7 =	smul.u32 @!p0 $0xF7A, s2;
	p2 =	seq.s32 @!p0 s5, $0x0  }
0x1f: {  	s9 =	smul.u32 $0xF7A, s1;
	s8 =	simm.s32 @!p0 $0x1BF5;
	p2 =	por !p2, p0  }
0x20: {  	[sflag:s8] =	ssyncset.s32 @!p0 $0xFFFFF086;
	s6 =	sadd.s32 @!p0 s3, s7;
	s7 =	simm.s32 @!p0 $0x108  }
0x21: {  	s3 =	sadd.s32 s3, s9;
	s6 =	sadd.s32 @!p0 $0x88, s6;
	s7 =	simm.s32 @p2 $0x1082  }
0x22: {  	[simem:s7], [sflag:s8] =	dma.local @!p0 [hbm:s6], $0xF7A  }
0x23: {  	s9 =	sor.u32 $0xD0000000, s2;
	s6 =	simm.s32 $0x108;
	_ =	swait.ge @!p0 [sflag:s8], $0x0  }
0x24: {  	s3 =	sadd.s32 $0x88, s3;
	s6 =	simm.s32 @!p1 $0x1082;
	[sflag:s4] =	ssyncset.s32 $0xFFFFF086  }
0x25: {  	[simem:s6], [sflag:s4] =	dma.local [hbm:s3], $0xF7A  }
0x26: {  	[smem:$0x3F95] =	sst s1;
	(tag) =	ssettag s2;
	_ =	strace s9  }
0x27: {  	s1 =	sld [smem:$0x3FA5]  }
0x28: {  	s2 =	sld [smem:$0x3FA6]  }
0x29: {  	s4 =	sld [smem:$0x3FA8]  }
0x2a: {  	p0 =	seq.s32 s5, $0x0;
	s5 =	sld [smem:$0x3FA9]  }
0x2b: {  	s6 =	sld [smem:$0x3FAA]  }
0x2c: {  	s7 =	sld [smem:$0x3FAB]  }
0x2d: {  	s3 =	simm.s32 $0x108;
	s8 =	sld [smem:$0x3FAC]  }
0x2e: {  	s3 =	simm.s32 @!p0 $0x1082;
	s9 =	sld [smem:$0x3FAD]  }
0x2f: {  	lr =	sadd.s32 s0, s3;
	s0 =	sld [smem:$0x3FA4]  }
0x30: {  	s3 =	sld [smem:$0x3FA7]  }
0x31: {  	[smem:$0x3FB0] =	sst s10  }
0x32: {  	s10 =	sld [smem:$0x3FAE];
	_ =	sdelay $0x3  }
0x33: {  	p0 =	seq.s32 s10, $0x1;
	s10 =	sld [smem:$0x3FB0];
	_ =	sdelay $0x3  }
0x34: {  	[smem:$0x3FB0] =	sst s10  }
0x35: {  	s10 =	sld [smem:$0x3FAF];
	_ =	sdelay $0x3  }
0x36: {  	p1 =	seq.s32 s10, $0x1;
	s10 =	sld [smem:$0x3FB0];
	_ =	sdelay $0x3  }
0x37: {  	[smem:$0x3FB0] =	sst s10  }
0x38: {  	s10 =	sld [smem:$0x3FB1]  }
0x39: {  	_ = 	snop;
	(pc) =	sbr.ind lr, $3  }
0x3a: {  	_ = 	snop  }
0x3b: {  	_ = 	snop  }
0x3c: {  	p2 =	seq.s32 s10, $0x1;
	s10 =	sld [smem:$0x3FB0]  }
0x3d: {  	_ =	shalt  }
0x3e: {  	_ =	shalt  }
0x3f: {  	_ =	shalt  }
0x40: {  	_ =	shalt  }
0x41: {  	_ =	shalt  }
0x42: {  	_ =	shalt  }
0x43: {  	_ =	shalt  }
0x44: {  	_ =	shalt  }
0x45: {  	_ =	shalt  }
0x46: {  	_ =	shalt  }
0x47: {  	_ =	shalt  }
0x48: {  	_ =	shalt  }
0x49: {  	_ =	shalt  }
0x4a: {  	_ =	shalt  }
0x4b: {  	_ =	shalt  }
0x4c: {  	_ =	shalt  }
0x4d: {  	_ =	shalt  }
0x4e: {  	_ =	shalt  }
0x4f: {  	_ =	shalt  }
0x50: {  	_ =	shalt  }
0x51: {  	_ =	shalt  }
0x52: {  	_ =	shalt  }
0x53: {  	_ =	shalt  }
0x54: {  	_ =	shalt  }
0x55: {  	_ =	shalt  }
0x56: {  	_ =	shalt  }
0x57: {  	_ =	shalt  }
0x58: {  	_ =	shalt  }
0x59: {  	_ =	shalt  }
0x5a: {  	_ =	shalt  }
0x5b: {  	_ =	shalt  }
0x5c: {  	_ =	shalt  }
0x5d: {  	_ =	shalt  }
0x5e: {  	_ =	shalt  }
0x5f: {  	_ =	shalt  }
0x60: {  	_ =	shalt  }
0x61: {  	_ =	shalt  }
0x62: {  	_ =	shalt  }
0x63: {  	_ =	shalt  }
0x64: {  	_ =	shalt  }
0x65: {  	_ =	shalt  }
0x66: {  	_ =	shalt  }
0x67: {  	_ =	shalt  }
0x68: {  	_ =	shalt  }
0x69: {  	_ =	shalt  }
0x6a: {  	_ =	shalt  }
0x6b: {  	_ =	shalt  }
0x6c: {  	_ =	shalt  }
0x6d: {  	_ =	shalt  }
0x6e: {  	_ =	shalt  }
0x6f: {  	_ =	shalt  }
0x70: {  	_ =	shalt  }
0x71: {  	_ =	shalt  }
0x72: {  	_ =	shalt  }
0x73: {  	_ =	shalt  }
0x74: {  	_ =	shalt  }
0x75: {  	_ =	shalt  }
0x76: {  	_ =	shalt  }
0x77: {  	_ =	shalt  }
0x78: {  	_ =	shalt  }
0x79: {  	_ =	shalt  }
0x7a: {  	_ =	shalt  }
0x7b: {  	_ =	shalt  }
0x7c: {  	_ =	shalt  }
0x7d: {  	_ =	shalt  }
0x7e: {  	_ =	shalt  }
0x7f: {  	_ =	shalt  }
0x80: {  	_ =	shalt  }
0x81: {  	_ =	shalt  }
0x82: {  	_ =	shalt  }
0x83: {  	_ =	shalt  }
0x84: {  	_ =	shalt  }
0x85: {  	_ =	shalt  }
0x86: {  	_ =	shalt  }
0x87: {  	_ =	shalt  }
.Lfunc_end0:
.L_simem_size_0:
called_computation_lowered:
.L_overlay_start_0:
0x88: {  	s2 =	sld [smem:$0x3FD9]  }
0x89: {  	s3 =	sld [smem:$0x3FFE];
	_ =	sdelay $0x1  }
0x8a: {  	s1 =	srdreg.scid  }
0x8b: {  	s0 =	sand.u32 $0x1, s1  }
0x8c: {  	s17 =	sshll.u32 s0, $0xA;
	s2 =	sadd.s32 s3, s2  }
0x8d: {  	s2 =	sadd.s32 s2, s17  }
0x8e: {  	[smem:$0x3FBC] =	sst s2  }
0x8f: {  	_ = 	snop  }
0x90: {  	s2 =	sld [smem:$0x3FC9]  }
0x91: {  	s18 =	sld [smem:$0x3FD0];
	(tm) =	ssettm $0x1  }
0x92: {  	s4 =	sld [smem:$0x3FFB];
	_ =	sdelay $0x3  }
0x93: {  	_ =	strace s4  }
0x94: {  	s4 =	sld [smem:$0x3FFC];
	_ =	sdelay $0x3  }
0x95: {  	_ =	strace s4  }
0x96: {  	s4 =	sld [smem:$0x3FFD];
	_ =	sdelay $0x3  }
0x97: {  	_ =	strace s4  }
0x98: {  	_ =	strace $0x8FFFFFFF  }
0x99: {  	s19 =	sld [smem:$0x3FDB];
	_ =	sdelay $0x1  }
0x9a: {  	s5 =	simm.s32 $_scs_section_size  }
0x9b: {  	s6 =	simm.s32 $_size__tile_overlayer_lowered;
	s7 =	simm.s32 $_tile_overlayer_lowered  }
0x9c: {  	s22 =	simm.s32 $0x1BFF;
	s21 =	sshll.u32 s7, $0x1;
	s4 =	sadd.s32 s5, s19  }
0x9d: {  	s8 =	simm.s32 $0x0;
	s20 =	sshll.u32 s6, $0x1;
	s6 =	sadd.s32 s21, s4  }
0x9e: {  	[timem:s8], [sflag:s22] =	dma.local [hbm:s6], s20  }
0x9f: {  	_ =	swait.ge [sflag:s22], s20  }
0xa0: {  	s5 =	ssub.s32 $0x0, s20;
	[sflag:s22] =	ssyncset.done $0x0  }
0xa1: {  	[sflag:s22] =	ssyncadd.s32 s5;
	_ =	sdelay $0x1  }
0xa2: {  	s23 =	simm.s32 $0x1B8B  }
0xa3: {  	_ =	swait.ge [sflag:s23], $0x1  }
0xa4: {  	[sflag:s23] =	ssyncset.done $0x0  }
0xa5: {  	s25 =	simm.s32 $0x1B8E;
	s24 =	sld [smem:$0x3FFE];
	[sflag:s23] =	ssyncadd.s32 $0xFFFFFFFF  }
0xa6: {  	s26 =	simm.s32 $execute0_lowered;
	[smem:$0x3FD2] =	sst s25  }
0xa7: {  	s6 =	sshll.u32 s26, $0x1;
	_ =	strace $0x80000046;
	[dreg:$0x1] =	wrdreg $0xFFFFFFFF  }
0xa8: {  	s28 =	simm.s32 $_size_execute0_lowered;
	s4 =	sadd.s32 s4, s6;
	[dreg:$0x0] =	wrdreg $0x0  }
0xa9: {  	s6 =	sshll.u32 s28, $0x1;
	[dreg:$0x2] =	wrdreg s4  }
0xaa: {  	[dreg:$0x3] =	wrdreg s6  }
0xab: {  	[dreg:$0x4] =	wrdreg $0xC0  }
0xac: {  	_ =	task [dreg:s8], $0x5FFFF  }
0xad: {  	[dreg:$0x1] =	wrdreg $0xFFFFFFFF  }
0xae: {  	[dreg:$0x0] =	wrdreg $0x60  }
0xaf: {  	[dreg:$0x2] =	wrdreg s2  }
0xb0: {  	[dreg:$0x3] =	wrdreg s18  }
0xb1: {  	[dreg:$0x4] =	wrdreg s24  }
0xb2: {  	[dreg:$0x5] =	wrdreg $0x9  }
0xb3: {  	_ =	task.clear_ibuf [dreg:s8], $0x6FFFF;
	_ =	strace $0x90000046  }
0xb4: {  	s29 =	simm.s32 $0x9;
	_ =	strace $0x80000048  }
0xb5: {  	_ =	swait.ge [sflag:s29], $0x1  }
0xb6: {  	[sflag:s29] =	ssyncadd.s32 $0xFFFFFFFF  }
0xb7: {  	_ =	strace $0x90000048  }
0xb8: {  	_ =	sfence  }
0xb9: {  	s30 =	sld [smem:$0x0];
	_ =	sdelay $0x2  }
0xba: {  	s31 =	sshll.u32 s1, $0xD;
	s1 =	sshrl.u32 s1, $0x2  }
0xbb: {  	s3 =	sand.u32 $0x4000, s31;
	s1 =	sadd.s32 s1, s30  }
0xbc: {  	s0 =	sor.u32 s3, s0;
	s1 =	sshll.u32 s1, $0x11  }
0xbd: {  	s0 =	sor.u32 s1, s0  }
0xbe: {  	s0 =	sadd.s32 $0x8F2B, s0  }
0xbf: {  	[sflag:s0] =	ssyncadd.remote.s32 $0x1  }
0xc0: {  	_ =	sfence.sel $0xFFFF  }
0xc1: {  	[dreg:$0x0] =	wrdreg $0xFFFFFFFF;
	(pc) =	sbr.abs _section_cstart, $3  }
0xc2: {  	[dreg:$0x1] =	wrdreg $0xFFFFFFFF  }
0xc3: {  	_ =	task.clear_ibuf [dreg:s8], $0x2FFFF;
	_ =	strace $0x9FFFFFFF  }
0xc4: {  	(tm) =	ssettm $0x7FFFFFFF  }
0xc5: {  	_ =	shalt  }
tec
execute0_lowered:
.L_overlay_start_1:
0x0: {  	(tag) =	ssettag $0x1  }
0x1: {  	s0 =	rddreg [dreg:$0x0]  }
0x2: {  	s2 =	rddreg [dreg:$0x1]  }
0x3: {  	s1 =	rddreg [dreg:$0x2]  }
0x4: {  	s4 =	srdreg.scid;
	s5 =	stileid.u32;
	s3 =	simm.s32 $0x0  }
0x5: {  	s8 =	simm.s32 $0x80;
	s10 =	simm.s32 $0x2200;
	s13 =	simm.s32 $0x300  }
0x6: {  	s23 =	simm.s32 $0x2100;
	s24 =	simm.s32 $0x4100;
	s25 =	simm.s32 $0x2180  }
0x7: {  	s26 =	simm.s32 $0x4180;
	s28 =	simm.s32 $0x1;
	s29 =	simm.s32 $0x0  }
0x8: {  	s4 =	sand.u32 $0x1, s4;
	s5 =	sshll.u32 s5, $0x1;
	[smem:$0x7FF] =	sst s3  }
0x9: {  	s5 =	sor.u32 s4, s5;
	s4 =	ssub.s32 $0x2, s4;
	_ =	strace $0x80000047  }
0xa: {  	s6 =	sshll.u32 s5, $0xA;
	s7 =	sshrl.u32 s4, $0x1;
	s31 =	sshll.u32 s5, $0x6  }
0xb: {  	s1 =	sadd.s32 s6, s1;
	s30 =	ssub.s32 s4, s7;
	s4 =	sadd.s32 s0, s31  }
0xc: {  	s7 =	simm.s32 $0x2;
	s5 =	sadd.s32 $0x2A00, s1;
	s6 =	smax.u32 s30, $0x1  }
.LBB2_1:
0xd: {  	[tilespmem:s3], [sflag:$0x2] =	stream.linear.gather [hbm4b:s4+s3], $0x200, $0x38;
	[tilespmem:$0x4200] =	vst v63  }
0xe: {  	_ =	swait.ge [sflag:s7], $0x200  }
0xf: {  	[sflag:s7] =	ssyncset.done $0x0  }
0x10: {  	s16 =	sand.u32 $0x180, s3;
	[sflag:s7] =	ssyncadd.s32 $0xFFFFFE00  }
0x11: {  	v0 =	vld [tilespmem:s16+$0x0]  }
0x12: {  	s0 =	simm.s32 $0x0;
	s1 =	simm.s32 $0x0  }
0x13: {  	s1 =	smul.u32 $0x186A00, s1;
	s0 =	sand.u32 $0xC, s0  }
0x14: {  	s30 =	smul.u32 $0x186A0, s0  }
0x15: {  	s17 =	ssub.s32 $0x0, s1  }
0x16: {  	s15 =	sadd.s32 $0x186A0, s17;
	v1 =	vadd.s32 s30, v0  }
0x17: {  	s18 =	sadd.s32 $0x30D40, s17;
	[tilespmem:s13+$0xFFFFFF00] =	vst v1;
	v1 =	vadd.s32 s15, v0  }
0x18: {  	s17 =	sadd.s32 $0x493E0, s17;
	v2 =	vld [tilespmem:s16+$0x10];
	[tilespmem:s13+$0xFFFFFF80] =	vst v1;
	v1 =	vadd.s32 s18, v0  }
0x19: {  	v0 =	vadd.s32 s17, v0;
	v3 =	vld [tilespmem:s16+$0x10];
	[tilespmem:s13+$0x0] =	vst v1  }
0x1a: {  	[tilespmem:s13+$0x80] =	vst v0;
	v1 =	vld [tilespmem:s16+$0x10]  }
0x1b: {  	v0 =	vld [tilespmem:s16+$0x10];
	_ =	sdelay $0x1  }
0x1c: {  	v2 =	vadd.s32 s30, v2  }
0x1d: {  	[tilespmem:s13+$0xFFFFFF10] =	vst v2;
	v2 =	vadd.s32 s15, v3  }
0x1e: {  	v3 =	vld [tilespmem:s16+$0x20];
	[tilespmem:s13+$0xFFFFFF90] =	vst v2;
	v1 =	vadd.s32 s18, v1  }
0x1f: {  	v0 =	vadd.s32 s17, v0;
	v2 =	vld [tilespmem:s16+$0x20];
	[tilespmem:s13+$0x10] =	vst v1  }
0x20: {  	[tilespmem:s13+$0x90] =	vst v0;
	v1 =	vld [tilespmem:s16+$0x20]  }
0x21: {  	v0 =	vld [tilespmem:s16+$0x20];
	_ =	sdelay $0x1  }
0x22: {  	v3 =	vadd.s32 s30, v3  }
0x23: {  	[tilespmem:s13+$0xFFFFFF20] =	vst v3;
	v2 =	vadd.s32 s15, v2  }
0x24: {  	v3 =	vld [tilespmem:s16+$0x30];
	[tilespmem:s13+$0xFFFFFFA0] =	vst v2;
	v1 =	vadd.s32 s18, v1  }
0x25: {  	v0 =	vadd.s32 s17, v0;
	v2 =	vld [tilespmem:s16+$0x30];
	[tilespmem:s13+$0x20] =	vst v1  }
0x26: {  	[tilespmem:s13+$0xA0] =	vst v0;
	v1 =	vld [tilespmem:s16+$0x30]  }
0x27: {  	v0 =	vld [tilespmem:s16+$0x30];
	_ =	sdelay $0x1  }
0x28: {  	v3 =	vadd.s32 s30, v3  }
0x29: {  	[tilespmem:s13+$0xFFFFFF30] =	vst v3;
	v2 =	vadd.s32 s15, v2  }
0x2a: {  	v3 =	vld [tilespmem:s16+$0x40];
	[tilespmem:s13+$0xFFFFFFB0] =	vst v2;
	v1 =	vadd.s32 s18, v1  }
0x2b: {  	v0 =	vadd.s32 s17, v0;
	v2 =	vld [tilespmem:s16+$0x40];
	[tilespmem:s13+$0x30] =	vst v1  }
0x2c: {  	s19 =	simm.s32 $0x20;
	[tilespmem:s13+$0xB0] =	vst v0;
	v1 =	vld [tilespmem:s16+$0x40]  }
0x2d: {  	s31 =	sand.u32 $0x180, s19;
	v0 =	vld [tilespmem:s16+$0x40]  }
0x2e: {  	v4 =	vld [tilespmem:s31+$0x0]  }
0x2f: {  	s14 =	simm.s32 $0x4;
	s20 =	simm.s32 $0x0;
	v3 =	vadd.s32 s30, v3  }
0x30: {  	s21 =	smul.u32 $0x186A00, s20;
	s22 =	sand.u32 $0xC, s14;
	[tilespmem:s13+$0xFFFFFF40] =	vst v3;
	v2 =	vadd.s32 s15, v2  }
0x31: {  	s0 =	smul.u32 $0x186A0, s22;
	v3 =	vld [tilespmem:s16+$0x50];
	[tilespmem:s13+$0xFFFFFFC0] =	vst v2;
	v1 =	vadd.s32 s18, v1  }
0x32: {  	s12 =	ssub.s32 $0x61A80, s21;
	v0 =	vadd.s32 s17, v0;
	v2 =	vld [tilespmem:s16+$0x50];
	[tilespmem:s13+$0x40] =	vst v1  }
0x33: {  	s1 =	simm.s32 $0x500;
	s9 =	sadd.s32 $0x186A0, s12;
	v1 =	vadd.s32 s0, v4;
	[tilespmem:s13+$0xC0] =	vst v0;
	v5 =	vld [tilespmem:s16+$0x50]  }
0x34: {  	s11 =	sadd.s32 $0x30D40, s12;
	v0 =	vadd.s32 s9, v4;
	[tilespmem:s1+$0xFFFFFF00] =	vst v1;
	v1 =	vld [tilespmem:s16+$0x50]  }
0x35: {  	s12 =	sadd.s32 $0x493E0, s12;
	[tilespmem:s1+$0xFFFFFF80] =	vst v0;
	v0 =	vadd.s32 s11, v4;
	v6 =	vld [tilespmem:s31+$0x10]  }
0x36: {  	v7 =	vld [tilespmem:s31+$0x10];
	[tilespmem:s1+$0x0] =	vst v0;
	v0 =	vadd.s32 s12, v4  }
0x37: {  	v4 =	vld [tilespmem:s31+$0x10];
	[tilespmem:s1+$0x80] =	vst v0;
	v3 =	vadd.s32 s30, v3  }
0x38: {  	v0 =	vld [tilespmem:s31+$0x10];
	[tilespmem:s13+$0xFFFFFF50] =	vst v3;
	v3 =	vadd.s32 s18, v5  }
0x39: {  	v5 =	vld [tilespmem:s16+$0x60];
	v1 =	vadd.s32 s17, v1;
	[tilespmem:s13+$0x50] =	vst v3  }
0x3a: {  	v3 =	vadd.s32 s0, v6;
	[tilespmem:s13+$0xD0] =	vst v1;
	v6 =	vld [tilespmem:s16+$0x60]  }
0x3b: {  	v1 =	vadd.s32 s9, v7;
	[tilespmem:s1+$0xFFFFFF10] =	vst v3;
	v3 =	vld [tilespmem:s16+$0x60]  }
0x3c: {  	[tilespmem:s1+$0xFFFFFF90] =	vst v1;
	v1 =	vadd.s32 s11, v4;
	v7 =	vld [tilespmem:s31+$0x20]  }
0x3d: {  	v4 =	vld [tilespmem:s31+$0x20];
	[tilespmem:s1+$0x10] =	vst v1;
	v0 =	vadd.s32 s12, v0  }
0x3e: {  	v1 =	vadd.s32 s15, v2;
	v2 =	vld [tilespmem:s31+$0x20];
	[tilespmem:s1+$0x90] =	vst v0  }
0x3f: {  	[tilespmem:s13+$0xFFFFFFD0] =	vst v1;
	v0 =	vld [tilespmem:s31+$0x20];
	v1 =	vadd.s32 s18, v6  }
0x40: {  	v6 =	vld [tilespmem:s16+$0x60];
	[tilespmem:s13+$0x60] =	vst v1;
	v1 =	vadd.s32 s17, v3  }
0x41: {  	v3 =	vadd.s32 s0, v7;
	v7 =	vld [tilespmem:s16+$0x70];
	[tilespmem:s13+$0xE0] =	vst v1  }
0x42: {  	[tilespmem:s1+$0xFFFFFF20] =	vst v3;
	v1 =	vadd.s32 s9, v4;
	v3 =	vld [tilespmem:s16+$0x70]  }
0x43: {  	v4 =	vld [tilespmem:s31+$0x30];
	[tilespmem:s1+$0xFFFFFFA0] =	vst v1;
	v1 =	vadd.s32 s11, v2  }
0x44: {  	v0 =	vadd.s32 s12, v0;
	v2 =	vld [tilespmem:s31+$0x30];
	[tilespmem:s1+$0x20] =	vst v1  }
0x45: {  	[tilespmem:s1+$0xA0] =	vst v0;
	v8 =	vld [tilespmem:s31+$0x30];
	v0 =	vadd.s32 s15, v6  }
0x46: {  	v1 =	vadd.s32 s30, v5;
	v6 =	vld [tilespmem:s31+$0x30];
	[tilespmem:s13+$0xFFFFFFE0] =	vst v0  }
0x47: {  	[tilespmem:s13+$0xFFFFFF60] =	vst v1;
	v0 =	vadd.s32 s18, v7;
	v7 =	vld [tilespmem:s16+$0x70]  }
0x48: {  	[tilespmem:s13+$0x70] =	vst v0;
	v0 =	vadd.s32 s0, v4  }
0x49: {  	v1 =	vld [tilespmem:s16+$0x70];
	[tilespmem:s1+$0xFFFFFF30] =	vst v0;
	v0 =	vadd.s32 s9, v2  }
0x4a: {  	v2 =	vld [tilespmem:s31+$0x40];
	[tilespmem:s1+$0xFFFFFFB0] =	vst v0;
	v0 =	vadd.s32 s11, v8  }
0x4b: {  	s16 =	simm.s32 $0x61A80;
	v6 =	vadd.s32 s12, v6;
	v4 =	vld [tilespmem:s31+$0x40];
	[tilespmem:s1+$0x30] =	vst v0  }
0x4c: {  	s18 =	simm.s32 $0x40;
	v0 =	vadd.s32 s17, v3;
	[tilespmem:s1+$0xB0] =	vst v6;
	s17 =	simm.s32 $0x8;
	v5 =	vld [tilespmem:s31+$0x40];
	v3 =	vadd.s32 s15, v7;
	s15 =	simm.s32 $0x300  }
.LBB2_2:
0x4d: {  	s14 =	sadd.s32 $0x4, s14;
	s20 =	sshrl.u32 s17, $0x4;
	s19 =	sand.u32 $0x180, s18;
	v6 =	vld [tilespmem:s31+$0x40];
	[tilespmem:s15+$0xFFFFFFF0] =	vst v3  }
0x4e: {  	s20 =	smul.u32 $0x186A00, s20;
	s21 =	sand.u32 $0xC, s14;
	v3 =	vld [tilespmem:s19+$0x0];
	p0 =	slt.u32 s14, $0x3C;
	v1 =	vadd.s32 s30, v1;
	[tilespmem:s15+$0xF0] =	vst v0  }
0x4f: {  	s16 =	sadd.s32 $0x61A80, s16;
	s30 =	smov.u32 s0;
	v0 =	vadd.s32 s0, v2;
	[tilespmem:s15+$0xFFFFFF70] =	vst v1;
	s15 =	smov.u32 s1  }
0x50: {  	s22 =	ssub.s32 s16, s20;
	[tilespmem:s1+$0xFFFFFF40] =	vst v0;
	v0 =	vadd.s32 s9, v4  }
0x51: {  	s0 =	smul.u32 $0x186A0, s21;
	v1 =	vld [tilespmem:s31+$0x50];
	[tilespmem:s1+$0xFFFFFFC0] =	vst v0;
	v0 =	vadd.s32 s11, v5  }
0x52: {  	v2 =	vld [tilespmem:s31+$0x50];
	[tilespmem:s1+$0x40] =	vst v0;
	v0 =	vadd.s32 s12, v6  }
0x53: {  	s20 =	sadd.s32 $0x186A0, s22;
	s1 =	sadd.s32 $0x200, s1;
	v4 =	vadd.s32 s0, v3;
	v5 =	vld [tilespmem:s31+$0x50];
	[tilespmem:s15+$0xC0] =	vst v0  }
0x54: {  	s21 =	sadd.s32 $0x30D40, s22;
	v0 =	vadd.s32 s20, v3;
	[tilespmem:s1+$0xFFFFFF00] =	vst v4;
	v4 =	vld [tilespmem:s31+$0x50]  }
0x55: {  	s22 =	sadd.s32 $0x493E0, s22;
	v6 =	vld [tilespmem:s19+$0x10];
	[tilespmem:s1+$0xFFFFFF80] =	vst v0;
	v0 =	vadd.s32 s21, v3  }
0x56: {  	v7 =	vld [tilespmem:s19+$0x10];
	[tilespmem:s1+$0x0] =	vst v0;
	v0 =	vadd.s32 s22, v3;
	v1 =	vadd.s32 s30, v1  }
0x57: {  	v3 =	vld [tilespmem:s19+$0x10];
	[tilespmem:s1+$0x80] =	vst v0;
	v0 =	vadd.s32 s9, v2  }
0x58: {  	v2 =	vld [tilespmem:s19+$0x10];
	[tilespmem:s15+$0xFFFFFF50] =	vst v1;
	v1 =	vadd.s32 s11, v5  }
0x59: {  	v5 =	vld [tilespmem:s31+$0x60];
	[tilespmem:s15+$0x50] =	vst v1;
	v1 =	vadd.s32 s12, v4  }
0x5a: {  	v4 =	vadd.s32 s0, v6;
	v6 =	vld [tilespmem:s31+$0x60];
	[tilespmem:s15+$0xD0] =	vst v1  }
0x5b: {  	[tilespmem:s1+$0xFFFFFF10] =	vst v4;
	v1 =	vadd.s32 s20, v7;
	v4 =	vld [tilespmem:s31+$0x60]  }
0x5c: {  	v7 =	vld [tilespmem:s19+$0x20];
	[tilespmem:s1+$0xFFFFFF90] =	vst v1;
	v1 =	vadd.s32 s21, v3  }
0x5d: {  	v3 =	vld [tilespmem:s19+$0x20];
	[tilespmem:s1+$0x10] =	vst v1;
	v1 =	vadd.s32 s22, v2  }
0x5e: {  	v2 =	vld [tilespmem:s19+$0x20];
	[tilespmem:s1+$0x90] =	vst v1;
	v1 =	vadd.s32 s30, v5  }
0x5f: {  	v5 =	vld [tilespmem:s19+$0x20];
	[tilespmem:s15+$0xFFFFFFD0] =	vst v0;
	v0 =	vadd.s32 s11, v6  }
0x60: {  	v6 =	vld [tilespmem:s31+$0x60];
	[tilespmem:s15+$0x60] =	vst v0;
	v0 =	vadd.s32 s12, v4  }
0x61: {  	v4 =	vadd.s32 s0, v7;
	v7 =	vld [tilespmem:s31+$0x70];
	[tilespmem:s15+$0xE0] =	vst v0  }
0x62: {  	[tilespmem:s1+$0xFFFFFF20] =	vst v4;
	v0 =	vadd.s32 s20, v3;
	v3 =	vld [tilespmem:s31+$0x70]  }
0x63: {  	v4 =	vld [tilespmem:s19+$0x30];
	[tilespmem:s1+$0xFFFFFFA0] =	vst v0;
	v0 =	vadd.s32 s21, v2  }
0x64: {  	v2 =	vld [tilespmem:s19+$0x30];
	[tilespmem:s1+$0x20] =	vst v0;
	v0 =	vadd.s32 s22, v5  }
0x65: {  	v5 =	vld [tilespmem:s19+$0x30];
	[tilespmem:s1+$0xA0] =	vst v0;
	v0 =	vadd.s32 s9, v6  }
0x66: {  	v6 =	vld [tilespmem:s19+$0x30];
	[tilespmem:s15+$0xFFFFFFE0] =	vst v0;
	v0 =	vadd.s32 s11, v7;
	s11 =	smov.u32 s21  }
0x67: {  	v7 =	vld [tilespmem:s31+$0x70];
	[tilespmem:s15+$0x70] =	vst v0;
	v0 =	vadd.s32 s12, v3;
	s12 =	smov.u32 s22  }
.Ltmp0:
0x68: {  	v3 =	vadd.s32 s0, v4;
	[tilespmem:s15+$0xFFFFFF60] =	vst v1;
	(pc) =	sbr.rel @p0 .LBB2_2-.Ltmp0, $4  }
0x69: {  	[tilespmem:s1+$0xFFFFFF30] =	vst v3;
	v3 =	vadd.s32 s20, v2;
	v1 =	vld [tilespmem:s31+$0x70];
	s31 =	smov.u32 s19  }
0x6a: {  	v2 =	vld [tilespmem:s31+$0x40];
	[tilespmem:s1+$0xFFFFFFB0] =	vst v3;
	v3 =	vadd.s32 s11, v5  }
0x6b: {  	v4 =	vld [tilespmem:s31+$0x40];
	[tilespmem:s1+$0x30] =	vst v3;
	v3 =	vadd.s32 s12, v6  }
0x6c: {  	s17 =	sadd.s32 $0x4, s17;
	s18 =	sadd.s32 $0x20, s18;
	v5 =	vld [tilespmem:s31+$0x40];
	[tilespmem:s1+$0xB0] =	vst v3;
	v3 =	vadd.s32 s9, v7;
	s9 =	smov.u32 s20  }
0x6d: {  	v6 =	vld [tilespmem:s31+$0x40];
	_ =	sdelay $0x1  }
0x6e: {  	v2 =	vadd.s32 s0, v2  }
0x6f: {  	v4 =	vadd.s32 s9, v4;
	[tilespmem:s1+$0xFFFFFF40] =	vst v2  }
0x70: {  	v5 =	vadd.s32 s11, v5;
	[tilespmem:s1+$0xFFFFFFC0] =	vst v4;
	v53 =	vld [tilespmem:s31+$0x50]  }
0x71: {  	[tilespmem:s1+$0x40] =	vst v5;
	v50 =	vadd.s32 s12, v6;
	v51 =	vld [tilespmem:s31+$0x50]  }
0x72: {  	v5 =	vld [tilespmem:s31+$0x50];
	[tilespmem:s1+$0xC0] =	vst v50  }
0x73: {  	v52 =	vld [tilespmem:s31+$0x50];
	_ =	sdelay $0x1  }
0x74: {  	v4 =	vadd.s32 s0, v53  }
0x75: {  	v6 =	vadd.s32 s9, v51;
	[tilespmem:s1+$0xFFFFFF50] =	vst v4  }
0x76: {  	v5 =	vadd.s32 s11, v5;
	[tilespmem:s1+$0xFFFFFFD0] =	vst v6;
	v56 =	vld [tilespmem:s31+$0x60]  }
0x77: {  	[tilespmem:s1+$0x50] =	vst v5;
	v2 =	vadd.s32 s12, v52;
	v54 =	vld [tilespmem:s31+$0x60]  }
0x78: {  	v5 =	vld [tilespmem:s31+$0x60];
	[tilespmem:s1+$0xD0] =	vst v2  }
0x79: {  	v55 =	vld [tilespmem:s31+$0x60];
	_ =	sdelay $0x1  }
0x7a: {  	v57 =	vadd.s32 s0, v56  }
0x7b: {  	v2 =	vadd.s32 s9, v54;
	[tilespmem:s1+$0xFFFFFF60] =	vst v57  }
0x7c: {  	v5 =	vadd.s32 s11, v5;
	[tilespmem:s1+$0xFFFFFFE0] =	vst v2;
	v2 =	vld [tilespmem:s31+$0x70]  }
0x7d: {  	[tilespmem:s1+$0x60] =	vst v5;
	v4 =	vadd.s32 s12, v55;
	v58 =	vld [tilespmem:s31+$0x70]  }
0x7e: {  	v5 =	vld [tilespmem:s31+$0x70];
	[tilespmem:s1+$0xE0] =	vst v4  }
0x7f: {  	[tilespmem:s15+$0xFFFFFFF0] =	vst v3;
	v59 =	vld [tilespmem:s31+$0x70]  }
0x80: {  	[tilespmem:s15+$0xF0] =	vst v0;
	v1 =	vadd.s32 s30, v1  }
0x81: {  	[tilespmem:s15+$0xFFFFFF70] =	vst v1;
	v63 =	vadd.s32 s0, v2  }
0x82: {  	v61 =	vadd.s32 s9, v58;
	[tilespmem:s1+$0xFFFFFF70] =	vst v63  }
0x83: {  	v60 =	vadd.s32 s11, v5;
	[tilespmem:s1+$0xFFFFFFF0] =	vst v61  }
0x84: {  	[tilespmem:s1+$0x70] =	vst v60;
	v62 =	vadd.s32 s12, v59  }
0x85: {  	s15 =	simm.s32 $0x200;
	[tilespmem:s1+$0xF0] =	vst v62  }
0x86: {  	[tilespmem:s10], [sflag:$0x1] =	stream.indirect.gather [hbm4b:s2+s8], $0x1, s15, s8, $0xb8;
	[tilespmem:$0x4200] =	vst v63  }
0x87: {  	s16 =	simm.s32 $0x280;
	s17 =	simm.s32 $0x2280  }
0x88: {  	[tilespmem:s17], [sflag:$0x1] =	stream.indirect.gather [hbm4b:s2+s8], $0x1, s16, s8, $0xb8;
	[tilespmem:$0x4200] =	vst v63  }
0x89: {  	s18 =	simm.s32 $0x2300  }
0x8a: {  	[tilespmem:s18], [sflag:$0x1] =	stream.indirect.gather [hbm4b:s2+s8], $0x1, s13, s8, $0xb8;
	[tilespmem:$0x4200] =	vst v63  }
0x8b: {  	s19 =	simm.s32 $0x380;
	s20 =	simm.s32 $0x2380  }
0x8c: {  	[tilespmem:s20], [sflag:$0x1] =	stream.indirect.gather [hbm4b:s2+s8], $0x1, s19, s8, $0xb8;
	[tilespmem:$0x4200] =	vst v63  }
0x8d: {  	s21 =	simm.s32 $0x400;
	s22 =	simm.s32 $0x2400  }
0x8e: {  	[tilespmem:s22], [sflag:$0x1] =	stream.indirect.gather [hbm4b:s2+s8], $0x1, s21, s8, $0xb8;
	[tilespmem:$0x4200] =	vst v63  }
0x8f: {  	s30 =	simm.s32 $0x480;
	s31 =	simm.s32 $0x2480  }
0x90: {  	[tilespmem:s31], [sflag:$0x1] =	stream.indirect.gather [hbm4b:s2+s8], $0x1, s30, s8, $0xb8;
	[tilespmem:$0x4200] =	vst v63  }
0x91: {  	s9 =	simm.s32 $0x500;
	s11 =	simm.s32 $0x2500  }
0x92: {  	[tilespmem:s11], [sflag:$0x1] =	stream.indirect.gather [hbm4b:s2+s8], $0x1, s9, s8, $0xb8;
	[tilespmem:$0x4200] =	vst v63  }
0x93: {  	s14 =	simm.s32 $0x2580;
	s12 =	simm.s32 $0x580  }
0x94: {  	[tilespmem:s14], [sflag:$0x1] =	stream.indirect.gather [hbm4b:s2+s8], $0x1, s12, s8, $0xb8;
	[tilespmem:$0x4200] =	vst v63  }
0x95: {  	s15 =	simm.s32 $0x600;
	s16 =	simm.s32 $0x2600  }
0x96: {  	[tilespmem:s16], [sflag:$0x1] =	stream.indirect.gather [hbm4b:s2+s8], $0x1, s15, s8, $0xb8;
	[tilespmem:$0x4200] =	vst v63  }
0x97: {  	s17 =	simm.s32 $0x680;
	s18 =	simm.s32 $0x2680  }
0x98: {  	[tilespmem:s18], [sflag:$0x1] =	stream.indirect.gather [hbm4b:s2+s8], $0x1, s17, s8, $0xb8;
	[tilespmem:$0x4200] =	vst v63  }
0x99: {  	s19 =	simm.s32 $0x700;
	s20 =	simm.s32 $0x2700  }
0x9a: {  	[tilespmem:s20], [sflag:$0x1] =	stream.indirect.gather [hbm4b:s2+s8], $0x1, s19, s8, $0xb8;
	[tilespmem:$0x4200] =	vst v63  }
0x9b: {  	s21 =	simm.s32 $0x780;
	s22 =	simm.s32 $0x2780  }
0x9c: {  	[tilespmem:s22], [sflag:$0x1] =	stream.indirect.gather [hbm4b:s2+s8], $0x1, s21, s8, $0xb8;
	[tilespmem:$0x4200] =	vst v63  }
0x9d: {  	s30 =	simm.s32 $0x800;
	s31 =	simm.s32 $0x2800  }
0x9e: {  	[tilespmem:s31], [sflag:$0x1] =	stream.indirect.gather [hbm4b:s2+s8], $0x1, s30, s8, $0xb8;
	[tilespmem:$0x4200] =	vst v63  }
0x9f: {  	s9 =	simm.s32 $0x880;
	s11 =	simm.s32 $0x2880  }
0xa0: {  	[tilespmem:s11], [sflag:$0x1] =	stream.indirect.gather [hbm4b:s2+s8], $0x1, s9, s8, $0xb8;
	[tilespmem:$0x4200] =	vst v63  }
0xa1: {  	s12 =	simm.s32 $0x900;
	s14 =	simm.s32 $0x2900  }
0xa2: {  	[tilespmem:s14], [sflag:$0x1] =	stream.indirect.gather [hbm4b:s2+s8], $0x1, s12, s8, $0xb8;
	[tilespmem:$0x4200] =	vst v63  }
0xa3: {  	s15 =	simm.s32 $0x980;
	s16 =	simm.s32 $0x2980  }
0xa4: {  	[tilespmem:s16], [sflag:$0x1] =	stream.indirect.gather [hbm4b:s2+s8], $0x1, s15, s8, $0xb8;
	[tilespmem:$0x4200] =	vst v63  }
0xa5: {  	s17 =	simm.s32 $0xA00;
	s18 =	simm.s32 $0x2A00  }
0xa6: {  	[tilespmem:s18], [sflag:$0x1] =	stream.indirect.gather [hbm4b:s2+s8], $0x1, s17, s8, $0xb8;
	[tilespmem:$0x4200] =	vst v63  }
0xa7: {  	s19 =	simm.s32 $0xA80;
	s20 =	simm.s32 $0x2A80  }
0xa8: {  	[tilespmem:s20], [sflag:$0x1] =	stream.indirect.gather [hbm4b:s2+s8], $0x1, s19, s8, $0xb8;
	[tilespmem:$0x4200] =	vst v63  }
0xa9: {  	s21 =	simm.s32 $0xB00;
	s22 =	simm.s32 $0x2B00  }
0xaa: {  	[tilespmem:s22], [sflag:$0x1] =	stream.indirect.gather [hbm4b:s2+s8], $0x1, s21, s8, $0xb8;
	[tilespmem:$0x4200] =	vst v63  }
0xab: {  	s30 =	simm.s32 $0xB80;
	s31 =	simm.s32 $0x2B80  }
0xac: {  	[tilespmem:s31], [sflag:$0x1] =	stream.indirect.gather [hbm4b:s2+s8], $0x1, s30, s8, $0xb8;
	[tilespmem:$0x4200] =	vst v63  }
0xad: {  	s9 =	simm.s32 $0xC00;
	s11 =	simm.s32 $0x2C00  }
0xae: {  	[tilespmem:s11], [sflag:$0x1] =	stream.indirect.gather [hbm4b:s2+s8], $0x1, s9, s8, $0xb8;
	[tilespmem:$0x4200] =	vst v63  }
0xaf: {  	s12 =	simm.s32 $0xC80;
	s14 =	simm.s32 $0x2C80  }
0xb0: {  	[tilespmem:s14], [sflag:$0x1] =	stream.indirect.gather [hbm4b:s2+s8], $0x1, s12, s8, $0xb8;
	[tilespmem:$0x4200] =	vst v63  }
0xb1: {  	s15 =	simm.s32 $0xD00;
	s16 =	simm.s32 $0x2D00  }
0xb2: {  	[tilespmem:s16], [sflag:$0x1] =	stream.indirect.gather [hbm4b:s2+s8], $0x1, s15, s8, $0xb8;
	[tilespmem:$0x4200] =	vst v63  }
0xb3: {  	s17 =	simm.s32 $0xD80;
	s18 =	simm.s32 $0x2D80  }
0xb4: {  	[tilespmem:s18], [sflag:$0x1] =	stream.indirect.gather [hbm4b:s2+s8], $0x1, s17, s8, $0xb8;
	[tilespmem:$0x4200] =	vst v63  }
0xb5: {  	s19 =	simm.s32 $0xE00;
	s20 =	simm.s32 $0x2E00  }
0xb6: {  	[tilespmem:s20], [sflag:$0x1] =	stream.indirect.gather [hbm4b:s2+s8], $0x1, s19, s8, $0xb8;
	[tilespmem:$0x4200] =	vst v63  }
0xb7: {  	s21 =	simm.s32 $0xE80;
	s22 =	simm.s32 $0x2E80  }
0xb8: {  	[tilespmem:s22], [sflag:$0x1] =	stream.indirect.gather [hbm4b:s2+s8], $0x1, s21, s8, $0xb8;
	[tilespmem:$0x4200] =	vst v63  }
0xb9: {  	s30 =	simm.s32 $0xF00;
	s31 =	simm.s32 $0x2F00  }
0xba: {  	[tilespmem:s31], [sflag:$0x1] =	stream.indirect.gather [hbm4b:s2+s8], $0x1, s30, s8, $0xb8;
	[tilespmem:$0x4200] =	vst v63  }
0xbb: {  	s9 =	simm.s32 $0xF80;
	s11 =	simm.s32 $0x2F80  }
0xbc: {  	[tilespmem:s11], [sflag:$0x1] =	stream.indirect.gather [hbm4b:s2+s8], $0x1, s9, s8, $0xb8;
	[tilespmem:$0x4200] =	vst v63  }
0xbd: {  	s12 =	simm.s32 $0x1000;
	s14 =	simm.s32 $0x3000  }
0xbe: {  	[tilespmem:s14], [sflag:$0x1] =	stream.indirect.gather [hbm4b:s2+s8], $0x1, s12, s8, $0xb8;
	[tilespmem:$0x4200] =	vst v63  }
0xbf: {  	s15 =	simm.s32 $0x1080;
	s16 =	simm.s32 $0x3080  }
0xc0: {  	[tilespmem:s16], [sflag:$0x1] =	stream.indirect.gather [hbm4b:s2+s8], $0x1, s15, s8, $0xb8;
	[tilespmem:$0x4200] =	vst v63  }
0xc1: {  	s17 =	simm.s32 $0x1100;
	s18 =	simm.s32 $0x3100  }
0xc2: {  	[tilespmem:s18], [sflag:$0x1] =	stream.indirect.gather [hbm4b:s2+s8], $0x1, s17, s8, $0xb8;
	[tilespmem:$0x4200] =	vst v63  }
0xc3: {  	s19 =	simm.s32 $0x1180;
	s20 =	simm.s32 $0x3180  }
0xc4: {  	[tilespmem:s20], [sflag:$0x1] =	stream.indirect.gather [hbm4b:s2+s8], $0x1, s19, s8, $0xb8;
	[tilespmem:$0x4200] =	vst v63  }
0xc5: {  	s21 =	simm.s32 $0x1200;
	s22 =	simm.s32 $0x3200  }
0xc6: {  	[tilespmem:s22], [sflag:$0x1] =	stream.indirect.gather [hbm4b:s2+s8], $0x1, s21, s8, $0xb8;
	[tilespmem:$0x4200] =	vst v63  }
0xc7: {  	s30 =	simm.s32 $0x1280;
	s31 =	simm.s32 $0x3280  }
0xc8: {  	[tilespmem:s31], [sflag:$0x1] =	stream.indirect.gather [hbm4b:s2+s8], $0x1, s30, s8, $0xb8;
	[tilespmem:$0x4200] =	vst v63  }
0xc9: {  	s9 =	simm.s32 $0x1300;
	s11 =	simm.s32 $0x3300  }
0xca: {  	[tilespmem:s11], [sflag:$0x1] =	stream.indirect.gather [hbm4b:s2+s8], $0x1, s9, s8, $0xb8;
	[tilespmem:$0x4200] =	vst v63  }
0xcb: {  	s12 =	simm.s32 $0x1380;
	s14 =	simm.s32 $0x3380  }
0xcc: {  	[tilespmem:s14], [sflag:$0x1] =	stream.indirect.gather [hbm4b:s2+s8], $0x1, s12, s8, $0xb8;
	[tilespmem:$0x4200] =	vst v63  }
0xcd: {  	s15 =	simm.s32 $0x1400;
	s16 =	simm.s32 $0x3400  }
0xce: {  	[tilespmem:s16], [sflag:$0x1] =	stream.indirect.gather [hbm4b:s2+s8], $0x1, s15, s8, $0xb8;
	[tilespmem:$0x4200] =	vst v63  }
0xcf: {  	s17 =	simm.s32 $0x1480;
	s18 =	simm.s32 $0x3480  }
0xd0: {  	[tilespmem:s18], [sflag:$0x1] =	stream.indirect.gather [hbm4b:s2+s8], $0x1, s17, s8, $0xb8;
	[tilespmem:$0x4200] =	vst v63  }
0xd1: {  	s19 =	simm.s32 $0x1500;
	s20 =	simm.s32 $0x3500  }
0xd2: {  	[tilespmem:s20], [sflag:$0x1] =	stream.indirect.gather [hbm4b:s2+s8], $0x1, s19, s8, $0xb8;
	[tilespmem:$0x4200] =	vst v63  }
0xd3: {  	s21 =	simm.s32 $0x1580;
	s22 =	simm.s32 $0x3580  }
0xd4: {  	[tilespmem:s22], [sflag:$0x1] =	stream.indirect.gather [hbm4b:s2+s8], $0x1, s21, s8, $0xb8;
	[tilespmem:$0x4200] =	vst v63  }
0xd5: {  	s30 =	simm.s32 $0x1600;
	s31 =	simm.s32 $0x3600  }
0xd6: {  	[tilespmem:s31], [sflag:$0x1] =	stream.indirect.gather [hbm4b:s2+s8], $0x1, s30, s8, $0xb8;
	[tilespmem:$0x4200] =	vst v63  }
0xd7: {  	s9 =	simm.s32 $0x1680;
	s11 =	simm.s32 $0x3680  }
0xd8: {  	[tilespmem:s11], [sflag:$0x1] =	stream.indirect.gather [hbm4b:s2+s8], $0x1, s9, s8, $0xb8;
	[tilespmem:$0x4200] =	vst v63  }
0xd9: {  	s12 =	simm.s32 $0x1700;
	s14 =	simm.s32 $0x3700  }
0xda: {  	[tilespmem:s14], [sflag:$0x1] =	stream.indirect.gather [hbm4b:s2+s8], $0x1, s12, s8, $0xb8;
	[tilespmem:$0x4200] =	vst v63  }
0xdb: {  	s15 =	simm.s32 $0x1780;
	s16 =	simm.s32 $0x3780  }
0xdc: {  	[tilespmem:s16], [sflag:$0x1] =	stream.indirect.gather [hbm4b:s2+s8], $0x1, s15, s8, $0xb8;
	[tilespmem:$0x4200] =	vst v63  }
0xdd: {  	s17 =	simm.s32 $0x1800;
	s18 =	simm.s32 $0x3800  }
0xde: {  	[tilespmem:s18], [sflag:$0x1] =	stream.indirect.gather [hbm4b:s2+s8], $0x1, s17, s8, $0xb8;
	[tilespmem:$0x4200] =	vst v63  }
0xdf: {  	s19 =	simm.s32 $0x1880;
	s20 =	simm.s32 $0x3880  }
0xe0: {  	[tilespmem:s20], [sflag:$0x1] =	stream.indirect.gather [hbm4b:s2+s8], $0x1, s19, s8, $0xb8;
	[tilespmem:$0x4200] =	vst v63  }
0xe1: {  	s21 =	simm.s32 $0x1900;
	s22 =	simm.s32 $0x3900  }
0xe2: {  	[tilespmem:s22], [sflag:$0x1] =	stream.indirect.gather [hbm4b:s2+s8], $0x1, s21, s8, $0xb8;
	[tilespmem:$0x4200] =	vst v63  }
0xe3: {  	s30 =	simm.s32 $0x1980;
	s31 =	simm.s32 $0x3980  }
0xe4: {  	[tilespmem:s31], [sflag:$0x1] =	stream.indirect.gather [hbm4b:s2+s8], $0x1, s30, s8, $0xb8;
	[tilespmem:$0x4200] =	vst v63  }
0xe5: {  	s9 =	simm.s32 $0x1A00;
	s11 =	simm.s32 $0x3A00  }
0xe6: {  	[tilespmem:s11], [sflag:$0x1] =	stream.indirect.gather [hbm4b:s2+s8], $0x1, s9, s8, $0xb8;
	[tilespmem:$0x4200] =	vst v63  }
0xe7: {  	s12 =	simm.s32 $0x1A80;
	s14 =	simm.s32 $0x3A80  }
0xe8: {  	[tilespmem:s14], [sflag:$0x1] =	stream.indirect.gather [hbm4b:s2+s8], $0x1, s12, s8, $0xb8;
	[tilespmem:$0x4200] =	vst v63  }
0xe9: {  	s15 =	simm.s32 $0x1B00;
	s16 =	simm.s32 $0x3B00  }
0xea: {  	[tilespmem:s16], [sflag:$0x1] =	stream.indirect.gather [hbm4b:s2+s8], $0x1, s15, s8, $0xb8;
	[tilespmem:$0x4200] =	vst v63  }
0xeb: {  	s17 =	simm.s32 $0x1B80;
	s18 =	simm.s32 $0x3B80  }
0xec: {  	[tilespmem:s18], [sflag:$0x1] =	stream.indirect.gather [hbm4b:s2+s8], $0x1, s17, s8, $0xb8;
	[tilespmem:$0x4200] =	vst v63  }
0xed: {  	s19 =	simm.s32 $0x1C00;
	s20 =	simm.s32 $0x3C00  }
0xee: {  	[tilespmem:s20], [sflag:$0x1] =	stream.indirect.gather [hbm4b:s2+s8], $0x1, s19, s8, $0xb8;
	[tilespmem:$0x4200] =	vst v63  }
0xef: {  	s21 =	simm.s32 $0x1C80;
	s22 =	simm.s32 $0x3C80  }
0xf0: {  	[tilespmem:s22], [sflag:$0x1] =	stream.indirect.gather [hbm4b:s2+s8], $0x1, s21, s8, $0xb8;
	[tilespmem:$0x4200] =	vst v63  }
0xf1: {  	s30 =	simm.s32 $0x1D00;
	s31 =	simm.s32 $0x3D00  }
0xf2: {  	[tilespmem:s31], [sflag:$0x1] =	stream.indirect.gather [hbm4b:s2+s8], $0x1, s30, s8, $0xb8;
	[tilespmem:$0x4200] =	vst v63  }
0xf3: {  	s9 =	simm.s32 $0x1D80;
	s11 =	simm.s32 $0x3D80  }
0xf4: {  	[tilespmem:s11], [sflag:$0x1] =	stream.indirect.gather [hbm4b:s2+s8], $0x1, s9, s8, $0xb8;
	[tilespmem:$0x4200] =	vst v63  }
0xf5: {  	s12 =	simm.s32 $0x1E00;
	s14 =	simm.s32 $0x3E00  }
0xf6: {  	[tilespmem:s14], [sflag:$0x1] =	stream.indirect.gather [hbm4b:s2+s8], $0x1, s12, s8, $0xb8;
	[tilespmem:$0x4200] =	vst v63  }
0xf7: {  	s15 =	simm.s32 $0x1E80;
	s16 =	simm.s32 $0x3E80  }
0xf8: {  	[tilespmem:s16], [sflag:$0x1] =	stream.indirect.gather [hbm4b:s2+s8], $0x1, s15, s8, $0xb8;
	[tilespmem:$0x4200] =	vst v63  }
0xf9: {  	s17 =	simm.s32 $0x1F00;
	s18 =	simm.s32 $0x3F00  }
0xfa: {  	[tilespmem:s18], [sflag:$0x1] =	stream.indirect.gather [hbm4b:s2+s8], $0x1, s17, s8, $0xb8;
	[tilespmem:$0x4200] =	vst v63  }
0xfb: {  	s19 =	simm.s32 $0x1F80;
	s20 =	simm.s32 $0x3F80  }
0xfc: {  	[tilespmem:s20], [sflag:$0x1] =	stream.indirect.gather [hbm4b:s2+s8], $0x1, s19, s8, $0xb8;
	[tilespmem:$0x4200] =	vst v63  }
0xfd: {  	s21 =	simm.s32 $0x2000;
	s22 =	simm.s32 $0x4000  }
0xfe: {  	[tilespmem:s22], [sflag:$0x1] =	stream.indirect.gather [hbm4b:s2+s8], $0x1, s21, s8, $0xb8;
	[tilespmem:$0x4200] =	vst v63  }
0xff: {  	s30 =	simm.s32 $0x2080;
	s31 =	simm.s32 $0x4080  }
0x100: {  	[tilespmem:s31], [sflag:$0x1] =	stream.indirect.gather [hbm4b:s2+s8], $0x1, s30, s8, $0xb8;
	[tilespmem:$0x4200] =	vst v63  }
0x101: {  	_ = 	snop  }
0x102: {  	[tilespmem:s24], [sflag:$0x1] =	stream.indirect.gather [hbm4b:s2+s8], $0x1, s23, s8, $0xb8;
	[tilespmem:$0x4200] =	vst v63  }
0x103: {  	_ = 	snop  }
0x104: {  	[tilespmem:s26], [sflag:$0x1] =	stream.indirect.gather [hbm4b:s2+s8], $0x1, s25, s8, $0xb8;
	[tilespmem:$0x4200] =	vst v63  }
0x105: {  	s29 =	sadd.s32 $0x1, s29;
	_ =	swait.ge [sflag:s28], $0x2000  }
0x106: {  	p0 =	sne.s32 s29, s6;
	[sflag:s28] =	ssyncset.done $0x0  }
.Ltmp1:
0x107: {  	[sflag:s28] =	ssyncadd.s32 $0xFFFFE000;
	(pc) =	sbr.rel @p0 .LBB2_1-.Ltmp1, $4  }
0x108: {  	[hbm4b:s5+s3] =	stream.linear.scatter [tilespmem:s10], [sflag:$0x2], $0x2000, $0x38;
	[tilespmem:$0x4200] =	vst v63  }
0x109: {  	_ =	swait.ge [sflag:s7], $0x2000  }
0x10a: {  	[sflag:s7] =	ssyncset.done $0x0  }
0x10b: {  	[sflag:s7] =	ssyncadd.s32 $0xFFFFE000  }
0x10c: {  	_ =	sfence.sel $0x180000  }
0x10d: {  	[bflag:$0x0] =	sbarrier.arrive $0xFFFF  }
0x10e: {  	_ =	strace $0x90000047  }
0x10f: {  	s0 =	stileid.u32;
	[bflag:$0x2] =	sbarrier.arrive $0xFFFF  }
0x110: {  	p0 =	sne.s32 s0, $0x0;
	s0 =	rddreg [dreg:$0x3]  }
0x111: {  	s0 =	sadd.s32 @!p0 $0x100000, s0  }
0x112: {  	[sflag:s0] =	ssyncadd.tile.s32 @!p0 $0x1;
	_ =	shalt  }
.Lfunc_end2:
_tile_overlayer_lowered:
.L_overlay_start_2:
0x113: {  	(tag) =	ssettag $0x2  }
0x114: {  	s0 =	rddreg [dreg:$0x0];
	s2 =	stileid.u32  }
0x115: {  	s1 =	rddreg [dreg:$0x1];
	p0 =	sne.s32 s2, $0x0  }
0x116: {  	s3 =	rddreg [dreg:$0x2];
	[bflag:$0x3] =	sbarrier.arrive $0xFFFF;
	s2 =	simm.s32 @!p0 $0x1C02  }
0x117: {  	[timem:s3], [sflag:s2] =	dma.local @!p0 [hbm:s0], s1  }
0x118: {  	s0 =	simm.s32 @!p0 $0x2  }
0x119: {  	_ =	swait.ge @!p0 [sflag:s0], s1  }
0x11a: {  	s1 =	ssub.s32 @!p0 $0x0, s1;
	[sflag:s0] =	ssyncset.done @!p0 $0x0  }
0x11b: {  	[sflag:s0] =	ssyncadd.s32 @!p0 s1  }
0x11c: {  	[bflag:$0x3] =	sbarrier.arrive $0xFFFF  }
0x11d: {  	_ =	shalt  }

// kernel: kernel.8.cloned.1.call-start
scs
__scs_entry_jumppad:
0x0: {  	(pc) =	sbr.rel $0x88, $3  }
0x1: {  	(tag) =	ssettag $0x0;
	lr =	simm.s32 $0x1  }
0x2: {  	[smem:$0x3F95] =	sst lr;
	_ =	strace $0xD0000000  }
0x3: {  	_ = 	snop  }
0x4: {  	_ = 	snop  }
0x5: {  	_ = 	snop  }
0x6: {  	_ = 	snop  }
0x7: {  	_ = 	snop  }
__scs_overlays_trampoline_lowered:
0x8: {  	[smem:$0x3FA4] =	sst s0  }
0x9: {  	[smem:$0x3FA5] =	sst s1  }
0xa: {  	[smem:$0x3FA6] =	sst s2  }
0xb: {  	[smem:$0x3FA7] =	sst s3  }
0xc: {  	[smem:$0x3FA8] =	sst s4  }
0xd: {  	[smem:$0x3FA9] =	sst s5  }
0xe: {  	[smem:$0x3FAA] =	sst s6  }
0xf: {  	[smem:$0x3FAB] =	sst s7  }
0x10: {  	[smem:$0x3FAC] =	sst s8  }
0x11: {  	[smem:$0x3FAD] =	sst s9;
	s0 =	simm.s32 @!p0 $0x0  }
0x12: {  	s1 =	sld [smem:$0x3F93];
	s0 =	simm.s32 @p0 $0x1  }
0x13: {  	[smem:$0x3FAE] =	sst s0;
	s0 =	simm.s32 @!p1 $0x0  }
0x14: {  	s2 =	sld [smem:$0x3F92];
	s0 =	simm.s32 @p1 $0x1  }
0x15: {  	[smem:$0x3FAF] =	sst s0;
	s0 =	simm.s32 @!p2 $0x0  }
0x16: {  	s3 =	sld [smem:$0x3FDB];
	s0 =	simm.s32 @p2 $0x1  }
0x17: {  	s4 =	simm.s32 $0x1BF5;
	[smem:$0x3FB1] =	sst s0  }
0x18: {  	s0 =	sld [smem:$0x3F94];
	_ =	swait.ge [sflag:s4], $0x0  }
0x19: {  	s7 =	sld [smem:$0x3F95]  }
0x1a: {  	s8 =	sadd.s32 $0xFFFFE003, lr  }
0x1b: {  	s9 =	sadd.s32 $0xFFFFFEF7, lr;
	s5 =	simm.s32 $0xFFFFFFFF;
	p2 =	slt.u32 s8, $0xFFFFF086  }
0x1c: {  	p1 =	slt.u32 s9, $0xF7A;
	s5 =	simm.s32 @!p2 $0x0  }
0x1d: {  	s5 =	simm.s32 @p1 $0x1;
	p0 =	seq.s32 s7, s2  }
0x1e: {  	s7 =	smul.u32 @!p0 $0xF7A, s2;
	p2 =	seq.s32 @!p0 s5, $0x0  }
0x1f: {  	s9 =	smul.u32 $0xF7A, s1;
	s8 =	simm.s32 @!p0 $0x1BF5;
	p2 =	por !p2, p0  }
0x20: {  	[sflag:s8] =	ssyncset.s32 @!p0 $0xFFFFF086;
	s6 =	sadd.s32 @!p0 s3, s7;
	s7 =	simm.s32 @!p0 $0x108  }
0x21: {  	s3 =	sadd.s32 s3, s9;
	s6 =	sadd.s32 @!p0 $0x88, s6;
	s7 =	simm.s32 @p2 $0x1082  }
0x22: {  	[simem:s7], [sflag:s8] =	dma.local @!p0 [hbm:s6], $0xF7A  }
0x23: {  	s9 =	sor.u32 $0xD0000000, s2;
	s6 =	simm.s32 $0x108;
	_ =	swait.ge @!p0 [sflag:s8], $0x0  }
0x24: {  	s3 =	sadd.s32 $0x88, s3;
	s6 =	simm.s32 @!p1 $0x1082;
	[sflag:s4] =	ssyncset.s32 $0xFFFFF086  }
0x25: {  	[simem:s6], [sflag:s4] =	dma.local [hbm:s3], $0xF7A  }
0x26: {  	[smem:$0x3F95] =	sst s1;
	(tag) =	ssettag s2;
	_ =	strace s9  }
0x27: {  	s1 =	sld [smem:$0x3FA5]  }
0x28: {  	s2 =	sld [smem:$0x3FA6]  }
0x29: {  	s4 =	sld [smem:$0x3FA8]  }
0x2a: {  	p0 =	seq.s32 s5, $0x0;
	s5 =	sld [smem:$0x3FA9]  }
0x2b: {  	s6 =	sld [smem:$0x3FAA]  }
0x2c: {  	s7 =	sld [smem:$0x3FAB]  }
0x2d: {  	s3 =	simm.s32 $0x108;
	s8 =	sld [smem:$0x3FAC]  }
0x2e: {  	s3 =	simm.s32 @!p0 $0x1082;
	s9 =	sld [smem:$0x3FAD]  }
0x2f: {  	lr =	sadd.s32 s0, s3;
	s0 =	sld [smem:$0x3FA4]  }
0x30: {  	s3 =	sld [smem:$0x3FA7]  }
0x31: {  	[smem:$0x3FB0] =	sst s10  }
0x32: {  	s10 =	sld [smem:$0x3FAE];
	_ =	sdelay $0x3  }
0x33: {  	p0 =	seq.s32 s10, $0x1;
	s10 =	sld [smem:$0x3FB0];
	_ =	sdelay $0x3  }
0x34: {  	[smem:$0x3FB0] =	sst s10  }
0x35: {  	s10 =	sld [smem:$0x3FAF];
	_ =	sdelay $0x3  }
0x36: {  	p1 =	seq.s32 s10, $0x1;
	s10 =	sld [smem:$0x3FB0];
	_ =	sdelay $0x3  }
0x37: {  	[smem:$0x3FB0] =	sst s10  }
0x38: {  	s10 =	sld [smem:$0x3FB1]  }
0x39: {  	_ = 	snop;
	(pc) =	sbr.ind lr, $3  }
0x3a: {  	_ = 	snop  }
0x3b: {  	_ = 	snop  }
0x3c: {  	p2 =	seq.s32 s10, $0x1;
	s10 =	sld [smem:$0x3FB0]  }
0x3d: {  	_ =	shalt  }
0x3e: {  	_ =	shalt  }
0x3f: {  	_ =	shalt  }
0x40: {  	_ =	shalt  }
0x41: {  	_ =	shalt  }
0x42: {  	_ =	shalt  }
0x43: {  	_ =	shalt  }
0x44: {  	_ =	shalt  }
0x45: {  	_ =	shalt  }
0x46: {  	_ =	shalt  }
0x47: {  	_ =	shalt  }
0x48: {  	_ =	shalt  }
0x49: {  	_ =	shalt  }
0x4a: {  	_ =	shalt  }
0x4b: {  	_ =	shalt  }
0x4c: {  	_ =	shalt  }
0x4d: {  	_ =	shalt  }
0x4e: {  	_ =	shalt  }
0x4f: {  	_ =	shalt  }
0x50: {  	_ =	shalt  }
0x51: {  	_ =	shalt  }
0x52: {  	_ =	shalt  }
0x53: {  	_ =	shalt  }
0x54: {  	_ =	shalt  }
0x55: {  	_ =	shalt  }
0x56: {  	_ =	shalt  }
0x57: {  	_ =	shalt  }
0x58: {  	_ =	shalt  }
0x59: {  	_ =	shalt  }
0x5a: {  	_ =	shalt  }
0x5b: {  	_ =	shalt  }
0x5c: {  	_ =	shalt  }
0x5d: {  	_ =	shalt  }
0x5e: {  	_ =	shalt  }
0x5f: {  	_ =	shalt  }
0x60: {  	_ =	shalt  }
0x61: {  	_ =	shalt  }
0x62: {  	_ =	shalt  }
0x63: {  	_ =	shalt  }
0x64: {  	_ =	shalt  }
0x65: {  	_ =	shalt  }
0x66: {  	_ =	shalt  }
0x67: {  	_ =	shalt  }
0x68: {  	_ =	shalt  }
0x69: {  	_ =	shalt  }
0x6a: {  	_ =	shalt  }
0x6b: {  	_ =	shalt  }
0x6c: {  	_ =	shalt  }
0x6d: {  	_ =	shalt  }
0x6e: {  	_ =	shalt  }
0x6f: {  	_ =	shalt  }
0x70: {  	_ =	shalt  }
0x71: {  	_ =	shalt  }
0x72: {  	_ =	shalt  }
0x73: {  	_ =	shalt  }
0x74: {  	_ =	shalt  }
0x75: {  	_ =	shalt  }
0x76: {  	_ =	shalt  }
0x77: {  	_ =	shalt  }
0x78: {  	_ =	shalt  }
0x79: {  	_ =	shalt  }
0x7a: {  	_ =	shalt  }
0x7b: {  	_ =	shalt  }
0x7c: {  	_ =	shalt  }
0x7d: {  	_ =	shalt  }
0x7e: {  	_ =	shalt  }
0x7f: {  	_ =	shalt  }
0x80: {  	_ =	shalt  }
0x81: {  	_ =	shalt  }
0x82: {  	_ =	shalt  }
0x83: {  	_ =	shalt  }
0x84: {  	_ =	shalt  }
0x85: {  	_ =	shalt  }
0x86: {  	_ =	shalt  }
0x87: {  	_ =	shalt  }
.Lfunc_end0:
.L_simem_size_0:
called_computation.1_lowered:
.L_overlay_start_0:
0x88: {  	s2 =	sld [smem:$0x3FD9]  }
0x89: {  	s3 =	sld [smem:$0x3FFE];
	_ =	sdelay $0x1  }
0x8a: {  	s1 =	srdreg.scid  }
0x8b: {  	s0 =	sand.u32 $0x1, s1  }
0x8c: {  	s17 =	sshll.u32 s0, $0xA;
	s2 =	sadd.s32 s3, s2  }
0x8d: {  	s2 =	sadd.s32 s2, s17  }
0x8e: {  	[smem:$0x3FBC] =	sst s2  }
0x8f: {  	_ = 	snop  }
0x90: {  	s18 =	sld [smem:$0x3FC9];
	(tm) =	ssettm $0x1  }
0x91: {  	s19 =	sld [smem:$0x3FFB];
	_ =	sdelay $0x3  }
0x92: {  	_ =	strace s19  }
0x93: {  	s2 =	sld [smem:$0x3FFC];
	_ =	sdelay $0x3  }
0x94: {  	_ =	strace s2  }
0x95: {  	s2 =	sld [smem:$0x3FFD];
	_ =	sdelay $0x3  }
0x96: {  	_ =	strace s2  }
0x97: {  	_ =	strace $0x8FFFFFFF  }
0x98: {  	s20 =	sld [smem:$0x3FDB];
	_ =	sdelay $0x1  }
0x99: {  	s4 =	simm.s32 $_scs_section_size  }
0x9a: {  	s5 =	simm.s32 $_size__tile_overlayer_lowered;
	s6 =	simm.s32 $_tile_overlayer_lowered  }
0x9b: {  	s7 =	simm.s32 $0x1BFF;
	s21 =	sshll.u32 s6, $0x1;
	s4 =	sadd.s32 s4, s20  }
0x9c: {  	s22 =	simm.s32 $0x0;
	s5 =	sshll.u32 s5, $0x1;
	s6 =	sadd.s32 s21, s4  }
0x9d: {  	[timem:s22], [sflag:s7] =	dma.local [hbm:s6], s5  }
0x9e: {  	_ =	swait.ge [sflag:s7], s5  }
0x9f: {  	s5 =	ssub.s32 $0x0, s5;
	[sflag:s7] =	ssyncset.done $0x0  }
0xa0: {  	[sflag:s7] =	ssyncadd.s32 s5;
	_ =	sdelay $0x1  }
0xa1: {  	s23 =	simm.s32 $0x1B8B  }
0xa2: {  	_ =	swait.ge [sflag:s23], $0x1  }
0xa3: {  	[sflag:s23] =	ssyncset.done $0x0  }
0xa4: {  	[sflag:s23] =	ssyncadd.s32 $0xFFFFFFFF  }
0xa5: {  	s5 =	sld [smem:$0x0]  }
0xa6: {  	s6 =	sand.u32 $0xFFFFFFFE, s1  }
0xa7: {  	p0 =	sne.s32 s1, s6  }
0xa8: {  	s6 =	sshll.u32 @p0 s6, $0xE  }
0xa9: {  	s6 =	sadd.s32 @p0 $0x11B8D, s6;
	s7 =	sshll.u32 @p0 s5, $0x11  }
0xaa: {  	s6 =	sor.u32 @p0 s7, s6  }
0xab: {  	[sflag:s6] =	ssyncadd.remote.s32 @p0 $0x1;
	_ =	sdelay $0x1  }
0xac: {  	s6 =	simm.s32 @p0 $0x1B8D  }
0xad: {  	_ =	swait.eq @p0 [sflag:s6], $0x1  }
0xae: {  	[sflag:s6] =	ssyncadd.s32 @p0 $0xFFFFFFFF  }
0xaf: {  	s7 =	sshll.u32 @!p0 s1, $0xE  }
0xb0: {  	s7 =	sor.u32 @!p0 $0x4000, s7;
	s6 =	simm.s32 @!p0 $0x1B8D  }
0xb1: {  	s5 =	sshll.u32 @!p0 s5, $0x11;
	s7 =	sadd.s32 @!p0 $0x11B8D, s7;
	_ =	swait.eq @!p0 [sflag:s6], $0x1  }
0xb2: {  	s5 =	sor.u32 @!p0 s5, s7;
	[sflag:s6] =	ssyncadd.s32 @!p0 $0xFFFFFFFF  }
0xb3: {  	s25 =	simm.s32 $0x1B8E;
	s24 =	sld [smem:$0x3FFE];
	[sflag:s5] =	ssyncadd.remote.s32 @!p0 $0x1  }
0xb4: {  	s26 =	simm.s32 $execute0_lowered;
	[smem:$0x3FD2] =	sst s25  }
0xb5: {  	s6 =	sshll.u32 s26, $0x1;
	_ =	strace $0x80000049;
	[dreg:$0x1] =	wrdreg $0xFFFFFFFF  }
0xb6: {  	s28 =	simm.s32 $_size_execute0_lowered;
	s4 =	sadd.s32 s4, s6;
	[dreg:$0x0] =	wrdreg $0x0  }
0xb7: {  	s6 =	sshll.u32 s28, $0x1;
	[dreg:$0x2] =	wrdreg s4  }
0xb8: {  	[dreg:$0x3] =	wrdreg s6  }
0xb9: {  	[dreg:$0x4] =	wrdreg $0xC0  }
0xba: {  	_ =	task [dreg:s22], $0x5FFFF  }
0xbb: {  	[dreg:$0x1] =	wrdreg $0xFFFFFFFF  }
0xbc: {  	[dreg:$0x0] =	wrdreg $0x60  }
0xbd: {  	[dreg:$0x2] =	wrdreg s18  }
0xbe: {  	[dreg:$0x3] =	wrdreg s24  }
0xbf: {  	[dreg:$0x4] =	wrdreg $0xA  }
0xc0: {  	_ =	task.clear_ibuf [dreg:s22], $0x5FFFF;
	_ =	strace $0x90000049  }
0xc1: {  	s29 =	simm.s32 $0xA;
	_ =	strace $0x8000004B  }
0xc2: {  	_ =	swait.ge [sflag:s29], $0x1  }
0xc3: {  	[sflag:s29] =	ssyncadd.s32 $0xFFFFFFFF  }
0xc4: {  	_ =	strace $0x9000004B  }
0xc5: {  	_ =	sfence  }
0xc6: {  	s30 =	sld [smem:$0x0];
	_ =	sdelay $0x2  }
0xc7: {  	s31 =	sshll.u32 s1, $0xD;
	s1 =	sshrl.u32 s1, $0x2  }
0xc8: {  	s4 =	sand.u32 $0x4000, s31;
	s1 =	sadd.s32 s1, s30  }
0xc9: {  	s0 =	sor.u32 s4, s0;
	s1 =	sshll.u32 s1, $0x11  }
0xca: {  	s0 =	sor.u32 s1, s0  }
0xcb: {  	s0 =	sadd.s32 $0x8F2B, s0  }
0xcc: {  	[sflag:s0] =	ssyncadd.remote.s32 $0x1  }
0xcd: {  	_ =	sfence.sel $0xFFFF  }
0xce: {  	[dreg:$0x0] =	wrdreg $0xFFFFFFFF;
	(pc) =	sbr.abs _section_cstart, $3  }
0xcf: {  	[dreg:$0x1] =	wrdreg $0xFFFFFFFF  }
0xd0: {  	_ =	task.clear_ibuf [dreg:s22], $0x2FFFF;
	_ =	strace $0x9FFFFFFF  }
0xd1: {  	(tm) =	ssettm $0x7FFFFFFF  }
tec
execute0_lowered:
.L_overlay_start_1:
0x0: {  	(tag) =	ssettag $0x1  }
0x1: {  	s0 =	rddreg [dreg:$0x0]  }
0x2: {  	s2 =	rddreg [dreg:$0x1];
	s1 =	simm.s32 $0x0;
	s5 =	srdreg.scid  }
0x3: {  	s7 =	stileid.u32;
	s11 =	simm.s32 $0x2;
	s12 =	simm.s32 $0x80  }
0x4: {  	s17 =	simm.s32 $0x300;
	s13 =	simm.s32 $0x4200;
	s15 =	simm.s32 $0x4400  }
0x5: {  	s19 =	simm.s32 $0x100;
	s22 =	simm.s32 $0x180;
	s25 =	simm.s32 $0x1  }
0x6: {  	s26 =	simm.s32 $0x0;
	[smem:$0x7FF] =	sst s1;
	s3 =	sadd.s32 $0x10E00, s2  }
0x7: {  	s4 =	sadd.s32 $0xAA00, s2;
	s6 =	sand.u32 $0x1, s5;
	s7 =	sshll.u32 s7, $0x1  }
0x8: {  	s5 =	sadd.s32 $0xDC00, s2;
	_ =	strace $0x8000004A;
	s7 =	sor.u32 s6, s7  }
0x9: {  	s6 =	ssub.s32 $0x2, s6;
	s8 =	sshll.u32 s7, $0xA;
	s7 =	sshll.u32 s7, $0x6  }
0xa: {  	s9 =	sshrl.u32 s6, $0x1;
	s8 =	sadd.s32 s8, s2;
	s0 =	sadd.s32 s0, s7  }
0xb: {  	s2 =	sadd.s32 s7, s2;
	[dreg:$0x3] =	wrdreg s0;
	s30 =	sadd.s32 $0x41C00, s8  }
0xc: {  	s6 =	ssub.s32 s6, s9;
	s31 =	sadd.s32 $0x49C00, s2;
	[dreg:$0x4] =	wrdreg s30  }
0xd: {  	s9 =	sadd.s32 $0x4A400, s2;
	s10 =	smax.u32 s6, $0x1;
	[dreg:$0x5] =	wrdreg s31  }
.LBB2_1:
0xe: {  	s0 =	rddreg [dreg:$0x3]  }
0xf: {  	[tilespmem:s1], [sflag:$0x2] =	stream.linear.gather [hbm4b:s0+s1], $0x200, $0x38;
	[tilespmem:$0x4600] =	vst v63  }
0x10: {  	_ =	swait.ge [sflag:s11], $0x200  }
0x11: {  	[sflag:s11] =	ssyncset.done $0x0  }
0x12: {  	s21 =	sand.u32 $0x180, s1;
	[sflag:s11] =	ssyncadd.s32 $0xFFFFFE00  }
0x13: {  	v0 =	vld [tilespmem:s21+$0x0]  }
0x14: {  	s6 =	simm.s32 $0x0;
	s2 =	simm.s32 $0x0  }
0x15: {  	s2 =	smul.u32 $0x186A00, s2;
	s0 =	sand.u32 $0xC, s6  }
0x16: {  	s28 =	smul.u32 $0x186A0, s0  }
0x17: {  	s7 =	ssub.s32 $0x0, s2  }
0x18: {  	s20 =	sadd.s32 $0x186A0, s7;
	v1 =	vadd.s32 s28, v0  }
0x19: {  	s24 =	sadd.s32 $0x30D40, s7;
	[tilespmem:s17+$0xFFFFFF00] =	vst v1;
	v1 =	vadd.s32 s20, v0  }
0x1a: {  	s23 =	sadd.s32 $0x493E0, s7;
	v2 =	vld [tilespmem:s21+$0x10];
	[tilespmem:s17+$0xFFFFFF80] =	vst v1;
	v1 =	vadd.s32 s24, v0  }
0x1b: {  	v0 =	vadd.s32 s23, v0;
	v3 =	vld [tilespmem:s21+$0x10];
	[tilespmem:s17+$0x0] =	vst v1  }
0x1c: {  	[tilespmem:s17+$0x80] =	vst v0;
	v1 =	vld [tilespmem:s21+$0x10]  }
0x1d: {  	v0 =	vld [tilespmem:s21+$0x10];
	_ =	sdelay $0x1  }
0x1e: {  	v2 =	vadd.s32 s28, v2  }
0x1f: {  	[tilespmem:s17+$0xFFFFFF10] =	vst v2;
	v2 =	vadd.s32 s20, v3  }
0x20: {  	v3 =	vld [tilespmem:s21+$0x20];
	[tilespmem:s17+$0xFFFFFF90] =	vst v2;
	v1 =	vadd.s32 s24, v1  }
0x21: {  	v0 =	vadd.s32 s23, v0;
	v2 =	vld [tilespmem:s21+$0x20];
	[tilespmem:s17+$0x10] =	vst v1  }
0x22: {  	[tilespmem:s17+$0x90] =	vst v0;
	v1 =	vld [tilespmem:s21+$0x20]  }
0x23: {  	v0 =	vld [tilespmem:s21+$0x20];
	_ =	sdelay $0x1  }
0x24: {  	v3 =	vadd.s32 s28, v3  }
0x25: {  	[tilespmem:s17+$0xFFFFFF20] =	vst v3;
	v2 =	vadd.s32 s20, v2  }
0x26: {  	v3 =	vld [tilespmem:s21+$0x30];
	[tilespmem:s17+$0xFFFFFFA0] =	vst v2;
	v1 =	vadd.s32 s24, v1  }
0x27: {  	v0 =	vadd.s32 s23, v0;
	v2 =	vld [tilespmem:s21+$0x30];
	[tilespmem:s17+$0x20] =	vst v1  }
0x28: {  	[tilespmem:s17+$0xA0] =	vst v0;
	v1 =	vld [tilespmem:s21+$0x30]  }
0x29: {  	v0 =	vld [tilespmem:s21+$0x30];
	_ =	sdelay $0x1  }
0x2a: {  	v3 =	vadd.s32 s28, v3  }
0x2b: {  	[tilespmem:s17+$0xFFFFFF30] =	vst v3;
	v2 =	vadd.s32 s20, v2  }
0x2c: {  	v3 =	vld [tilespmem:s21+$0x40];
	[tilespmem:s17+$0xFFFFFFB0] =	vst v2;
	v1 =	vadd.s32 s24, v1  }
0x2d: {  	v0 =	vadd.s32 s23, v0;
	v2 =	vld [tilespmem:s21+$0x40];
	[tilespmem:s17+$0x30] =	vst v1  }
0x2e: {  	s8 =	simm.s32 $0x20;
	[tilespmem:s17+$0xB0] =	vst v0;
	v1 =	vld [tilespmem:s21+$0x40]  }
0x2f: {  	s29 =	sand.u32 $0x180, s8;
	v0 =	vld [tilespmem:s21+$0x40]  }
0x30: {  	v4 =	vld [tilespmem:s29+$0x0]  }
0x31: {  	s18 =	simm.s32 $0x4;
	s14 =	simm.s32 $0x0;
	v3 =	vadd.s32 s28, v3  }
0x32: {  	s16 =	sand.u32 $0xC, s18;
	s0 =	smul.u32 $0x186A00, s14;
	[tilespmem:s17+$0xFFFFFF40] =	vst v3;
	v2 =	vadd.s32 s20, v2  }
0x33: {  	s30 =	smul.u32 $0x186A0, s16;
	v3 =	vld [tilespmem:s21+$0x50];
	[tilespmem:s17+$0xFFFFFFC0] =	vst v2;
	v1 =	vadd.s32 s24, v1  }
0x34: {  	s6 =	ssub.s32 $0x61A80, s0;
	v0 =	vadd.s32 s23, v0;
	v2 =	vld [tilespmem:s21+$0x50];
	[tilespmem:s17+$0x40] =	vst v1  }
0x35: {  	s31 =	simm.s32 $0x500;
	s0 =	sadd.s32 $0x186A0, s6;
	v1 =	vadd.s32 s30, v4;
	[tilespmem:s17+$0xC0] =	vst v0;
	v5 =	vld [tilespmem:s21+$0x50]  }
0x36: {  	s2 =	sadd.s32 $0x30D40, s6;
	v0 =	vadd.s32 s0, v4;
	[tilespmem:s31+$0xFFFFFF00] =	vst v1;
	v1 =	vld [tilespmem:s21+$0x50]  }
0x37: {  	s16 =	sadd.s32 $0x493E0, s6;
	[tilespmem:s31+$0xFFFFFF80] =	vst v0;
	v0 =	vadd.s32 s2, v4;
	v6 =	vld [tilespmem:s29+$0x10]  }
0x38: {  	v7 =	vld [tilespmem:s29+$0x10];
	[tilespmem:s31+$0x0] =	vst v0;
	v0 =	vadd.s32 s16, v4  }
0x39: {  	v4 =	vld [tilespmem:s29+$0x10];
	[tilespmem:s31+$0x80] =	vst v0;
	v3 =	vadd.s32 s28, v3  }
0x3a: {  	v0 =	vld [tilespmem:s29+$0x10];
	[tilespmem:s17+$0xFFFFFF50] =	vst v3;
	v3 =	vadd.s32 s24, v5  }
0x3b: {  	v5 =	vld [tilespmem:s21+$0x60];
	v1 =	vadd.s32 s23, v1;
	[tilespmem:s17+$0x50] =	vst v3  }
0x3c: {  	v3 =	vadd.s32 s30, v6;
	[tilespmem:s17+$0xD0] =	vst v1;
	v6 =	vld [tilespmem:s21+$0x60]  }
0x3d: {  	v1 =	vadd.s32 s0, v7;
	[tilespmem:s31+$0xFFFFFF10] =	vst v3;
	v3 =	vld [tilespmem:s21+$0x60]  }
0x3e: {  	[tilespmem:s31+$0xFFFFFF90] =	vst v1;
	v1 =	vadd.s32 s2, v4;
	v7 =	vld [tilespmem:s29+$0x20]  }
0x3f: {  	v4 =	vld [tilespmem:s29+$0x20];
	[tilespmem:s31+$0x10] =	vst v1;
	v0 =	vadd.s32 s16, v0  }
0x40: {  	v1 =	vadd.s32 s20, v2;
	v2 =	vld [tilespmem:s29+$0x20];
	[tilespmem:s31+$0x90] =	vst v0  }
0x41: {  	[tilespmem:s17+$0xFFFFFFD0] =	vst v1;
	v0 =	vld [tilespmem:s29+$0x20];
	v1 =	vadd.s32 s24, v6  }
0x42: {  	v6 =	vld [tilespmem:s21+$0x60];
	[tilespmem:s17+$0x60] =	vst v1;
	v1 =	vadd.s32 s23, v3  }
0x43: {  	v3 =	vadd.s32 s30, v7;
	v7 =	vld [tilespmem:s21+$0x70];
	[tilespmem:s17+$0xE0] =	vst v1  }
0x44: {  	[tilespmem:s31+$0xFFFFFF20] =	vst v3;
	v1 =	vadd.s32 s0, v4;
	v3 =	vld [tilespmem:s21+$0x70]  }
0x45: {  	v4 =	vld [tilespmem:s29+$0x30];
	[tilespmem:s31+$0xFFFFFFA0] =	vst v1;
	v1 =	vadd.s32 s2, v2  }
0x46: {  	v0 =	vadd.s32 s16, v0;
	v2 =	vld [tilespmem:s29+$0x30];
	[tilespmem:s31+$0x20] =	vst v1  }
0x47: {  	[tilespmem:s31+$0xA0] =	vst v0;
	v8 =	vld [tilespmem:s29+$0x30];
	v0 =	vadd.s32 s20, v6  }
0x48: {  	v1 =	vadd.s32 s28, v5;
	v6 =	vld [tilespmem:s29+$0x30];
	[tilespmem:s17+$0xFFFFFFE0] =	vst v0  }
0x49: {  	[tilespmem:s17+$0xFFFFFF60] =	vst v1;
	v0 =	vadd.s32 s24, v7;
	v7 =	vld [tilespmem:s21+$0x70]  }
0x4a: {  	[tilespmem:s17+$0x70] =	vst v0;
	v0 =	vadd.s32 s30, v4  }
0x4b: {  	v1 =	vld [tilespmem:s21+$0x70];
	[tilespmem:s31+$0xFFFFFF30] =	vst v0;
	v0 =	vadd.s32 s0, v2  }
0x4c: {  	v2 =	vld [tilespmem:s29+$0x40];
	[tilespmem:s31+$0xFFFFFFB0] =	vst v0;
	v0 =	vadd.s32 s2, v8  }
0x4d: {  	s21 =	simm.s32 $0x61A80;
	v6 =	vadd.s32 s16, v6;
	v4 =	vld [tilespmem:s29+$0x40];
	[tilespmem:s31+$0x30] =	vst v0  }
0x4e: {  	s24 =	simm.s32 $0x40;
	v0 =	vadd.s32 s23, v3;
	[tilespmem:s31+$0xB0] =	vst v6;
	s23 =	simm.s32 $0x8;
	v5 =	vld [tilespmem:s29+$0x40];
	v3 =	vadd.s32 s20, v7;
	s20 =	simm.s32 $0x300  }
.LBB2_2:
0x4f: {  	s18 =	sadd.s32 $0x4, s18;
	s6 =	sshrl.u32 s23, $0x4;
	s14 =	sand.u32 $0x180, s24;
	v6 =	vld [tilespmem:s29+$0x40];
	[tilespmem:s20+$0xFFFFFFF0] =	vst v3  }
0x50: {  	s6 =	smul.u32 $0x186A00, s6;
	s7 =	sand.u32 $0xC, s18;
	v3 =	vld [tilespmem:s14+$0x0];
	p0 =	slt.u32 s18, $0x3C;
	v1 =	vadd.s32 s28, v1;
	[tilespmem:s20+$0xF0] =	vst v0  }
0x51: {  	s21 =	sadd.s32 $0x61A80, s21;
	s28 =	smov.u32 s30;
	v0 =	vadd.s32 s30, v2;
	[tilespmem:s20+$0xFFFFFF70] =	vst v1;
	s20 =	smov.u32 s31  }
0x52: {  	s8 =	ssub.s32 s21, s6;
	[tilespmem:s31+$0xFFFFFF40] =	vst v0;
	v0 =	vadd.s32 s0, v4  }
0x53: {  	s30 =	smul.u32 $0x186A0, s7;
	v1 =	vld [tilespmem:s29+$0x50];
	[tilespmem:s31+$0xFFFFFFC0] =	vst v0;
	v0 =	vadd.s32 s2, v5  }
0x54: {  	v2 =	vld [tilespmem:s29+$0x50];
	[tilespmem:s31+$0x40] =	vst v0;
	v0 =	vadd.s32 s16, v6  }
0x55: {  	s6 =	sadd.s32 $0x186A0, s8;
	s31 =	sadd.s32 $0x200, s31;
	v4 =	vadd.s32 s30, v3;
	v5 =	vld [tilespmem:s29+$0x50];
	[tilespmem:s20+$0xC0] =	vst v0  }
0x56: {  	s7 =	sadd.s32 $0x30D40, s8;
	v0 =	vadd.s32 s6, v3;
	[tilespmem:s31+$0xFFFFFF00] =	vst v4;
	v4 =	vld [tilespmem:s29+$0x50]  }
0x57: {  	s8 =	sadd.s32 $0x493E0, s8;
	v6 =	vld [tilespmem:s14+$0x10];
	[tilespmem:s31+$0xFFFFFF80] =	vst v0;
	v0 =	vadd.s32 s7, v3  }
0x58: {  	v7 =	vld [tilespmem:s14+$0x10];
	[tilespmem:s31+$0x0] =	vst v0;
	v0 =	vadd.s32 s8, v3;
	v1 =	vadd.s32 s28, v1  }
0x59: {  	v3 =	vld [tilespmem:s14+$0x10];
	[tilespmem:s31+$0x80] =	vst v0;
	v0 =	vadd.s32 s0, v2  }
0x5a: {  	v2 =	vld [tilespmem:s14+$0x10];
	[tilespmem:s20+$0xFFFFFF50] =	vst v1;
	v1 =	vadd.s32 s2, v5  }
0x5b: {  	v5 =	vld [tilespmem:s29+$0x60];
	[tilespmem:s20+$0x50] =	vst v1;
	v1 =	vadd.s32 s16, v4  }
0x5c: {  	v4 =	vadd.s32 s30, v6;
	v6 =	vld [tilespmem:s29+$0x60];
	[tilespmem:s20+$0xD0] =	vst v1  }
0x5d: {  	[tilespmem:s31+$0xFFFFFF10] =	vst v4;
	v1 =	vadd.s32 s6, v7;
	v4 =	vld [tilespmem:s29+$0x60]  }
0x5e: {  	v7 =	vld [tilespmem:s14+$0x20];
	[tilespmem:s31+$0xFFFFFF90] =	vst v1;
	v1 =	vadd.s32 s7, v3  }
0x5f: {  	v3 =	vld [tilespmem:s14+$0x20];
	[tilespmem:s31+$0x10] =	vst v1;
	v1 =	vadd.s32 s8, v2  }
0x60: {  	v2 =	vld [tilespmem:s14+$0x20];
	[tilespmem:s31+$0x90] =	vst v1;
	v1 =	vadd.s32 s28, v5  }
0x61: {  	v5 =	vld [tilespmem:s14+$0x20];
	[tilespmem:s20+$0xFFFFFFD0] =	vst v0;
	v0 =	vadd.s32 s2, v6  }
0x62: {  	v6 =	vld [tilespmem:s29+$0x60];
	[tilespmem:s20+$0x60] =	vst v0;
	v0 =	vadd.s32 s16, v4  }
0x63: {  	v4 =	vadd.s32 s30, v7;
	v7 =	vld [tilespmem:s29+$0x70];
	[tilespmem:s20+$0xE0] =	vst v0  }
0x64: {  	[tilespmem:s31+$0xFFFFFF20] =	vst v4;
	v0 =	vadd.s32 s6, v3;
	v3 =	vld [tilespmem:s29+$0x70]  }
0x65: {  	v4 =	vld [tilespmem:s14+$0x30];
	[tilespmem:s31+$0xFFFFFFA0] =	vst v0;
	v0 =	vadd.s32 s7, v2  }
0x66: {  	v2 =	vld [tilespmem:s14+$0x30];
	[tilespmem:s31+$0x20] =	vst v0;
	v0 =	vadd.s32 s8, v5  }
0x67: {  	v5 =	vld [tilespmem:s14+$0x30];
	[tilespmem:s31+$0xA0] =	vst v0;
	v0 =	vadd.s32 s0, v6  }
0x68: {  	v6 =	vld [tilespmem:s14+$0x30];
	[tilespmem:s20+$0xFFFFFFE0] =	vst v0;
	v0 =	vadd.s32 s2, v7;
	s2 =	smov.u32 s7  }
0x69: {  	v7 =	vld [tilespmem:s29+$0x70];
	[tilespmem:s20+$0x70] =	vst v0;
	v0 =	vadd.s32 s16, v3;
	s16 =	smov.u32 s8  }
.Ltmp0:
0x6a: {  	v3 =	vadd.s32 s30, v4;
	[tilespmem:s20+$0xFFFFFF60] =	vst v1;
	(pc) =	sbr.rel @p0 .LBB2_2-.Ltmp0, $4  }
0x6b: {  	[tilespmem:s31+$0xFFFFFF30] =	vst v3;
	v3 =	vadd.s32 s6, v2;
	v1 =	vld [tilespmem:s29+$0x70];
	s29 =	smov.u32 s14  }
0x6c: {  	v2 =	vld [tilespmem:s29+$0x40];
	[tilespmem:s31+$0xFFFFFFB0] =	vst v3;
	v3 =	vadd.s32 s2, v5  }
0x6d: {  	v4 =	vld [tilespmem:s29+$0x40];
	[tilespmem:s31+$0x30] =	vst v3;
	v3 =	vadd.s32 s16, v6  }
0x6e: {  	s23 =	sadd.s32 $0x4, s23;
	s24 =	sadd.s32 $0x20, s24;
	v5 =	vld [tilespmem:s29+$0x40];
	[tilespmem:s31+$0xB0] =	vst v3;
	v3 =	vadd.s32 s0, v7;
	s0 =	smov.u32 s6  }
0x6f: {  	v6 =	vld [tilespmem:s29+$0x40];
	_ =	sdelay $0x1  }
0x70: {  	v2 =	vadd.s32 s30, v2  }
0x71: {  	v4 =	vadd.s32 s0, v4;
	[tilespmem:s31+$0xFFFFFF40] =	vst v2  }
0x72: {  	v5 =	vadd.s32 s2, v5;
	[tilespmem:s31+$0xFFFFFFC0] =	vst v4;
	v53 =	vld [tilespmem:s29+$0x50]  }
0x73: {  	[tilespmem:s31+$0x40] =	vst v5;
	v50 =	vadd.s32 s16, v6;
	v51 =	vld [tilespmem:s29+$0x50]  }
0x74: {  	v5 =	vld [tilespmem:s29+$0x50];
	[tilespmem:s31+$0xC0] =	vst v50  }
0x75: {  	v52 =	vld [tilespmem:s29+$0x50];
	_ =	sdelay $0x1  }
0x76: {  	v4 =	vadd.s32 s30, v53  }
0x77: {  	v6 =	vadd.s32 s0, v51;
	[tilespmem:s31+$0xFFFFFF50] =	vst v4  }
0x78: {  	v5 =	vadd.s32 s2, v5;
	[tilespmem:s31+$0xFFFFFFD0] =	vst v6;
	v56 =	vld [tilespmem:s29+$0x60]  }
0x79: {  	[tilespmem:s31+$0x50] =	vst v5;
	v2 =	vadd.s32 s16, v52;
	v54 =	vld [tilespmem:s29+$0x60]  }
0x7a: {  	v5 =	vld [tilespmem:s29+$0x60];
	[tilespmem:s31+$0xD0] =	vst v2  }
0x7b: {  	v55 =	vld [tilespmem:s29+$0x60];
	_ =	sdelay $0x1  }
0x7c: {  	v57 =	vadd.s32 s30, v56  }
0x7d: {  	v2 =	vadd.s32 s0, v54;
	[tilespmem:s31+$0xFFFFFF60] =	vst v57  }
0x7e: {  	v5 =	vadd.s32 s2, v5;
	[tilespmem:s31+$0xFFFFFFE0] =	vst v2;
	v2 =	vld [tilespmem:s29+$0x70]  }
0x7f: {  	[tilespmem:s31+$0x60] =	vst v5;
	v4 =	vadd.s32 s16, v55;
	v58 =	vld [tilespmem:s29+$0x70]  }
0x80: {  	v5 =	vld [tilespmem:s29+$0x70];
	[tilespmem:s31+$0xE0] =	vst v4  }
0x81: {  	[tilespmem:s20+$0xFFFFFFF0] =	vst v3;
	v59 =	vld [tilespmem:s29+$0x70]  }
0x82: {  	[tilespmem:s20+$0xF0] =	vst v0;
	v1 =	vadd.s32 s28, v1  }
0x83: {  	[tilespmem:s20+$0xFFFFFF70] =	vst v1;
	v63 =	vadd.s32 s30, v2  }
0x84: {  	v61 =	vadd.s32 s0, v58;
	[tilespmem:s31+$0xFFFFFF70] =	vst v63  }
0x85: {  	v60 =	vadd.s32 s2, v5;
	[tilespmem:s31+$0xFFFFFFF0] =	vst v61  }
0x86: {  	[tilespmem:s31+$0x70] =	vst v60;
	v62 =	vadd.s32 s16, v59  }
0x87: {  	s21 =	simm.s32 $0x200;
	s2 =	simm.s32 $0x2200;
	[tilespmem:s31+$0xF0] =	vst v62  }
0x88: {  	[tilespmem:s2], [sflag:$0x1] =	stream.indirect.gather [hbm4b:s3+s12], $0x1, s21, s12, $0xb8;
	[tilespmem:$0x4600] =	vst v63  }
0x89: {  	s23 =	simm.s32 $0x280;
	s6 =	simm.s32 $0x2280  }
0x8a: {  	[tilespmem:s6], [sflag:$0x1] =	stream.indirect.gather [hbm4b:s3+s12], $0x1, s23, s12, $0xb8;
	[tilespmem:$0x4600] =	vst v63  }
0x8b: {  	s24 =	simm.s32 $0x2300  }
0x8c: {  	[tilespmem:s24], [sflag:$0x1] =	stream.indirect.gather [hbm4b:s3+s12], $0x1, s17, s12, $0xb8;
	[tilespmem:$0x4600] =	vst v63  }
0x8d: {  	s28 =	simm.s32 $0x380;
	s29 =	simm.s32 $0x2380  }
0x8e: {  	[tilespmem:s29], [sflag:$0x1] =	stream.indirect.gather [hbm4b:s3+s12], $0x1, s28, s12, $0xb8;
	[tilespmem:$0x4600] =	vst v63  }
0x8f: {  	s30 =	simm.s32 $0x400;
	s31 =	simm.s32 $0x2400  }
0x90: {  	[tilespmem:s31], [sflag:$0x1] =	stream.indirect.gather [hbm4b:s3+s12], $0x1, s30, s12, $0xb8;
	[tilespmem:$0x4600] =	vst v63  }
0x91: {  	s7 =	simm.s32 $0x2480;
	s6 =	simm.s32 $0x480  }
0x92: {  	[tilespmem:s7], [sflag:$0x1] =	stream.indirect.gather [hbm4b:s3+s12], $0x1, s6, s12, $0xb8;
	[tilespmem:$0x4600] =	vst v63  }
0x93: {  	s8 =	simm.s32 $0x500;
	s14 =	simm.s32 $0x2500  }
0x94: {  	[tilespmem:s14], [sflag:$0x1] =	stream.indirect.gather [hbm4b:s3+s12], $0x1, s8, s12, $0xb8;
	[tilespmem:$0x4600] =	vst v63  }
0x95: {  	s18 =	simm.s32 $0x2580;
	s16 =	simm.s32 $0x580  }
0x96: {  	[tilespmem:s18], [sflag:$0x1] =	stream.indirect.gather [hbm4b:s3+s12], $0x1, s16, s12, $0xb8;
	[tilespmem:$0x4600] =	vst v63  }
0x97: {  	s20 =	simm.s32 $0x600;
	s21 =	simm.s32 $0x2600  }
0x98: {  	[tilespmem:s21], [sflag:$0x1] =	stream.indirect.gather [hbm4b:s3+s12], $0x1, s20, s12, $0xb8;
	[tilespmem:$0x4600] =	vst v63  }
0x99: {  	s23 =	simm.s32 $0x680;
	s24 =	simm.s32 $0x2680  }
0x9a: {  	[tilespmem:s24], [sflag:$0x1] =	stream.indirect.gather [hbm4b:s3+s12], $0x1, s23, s12, $0xb8;
	[tilespmem:$0x4600] =	vst v63  }
0x9b: {  	s28 =	simm.s32 $0x700;
	s29 =	simm.s32 $0x2700  }
0x9c: {  	[tilespmem:s29], [sflag:$0x1] =	stream.indirect.gather [hbm4b:s3+s12], $0x1, s28, s12, $0xb8;
	[tilespmem:$0x4600] =	vst v63  }
0x9d: {  	s30 =	simm.s32 $0x780;
	s31 =	simm.s32 $0x2780  }
0x9e: {  	[tilespmem:s31], [sflag:$0x1] =	stream.indirect.gather [hbm4b:s3+s12], $0x1, s30, s12, $0xb8;
	[tilespmem:$0x4600] =	vst v63  }
0x9f: {  	s6 =	simm.s32 $0x800;
	s7 =	simm.s32 $0x2800  }
0xa0: {  	[tilespmem:s7], [sflag:$0x1] =	stream.indirect.gather [hbm4b:s3+s12], $0x1, s6, s12, $0xb8;
	[tilespmem:$0x4600] =	vst v63  }
0xa1: {  	s8 =	simm.s32 $0x880;
	s14 =	simm.s32 $0x2880  }
0xa2: {  	[tilespmem:s14], [sflag:$0x1] =	stream.indirect.gather [hbm4b:s3+s12], $0x1, s8, s12, $0xb8;
	[tilespmem:$0x4600] =	vst v63  }
0xa3: {  	s16 =	simm.s32 $0x900;
	s18 =	simm.s32 $0x2900  }
0xa4: {  	[tilespmem:s18], [sflag:$0x1] =	stream.indirect.gather [hbm4b:s3+s12], $0x1, s16, s12, $0xb8;
	[tilespmem:$0x4600] =	vst v63  }
0xa5: {  	s20 =	simm.s32 $0x980;
	s21 =	simm.s32 $0x2980  }
0xa6: {  	[tilespmem:s21], [sflag:$0x1] =	stream.indirect.gather [hbm4b:s3+s12], $0x1, s20, s12, $0xb8;
	[tilespmem:$0x4600] =	vst v63  }
0xa7: {  	s23 =	simm.s32 $0xA00;
	s24 =	simm.s32 $0x2A00  }
0xa8: {  	[tilespmem:s24], [sflag:$0x1] =	stream.indirect.gather [hbm4b:s3+s12], $0x1, s23, s12, $0xb8;
	[tilespmem:$0x4600] =	vst v63  }
0xa9: {  	s28 =	simm.s32 $0xA80;
	s29 =	simm.s32 $0x2A80  }
0xaa: {  	[tilespmem:s29], [sflag:$0x1] =	stream.indirect.gather [hbm4b:s3+s12], $0x1, s28, s12, $0xb8;
	[tilespmem:$0x4600] =	vst v63  }
0xab: {  	s30 =	simm.s32 $0xB00;
	s31 =	simm.s32 $0x2B00  }
0xac: {  	[tilespmem:s31], [sflag:$0x1] =	stream.indirect.gather [hbm4b:s3+s12], $0x1, s30, s12, $0xb8;
	[tilespmem:$0x4600] =	vst v63  }
0xad: {  	s6 =	simm.s32 $0xB80;
	s7 =	simm.s32 $0x2B80  }
0xae: {  	[tilespmem:s7], [sflag:$0x1] =	stream.indirect.gather [hbm4b:s3+s12], $0x1, s6, s12, $0xb8;
	[tilespmem:$0x4600] =	vst v63  }
0xaf: {  	s8 =	simm.s32 $0xC00;
	s14 =	simm.s32 $0x2C00  }
0xb0: {  	[tilespmem:s14], [sflag:$0x1] =	stream.indirect.gather [hbm4b:s3+s12], $0x1, s8, s12, $0xb8;
	[tilespmem:$0x4600] =	vst v63  }
0xb1: {  	s16 =	simm.s32 $0xC80;
	s18 =	simm.s32 $0x2C80  }
0xb2: {  	[tilespmem:s18], [sflag:$0x1] =	stream.indirect.gather [hbm4b:s3+s12], $0x1, s16, s12, $0xb8;
	[tilespmem:$0x4600] =	vst v63  }
0xb3: {  	s20 =	simm.s32 $0xD00;
	s21 =	simm.s32 $0x2D00  }
0xb4: {  	[tilespmem:s21], [sflag:$0x1] =	stream.indirect.gather [hbm4b:s3+s12], $0x1, s20, s12, $0xb8;
	[tilespmem:$0x4600] =	vst v63  }
0xb5: {  	s23 =	simm.s32 $0xD80;
	s24 =	simm.s32 $0x2D80  }
0xb6: {  	[tilespmem:s24], [sflag:$0x1] =	stream.indirect.gather [hbm4b:s3+s12], $0x1, s23, s12, $0xb8;
	[tilespmem:$0x4600] =	vst v63  }
0xb7: {  	s28 =	simm.s32 $0xE00;
	s29 =	simm.s32 $0x2E00  }
0xb8: {  	[tilespmem:s29], [sflag:$0x1] =	stream.indirect.gather [hbm4b:s3+s12], $0x1, s28, s12, $0xb8;
	[tilespmem:$0x4600] =	vst v63  }
0xb9: {  	s30 =	simm.s32 $0xE80;
	s31 =	simm.s32 $0x2E80  }
0xba: {  	[tilespmem:s31], [sflag:$0x1] =	stream.indirect.gather [hbm4b:s3+s12], $0x1, s30, s12, $0xb8;
	[tilespmem:$0x4600] =	vst v63  }
0xbb: {  	s6 =	simm.s32 $0xF00;
	s7 =	simm.s32 $0x2F00  }
0xbc: {  	[tilespmem:s7], [sflag:$0x1] =	stream.indirect.gather [hbm4b:s3+s12], $0x1, s6, s12, $0xb8;
	[tilespmem:$0x4600] =	vst v63  }
0xbd: {  	s8 =	simm.s32 $0xF80;
	s14 =	simm.s32 $0x2F80  }
0xbe: {  	[tilespmem:s14], [sflag:$0x1] =	stream.indirect.gather [hbm4b:s3+s12], $0x1, s8, s12, $0xb8;
	[tilespmem:$0x4600] =	vst v63  }
0xbf: {  	s16 =	simm.s32 $0x1000;
	s18 =	simm.s32 $0x3000  }
0xc0: {  	[tilespmem:s18], [sflag:$0x1] =	stream.indirect.gather [hbm4b:s3+s12], $0x1, s16, s12, $0xb8;
	[tilespmem:$0x4600] =	vst v63  }
0xc1: {  	s20 =	simm.s32 $0x1080;
	s21 =	simm.s32 $0x3080  }
0xc2: {  	[tilespmem:s21], [sflag:$0x1] =	stream.indirect.gather [hbm4b:s3+s12], $0x1, s20, s12, $0xb8;
	[tilespmem:$0x4600] =	vst v63  }
0xc3: {  	s23 =	simm.s32 $0x1100;
	s24 =	simm.s32 $0x3100  }
0xc4: {  	[tilespmem:s24], [sflag:$0x1] =	stream.indirect.gather [hbm4b:s3+s12], $0x1, s23, s12, $0xb8;
	[tilespmem:$0x4600] =	vst v63  }
0xc5: {  	s28 =	simm.s32 $0x1180;
	s29 =	simm.s32 $0x3180  }
0xc6: {  	[tilespmem:s29], [sflag:$0x1] =	stream.indirect.gather [hbm4b:s3+s12], $0x1, s28, s12, $0xb8;
	[tilespmem:$0x4600] =	vst v63  }
0xc7: {  	s30 =	simm.s32 $0x1200;
	s31 =	simm.s32 $0x3200  }
0xc8: {  	[tilespmem:s31], [sflag:$0x1] =	stream.indirect.gather [hbm4b:s3+s12], $0x1, s30, s12, $0xb8;
	[tilespmem:$0x4600] =	vst v63  }
0xc9: {  	s6 =	simm.s32 $0x1280;
	s7 =	simm.s32 $0x3280  }
0xca: {  	[tilespmem:s7], [sflag:$0x1] =	stream.indirect.gather [hbm4b:s3+s12], $0x1, s6, s12, $0xb8;
	[tilespmem:$0x4600] =	vst v63  }
0xcb: {  	s8 =	simm.s32 $0x1300;
	s14 =	simm.s32 $0x3300  }
0xcc: {  	[tilespmem:s14], [sflag:$0x1] =	stream.indirect.gather [hbm4b:s3+s12], $0x1, s8, s12, $0xb8;
	[tilespmem:$0x4600] =	vst v63  }
0xcd: {  	s16 =	simm.s32 $0x1380;
	s18 =	simm.s32 $0x3380  }
0xce: {  	[tilespmem:s18], [sflag:$0x1] =	stream.indirect.gather [hbm4b:s3+s12], $0x1, s16, s12, $0xb8;
	[tilespmem:$0x4600] =	vst v63  }
0xcf: {  	s20 =	simm.s32 $0x1400;
	s21 =	simm.s32 $0x3400  }
0xd0: {  	[tilespmem:s21], [sflag:$0x1] =	stream.indirect.gather [hbm4b:s3+s12], $0x1, s20, s12, $0xb8;
	[tilespmem:$0x4600] =	vst v63  }
0xd1: {  	s23 =	simm.s32 $0x1480;
	s24 =	simm.s32 $0x3480  }
0xd2: {  	[tilespmem:s24], [sflag:$0x1] =	stream.indirect.gather [hbm4b:s3+s12], $0x1, s23, s12, $0xb8;
	[tilespmem:$0x4600] =	vst v63  }
0xd3: {  	s28 =	simm.s32 $0x1500;
	s29 =	simm.s32 $0x3500  }
0xd4: {  	[tilespmem:s29], [sflag:$0x1] =	stream.indirect.gather [hbm4b:s3+s12], $0x1, s28, s12, $0xb8;
	[tilespmem:$0x4600] =	vst v63  }
0xd5: {  	s30 =	simm.s32 $0x1580;
	s31 =	simm.s32 $0x3580  }
0xd6: {  	[tilespmem:s31], [sflag:$0x1] =	stream.indirect.gather [hbm4b:s3+s12], $0x1, s30, s12, $0xb8;
	[tilespmem:$0x4600] =	vst v63  }
0xd7: {  	s6 =	simm.s32 $0x1600;
	s7 =	simm.s32 $0x3600  }
0xd8: {  	[tilespmem:s7], [sflag:$0x1] =	stream.indirect.gather [hbm4b:s3+s12], $0x1, s6, s12, $0xb8;
	[tilespmem:$0x4600] =	vst v63  }
0xd9: {  	s8 =	simm.s32 $0x1680;
	s14 =	simm.s32 $0x3680  }
0xda: {  	[tilespmem:s14], [sflag:$0x1] =	stream.indirect.gather [hbm4b:s3+s12], $0x1, s8, s12, $0xb8;
	[tilespmem:$0x4600] =	vst v63  }
0xdb: {  	s16 =	simm.s32 $0x1700;
	s18 =	simm.s32 $0x3700  }
0xdc: {  	[tilespmem:s18], [sflag:$0x1] =	stream.indirect.gather [hbm4b:s3+s12], $0x1, s16, s12, $0xb8;
	[tilespmem:$0x4600] =	vst v63  }
0xdd: {  	s20 =	simm.s32 $0x1780;
	s21 =	simm.s32 $0x3780  }
0xde: {  	[tilespmem:s21], [sflag:$0x1] =	stream.indirect.gather [hbm4b:s3+s12], $0x1, s20, s12, $0xb8;
	[tilespmem:$0x4600] =	vst v63  }
0xdf: {  	s23 =	simm.s32 $0x1800;
	s24 =	simm.s32 $0x3800  }
0xe0: {  	[tilespmem:s24], [sflag:$0x1] =	stream.indirect.gather [hbm4b:s3+s12], $0x1, s23, s12, $0xb8;
	[tilespmem:$0x4600] =	vst v63  }
0xe1: {  	s28 =	simm.s32 $0x1880;
	s29 =	simm.s32 $0x3880  }
0xe2: {  	[tilespmem:s29], [sflag:$0x1] =	stream.indirect.gather [hbm4b:s3+s12], $0x1, s28, s12, $0xb8;
	[tilespmem:$0x4600] =	vst v63  }
0xe3: {  	s30 =	simm.s32 $0x1900;
	s31 =	simm.s32 $0x3900  }
0xe4: {  	[tilespmem:s31], [sflag:$0x1] =	stream.indirect.gather [hbm4b:s3+s12], $0x1, s30, s12, $0xb8;
	[tilespmem:$0x4600] =	vst v63  }
0xe5: {  	s6 =	simm.s32 $0x1980;
	s7 =	simm.s32 $0x3980  }
0xe6: {  	[tilespmem:s7], [sflag:$0x1] =	stream.indirect.gather [hbm4b:s3+s12], $0x1, s6, s12, $0xb8;
	[tilespmem:$0x4600] =	vst v63  }
0xe7: {  	s8 =	simm.s32 $0x1A00;
	s14 =	simm.s32 $0x3A00  }
0xe8: {  	[tilespmem:s14], [sflag:$0x1] =	stream.indirect.gather [hbm4b:s3+s12], $0x1, s8, s12, $0xb8;
	[tilespmem:$0x4600] =	vst v63  }
0xe9: {  	s16 =	simm.s32 $0x1A80;
	s18 =	simm.s32 $0x3A80  }
0xea: {  	[tilespmem:s18], [sflag:$0x1] =	stream.indirect.gather [hbm4b:s3+s12], $0x1, s16, s12, $0xb8;
	[tilespmem:$0x4600] =	vst v63  }
0xeb: {  	s20 =	simm.s32 $0x1B00;
	s21 =	simm.s32 $0x3B00  }
0xec: {  	[tilespmem:s21], [sflag:$0x1] =	stream.indirect.gather [hbm4b:s3+s12], $0x1, s20, s12, $0xb8;
	[tilespmem:$0x4600] =	vst v63  }
0xed: {  	s23 =	simm.s32 $0x1B80;
	s24 =	simm.s32 $0x3B80  }
0xee: {  	[tilespmem:s24], [sflag:$0x1] =	stream.indirect.gather [hbm4b:s3+s12], $0x1, s23, s12, $0xb8;
	[tilespmem:$0x4600] =	vst v63  }
0xef: {  	s28 =	simm.s32 $0x1C00;
	s29 =	simm.s32 $0x3C00  }
0xf0: {  	[tilespmem:s29], [sflag:$0x1] =	stream.indirect.gather [hbm4b:s3+s12], $0x1, s28, s12, $0xb8;
	[tilespmem:$0x4600] =	vst v63  }
0xf1: {  	s30 =	simm.s32 $0x1C80;
	s31 =	simm.s32 $0x3C80  }
0xf2: {  	[tilespmem:s31], [sflag:$0x1] =	stream.indirect.gather [hbm4b:s3+s12], $0x1, s30, s12, $0xb8;
	[tilespmem:$0x4600] =	vst v63  }
0xf3: {  	s6 =	simm.s32 $0x1D00;
	s7 =	simm.s32 $0x3D00  }
0xf4: {  	[tilespmem:s7], [sflag:$0x1] =	stream.indirect.gather [hbm4b:s3+s12], $0x1, s6, s12, $0xb8;
	[tilespmem:$0x4600] =	vst v63  }
0xf5: {  	s8 =	simm.s32 $0x1D80;
	s14 =	simm.s32 $0x3D80  }
0xf6: {  	[tilespmem:s14], [sflag:$0x1] =	stream.indirect.gather [hbm4b:s3+s12], $0x1, s8, s12, $0xb8;
	[tilespmem:$0x4600] =	vst v63  }
0xf7: {  	s16 =	simm.s32 $0x1E00;
	s18 =	simm.s32 $0x3E00  }
0xf8: {  	[tilespmem:s18], [sflag:$0x1] =	stream.indirect.gather [hbm4b:s3+s12], $0x1, s16, s12, $0xb8;
	[tilespmem:$0x4600] =	vst v63  }
0xf9: {  	s20 =	simm.s32 $0x1E80;
	s21 =	simm.s32 $0x3E80  }
0xfa: {  	[tilespmem:s21], [sflag:$0x1] =	stream.indirect.gather [hbm4b:s3+s12], $0x1, s20, s12, $0xb8;
	[tilespmem:$0x4600] =	vst v63  }
0xfb: {  	s23 =	simm.s32 $0x1F00;
	s24 =	simm.s32 $0x3F00  }
0xfc: {  	[tilespmem:s24], [sflag:$0x1] =	stream.indirect.gather [hbm4b:s3+s12], $0x1, s23, s12, $0xb8;
	[tilespmem:$0x4600] =	vst v63  }
0xfd: {  	s28 =	simm.s32 $0x1F80;
	s29 =	simm.s32 $0x3F80  }
0xfe: {  	[tilespmem:s29], [sflag:$0x1] =	stream.indirect.gather [hbm4b:s3+s12], $0x1, s28, s12, $0xb8;
	[tilespmem:$0x4600] =	vst v63  }
0xff: {  	s30 =	simm.s32 $0x2000;
	s31 =	simm.s32 $0x4000  }
0x100: {  	[tilespmem:s31], [sflag:$0x1] =	stream.indirect.gather [hbm4b:s3+s12], $0x1, s30, s12, $0xb8;
	[tilespmem:$0x4600] =	vst v63  }
0x101: {  	s6 =	simm.s32 $0x2080;
	s7 =	simm.s32 $0x4080  }
0x102: {  	[tilespmem:s7], [sflag:$0x1] =	stream.indirect.gather [hbm4b:s3+s12], $0x1, s6, s12, $0xb8;
	[tilespmem:$0x4600] =	vst v63  }
0x103: {  	s8 =	simm.s32 $0x2100;
	s14 =	simm.s32 $0x4100  }
0x104: {  	[tilespmem:s14], [sflag:$0x1] =	stream.indirect.gather [hbm4b:s3+s12], $0x1, s8, s12, $0xb8;
	[tilespmem:$0x4600] =	vst v63  }
0x105: {  	s16 =	simm.s32 $0x2180;
	s18 =	simm.s32 $0x4180  }
0x106: {  	[tilespmem:s18], [sflag:$0x1] =	stream.indirect.gather [hbm4b:s3+s12], $0x1, s16, s12, $0xb8;
	[tilespmem:$0x4600] =	vst v63  }
0x107: {  	_ = 	snop  }
0x108: {  	[tilespmem:s13], [sflag:$0x1] =	stream.indirect.gather [hbm4b:s4+s12], $0x1, s1, s12, $0xb8;
	[tilespmem:$0x4600] =	vst v63  }
0x109: {  	_ = 	snop  }
0x10a: {  	[tilespmem:s15], [sflag:$0x1] =	stream.indirect.gather [hbm4b:s5+s12], $0x1, s1, s12, $0xb8;
	[tilespmem:$0x4600] =	vst v63  }
0x10b: {  	s20 =	simm.s32 $0x4280  }
0x10c: {  	[tilespmem:s20], [sflag:$0x1] =	stream.indirect.gather [hbm4b:s4+s12], $0x1, s12, s12, $0xb8;
	[tilespmem:$0x4600] =	vst v63  }
0x10d: {  	s21 =	simm.s32 $0x4480  }
0x10e: {  	[tilespmem:s21], [sflag:$0x1] =	stream.indirect.gather [hbm4b:s5+s12], $0x1, s12, s12, $0xb8;
	[tilespmem:$0x4600] =	vst v63  }
0x10f: {  	s23 =	simm.s32 $0x4300  }
0x110: {  	[tilespmem:s23], [sflag:$0x1] =	stream.indirect.gather [hbm4b:s4+s12], $0x1, s19, s12, $0xb8;
	[tilespmem:$0x4600] =	vst v63  }
0x111: {  	s24 =	simm.s32 $0x4500  }
0x112: {  	[tilespmem:s24], [sflag:$0x1] =	stream.indirect.gather [hbm4b:s5+s12], $0x1, s19, s12, $0xb8;
	[tilespmem:$0x4600] =	vst v63  }
0x113: {  	s28 =	simm.s32 $0x4380  }
0x114: {  	[tilespmem:s28], [sflag:$0x1] =	stream.indirect.gather [hbm4b:s4+s12], $0x1, s22, s12, $0xb8;
	[tilespmem:$0x4600] =	vst v63  }
0x115: {  	s29 =	simm.s32 $0x4580  }
0x116: {  	[tilespmem:s29], [sflag:$0x1] =	stream.indirect.gather [hbm4b:s5+s12], $0x1, s22, s12, $0xb8;
	[tilespmem:$0x4600] =	vst v63  }
0x117: {  	_ =	swait.ge [sflag:s25], $0x2000  }
0x118: {  	[sflag:s25] =	ssyncset.done $0x0  }
0x119: {  	[sflag:s25] =	ssyncadd.s32 $0xFFFFE000  }
0x11a: {  	_ =	swait.ge [sflag:s25], $0x200  }
0x11b: {  	[sflag:s25] =	ssyncset.done $0x0  }
0x11c: {  	[sflag:s25] =	ssyncadd.s32 $0xFFFFFE00  }
0x11d: {  	_ =	swait.ge [sflag:s25], $0x200  }
0x11e: {  	[sflag:s25] =	ssyncset.done $0x0  }
0x11f: {  	s30 =	rddreg [dreg:$0x4];
	[sflag:s25] =	ssyncadd.s32 $0xFFFFFE00  }
0x120: {  	[hbm4b:s30+s1] =	stream.linear.scatter [tilespmem:s2], [sflag:$0x2], $0x2000, $0x38;
	[tilespmem:$0x4600] =	vst v63  }
0x121: {  	_ =	swait.ge [sflag:s11], $0x2000  }
0x122: {  	[sflag:s11] =	ssyncset.done $0x0  }
0x123: {  	s31 =	rddreg [dreg:$0x5];
	[sflag:s11] =	ssyncadd.s32 $0xFFFFE000  }
0x124: {  	[hbm4b:s31+s1] =	stream.linear.scatter [tilespmem:s13], [sflag:$0x2], $0x200, $0x38;
	[tilespmem:$0x4600] =	vst v63  }
0x125: {  	s26 =	sadd.s32 $0x1, s26;
	_ =	swait.ge [sflag:s11], $0x200  }
0x126: {  	p0 =	sne.s32 s26, s10;
	[sflag:s11] =	ssyncset.done $0x0  }
.Ltmp1:
0x127: {  	[sflag:s11] =	ssyncadd.s32 $0xFFFFFE00;
	(pc) =	sbr.rel @p0 .LBB2_1-.Ltmp1, $4  }
0x128: {  	[hbm4b:s9+s1] =	stream.linear.scatter [tilespmem:s15], [sflag:$0x2], $0x200, $0x38;
	[tilespmem:$0x4600] =	vst v63  }
0x129: {  	_ =	swait.ge [sflag:s11], $0x200  }
0x12a: {  	[sflag:s11] =	ssyncset.done $0x0  }
0x12b: {  	[sflag:s11] =	ssyncadd.s32 $0xFFFFFE00  }
0x12c: {  	_ =	sfence.sel $0x180000  }
0x12d: {  	[bflag:$0x0] =	sbarrier.arrive $0xFFFF  }
0x12e: {  	_ =	strace $0x9000004A  }
0x12f: {  	s0 =	stileid.u32;
	[bflag:$0x2] =	sbarrier.arrive $0xFFFF  }
0x130: {  	p0 =	sne.s32 s0, $0x0;
	s0 =	rddreg [dreg:$0x2]  }
0x131: {  	s0 =	sadd.s32 @!p0 $0x100000, s0  }
0x132: {  	[sflag:s0] =	ssyncadd.tile.s32 @!p0 $0x1;
	_ =	shalt  }
.Lfunc_end2:
_tile_overlayer_lowered:
.L_overlay_start_2:
0x133: {  	(tag) =	ssettag $0x2  }
0x134: {  	s0 =	rddreg [dreg:$0x0];
	s2 =	stileid.u32  }
0x135: {  	s1 =	rddreg [dreg:$0x1];
	p0 =	sne.s32 s2, $0x0  }
0x136: {  	s3 =	rddreg [dreg:$0x2];
	[bflag:$0x3] =	sbarrier.arrive $0xFFFF;
	s2 =	simm.s32 @!p0 $0x1C02  }
0x137: {  	[timem:s3], [sflag:s2] =	dma.local @!p0 [hbm:s0], s1  }
0x138: {  	s0 =	simm.s32 @!p0 $0x2  }
0x139: {  	_ =	swait.ge @!p0 [sflag:s0], s1  }
0x13a: {  	s1 =	ssub.s32 @!p0 $0x0, s1;
	[sflag:s0] =	ssyncset.done @!p0 $0x0  }
0x13b: {  	[sflag:s0] =	ssyncadd.s32 @!p0 s1  }
0x13c: {  	[bflag:$0x3] =	sbarrier.arrive $0xFFFF  }
0x13d: {  	_ =	shalt  }

</sc_bundles>
